<compile_context>
chip_gen: v7x
topology: tpu7x:2x2x1
jax: 0.10.2.dev20260603
libtpu: 0.0.44.dev20260713+nightly
codegen_flags: <defaults>
</compile_context>

<pallas_src>
import jax
import jax.numpy as jnp
from jax import lax
from jax.experimental import pallas as pl
from jax.experimental.pallas import tpu as pltpu
from jax.experimental.pallas import tpu_sc as plsc

BATCH = 4096
SEQ = 200
EMBED_DIM = 32
VOCAB = 1000000
VP = 1000064

NC = 2
NS = 16
NW = NC * NS

TOTAL = BATCH * SEQ

AQ = 512
AQ_PER_W = 62
A_COL_MAX = 999424
A_TAIL = 999936

BPW = TOTAL // NW
S = 128
NSTR = BPW // S
G = 5
GROUPS = NSTR // G
GR = G * S
R = 4
Q = GROUPS // R

CCH = 512
NCH = TOTAL // CCH
CCH_PER_W = NCH // NW


def _iota16():
    return lax.iota(jnp.int32, 16)


def _a_body(embT_hbm, tail_hbm, out_hbm, in_a, in_b, o_a, o_b, isem_a, isem_b, osem_a, osem_b):
    c = lax.axis_index("c")
    s = lax.axis_index("s")
    wid = s * NC + c

    def col0_of(t):
        return pl.multiple_of(jnp.minimum((wid + NW * t) * AQ, A_COL_MAX), AQ)

    def issue_in(t, buf, sem):
        col0 = col0_of(t)
        for i in range(4):
            pltpu.async_copy(
                embT_hbm.at[pl.ds(8 * i, 8), pl.ds(col0, AQ)],
                buf.at[pl.ds(8 * i, 8), pl.ds(0, AQ)],
                sem,
            )

    def wait_in(buf, sem):
        for i in range(4):
            pltpu.make_async_copy(
                embT_hbm.at[pl.ds(8 * i, 8), pl.ds(0, AQ)],
                buf.at[pl.ds(8 * i, 8), pl.ds(0, AQ)],
                sem,
            ).wait()

    def transpose(ibuf, obuf):
        @plsc.parallel_loop(0, AQ, unroll=16)
        def _(i):
            row = i // 4
            colbase = (i % 4) * 32
            for c16 in range(2):
                rows = _iota16() + (c16 * 16)
                cols = jnp.full((16,), 0, jnp.int32) + i
                vec = plsc.load_gather(ibuf, [rows, cols])
                obuf[row, pl.ds(colbase + c16 * 16, 16)] = vec

    def issue_out(t, buf, sem):
        vr0 = pl.multiple_of(col0_of(t) // 4, 128)
        pltpu.async_copy(buf, out_hbm.at[pl.ds(vr0, 128), :], sem)

    def wait_out(buf, sem):
        pltpu.make_async_copy(buf, out_hbm.at[pl.ds(0, 128), :], sem).wait()

    issue_in(0, in_a, isem_a)
    issue_in(1, in_b, isem_b)

    def round_(u, carry):
        for t, ibuf, obuf, isem, osem in (
            (2 * u, in_a, o_a, isem_a, osem_a),
            (2 * u + 1, in_b, o_b, isem_b, osem_b),
        ):
            wait_in(ibuf, isem)

            @pl.when(u > 0)
            def _():
                wait_out(obuf, osem)

            transpose(ibuf, obuf)
            issue_out(t, obuf, osem)

            @pl.when(t + 2 < AQ_PER_W)
            def _():
                issue_in(t + 2, ibuf, isem)

        return carry

    lax.fori_loop(0, AQ_PER_W // 2, round_, 0)
    wait_out(o_a, osem_a)
    wait_out(o_b, osem_b)

    @pl.when(wid == 0)
    def _():
        pltpu.async_copy(tail_hbm, o_a.at[pl.ds(0, 16), :], isem_a).wait()
        pltpu.async_copy(
            o_a.at[pl.ds(0, 16), :],
            out_hbm.at[pl.ds(A_TAIL // 4, 16), :],
            osem_a,
        ).wait()


def _b_body(x_hbm, tab_hbm, out_hbm, idx_v, bufs, gsems, osems):
    c = lax.axis_index("c")
    s = lax.axis_index("s")
    wid = s * NC + c
    base = wid * BPW

    pltpu.sync_copy(x_hbm.at[wid], idx_v)

    def issue_gathers(g, b):
        for j in range(G):
            pltpu.async_copy(
                tab_hbm.at[idx_v.at[g * G + j]],
                bufs[b].at[pl.ds(j * S, S)],
                gsems[b],
            )

    def wait_gathers(b):
        for j in range(G):
            pltpu.make_async_copy(
                tab_hbm.at[idx_v.at[j]],
                bufs[b].at[pl.ds(j * S, S)],
                gsems[b],
            ).wait()

    def issue_outcopy(g, b):
        pltpu.async_copy(bufs[b], out_hbm.at[pl.ds(base + g * GR, GR)], osems[b])

    def wait_outcopy(b):
        pltpu.make_async_copy(
            bufs[b], out_hbm.at[pl.ds(base, GR)], osems[b]
        ).wait()

    for b in range(R):
        issue_gathers(b, b)

    def ring_round(q, carry):
        for b in range(R):
            wait_gathers(b)
            issue_outcopy(q * R + b, b)
        for b in range(R):
            wait_outcopy(b)
            issue_gathers((q + 1) * R + b, b)
        return carry

    lax.fori_loop(0, Q - 1, ring_round, 0)

    for b in range(R):
        wait_gathers(b)
        issue_outcopy((Q - 1) * R + b, b)
    for b in range(R):
        wait_outcopy(b)


def _c_body(rows_hbm, out_hbm, v_a, v_b, o_a, o_b, isem_a, isem_b, osem_a, osem_b):
    c = lax.axis_index("c")
    s = lax.axis_index("s")
    wid = s * NC + c
    g0 = wid * CCH_PER_W
    def issue_in(g, buf, sem):
        pltpu.async_copy(
            rows_hbm.at[pl.ds(pl.multiple_of(g * 128, 128), 128), :], buf, sem
        )

    def wait_in(buf, sem):
        pltpu.make_async_copy(rows_hbm.at[pl.ds(0, 128), :], buf, sem).wait()

    def transpose(vbuf, obuf):
        @plsc.parallel_loop(0, 128, unroll=8)
        def _(vr):
            for q in range(4):
                bloc = jnp.full((16,), 0, jnp.int32) + (vr * 4 + q)
                for h in range(2):
                    vec = vbuf[vr, pl.ds(q * 32 + h * 16, 16)]
                    plsc.store_scatter(obuf, [_iota16() + h * 16, bloc], vec)

    def issue_out(g, buf, sem):
        sl = g // 8
        jb = pl.multiple_of((g % 8) * CCH, CCH)
        for i in range(4):
            pltpu.async_copy(
                buf.at[pl.ds(8 * i, 8), pl.ds(0, CCH)],
                out_hbm.at[sl, pl.ds(8 * i, 8), pl.ds(jb, CCH)],
                sem,
            )

    def wait_out(buf, sem):
        for i in range(4):
            pltpu.make_async_copy(
                buf.at[pl.ds(8 * i, 8), pl.ds(0, CCH)],
                out_hbm.at[0, pl.ds(8 * i, 8), pl.ds(0, CCH)],
                sem,
            ).wait()

    issue_in(g0, v_a, isem_a)
    issue_in(g0 + 1, v_b, isem_b)

    def round_(u, carry):
        for off, vbuf, obuf, isem, osem in (
            (0, v_a, o_a, isem_a, osem_a),
            (1, v_b, o_b, isem_b, osem_b),
        ):
            g = g0 + 2 * u + off
            wait_in(vbuf, isem)

            @pl.when(u > 0)
            def _():
                wait_out(obuf, osem)

            transpose(vbuf, obuf)
            issue_out(g, obuf, osem)

            @pl.when(2 * u + off + 2 < CCH_PER_W)
            def _():
                issue_in(g + 2, vbuf, isem)

        return carry

    lax.fori_loop(0, CCH_PER_W // 2, round_, 0)
    wait_out(o_a, osem_a)
    wait_out(o_b, osem_b)


def kernel(x, mask, embedding_matrix):
    del mask
    mesh = plsc.VectorSubcoreMesh(core_axis_name="c", subcore_axis_name="s")

    embT = jnp.transpose(embedding_matrix)

    a = pl.kernel(
        _a_body,
        out_type=jax.ShapeDtypeStruct((VP // 4, 128), jnp.float32),
        mesh=mesh,
        compiler_params=pltpu.CompilerParams(use_tc_tiling_on_sc=True, needs_layout_passes=False, disable_bounds_checks=True),
        scratch_types=[
            pltpu.VMEM((32, AQ + 16), jnp.float32),
            pltpu.VMEM((32, AQ + 16), jnp.float32),
            pltpu.VMEM((128, 128), jnp.float32),
            pltpu.VMEM((128, 128), jnp.float32),
            pltpu.SemaphoreType.DMA,
            pltpu.SemaphoreType.DMA,
            pltpu.SemaphoreType.DMA,
            pltpu.SemaphoreType.DMA,
        ],
    )
    tail = lax.slice(embedding_matrix, (A_TAIL, 0), (VOCAB, EMBED_DIM))
    tail = jnp.reshape(tail, (16, 128))
    tab = jnp.reshape(a(embT, tail), (VP, EMBED_DIM))

    xr = jnp.transpose(x).astype(jnp.int32).reshape(NW, NSTR, S)
    b = pl.kernel(
        _b_body,
        out_type=jax.ShapeDtypeStruct((TOTAL, EMBED_DIM), jnp.float32),
        mesh=mesh,
        compiler_params=pltpu.CompilerParams(use_tc_tiling_on_sc=False),
        scratch_types=[
            pltpu.VMEM((NSTR, S), jnp.int32),
            [pltpu.VMEM((GR, EMBED_DIM), jnp.float32) for _ in range(R)],
            [pltpu.SemaphoreType.DMA for _ in range(R)],
            [pltpu.SemaphoreType.DMA for _ in range(R)],
        ],
    )
    rows = b(xr, tab)

    rows2 = jnp.reshape(rows, (TOTAL * EMBED_DIM // 128, 128))
    cker = pl.kernel(
        _c_body,
        out_type=jax.ShapeDtypeStruct((SEQ, EMBED_DIM, BATCH), jnp.float32),
        mesh=mesh,
        compiler_params=pltpu.CompilerParams(use_tc_tiling_on_sc=True, needs_layout_passes=False, disable_bounds_checks=True),
        scratch_types=[
            pltpu.VMEM((128, 128), jnp.float32),
            pltpu.VMEM((128, 128), jnp.float32),
            pltpu.VMEM((EMBED_DIM, CCH + 16), jnp.float32),
            pltpu.VMEM((EMBED_DIM, CCH + 16), jnp.float32),
            pltpu.SemaphoreType.DMA,
            pltpu.SemaphoreType.DMA,
            pltpu.SemaphoreType.DMA,
            pltpu.SemaphoreType.DMA,
        ],
    )
    outp = cker(rows2)
    return jnp.transpose(outp, (2, 0, 1))

# --- scband reference (transcript-rebuilt; emitter-appended) ---
"""Pipeline reference for scband-attn-cnnmodel-65412351918353 (READ-ONLY COPY).

The authoritative reference and input builder live on the scoring server;
editing this copy changes nothing except your own understanding.
"""

import jax, jax.numpy as jnp
import numpy as np

VOCAB = 1000000
EMBED_DIM = 32
BATCH = 4096
SEQ = 200


def setup_inputs(seed: int = 0) -> dict:
    key = jax.random.key(seed)
    k1, k2 = jax.random.split(key)
    x = jax.random.randint(k1, (BATCH, SEQ), 0, VOCAB, dtype=jnp.int64 if jax.config.jax_enable_x64 else jnp.int32)
    mask = jnp.ones((BATCH, SEQ), dtype=bool)
    embedding_matrix = jax.random.normal(k2, (VOCAB, EMBED_DIM), dtype=jnp.float32)
    return {"x": x, "mask": mask, "embedding_matrix": embedding_matrix}


def reference(x, mask, embedding_matrix):
    # AttnCNNModel.forward: out = embed_layer(x); then iterate over layers (empty list here)
    out = jnp.take(embedding_matrix, x, axis=0)
    # self.layers is empty (ModuleList([])), so forward returns the embedding output directly.
    # mask is unused when there are no attention/CNN layers.
    return out

if __name__ == "__main__":
    import jax
    _d = setup_inputs()
    print(jax.jit(kernel)(*tuple(_d.values())))

</pallas_src>

<mosaic_0001>
#map = affine_map<(d0, d1) -> (0, 0, 0)>
#map1 = affine_map<(d0, d1) -> (0, 0)>
module attributes {stable_mosaic.version = 14 : i64} {
  func.func @_b_body(%arg0: i32, %arg1: i32, %arg2: memref<32x200x128xi32, #tpu.memory_space<hbm>>, %arg3: memref<1000064x32xf32, #tpu.memory_space<hbm>>, %arg4: memref<819200x32xf32, #tpu.memory_space<hbm>>, %arg5: memref<200x128xi32, #tpu.memory_space<vmem>>, %arg6: memref<640x32xf32, #tpu.memory_space<vmem>>, %arg7: memref<640x32xf32, #tpu.memory_space<vmem>>, %arg8: memref<640x32xf32, #tpu.memory_space<vmem>>, %arg9: memref<640x32xf32, #tpu.memory_space<vmem>>, %arg10: memref<!tpu.dma_semaphore, #tpu.memory_space<semaphore_mem>>, %arg11: memref<!tpu.dma_semaphore, #tpu.memory_space<semaphore_mem>>, %arg12: memref<!tpu.dma_semaphore, #tpu.memory_space<semaphore_mem>>, %arg13: memref<!tpu.dma_semaphore, #tpu.memory_space<semaphore_mem>>, %arg14: memref<!tpu.dma_semaphore, #tpu.memory_space<semaphore_mem>>, %arg15: memref<!tpu.dma_semaphore, #tpu.memory_space<semaphore_mem>>, %arg16: memref<!tpu.dma_semaphore, #tpu.memory_space<semaphore_mem>>, %arg17: memref<!tpu.dma_semaphore, #tpu.memory_space<semaphore_mem>>) attributes {dimension_semantics = [#tpu.dimension_semantics<core_parallel>, #tpu.dimension_semantics<subcore_parallel>], iteration_bounds = array<i64: 2, 16>, scalar_prefetch = 0 : i64, scratch_operands = 13 : i64, tpu.core_type = #tpu.core_type<sc_vector_subcore>, window_params = [{transform_indices = #map}, {transform_indices = #map1}, {transform_indices = #map1}]} {
    %mul3A = arith.constant 2 : i32
    %mul3A_0 = arith.muli %arg1, %mul3A : i32
    %add3A = arith.addi %mul3A_0, %arg0 : i32
    %mul3A_1 = arith.constant 25600 : i32
    %mul3A_2 = arith.muli %add3A, %mul3A_1 : i32
    "tpu.region"() ({
      %run_scoped3A = tpu.sem_alloc : memref<!tpu.dma_semaphore, #tpu.memory_space<semaphore_mem>>
      %dma_start3A_446 = arith.constant 0 : i32
      %dma_start3A_447 = arith.constant 0 : i32
      %dma_start3A_448 = tpu.memref_slice %arg2[%add3A, %dma_start3A_446, %dma_start3A_447] : memref<32x200x128xi32, #tpu.memory_space<hbm>> -> memref<1x200x128xi32, #tpu.memory_space<hbm>>
      %dma_start3A_449 = tpu.memref_squeeze %dma_start3A_448 : memref<1x200x128xi32, #tpu.memory_space<hbm>> -> memref<200x128xi32, #tpu.memory_space<hbm>>
      %dma_start3A_450 = arith.constant 0 : i32
      %dma_start3A_451 = arith.constant 0 : i32
      %dma_start3A_452 = tpu.memref_slice %arg2[%add3A, %dma_start3A_450, %dma_start3A_451] : memref<32x200x128xi32, #tpu.memory_space<hbm>> -> memref<1x200x128xi32, #tpu.memory_space<hbm>>
      %dma_start3A_453 = tpu.memref_squeeze %dma_start3A_452 : memref<1x200x128xi32, #tpu.memory_space<hbm>> -> memref<200x128xi32, #tpu.memory_space<hbm>>
      tpu.enqueue_dma source(%dma_start3A_453 : memref<200x128xi32, #tpu.memory_space<hbm>>) target(%arg5 : memref<200x128xi32, #tpu.memory_space<vmem>>) target_semaphore(%run_scoped3A : memref<!tpu.dma_semaphore, #tpu.memory_space<semaphore_mem>>)
      %dma_wait3A_454 = arith.constant 0 : i32
      %dma_wait3A_455 = arith.constant 0 : i32
      %dma_wait3A_456 = tpu.memref_slice %arg2[%add3A, %dma_wait3A_454, %dma_wait3A_455] : memref<32x200x128xi32, #tpu.memory_space<hbm>> -> memref<1x200x128xi32, #tpu.memory_space<hbm>>
      %dma_wait3A_457 = tpu.memref_squeeze %dma_wait3A_456 : memref<1x200x128xi32, #tpu.memory_space<hbm>> -> memref<200x128xi32, #tpu.memory_space<hbm>>
      %dma_wait3A_458 = arith.constant 0 : i32
      %dma_wait3A_459 = arith.constant 0 : i32
      %dma_wait3A_460 = tpu.memref_slice %arg2[%add3A, %dma_wait3A_458, %dma_wait3A_459] : memref<32x200x128xi32, #tpu.memory_space<hbm>> -> memref<1x200x128xi32, #tpu.memory_space<hbm>>
      %dma_wait3A_461 = tpu.memref_squeeze %dma_wait3A_460 : memref<1x200x128xi32, #tpu.memory_space<hbm>> -> memref<200x128xi32, #tpu.memory_space<hbm>>
      tpu.wait_dma2 semaphore(%run_scoped3A : memref<!tpu.dma_semaphore, #tpu.memory_space<semaphore_mem>>) src(%dma_wait3A_461 : memref<200x128xi32, #tpu.memory_space<hbm>>) dst(%arg5 : memref<200x128xi32, #tpu.memory_space<vmem>>)
      tpu.yield
    }) : () -> ()
    %dma_start3A = arith.constant 0 : i32
    %dma_start3A_3 = arith.constant 0 : i32
    %dma_start3A_4 = arith.constant 0 : i32
    %dma_start3A_5 = tpu.memref_slice %arg6[%dma_start3A_3, %dma_start3A_4] : memref<640x32xf32, #tpu.memory_space<vmem>> -> memref<128x32xf32, #tpu.memory_space<vmem>>
    %dma_start3A_6 = arith.constant 0 : i32
    %dma_start3A_7 = tpu.memref_slice %arg5[%dma_start3A, %dma_start3A_6] : memref<200x128xi32, #tpu.memory_space<vmem>> -> memref<1x128xi32, #tpu.memory_space<vmem>>
    %dma_start3A_8 = tpu.memref_squeeze %dma_start3A_7 : memref<1x128xi32, #tpu.memory_space<vmem>> -> memref<128xi32, #tpu.memory_space<vmem>>
    %dma_start3A_9 = arith.constant 0 : i32
    %dma_start3A_10 = arith.constant 0 : i32
    %dma_start3A_11 = tpu.memref_slice %arg3[%dma_start3A_9, %dma_start3A_10] : memref<1000064x32xf32, #tpu.memory_space<hbm>> -> memref<1000064x32xf32, #tpu.memory_space<hbm>>
    tpu.enqueue_indirect_dma source(%dma_start3A_11 : memref<1000064x32xf32, #tpu.memory_space<hbm>>) target(%dma_start3A_5 : memref<128x32xf32, #tpu.memory_space<vmem>>) offsets(%dma_start3A_8 : memref<128xi32, #tpu.memory_space<vmem>>) semaphore(%arg10 : memref<!tpu.dma_semaphore, #tpu.memory_space<semaphore_mem>>)
    %dma_start3A_12 = arith.constant 1 : i32
    %dma_start3A_13 = arith.constant 128 : i32
    %dma_start3A_14 = arith.constant 0 : i32
    %dma_start3A_15 = tpu.memref_slice %arg6[%dma_start3A_13, %dma_start3A_14] : memref<640x32xf32, #tpu.memory_space<vmem>> -> memref<128x32xf32, #tpu.memory_space<vmem>>
    %dma_start3A_16 = arith.constant 0 : i32
    %dma_start3A_17 = tpu.memref_slice %arg5[%dma_start3A_12, %dma_start3A_16] : memref<200x128xi32, #tpu.memory_space<vmem>> -> memref<1x128xi32, #tpu.memory_space<vmem>>
    %dma_start3A_18 = tpu.memref_squeeze %dma_start3A_17 : memref<1x128xi32, #tpu.memory_space<vmem>> -> memref<128xi32, #tpu.memory_space<vmem>>
    %dma_start3A_19 = arith.constant 0 : i32
    %dma_start3A_20 = arith.constant 0 : i32
    %dma_start3A_21 = tpu.memref_slice %arg3[%dma_start3A_19, %dma_start3A_20] : memref<1000064x32xf32, #tpu.memory_space<hbm>> -> memref<1000064x32xf32, #tpu.memory_space<hbm>>
    tpu.enqueue_indirect_dma source(%dma_start3A_21 : memref<1000064x32xf32, #tpu.memory_space<hbm>>) target(%dma_start3A_15 : memref<128x32xf32, #tpu.memory_space<vmem>>) offsets(%dma_start3A_18 : memref<128xi32, #tpu.memory_space<vmem>>) semaphore(%arg10 : memref<!tpu.dma_semaphore, #tpu.memory_space<semaphore_mem>>)
    %dma_start3A_22 = arith.constant 2 : i32
    %dma_start3A_23 = arith.constant 256 : i32
    %dma_start3A_24 = arith.constant 0 : i32
    %dma_start3A_25 = tpu.memref_slice %arg6[%dma_start3A_23, %dma_start3A_24] : memref<640x32xf32, #tpu.memory_space<vmem>> -> memref<128x32xf32, #tpu.memory_space<vmem>>
    %dma_start3A_26 = arith.constant 0 : i32
    %dma_start3A_27 = tpu.memref_slice %arg5[%dma_start3A_22, %dma_start3A_26] : memref<200x128xi32, #tpu.memory_space<vmem>> -> memref<1x128xi32, #tpu.memory_space<vmem>>
    %dma_start3A_28 = tpu.memref_squeeze %dma_start3A_27 : memref<1x128xi32, #tpu.memory_space<vmem>> -> memref<128xi32, #tpu.memory_space<vmem>>
    %dma_start3A_29 = arith.constant 0 : i32
    %dma_start3A_30 = arith.constant 0 : i32
    %dma_start3A_31 = tpu.memref_slice %arg3[%dma_start3A_29, %dma_start3A_30] : memref<1000064x32xf32, #tpu.memory_space<hbm>> -> memref<1000064x32xf32, #tpu.memory_space<hbm>>
    tpu.enqueue_indirect_dma source(%dma_start3A_31 : memref<1000064x32xf32, #tpu.memory_space<hbm>>) target(%dma_start3A_25 : memref<128x32xf32, #tpu.memory_space<vmem>>) offsets(%dma_start3A_28 : memref<128xi32, #tpu.memory_space<vmem>>) semaphore(%arg10 : memref<!tpu.dma_semaphore, #tpu.memory_space<semaphore_mem>>)
    %dma_start3A_32 = arith.constant 3 : i32
    %dma_start3A_33 = arith.constant 384 : i32
    %dma_start3A_34 = arith.constant 0 : i32
    %dma_start3A_35 = tpu.memref_slice %arg6[%dma_start3A_33, %dma_start3A_34] : memref<640x32xf32, #tpu.memory_space<vmem>> -> memref<128x32xf32, #tpu.memory_space<vmem>>
    %dma_start3A_36 = arith.constant 0 : i32
    %dma_start3A_37 = tpu.memref_slice %arg5[%dma_start3A_32, %dma_start3A_36] : memref<200x128xi32, #tpu.memory_space<vmem>> -> memref<1x128xi32, #tpu.memory_space<vmem>>
    %dma_start3A_38 = tpu.memref_squeeze %dma_start3A_37 : memref<1x128xi32, #tpu.memory_space<vmem>> -> memref<128xi32, #tpu.memory_space<vmem>>
    %dma_start3A_39 = arith.constant 0 : i32
    %dma_start3A_40 = arith.constant 0 : i32
    %dma_start3A_41 = tpu.memref_slice %arg3[%dma_start3A_39, %dma_start3A_40] : memref<1000064x32xf32, #tpu.memory_space<hbm>> -> memref<1000064x32xf32, #tpu.memory_space<hbm>>
    tpu.enqueue_indirect_dma source(%dma_start3A_41 : memref<1000064x32xf32, #tpu.memory_space<hbm>>) target(%dma_start3A_35 : memref<128x32xf32, #tpu.memory_space<vmem>>) offsets(%dma_start3A_38 : memref<128xi32, #tpu.memory_space<vmem>>) semaphore(%arg10 : memref<!tpu.dma_semaphore, #tpu.memory_space<semaphore_mem>>)
    %dma_start3A_42 = arith.constant 4 : i32
    %dma_start3A_43 = arith.constant 512 : i32
    %dma_start3A_44 = arith.constant 0 : i32
    %dma_start3A_45 = tpu.memref_slice %arg6[%dma_start3A_43, %dma_start3A_44] : memref<640x32xf32, #tpu.memory_space<vmem>> -> memref<128x32xf32, #tpu.memory_space<vmem>>
    %dma_start3A_46 = arith.constant 0 : i32
    %dma_start3A_47 = tpu.memref_slice %arg5[%dma_start3A_42, %dma_start3A_46] : memref<200x128xi32, #tpu.memory_space<vmem>> -> memref<1x128xi32, #tpu.memory_space<vmem>>
    %dma_start3A_48 = tpu.memref_squeeze %dma_start3A_47 : memref<1x128xi32, #tpu.memory_space<vmem>> -> memref<128xi32, #tpu.memory_space<vmem>>
    %dma_start3A_49 = arith.constant 0 : i32
    %dma_start3A_50 = arith.constant 0 : i32
    %dma_start3A_51 = tpu.memref_slice %arg3[%dma_start3A_49, %dma_start3A_50] : memref<1000064x32xf32, #tpu.memory_space<hbm>> -> memref<1000064x32xf32, #tpu.memory_space<hbm>>
    tpu.enqueue_indirect_dma source(%dma_start3A_51 : memref<1000064x32xf32, #tpu.memory_space<hbm>>) target(%dma_start3A_45 : memref<128x32xf32, #tpu.memory_space<vmem>>) offsets(%dma_start3A_48 : memref<128xi32, #tpu.memory_space<vmem>>) semaphore(%arg10 : memref<!tpu.dma_semaphore, #tpu.memory_space<semaphore_mem>>)
    %dma_start3A_52 = arith.constant 5 : i32
    %dma_start3A_53 = arith.constant 0 : i32
    %dma_start3A_54 = arith.constant 0 : i32
    %dma_start3A_55 = tpu.memref_slice %arg7[%dma_start3A_53, %dma_start3A_54] : memref<640x32xf32, #tpu.memory_space<vmem>> -> memref<128x32xf32, #tpu.memory_space<vmem>>
    %dma_start3A_56 = arith.constant 0 : i32
    %dma_start3A_57 = tpu.memref_slice %arg5[%dma_start3A_52, %dma_start3A_56] : memref<200x128xi32, #tpu.memory_space<vmem>> -> memref<1x128xi32, #tpu.memory_space<vmem>>
    %dma_start3A_58 = tpu.memref_squeeze %dma_start3A_57 : memref<1x128xi32, #tpu.memory_space<vmem>> -> memref<128xi32, #tpu.memory_space<vmem>>
    %dma_start3A_59 = arith.constant 0 : i32
    %dma_start3A_60 = arith.constant 0 : i32
    %dma_start3A_61 = tpu.memref_slice %arg3[%dma_start3A_59, %dma_start3A_60] : memref<1000064x32xf32, #tpu.memory_space<hbm>> -> memref<1000064x32xf32, #tpu.memory_space<hbm>>
    tpu.enqueue_indirect_dma source(%dma_start3A_61 : memref<1000064x32xf32, #tpu.memory_space<hbm>>) target(%dma_start3A_55 : memref<128x32xf32, #tpu.memory_space<vmem>>) offsets(%dma_start3A_58 : memref<128xi32, #tpu.memory_space<vmem>>) semaphore(%arg11 : memref<!tpu.dma_semaphore, #tpu.memory_space<semaphore_mem>>)
    %dma_start3A_62 = arith.constant 6 : i32
    %dma_start3A_63 = arith.constant 128 : i32
    %dma_start3A_64 = arith.constant 0 : i32
    %dma_start3A_65 = tpu.memref_slice %arg7[%dma_start3A_63, %dma_start3A_64] : memref<640x32xf32, #tpu.memory_space<vmem>> -> memref<128x32xf32, #tpu.memory_space<vmem>>
    %dma_start3A_66 = arith.constant 0 : i32
    %dma_start3A_67 = tpu.memref_slice %arg5[%dma_start3A_62, %dma_start3A_66] : memref<200x128xi32, #tpu.memory_space<vmem>> -> memref<1x128xi32, #tpu.memory_space<vmem>>
    %dma_start3A_68 = tpu.memref_squeeze %dma_start3A_67 : memref<1x128xi32, #tpu.memory_space<vmem>> -> memref<128xi32, #tpu.memory_space<vmem>>
    %dma_start3A_69 = arith.constant 0 : i32
    %dma_start3A_70 = arith.constant 0 : i32
    %dma_start3A_71 = tpu.memref_slice %arg3[%dma_start3A_69, %dma_start3A_70] : memref<1000064x32xf32, #tpu.memory_space<hbm>> -> memref<1000064x32xf32, #tpu.memory_space<hbm>>
    tpu.enqueue_indirect_dma source(%dma_start3A_71 : memref<1000064x32xf32, #tpu.memory_space<hbm>>) target(%dma_start3A_65 : memref<128x32xf32, #tpu.memory_space<vmem>>) offsets(%dma_start3A_68 : memref<128xi32, #tpu.memory_space<vmem>>) semaphore(%arg11 : memref<!tpu.dma_semaphore, #tpu.memory_space<semaphore_mem>>)
    %dma_start3A_72 = arith.constant 7 : i32
    %dma_start3A_73 = arith.constant 256 : i32
    %dma_start3A_74 = arith.constant 0 : i32
    %dma_start3A_75 = tpu.memref_slice %arg7[%dma_start3A_73, %dma_start3A_74] : memref<640x32xf32, #tpu.memory_space<vmem>> -> memref<128x32xf32, #tpu.memory_space<vmem>>
    %dma_start3A_76 = arith.constant 0 : i32
    %dma_start3A_77 = tpu.memref_slice %arg5[%dma_start3A_72, %dma_start3A_76] : memref<200x128xi32, #tpu.memory_space<vmem>> -> memref<1x128xi32, #tpu.memory_space<vmem>>
    %dma_start3A_78 = tpu.memref_squeeze %dma_start3A_77 : memref<1x128xi32, #tpu.memory_space<vmem>> -> memref<128xi32, #tpu.memory_space<vmem>>
    %dma_start3A_79 = arith.constant 0 : i32
    %dma_start3A_80 = arith.constant 0 : i32
    %dma_start3A_81 = tpu.memref_slice %arg3[%dma_start3A_79, %dma_start3A_80] : memref<1000064x32xf32, #tpu.memory_space<hbm>> -> memref<1000064x32xf32, #tpu.memory_space<hbm>>
    tpu.enqueue_indirect_dma source(%dma_start3A_81 : memref<1000064x32xf32, #tpu.memory_space<hbm>>) target(%dma_start3A_75 : memref<128x32xf32, #tpu.memory_space<vmem>>) offsets(%dma_start3A_78 : memref<128xi32, #tpu.memory_space<vmem>>) semaphore(%arg11 : memref<!tpu.dma_semaphore, #tpu.memory_space<semaphore_mem>>)
    %dma_start3A_82 = arith.constant 8 : i32
    %dma_start3A_83 = arith.constant 384 : i32
    %dma_start3A_84 = arith.constant 0 : i32
    %dma_start3A_85 = tpu.memref_slice %arg7[%dma_start3A_83, %dma_start3A_84] : memref<640x32xf32, #tpu.memory_space<vmem>> -> memref<128x32xf32, #tpu.memory_space<vmem>>
    %dma_start3A_86 = arith.constant 0 : i32
    %dma_start3A_87 = tpu.memref_slice %arg5[%dma_start3A_82, %dma_start3A_86] : memref<200x128xi32, #tpu.memory_space<vmem>> -> memref<1x128xi32, #tpu.memory_space<vmem>>
    %dma_start3A_88 = tpu.memref_squeeze %dma_start3A_87 : memref<1x128xi32, #tpu.memory_space<vmem>> -> memref<128xi32, #tpu.memory_space<vmem>>
    %dma_start3A_89 = arith.constant 0 : i32
    %dma_start3A_90 = arith.constant 0 : i32
    %dma_start3A_91 = tpu.memref_slice %arg3[%dma_start3A_89, %dma_start3A_90] : memref<1000064x32xf32, #tpu.memory_space<hbm>> -> memref<1000064x32xf32, #tpu.memory_space<hbm>>
    tpu.enqueue_indirect_dma source(%dma_start3A_91 : memref<1000064x32xf32, #tpu.memory_space<hbm>>) target(%dma_start3A_85 : memref<128x32xf32, #tpu.memory_space<vmem>>) offsets(%dma_start3A_88 : memref<128xi32, #tpu.memory_space<vmem>>) semaphore(%arg11 : memref<!tpu.dma_semaphore, #tpu.memory_space<semaphore_mem>>)
    %dma_start3A_92 = arith.constant 9 : i32
    %dma_start3A_93 = arith.constant 512 : i32
    %dma_start3A_94 = arith.constant 0 : i32
    %dma_start3A_95 = tpu.memref_slice %arg7[%dma_start3A_93, %dma_start3A_94] : memref<640x32xf32, #tpu.memory_space<vmem>> -> memref<128x32xf32, #tpu.memory_space<vmem>>
    %dma_start3A_96 = arith.constant 0 : i32
    %dma_start3A_97 = tpu.memref_slice %arg5[%dma_start3A_92, %dma_start3A_96] : memref<200x128xi32, #tpu.memory_space<vmem>> -> memref<1x128xi32, #tpu.memory_space<vmem>>
    %dma_start3A_98 = tpu.memref_squeeze %dma_start3A_97 : memref<1x128xi32, #tpu.memory_space<vmem>> -> memref<128xi32, #tpu.memory_space<vmem>>
    %dma_start3A_99 = arith.constant 0 : i32
    %dma_start3A_100 = arith.constant 0 : i32
    %dma_start3A_101 = tpu.memref_slice %arg3[%dma_start3A_99, %dma_start3A_100] : memref<1000064x32xf32, #tpu.memory_space<hbm>> -> memref<1000064x32xf32, #tpu.memory_space<hbm>>
    tpu.enqueue_indirect_dma source(%dma_start3A_101 : memref<1000064x32xf32, #tpu.memory_space<hbm>>) target(%dma_start3A_95 : memref<128x32xf32, #tpu.memory_space<vmem>>) offsets(%dma_start3A_98 : memref<128xi32, #tpu.memory_space<vmem>>) semaphore(%arg11 : memref<!tpu.dma_semaphore, #tpu.memory_space<semaphore_mem>>)
    %dma_start3A_102 = arith.constant 10 : i32
    %dma_start3A_103 = arith.constant 0 : i32
    %dma_start3A_104 = arith.constant 0 : i32
    %dma_start3A_105 = tpu.memref_slice %arg8[%dma_start3A_103, %dma_start3A_104] : memref<640x32xf32, #tpu.memory_space<vmem>> -> memref<128x32xf32, #tpu.memory_space<vmem>>
    %dma_start3A_106 = arith.constant 0 : i32
    %dma_start3A_107 = tpu.memref_slice %arg5[%dma_start3A_102, %dma_start3A_106] : memref<200x128xi32, #tpu.memory_space<vmem>> -> memref<1x128xi32, #tpu.memory_space<vmem>>
    %dma_start3A_108 = tpu.memref_squeeze %dma_start3A_107 : memref<1x128xi32, #tpu.memory_space<vmem>> -> memref<128xi32, #tpu.memory_space<vmem>>
    %dma_start3A_109 = arith.constant 0 : i32
    %dma_start3A_110 = arith.constant 0 : i32
    %dma_start3A_111 = tpu.memref_slice %arg3[%dma_start3A_109, %dma_start3A_110] : memref<1000064x32xf32, #tpu.memory_space<hbm>> -> memref<1000064x32xf32, #tpu.memory_space<hbm>>
    tpu.enqueue_indirect_dma source(%dma_start3A_111 : memref<1000064x32xf32, #tpu.memory_space<hbm>>) target(%dma_start3A_105 : memref<128x32xf32, #tpu.memory_space<vmem>>) offsets(%dma_start3A_108 : memref<128xi32, #tpu.memory_space<vmem>>) semaphore(%arg12 : memref<!tpu.dma_semaphore, #tpu.memory_space<semaphore_mem>>)
    %dma_start3A_112 = arith.constant 11 : i32
    %dma_start3A_113 = arith.constant 128 : i32
    %dma_start3A_114 = arith.constant 0 : i32
    %dma_start3A_115 = tpu.memref_slice %arg8[%dma_start3A_113, %dma_start3A_114] : memref<640x32xf32, #tpu.memory_space<vmem>> -> memref<128x32xf32, #tpu.memory_space<vmem>>
    %dma_start3A_116 = arith.constant 0 : i32
    %dma_start3A_117 = tpu.memref_slice %arg5[%dma_start3A_112, %dma_start3A_116] : memref<200x128xi32, #tpu.memory_space<vmem>> -> memref<1x128xi32, #tpu.memory_space<vmem>>
    %dma_start3A_118 = tpu.memref_squeeze %dma_start3A_117 : memref<1x128xi32, #tpu.memory_space<vmem>> -> memref<128xi32, #tpu.memory_space<vmem>>
    %dma_start3A_119 = arith.constant 0 : i32
    %dma_start3A_120 = arith.constant 0 : i32
    %dma_start3A_121 = tpu.memref_slice %arg3[%dma_start3A_119, %dma_start3A_120] : memref<1000064x32xf32, #tpu.memory_space<hbm>> -> memref<1000064x32xf32, #tpu.memory_space<hbm>>
    tpu.enqueue_indirect_dma source(%dma_start3A_121 : memref<1000064x32xf32, #tpu.memory_space<hbm>>) target(%dma_start3A_115 : memref<128x32xf32, #tpu.memory_space<vmem>>) offsets(%dma_start3A_118 : memref<128xi32, #tpu.memory_space<vmem>>) semaphore(%arg12 : memref<!tpu.dma_semaphore, #tpu.memory_space<semaphore_mem>>)
    %dma_start3A_122 = arith.constant 12 : i32
    %dma_start3A_123 = arith.constant 256 : i32
    %dma_start3A_124 = arith.constant 0 : i32
    %dma_start3A_125 = tpu.memref_slice %arg8[%dma_start3A_123, %dma_start3A_124] : memref<640x32xf32, #tpu.memory_space<vmem>> -> memref<128x32xf32, #tpu.memory_space<vmem>>
    %dma_start3A_126 = arith.constant 0 : i32
    %dma_start3A_127 = tpu.memref_slice %arg5[%dma_start3A_122, %dma_start3A_126] : memref<200x128xi32, #tpu.memory_space<vmem>> -> memref<1x128xi32, #tpu.memory_space<vmem>>
    %dma_start3A_128 = tpu.memref_squeeze %dma_start3A_127 : memref<1x128xi32, #tpu.memory_space<vmem>> -> memref<128xi32, #tpu.memory_space<vmem>>
    %dma_start3A_129 = arith.constant 0 : i32
    %dma_start3A_130 = arith.constant 0 : i32
    %dma_start3A_131 = tpu.memref_slice %arg3[%dma_start3A_129, %dma_start3A_130] : memref<1000064x32xf32, #tpu.memory_space<hbm>> -> memref<1000064x32xf32, #tpu.memory_space<hbm>>
    tpu.enqueue_indirect_dma source(%dma_start3A_131 : memref<1000064x32xf32, #tpu.memory_space<hbm>>) target(%dma_start3A_125 : memref<128x32xf32, #tpu.memory_space<vmem>>) offsets(%dma_start3A_128 : memref<128xi32, #tpu.memory_space<vmem>>) semaphore(%arg12 : memref<!tpu.dma_semaphore, #tpu.memory_space<semaphore_mem>>)
    %dma_start3A_132 = arith.constant 13 : i32
    %dma_start3A_133 = arith.constant 384 : i32
    %dma_start3A_134 = arith.constant 0 : i32
    %dma_start3A_135 = tpu.memref_slice %arg8[%dma_start3A_133, %dma_start3A_134] : memref<640x32xf32, #tpu.memory_space<vmem>> -> memref<128x32xf32, #tpu.memory_space<vmem>>
    %dma_start3A_136 = arith.constant 0 : i32
    %dma_start3A_137 = tpu.memref_slice %arg5[%dma_start3A_132, %dma_start3A_136] : memref<200x128xi32, #tpu.memory_space<vmem>> -> memref<1x128xi32, #tpu.memory_space<vmem>>
    %dma_start3A_138 = tpu.memref_squeeze %dma_start3A_137 : memref<1x128xi32, #tpu.memory_space<vmem>> -> memref<128xi32, #tpu.memory_space<vmem>>
    %dma_start3A_139 = arith.constant 0 : i32
    %dma_start3A_140 = arith.constant 0 : i32
    %dma_start3A_141 = tpu.memref_slice %arg3[%dma_start3A_139, %dma_start3A_140] : memref<1000064x32xf32, #tpu.memory_space<hbm>> -> memref<1000064x32xf32, #tpu.memory_space<hbm>>
    tpu.enqueue_indirect_dma source(%dma_start3A_141 : memref<1000064x32xf32, #tpu.memory_space<hbm>>) target(%dma_start3A_135 : memref<128x32xf32, #tpu.memory_space<vmem>>) offsets(%dma_start3A_138 : memref<128xi32, #tpu.memory_space<vmem>>) semaphore(%arg12 : memref<!tpu.dma_semaphore, #tpu.memory_space<semaphore_mem>>)
    %dma_start3A_142 = arith.constant 14 : i32
    %dma_start3A_143 = arith.constant 512 : i32
    %dma_start3A_144 = arith.constant 0 : i32
    %dma_start3A_145 = tpu.memref_slice %arg8[%dma_start3A_143, %dma_start3A_144] : memref<640x32xf32, #tpu.memory_space<vmem>> -> memref<128x32xf32, #tpu.memory_space<vmem>>
    %dma_start3A_146 = arith.constant 0 : i32
    %dma_start3A_147 = tpu.memref_slice %arg5[%dma_start3A_142, %dma_start3A_146] : memref<200x128xi32, #tpu.memory_space<vmem>> -> memref<1x128xi32, #tpu.memory_space<vmem>>
    %dma_start3A_148 = tpu.memref_squeeze %dma_start3A_147 : memref<1x128xi32, #tpu.memory_space<vmem>> -> memref<128xi32, #tpu.memory_space<vmem>>
    %dma_start3A_149 = arith.constant 0 : i32
    %dma_start3A_150 = arith.constant 0 : i32
    %dma_start3A_151 = tpu.memref_slice %arg3[%dma_start3A_149, %dma_start3A_150] : memref<1000064x32xf32, #tpu.memory_space<hbm>> -> memref<1000064x32xf32, #tpu.memory_space<hbm>>
    tpu.enqueue_indirect_dma source(%dma_start3A_151 : memref<1000064x32xf32, #tpu.memory_space<hbm>>) target(%dma_start3A_145 : memref<128x32xf32, #tpu.memory_space<vmem>>) offsets(%dma_start3A_148 : memref<128xi32, #tpu.memory_space<vmem>>) semaphore(%arg12 : memref<!tpu.dma_semaphore, #tpu.memory_space<semaphore_mem>>)
    %dma_start3A_152 = arith.constant 15 : i32
    %dma_start3A_153 = arith.constant 0 : i32
    %dma_start3A_154 = arith.constant 0 : i32
    %dma_start3A_155 = tpu.memref_slice %arg9[%dma_start3A_153, %dma_start3A_154] : memref<640x32xf32, #tpu.memory_space<vmem>> -> memref<128x32xf32, #tpu.memory_space<vmem>>
    %dma_start3A_156 = arith.constant 0 : i32
    %dma_start3A_157 = tpu.memref_slice %arg5[%dma_start3A_152, %dma_start3A_156] : memref<200x128xi32, #tpu.memory_space<vmem>> -> memref<1x128xi32, #tpu.memory_space<vmem>>
    %dma_start3A_158 = tpu.memref_squeeze %dma_start3A_157 : memref<1x128xi32, #tpu.memory_space<vmem>> -> memref<128xi32, #tpu.memory_space<vmem>>
    %dma_start3A_159 = arith.constant 0 : i32
    %dma_start3A_160 = arith.constant 0 : i32
    %dma_start3A_161 = tpu.memref_slice %arg3[%dma_start3A_159, %dma_start3A_160] : memref<1000064x32xf32, #tpu.memory_space<hbm>> -> memref<1000064x32xf32, #tpu.memory_space<hbm>>
    tpu.enqueue_indirect_dma source(%dma_start3A_161 : memref<1000064x32xf32, #tpu.memory_space<hbm>>) target(%dma_start3A_155 : memref<128x32xf32, #tpu.memory_space<vmem>>) offsets(%dma_start3A_158 : memref<128xi32, #tpu.memory_space<vmem>>) semaphore(%arg13 : memref<!tpu.dma_semaphore, #tpu.memory_space<semaphore_mem>>)
    %dma_start3A_162 = arith.constant 16 : i32
    %dma_start3A_163 = arith.constant 128 : i32
    %dma_start3A_164 = arith.constant 0 : i32
    %dma_start3A_165 = tpu.memref_slice %arg9[%dma_start3A_163, %dma_start3A_164] : memref<640x32xf32, #tpu.memory_space<vmem>> -> memref<128x32xf32, #tpu.memory_space<vmem>>
    %dma_start3A_166 = arith.constant 0 : i32
    %dma_start3A_167 = tpu.memref_slice %arg5[%dma_start3A_162, %dma_start3A_166] : memref<200x128xi32, #tpu.memory_space<vmem>> -> memref<1x128xi32, #tpu.memory_space<vmem>>
    %dma_start3A_168 = tpu.memref_squeeze %dma_start3A_167 : memref<1x128xi32, #tpu.memory_space<vmem>> -> memref<128xi32, #tpu.memory_space<vmem>>
    %dma_start3A_169 = arith.constant 0 : i32
    %dma_start3A_170 = arith.constant 0 : i32
    %dma_start3A_171 = tpu.memref_slice %arg3[%dma_start3A_169, %dma_start3A_170] : memref<1000064x32xf32, #tpu.memory_space<hbm>> -> memref<1000064x32xf32, #tpu.memory_space<hbm>>
    tpu.enqueue_indirect_dma source(%dma_start3A_171 : memref<1000064x32xf32, #tpu.memory_space<hbm>>) target(%dma_start3A_165 : memref<128x32xf32, #tpu.memory_space<vmem>>) offsets(%dma_start3A_168 : memref<128xi32, #tpu.memory_space<vmem>>) semaphore(%arg13 : memref<!tpu.dma_semaphore, #tpu.memory_space<semaphore_mem>>)
    %dma_start3A_172 = arith.constant 17 : i32
    %dma_start3A_173 = arith.constant 256 : i32
    %dma_start3A_174 = arith.constant 0 : i32
    %dma_start3A_175 = tpu.memref_slice %arg9[%dma_start3A_173, %dma_start3A_174] : memref<640x32xf32, #tpu.memory_space<vmem>> -> memref<128x32xf32, #tpu.memory_space<vmem>>
    %dma_start3A_176 = arith.constant 0 : i32
    %dma_start3A_177 = tpu.memref_slice %arg5[%dma_start3A_172, %dma_start3A_176] : memref<200x128xi32, #tpu.memory_space<vmem>> -> memref<1x128xi32, #tpu.memory_space<vmem>>
    %dma_start3A_178 = tpu.memref_squeeze %dma_start3A_177 : memref<1x128xi32, #tpu.memory_space<vmem>> -> memref<128xi32, #tpu.memory_space<vmem>>
    %dma_start3A_179 = arith.constant 0 : i32
    %dma_start3A_180 = arith.constant 0 : i32
    %dma_start3A_181 = tpu.memref_slice %arg3[%dma_start3A_179, %dma_start3A_180] : memref<1000064x32xf32, #tpu.memory_space<hbm>> -> memref<1000064x32xf32, #tpu.memory_space<hbm>>
    tpu.enqueue_indirect_dma source(%dma_start3A_181 : memref<1000064x32xf32, #tpu.memory_space<hbm>>) target(%dma_start3A_175 : memref<128x32xf32, #tpu.memory_space<vmem>>) offsets(%dma_start3A_178 : memref<128xi32, #tpu.memory_space<vmem>>) semaphore(%arg13 : memref<!tpu.dma_semaphore, #tpu.memory_space<semaphore_mem>>)
    %dma_start3A_182 = arith.constant 18 : i32
    %dma_start3A_183 = arith.constant 384 : i32
    %dma_start3A_184 = arith.constant 0 : i32
    %dma_start3A_185 = tpu.memref_slice %arg9[%dma_start3A_183, %dma_start3A_184] : memref<640x32xf32, #tpu.memory_space<vmem>> -> memref<128x32xf32, #tpu.memory_space<vmem>>
    %dma_start3A_186 = arith.constant 0 : i32
    %dma_start3A_187 = tpu.memref_slice %arg5[%dma_start3A_182, %dma_start3A_186] : memref<200x128xi32, #tpu.memory_space<vmem>> -> memref<1x128xi32, #tpu.memory_space<vmem>>
    %dma_start3A_188 = tpu.memref_squeeze %dma_start3A_187 : memref<1x128xi32, #tpu.memory_space<vmem>> -> memref<128xi32, #tpu.memory_space<vmem>>
    %dma_start3A_189 = arith.constant 0 : i32
    %dma_start3A_190 = arith.constant 0 : i32
    %dma_start3A_191 = tpu.memref_slice %arg3[%dma_start3A_189, %dma_start3A_190] : memref<1000064x32xf32, #tpu.memory_space<hbm>> -> memref<1000064x32xf32, #tpu.memory_space<hbm>>
    tpu.enqueue_indirect_dma source(%dma_start3A_191 : memref<1000064x32xf32, #tpu.memory_space<hbm>>) target(%dma_start3A_185 : memref<128x32xf32, #tpu.memory_space<vmem>>) offsets(%dma_start3A_188 : memref<128xi32, #tpu.memory_space<vmem>>) semaphore(%arg13 : memref<!tpu.dma_semaphore, #tpu.memory_space<semaphore_mem>>)
    %dma_start3A_192 = arith.constant 19 : i32
    %dma_start3A_193 = arith.constant 512 : i32
    %dma_start3A_194 = arith.constant 0 : i32
    %dma_start3A_195 = tpu.memref_slice %arg9[%dma_start3A_193, %dma_start3A_194] : memref<640x32xf32, #tpu.memory_space<vmem>> -> memref<128x32xf32, #tpu.memory_space<vmem>>
    %dma_start3A_196 = arith.constant 0 : i32
    %dma_start3A_197 = tpu.memref_slice %arg5[%dma_start3A_192, %dma_start3A_196] : memref<200x128xi32, #tpu.memory_space<vmem>> -> memref<1x128xi32, #tpu.memory_space<vmem>>
    %dma_start3A_198 = tpu.memref_squeeze %dma_start3A_197 : memref<1x128xi32, #tpu.memory_space<vmem>> -> memref<128xi32, #tpu.memory_space<vmem>>
    %dma_start3A_199 = arith.constant 0 : i32
    %dma_start3A_200 = arith.constant 0 : i32
    %dma_start3A_201 = tpu.memref_slice %arg3[%dma_start3A_199, %dma_start3A_200] : memref<1000064x32xf32, #tpu.memory_space<hbm>> -> memref<1000064x32xf32, #tpu.memory_space<hbm>>
    tpu.enqueue_indirect_dma source(%dma_start3A_201 : memref<1000064x32xf32, #tpu.memory_space<hbm>>) target(%dma_start3A_195 : memref<128x32xf32, #tpu.memory_space<vmem>>) offsets(%dma_start3A_198 : memref<128xi32, #tpu.memory_space<vmem>>) semaphore(%arg13 : memref<!tpu.dma_semaphore, #tpu.memory_space<semaphore_mem>>)
    %scan3A = arith.constant 0 : i32
    %scan3A_202 = arith.constant 0 : i32
    %scan3A_203 = arith.constant 9 : i32
    %scan3A_204 = arith.addi %scan3A_202, %scan3A_203 : i32
    %scan3A_205 = arith.constant 1 : i32
    scf.for %scan3A_446 = %scan3A_202 to %scan3A_204 step %scan3A_205  : i32 {
      %dma_wait3A_447 = arith.constant 0 : i32
      %dma_wait3A_448 = arith.constant 0 : i32
      %dma_wait3A_449 = arith.constant 0 : i32
      %dma_wait3A_450 = tpu.memref_slice %arg6[%dma_wait3A_448, %dma_wait3A_449] : memref<640x32xf32, #tpu.memory_space<vmem>> -> memref<128x32xf32, #tpu.memory_space<vmem>>
      %dma_wait3A_451 = arith.constant 0 : i32
      %dma_wait3A_452 = tpu.memref_slice %arg5[%dma_wait3A_447, %dma_wait3A_451] : memref<200x128xi32, #tpu.memory_space<vmem>> -> memref<1x128xi32, #tpu.memory_space<vmem>>
      %dma_wait3A_453 = tpu.memref_squeeze %dma_wait3A_452 : memref<1x128xi32, #tpu.memory_space<vmem>> -> memref<128xi32, #tpu.memory_space<vmem>>
      %dma_wait3A_454 = arith.constant 0 : i32
      %dma_wait3A_455 = arith.constant 0 : i32
      %dma_wait3A_456 = tpu.memref_slice %arg3[%dma_wait3A_454, %dma_wait3A_455] : memref<1000064x32xf32, #tpu.memory_space<hbm>> -> memref<1000064x32xf32, #tpu.memory_space<hbm>>
      tpu.wait_indirect_dma semaphore(%arg10 : memref<!tpu.dma_semaphore, #tpu.memory_space<semaphore_mem>>) src(%dma_wait3A_456 : memref<1000064x32xf32, #tpu.memory_space<hbm>>) dst(%dma_wait3A_450 : memref<128x32xf32, #tpu.memory_space<vmem>>)
      %dma_wait3A_457 = arith.constant 1 : i32
      %dma_wait3A_458 = arith.constant 128 : i32
      %dma_wait3A_459 = arith.constant 0 : i32
      %dma_wait3A_460 = tpu.memref_slice %arg6[%dma_wait3A_458, %dma_wait3A_459] : memref<640x32xf32, #tpu.memory_space<vmem>> -> memref<128x32xf32, #tpu.memory_space<vmem>>
      %dma_wait3A_461 = arith.constant 0 : i32
      %dma_wait3A_462 = tpu.memref_slice %arg5[%dma_wait3A_457, %dma_wait3A_461] : memref<200x128xi32, #tpu.memory_space<vmem>> -> memref<1x128xi32, #tpu.memory_space<vmem>>
      %dma_wait3A_463 = tpu.memref_squeeze %dma_wait3A_462 : memref<1x128xi32, #tpu.memory_space<vmem>> -> memref<128xi32, #tpu.memory_space<vmem>>
      %dma_wait3A_464 = arith.constant 0 : i32
      %dma_wait3A_465 = arith.constant 0 : i32
      %dma_wait3A_466 = tpu.memref_slice %arg3[%dma_wait3A_464, %dma_wait3A_465] : memref<1000064x32xf32, #tpu.memory_space<hbm>> -> memref<1000064x32xf32, #tpu.memory_space<hbm>>
      tpu.wait_indirect_dma semaphore(%arg10 : memref<!tpu.dma_semaphore, #tpu.memory_space<semaphore_mem>>) src(%dma_wait3A_466 : memref<1000064x32xf32, #tpu.memory_space<hbm>>) dst(%dma_wait3A_460 : memref<128x32xf32, #tpu.memory_space<vmem>>)
      %dma_wait3A_467 = arith.constant 2 : i32
      %dma_wait3A_468 = arith.constant 256 : i32
      %dma_wait3A_469 = arith.constant 0 : i32
      %dma_wait3A_470 = tpu.memref_slice %arg6[%dma_wait3A_468, %dma_wait3A_469] : memref<640x32xf32, #tpu.memory_space<vmem>> -> memref<128x32xf32, #tpu.memory_space<vmem>>
      %dma_wait3A_471 = arith.constant 0 : i32
      %dma_wait3A_472 = tpu.memref_slice %arg5[%dma_wait3A_467, %dma_wait3A_471] : memref<200x128xi32, #tpu.memory_space<vmem>> -> memref<1x128xi32, #tpu.memory_space<vmem>>
      %dma_wait3A_473 = tpu.memref_squeeze %dma_wait3A_472 : memref<1x128xi32, #tpu.memory_space<vmem>> -> memref<128xi32, #tpu.memory_space<vmem>>
      %dma_wait3A_474 = arith.constant 0 : i32
      %dma_wait3A_475 = arith.constant 0 : i32
      %dma_wait3A_476 = tpu.memref_slice %arg3[%dma_wait3A_474, %dma_wait3A_475] : memref<1000064x32xf32, #tpu.memory_space<hbm>> -> memref<1000064x32xf32, #tpu.memory_space<hbm>>
      tpu.wait_indirect_dma semaphore(%arg10 : memref<!tpu.dma_semaphore, #tpu.memory_space<semaphore_mem>>) src(%dma_wait3A_476 : memref<1000064x32xf32, #tpu.memory_space<hbm>>) dst(%dma_wait3A_470 : memref<128x32xf32, #tpu.memory_space<vmem>>)
      %dma_wait3A_477 = arith.constant 3 : i32
      %dma_wait3A_478 = arith.constant 384 : i32
      %dma_wait3A_479 = arith.constant 0 : i32
      %dma_wait3A_480 = tpu.memref_slice %arg6[%dma_wait3A_478, %dma_wait3A_479] : memref<640x32xf32, #tpu.memory_space<vmem>> -> memref<128x32xf32, #tpu.memory_space<vmem>>
      %dma_wait3A_481 = arith.constant 0 : i32
      %dma_wait3A_482 = tpu.memref_slice %arg5[%dma_wait3A_477, %dma_wait3A_481] : memref<200x128xi32, #tpu.memory_space<vmem>> -> memref<1x128xi32, #tpu.memory_space<vmem>>
      %dma_wait3A_483 = tpu.memref_squeeze %dma_wait3A_482 : memref<1x128xi32, #tpu.memory_space<vmem>> -> memref<128xi32, #tpu.memory_space<vmem>>
      %dma_wait3A_484 = arith.constant 0 : i32
      %dma_wait3A_485 = arith.constant 0 : i32
      %dma_wait3A_486 = tpu.memref_slice %arg3[%dma_wait3A_484, %dma_wait3A_485] : memref<1000064x32xf32, #tpu.memory_space<hbm>> -> memref<1000064x32xf32, #tpu.memory_space<hbm>>
      tpu.wait_indirect_dma semaphore(%arg10 : memref<!tpu.dma_semaphore, #tpu.memory_space<semaphore_mem>>) src(%dma_wait3A_486 : memref<1000064x32xf32, #tpu.memory_space<hbm>>) dst(%dma_wait3A_480 : memref<128x32xf32, #tpu.memory_space<vmem>>)
      %dma_wait3A_487 = arith.constant 4 : i32
      %dma_wait3A_488 = arith.constant 512 : i32
      %dma_wait3A_489 = arith.constant 0 : i32
      %dma_wait3A_490 = tpu.memref_slice %arg6[%dma_wait3A_488, %dma_wait3A_489] : memref<640x32xf32, #tpu.memory_space<vmem>> -> memref<128x32xf32, #tpu.memory_space<vmem>>
      %dma_wait3A_491 = arith.constant 0 : i32
      %dma_wait3A_492 = tpu.memref_slice %arg5[%dma_wait3A_487, %dma_wait3A_491] : memref<200x128xi32, #tpu.memory_space<vmem>> -> memref<1x128xi32, #tpu.memory_space<vmem>>
      %dma_wait3A_493 = tpu.memref_squeeze %dma_wait3A_492 : memref<1x128xi32, #tpu.memory_space<vmem>> -> memref<128xi32, #tpu.memory_space<vmem>>
      %dma_wait3A_494 = arith.constant 0 : i32
      %dma_wait3A_495 = arith.constant 0 : i32
      %dma_wait3A_496 = tpu.memref_slice %arg3[%dma_wait3A_494, %dma_wait3A_495] : memref<1000064x32xf32, #tpu.memory_space<hbm>> -> memref<1000064x32xf32, #tpu.memory_space<hbm>>
      tpu.wait_indirect_dma semaphore(%arg10 : memref<!tpu.dma_semaphore, #tpu.memory_space<semaphore_mem>>) src(%dma_wait3A_496 : memref<1000064x32xf32, #tpu.memory_space<hbm>>) dst(%dma_wait3A_490 : memref<128x32xf32, #tpu.memory_space<vmem>>)
      %mul3A_497 = arith.constant 4 : i32
      %mul3A_498 = arith.muli %scan3A_446, %mul3A_497 : i32
      %add3A_499 = arith.constant 0 : i32
      %add3A_500 = arith.addi %mul3A_498, %add3A_499 : i32
      %mul3A_501 = arith.constant 640 : i32
      %mul3A_502 = arith.muli %add3A_500, %mul3A_501 : i32
      %add3A_503 = arith.addi %mul3A_2, %mul3A_502 : i32
      %dma_start3A_504 = arith.constant 0 : i32
      %dma_start3A_505 = tpu.memref_slice %arg4[%add3A_503, %dma_start3A_504] : memref<819200x32xf32, #tpu.memory_space<hbm>> -> memref<640x32xf32, #tpu.memory_space<hbm>>
      %dma_start3A_506 = arith.constant 0 : i32
      %dma_start3A_507 = tpu.memref_slice %arg4[%add3A_503, %dma_start3A_506] : memref<819200x32xf32, #tpu.memory_space<hbm>> -> memref<640x32xf32, #tpu.memory_space<hbm>>
      tpu.enqueue_dma source(%arg6 : memref<640x32xf32, #tpu.memory_space<vmem>>) target(%dma_start3A_507 : memref<640x32xf32, #tpu.memory_space<hbm>>) target_semaphore(%arg14 : memref<!tpu.dma_semaphore, #tpu.memory_space<semaphore_mem>>)
      %dma_wait3A_508 = arith.constant 0 : i32
      %dma_wait3A_509 = arith.constant 0 : i32
      %dma_wait3A_510 = arith.constant 0 : i32
      %dma_wait3A_511 = tpu.memref_slice %arg7[%dma_wait3A_509, %dma_wait3A_510] : memref<640x32xf32, #tpu.memory_space<vmem>> -> memref<128x32xf32, #tpu.memory_space<vmem>>
      %dma_wait3A_512 = arith.constant 0 : i32
      %dma_wait3A_513 = tpu.memref_slice %arg5[%dma_wait3A_508, %dma_wait3A_512] : memref<200x128xi32, #tpu.memory_space<vmem>> -> memref<1x128xi32, #tpu.memory_space<vmem>>
      %dma_wait3A_514 = tpu.memref_squeeze %dma_wait3A_513 : memref<1x128xi32, #tpu.memory_space<vmem>> -> memref<128xi32, #tpu.memory_space<vmem>>
      %dma_wait3A_515 = arith.constant 0 : i32
      %dma_wait3A_516 = arith.constant 0 : i32
      %dma_wait3A_517 = tpu.memref_slice %arg3[%dma_wait3A_515, %dma_wait3A_516] : memref<1000064x32xf32, #tpu.memory_space<hbm>> -> memref<1000064x32xf32, #tpu.memory_space<hbm>>
      tpu.wait_indirect_dma semaphore(%arg11 : memref<!tpu.dma_semaphore, #tpu.memory_space<semaphore_mem>>) src(%dma_wait3A_517 : memref<1000064x32xf32, #tpu.memory_space<hbm>>) dst(%dma_wait3A_511 : memref<128x32xf32, #tpu.memory_space<vmem>>)
      %dma_wait3A_518 = arith.constant 1 : i32
      %dma_wait3A_519 = arith.constant 128 : i32
      %dma_wait3A_520 = arith.constant 0 : i32
      %dma_wait3A_521 = tpu.memref_slice %arg7[%dma_wait3A_519, %dma_wait3A_520] : memref<640x32xf32, #tpu.memory_space<vmem>> -> memref<128x32xf32, #tpu.memory_space<vmem>>
      %dma_wait3A_522 = arith.constant 0 : i32
      %dma_wait3A_523 = tpu.memref_slice %arg5[%dma_wait3A_518, %dma_wait3A_522] : memref<200x128xi32, #tpu.memory_space<vmem>> -> memref<1x128xi32, #tpu.memory_space<vmem>>
      %dma_wait3A_524 = tpu.memref_squeeze %dma_wait3A_523 : memref<1x128xi32, #tpu.memory_space<vmem>> -> memref<128xi32, #tpu.memory_space<vmem>>
      %dma_wait3A_525 = arith.constant 0 : i32
      %dma_wait3A_526 = arith.constant 0 : i32
      %dma_wait3A_527 = tpu.memref_slice %arg3[%dma_wait3A_525, %dma_wait3A_526] : memref<1000064x32xf32, #tpu.memory_space<hbm>> -> memref<1000064x32xf32, #tpu.memory_space<hbm>>
      tpu.wait_indirect_dma semaphore(%arg11 : memref<!tpu.dma_semaphore, #tpu.memory_space<semaphore_mem>>) src(%dma_wait3A_527 : memref<1000064x32xf32, #tpu.memory_space<hbm>>) dst(%dma_wait3A_521 : memref<128x32xf32, #tpu.memory_space<vmem>>)
      %dma_wait3A_528 = arith.constant 2 : i32
      %dma_wait3A_529 = arith.constant 256 : i32
      %dma_wait3A_530 = arith.constant 0 : i32
      %dma_wait3A_531 = tpu.memref_slice %arg7[%dma_wait3A_529, %dma_wait3A_530] : memref<640x32xf32, #tpu.memory_space<vmem>> -> memref<128x32xf32, #tpu.memory_space<vmem>>
      %dma_wait3A_532 = arith.constant 0 : i32
      %dma_wait3A_533 = tpu.memref_slice %arg5[%dma_wait3A_528, %dma_wait3A_532] : memref<200x128xi32, #tpu.memory_space<vmem>> -> memref<1x128xi32, #tpu.memory_space<vmem>>
      %dma_wait3A_534 = tpu.memref_squeeze %dma_wait3A_533 : memref<1x128xi32, #tpu.memory_space<vmem>> -> memref<128xi32, #tpu.memory_space<vmem>>
      %dma_wait3A_535 = arith.constant 0 : i32
      %dma_wait3A_536 = arith.constant 0 : i32
      %dma_wait3A_537 = tpu.memref_slice %arg3[%dma_wait3A_535, %dma_wait3A_536] : memref<1000064x32xf32, #tpu.memory_space<hbm>> -> memref<1000064x32xf32, #tpu.memory_space<hbm>>
      tpu.wait_indirect_dma semaphore(%arg11 : memref<!tpu.dma_semaphore, #tpu.memory_space<semaphore_mem>>) src(%dma_wait3A_537 : memref<1000064x32xf32, #tpu.memory_space<hbm>>) dst(%dma_wait3A_531 : memref<128x32xf32, #tpu.memory_space<vmem>>)
      %dma_wait3A_538 = arith.constant 3 : i32
      %dma_wait3A_539 = arith.constant 384 : i32
      %dma_wait3A_540 = arith.constant 0 : i32
      %dma_wait3A_541 = tpu.memref_slice %arg7[%dma_wait3A_539, %dma_wait3A_540] : memref<640x32xf32, #tpu.memory_space<vmem>> -> memref<128x32xf32, #tpu.memory_space<vmem>>
      %dma_wait3A_542 = arith.constant 0 : i32
      %dma_wait3A_543 = tpu.memref_slice %arg5[%dma_wait3A_538, %dma_wait3A_542] : memref<200x128xi32, #tpu.memory_space<vmem>> -> memref<1x128xi32, #tpu.memory_space<vmem>>
      %dma_wait3A_544 = tpu.memref_squeeze %dma_wait3A_543 : memref<1x128xi32, #tpu.memory_space<vmem>> -> memref<128xi32, #tpu.memory_space<vmem>>
      %dma_wait3A_545 = arith.constant 0 : i32
      %dma_wait3A_546 = arith.constant 0 : i32
      %dma_wait3A_547 = tpu.memref_slice %arg3[%dma_wait3A_545, %dma_wait3A_546] : memref<1000064x32xf32, #tpu.memory_space<hbm>> -> memref<1000064x32xf32, #tpu.memory_space<hbm>>
      tpu.wait_indirect_dma semaphore(%arg11 : memref<!tpu.dma_semaphore, #tpu.memory_space<semaphore_mem>>) src(%dma_wait3A_547 : memref<1000064x32xf32, #tpu.memory_space<hbm>>) dst(%dma_wait3A_541 : memref<128x32xf32, #tpu.memory_space<vmem>>)
      %dma_wait3A_548 = arith.constant 4 : i32
      %dma_wait3A_549 = arith.constant 512 : i32
      %dma_wait3A_550 = arith.constant 0 : i32
      %dma_wait3A_551 = tpu.memref_slice %arg7[%dma_wait3A_549, %dma_wait3A_550] : memref<640x32xf32, #tpu.memory_space<vmem>> -> memref<128x32xf32, #tpu.memory_space<vmem>>
      %dma_wait3A_552 = arith.constant 0 : i32
      %dma_wait3A_553 = tpu.memref_slice %arg5[%dma_wait3A_548, %dma_wait3A_552] : memref<200x128xi32, #tpu.memory_space<vmem>> -> memref<1x128xi32, #tpu.memory_space<vmem>>
      %dma_wait3A_554 = tpu.memref_squeeze %dma_wait3A_553 : memref<1x128xi32, #tpu.memory_space<vmem>> -> memref<128xi32, #tpu.memory_space<vmem>>
      %dma_wait3A_555 = arith.constant 0 : i32
      %dma_wait3A_556 = arith.constant 0 : i32
      %dma_wait3A_557 = tpu.memref_slice %arg3[%dma_wait3A_555, %dma_wait3A_556] : memref<1000064x32xf32, #tpu.memory_space<hbm>> -> memref<1000064x32xf32, #tpu.memory_space<hbm>>
      tpu.wait_indirect_dma semaphore(%arg11 : memref<!tpu.dma_semaphore, #tpu.memory_space<semaphore_mem>>) src(%dma_wait3A_557 : memref<1000064x32xf32, #tpu.memory_space<hbm>>) dst(%dma_wait3A_551 : memref<128x32xf32, #tpu.memory_space<vmem>>)
      %mul3A_558 = arith.constant 4 : i32
      %mul3A_559 = arith.muli %scan3A_446, %mul3A_558 : i32
      %add3A_560 = arith.constant 1 : i32
      %add3A_561 = arith.addi %mul3A_559, %add3A_560 : i32
      %mul3A_562 = arith.constant 640 : i32
      %mul3A_563 = arith.muli %add3A_561, %mul3A_562 : i32
      %add3A_564 = arith.addi %mul3A_2, %mul3A_563 : i32
      %dma_start3A_565 = arith.constant 0 : i32
      %dma_start3A_566 = tpu.memref_slice %arg4[%add3A_564, %dma_start3A_565] : memref<819200x32xf32, #tpu.memory_space<hbm>> -> memref<640x32xf32, #tpu.memory_space<hbm>>
      %dma_start3A_567 = arith.constant 0 : i32
      %dma_start3A_568 = tpu.memref_slice %arg4[%add3A_564, %dma_start3A_567] : memref<819200x32xf32, #tpu.memory_space<hbm>> -> memref<640x32xf32, #tpu.memory_space<hbm>>
      tpu.enqueue_dma source(%arg7 : memref<640x32xf32, #tpu.memory_space<vmem>>) target(%dma_start3A_568 : memref<640x32xf32, #tpu.memory_space<hbm>>) target_semaphore(%arg15 : memref<!tpu.dma_semaphore, #tpu.memory_space<semaphore_mem>>)
      %dma_wait3A_569 = arith.constant 0 : i32
      %dma_wait3A_570 = arith.constant 0 : i32
      %dma_wait3A_571 = arith.constant 0 : i32
      %dma_wait3A_572 = tpu.memref_slice %arg8[%dma_wait3A_570, %dma_wait3A_571] : memref<640x32xf32, #tpu.memory_space<vmem>> -> memref<128x32xf32, #tpu.memory_space<vmem>>
      %dma_wait3A_573 = arith.constant 0 : i32
      %dma_wait3A_574 = tpu.memref_slice %arg5[%dma_wait3A_569, %dma_wait3A_573] : memref<200x128xi32, #tpu.memory_space<vmem>> -> memref<1x128xi32, #tpu.memory_space<vmem>>
      %dma_wait3A_575 = tpu.memref_squeeze %dma_wait3A_574 : memref<1x128xi32, #tpu.memory_space<vmem>> -> memref<128xi32, #tpu.memory_space<vmem>>
      %dma_wait3A_576 = arith.constant 0 : i32
      %dma_wait3A_577 = arith.constant 0 : i32
      %dma_wait3A_578 = tpu.memref_slice %arg3[%dma_wait3A_576, %dma_wait3A_577] : memref<1000064x32xf32, #tpu.memory_space<hbm>> -> memref<1000064x32xf32, #tpu.memory_space<hbm>>
      tpu.wait_indirect_dma semaphore(%arg12 : memref<!tpu.dma_semaphore, #tpu.memory_space<semaphore_mem>>) src(%dma_wait3A_578 : memref<1000064x32xf32, #tpu.memory_space<hbm>>) dst(%dma_wait3A_572 : memref<128x32xf32, #tpu.memory_space<vmem>>)
      %dma_wait3A_579 = arith.constant 1 : i32
      %dma_wait3A_580 = arith.constant 128 : i32
      %dma_wait3A_581 = arith.constant 0 : i32
      %dma_wait3A_582 = tpu.memref_slice %arg8[%dma_wait3A_580, %dma_wait3A_581] : memref<640x32xf32, #tpu.memory_space<vmem>> -> memref<128x32xf32, #tpu.memory_space<vmem>>
      %dma_wait3A_583 = arith.constant 0 : i32
      %dma_wait3A_584 = tpu.memref_slice %arg5[%dma_wait3A_579, %dma_wait3A_583] : memref<200x128xi32, #tpu.memory_space<vmem>> -> memref<1x128xi32, #tpu.memory_space<vmem>>
      %dma_wait3A_585 = tpu.memref_squeeze %dma_wait3A_584 : memref<1x128xi32, #tpu.memory_space<vmem>> -> memref<128xi32, #tpu.memory_space<vmem>>
      %dma_wait3A_586 = arith.constant 0 : i32
      %dma_wait3A_587 = arith.constant 0 : i32
      %dma_wait3A_588 = tpu.memref_slice %arg3[%dma_wait3A_586, %dma_wait3A_587] : memref<1000064x32xf32, #tpu.memory_space<hbm>> -> memref<1000064x32xf32, #tpu.memory_space<hbm>>
      tpu.wait_indirect_dma semaphore(%arg12 : memref<!tpu.dma_semaphore, #tpu.memory_space<semaphore_mem>>) src(%dma_wait3A_588 : memref<1000064x32xf32, #tpu.memory_space<hbm>>) dst(%dma_wait3A_582 : memref<128x32xf32, #tpu.memory_space<vmem>>)
      %dma_wait3A_589 = arith.constant 2 : i32
      %dma_wait3A_590 = arith.constant 256 : i32
      %dma_wait3A_591 = arith.constant 0 : i32
      %dma_wait3A_592 = tpu.memref_slice %arg8[%dma_wait3A_590, %dma_wait3A_591] : memref<640x32xf32, #tpu.memory_space<vmem>> -> memref<128x32xf32, #tpu.memory_space<vmem>>
      %dma_wait3A_593 = arith.constant 0 : i32
      %dma_wait3A_594 = tpu.memref_slice %arg5[%dma_wait3A_589, %dma_wait3A_593] : memref<200x128xi32, #tpu.memory_space<vmem>> -> memref<1x128xi32, #tpu.memory_space<vmem>>
      %dma_wait3A_595 = tpu.memref_squeeze %dma_wait3A_594 : memref<1x128xi32, #tpu.memory_space<vmem>> -> memref<128xi32, #tpu.memory_space<vmem>>
      %dma_wait3A_596 = arith.constant 0 : i32
      %dma_wait3A_597 = arith.constant 0 : i32
      %dma_wait3A_598 = tpu.memref_slice %arg3[%dma_wait3A_596, %dma_wait3A_597] : memref<1000064x32xf32, #tpu.memory_space<hbm>> -> memref<1000064x32xf32, #tpu.memory_space<hbm>>
      tpu.wait_indirect_dma semaphore(%arg12 : memref<!tpu.dma_semaphore, #tpu.memory_space<semaphore_mem>>) src(%dma_wait3A_598 : memref<1000064x32xf32, #tpu.memory_space<hbm>>) dst(%dma_wait3A_592 : memref<128x32xf32, #tpu.memory_space<vmem>>)
      %dma_wait3A_599 = arith.constant 3 : i32
      %dma_wait3A_600 = arith.constant 384 : i32
      %dma_wait3A_601 = arith.constant 0 : i32
      %dma_wait3A_602 = tpu.memref_slice %arg8[%dma_wait3A_600, %dma_wait3A_601] : memref<640x32xf32, #tpu.memory_space<vmem>> -> memref<128x32xf32, #tpu.memory_space<vmem>>
      %dma_wait3A_603 = arith.constant 0 : i32
      %dma_wait3A_604 = tpu.memref_slice %arg5[%dma_wait3A_599, %dma_wait3A_603] : memref<200x128xi32, #tpu.memory_space<vmem>> -> memref<1x128xi32, #tpu.memory_space<vmem>>
      %dma_wait3A_605 = tpu.memref_squeeze %dma_wait3A_604 : memref<1x128xi32, #tpu.memory_space<vmem>> -> memref<128xi32, #tpu.memory_space<vmem>>
      %dma_wait3A_606 = arith.constant 0 : i32
      %dma_wait3A_607 = arith.constant 0 : i32
      %dma_wait3A_608 = tpu.memref_slice %arg3[%dma_wait3A_606, %dma_wait3A_607] : memref<1000064x32xf32, #tpu.memory_space<hbm>> -> memref<1000064x32xf32, #tpu.memory_space<hbm>>
      tpu.wait_indirect_dma semaphore(%arg12 : memref<!tpu.dma_semaphore, #tpu.memory_space<semaphore_mem>>) src(%dma_wait3A_608 : memref<1000064x32xf32, #tpu.memory_space<hbm>>) dst(%dma_wait3A_602 : memref<128x32xf32, #tpu.memory_space<vmem>>)
      %dma_wait3A_609 = arith.constant 4 : i32
      %dma_wait3A_610 = arith.constant 512 : i32
      %dma_wait3A_611 = arith.constant 0 : i32
      %dma_wait3A_612 = tpu.memref_slice %arg8[%dma_wait3A_610, %dma_wait3A_611] : memref<640x32xf32, #tpu.memory_space<vmem>> -> memref<128x32xf32, #tpu.memory_space<vmem>>
      %dma_wait3A_613 = arith.constant 0 : i32
      %dma_wait3A_614 = tpu.memref_slice %arg5[%dma_wait3A_609, %dma_wait3A_613] : memref<200x128xi32, #tpu.memory_space<vmem>> -> memref<1x128xi32, #tpu.memory_space<vmem>>
      %dma_wait3A_615 = tpu.memref_squeeze %dma_wait3A_614 : memref<1x128xi32, #tpu.memory_space<vmem>> -> memref<128xi32, #tpu.memory_space<vmem>>
      %dma_wait3A_616 = arith.constant 0 : i32
      %dma_wait3A_617 = arith.constant 0 : i32
      %dma_wait3A_618 = tpu.memref_slice %arg3[%dma_wait3A_616, %dma_wait3A_617] : memref<1000064x32xf32, #tpu.memory_space<hbm>> -> memref<1000064x32xf32, #tpu.memory_space<hbm>>
      tpu.wait_indirect_dma semaphore(%arg12 : memref<!tpu.dma_semaphore, #tpu.memory_space<semaphore_mem>>) src(%dma_wait3A_618 : memref<1000064x32xf32, #tpu.memory_space<hbm>>) dst(%dma_wait3A_612 : memref<128x32xf32, #tpu.memory_space<vmem>>)
      %mul3A_619 = arith.constant 4 : i32
      %mul3A_620 = arith.muli %scan3A_446, %mul3A_619 : i32
      %add3A_621 = arith.constant 2 : i32
      %add3A_622 = arith.addi %mul3A_620, %add3A_621 : i32
      %mul3A_623 = arith.constant 640 : i32
      %mul3A_624 = arith.muli %add3A_622, %mul3A_623 : i32
      %add3A_625 = arith.addi %mul3A_2, %mul3A_624 : i32
      %dma_start3A_626 = arith.constant 0 : i32
      %dma_start3A_627 = tpu.memref_slice %arg4[%add3A_625, %dma_start3A_626] : memref<819200x32xf32, #tpu.memory_space<hbm>> -> memref<640x32xf32, #tpu.memory_space<hbm>>
      %dma_start3A_628 = arith.constant 0 : i32
      %dma_start3A_629 = tpu.memref_slice %arg4[%add3A_625, %dma_start3A_628] : memref<819200x32xf32, #tpu.memory_space<hbm>> -> memref<640x32xf32, #tpu.memory_space<hbm>>
      tpu.enqueue_dma source(%arg8 : memref<640x32xf32, #tpu.memory_space<vmem>>) target(%dma_start3A_629 : memref<640x32xf32, #tpu.memory_space<hbm>>) target_semaphore(%arg16 : memref<!tpu.dma_semaphore, #tpu.memory_space<semaphore_mem>>)
      %dma_wait3A_630 = arith.constant 0 : i32
      %dma_wait3A_631 = arith.constant 0 : i32
      %dma_wait3A_632 = arith.constant 0 : i32
      %dma_wait3A_633 = tpu.memref_slice %arg9[%dma_wait3A_631, %dma_wait3A_632] : memref<640x32xf32, #tpu.memory_space<vmem>> -> memref<128x32xf32, #tpu.memory_space<vmem>>
      %dma_wait3A_634 = arith.constant 0 : i32
      %dma_wait3A_635 = tpu.memref_slice %arg5[%dma_wait3A_630, %dma_wait3A_634] : memref<200x128xi32, #tpu.memory_space<vmem>> -> memref<1x128xi32, #tpu.memory_space<vmem>>
      %dma_wait3A_636 = tpu.memref_squeeze %dma_wait3A_635 : memref<1x128xi32, #tpu.memory_space<vmem>> -> memref<128xi32, #tpu.memory_space<vmem>>
      %dma_wait3A_637 = arith.constant 0 : i32
      %dma_wait3A_638 = arith.constant 0 : i32
      %dma_wait3A_639 = tpu.memref_slice %arg3[%dma_wait3A_637, %dma_wait3A_638] : memref<1000064x32xf32, #tpu.memory_space<hbm>> -> memref<1000064x32xf32, #tpu.memory_space<hbm>>
      tpu.wait_indirect_dma semaphore(%arg13 : memref<!tpu.dma_semaphore, #tpu.memory_space<semaphore_mem>>) src(%dma_wait3A_639 : memref<1000064x32xf32, #tpu.memory_space<hbm>>) dst(%dma_wait3A_633 : memref<128x32xf32, #tpu.memory_space<vmem>>)
      %dma_wait3A_640 = arith.constant 1 : i32
      %dma_wait3A_641 = arith.constant 128 : i32
      %dma_wait3A_642 = arith.constant 0 : i32
      %dma_wait3A_643 = tpu.memref_slice %arg9[%dma_wait3A_641, %dma_wait3A_642] : memref<640x32xf32, #tpu.memory_space<vmem>> -> memref<128x32xf32, #tpu.memory_space<vmem>>
      %dma_wait3A_644 = arith.constant 0 : i32
      %dma_wait3A_645 = tpu.memref_slice %arg5[%dma_wait3A_640, %dma_wait3A_644] : memref<200x128xi32, #tpu.memory_space<vmem>> -> memref<1x128xi32, #tpu.memory_space<vmem>>
      %dma_wait3A_646 = tpu.memref_squeeze %dma_wait3A_645 : memref<1x128xi32, #tpu.memory_space<vmem>> -> memref<128xi32, #tpu.memory_space<vmem>>
      %dma_wait3A_647 = arith.constant 0 : i32
      %dma_wait3A_648 = arith.constant 0 : i32
      %dma_wait3A_649 = tpu.memref_slice %arg3[%dma_wait3A_647, %dma_wait3A_648] : memref<1000064x32xf32, #tpu.memory_space<hbm>> -> memref<1000064x32xf32, #tpu.memory_space<hbm>>
      tpu.wait_indirect_dma semaphore(%arg13 : memref<!tpu.dma_semaphore, #tpu.memory_space<semaphore_mem>>) src(%dma_wait3A_649 : memref<1000064x32xf32, #tpu.memory_space<hbm>>) dst(%dma_wait3A_643 : memref<128x32xf32, #tpu.memory_space<vmem>>)
      %dma_wait3A_650 = arith.constant 2 : i32
      %dma_wait3A_651 = arith.constant 256 : i32
      %dma_wait3A_652 = arith.constant 0 : i32
      %dma_wait3A_653 = tpu.memref_slice %arg9[%dma_wait3A_651, %dma_wait3A_652] : memref<640x32xf32, #tpu.memory_space<vmem>> -> memref<128x32xf32, #tpu.memory_space<vmem>>
      %dma_wait3A_654 = arith.constant 0 : i32
      %dma_wait3A_655 = tpu.memref_slice %arg5[%dma_wait3A_650, %dma_wait3A_654] : memref<200x128xi32, #tpu.memory_space<vmem>> -> memref<1x128xi32, #tpu.memory_space<vmem>>
      %dma_wait3A_656 = tpu.memref_squeeze %dma_wait3A_655 : memref<1x128xi32, #tpu.memory_space<vmem>> -> memref<128xi32, #tpu.memory_space<vmem>>
      %dma_wait3A_657 = arith.constant 0 : i32
      %dma_wait3A_658 = arith.constant 0 : i32
      %dma_wait3A_659 = tpu.memref_slice %arg3[%dma_wait3A_657, %dma_wait3A_658] : memref<1000064x32xf32, #tpu.memory_space<hbm>> -> memref<1000064x32xf32, #tpu.memory_space<hbm>>
      tpu.wait_indirect_dma semaphore(%arg13 : memref<!tpu.dma_semaphore, #tpu.memory_space<semaphore_mem>>) src(%dma_wait3A_659 : memref<1000064x32xf32, #tpu.memory_space<hbm>>) dst(%dma_wait3A_653 : memref<128x32xf32, #tpu.memory_space<vmem>>)
      %dma_wait3A_660 = arith.constant 3 : i32
      %dma_wait3A_661 = arith.constant 384 : i32
      %dma_wait3A_662 = arith.constant 0 : i32
      %dma_wait3A_663 = tpu.memref_slice %arg9[%dma_wait3A_661, %dma_wait3A_662] : memref<640x32xf32, #tpu.memory_space<vmem>> -> memref<128x32xf32, #tpu.memory_space<vmem>>
      %dma_wait3A_664 = arith.constant 0 : i32
      %dma_wait3A_665 = tpu.memref_slice %arg5[%dma_wait3A_660, %dma_wait3A_664] : memref<200x128xi32, #tpu.memory_space<vmem>> -> memref<1x128xi32, #tpu.memory_space<vmem>>
      %dma_wait3A_666 = tpu.memref_squeeze %dma_wait3A_665 : memref<1x128xi32, #tpu.memory_space<vmem>> -> memref<128xi32, #tpu.memory_space<vmem>>
      %dma_wait3A_667 = arith.constant 0 : i32
      %dma_wait3A_668 = arith.constant 0 : i32
      %dma_wait3A_669 = tpu.memref_slice %arg3[%dma_wait3A_667, %dma_wait3A_668] : memref<1000064x32xf32, #tpu.memory_space<hbm>> -> memref<1000064x32xf32, #tpu.memory_space<hbm>>
      tpu.wait_indirect_dma semaphore(%arg13 : memref<!tpu.dma_semaphore, #tpu.memory_space<semaphore_mem>>) src(%dma_wait3A_669 : memref<1000064x32xf32, #tpu.memory_space<hbm>>) dst(%dma_wait3A_663 : memref<128x32xf32, #tpu.memory_space<vmem>>)
      %dma_wait3A_670 = arith.constant 4 : i32
      %dma_wait3A_671 = arith.constant 512 : i32
      %dma_wait3A_672 = arith.constant 0 : i32
      %dma_wait3A_673 = tpu.memref_slice %arg9[%dma_wait3A_671, %dma_wait3A_672] : memref<640x32xf32, #tpu.memory_space<vmem>> -> memref<128x32xf32, #tpu.memory_space<vmem>>
      %dma_wait3A_674 = arith.constant 0 : i32
      %dma_wait3A_675 = tpu.memref_slice %arg5[%dma_wait3A_670, %dma_wait3A_674] : memref<200x128xi32, #tpu.memory_space<vmem>> -> memref<1x128xi32, #tpu.memory_space<vmem>>
      %dma_wait3A_676 = tpu.memref_squeeze %dma_wait3A_675 : memref<1x128xi32, #tpu.memory_space<vmem>> -> memref<128xi32, #tpu.memory_space<vmem>>
      %dma_wait3A_677 = arith.constant 0 : i32
      %dma_wait3A_678 = arith.constant 0 : i32
      %dma_wait3A_679 = tpu.memref_slice %arg3[%dma_wait3A_677, %dma_wait3A_678] : memref<1000064x32xf32, #tpu.memory_space<hbm>> -> memref<1000064x32xf32, #tpu.memory_space<hbm>>
      tpu.wait_indirect_dma semaphore(%arg13 : memref<!tpu.dma_semaphore, #tpu.memory_space<semaphore_mem>>) src(%dma_wait3A_679 : memref<1000064x32xf32, #tpu.memory_space<hbm>>) dst(%dma_wait3A_673 : memref<128x32xf32, #tpu.memory_space<vmem>>)
      %mul3A_680 = arith.constant 4 : i32
      %mul3A_681 = arith.muli %scan3A_446, %mul3A_680 : i32
      %add3A_682 = arith.constant 3 : i32
      %add3A_683 = arith.addi %mul3A_681, %add3A_682 : i32
      %mul3A_684 = arith.constant 640 : i32
      %mul3A_685 = arith.muli %add3A_683, %mul3A_684 : i32
      %add3A_686 = arith.addi %mul3A_2, %mul3A_685 : i32
      %dma_start3A_687 = arith.constant 0 : i32
      %dma_start3A_688 = tpu.memref_slice %arg4[%add3A_686, %dma_start3A_687] : memref<819200x32xf32, #tpu.memory_space<hbm>> -> memref<640x32xf32, #tpu.memory_space<hbm>>
      %dma_start3A_689 = arith.constant 0 : i32
      %dma_start3A_690 = tpu.memref_slice %arg4[%add3A_686, %dma_start3A_689] : memref<819200x32xf32, #tpu.memory_space<hbm>> -> memref<640x32xf32, #tpu.memory_space<hbm>>
      tpu.enqueue_dma source(%arg9 : memref<640x32xf32, #tpu.memory_space<vmem>>) target(%dma_start3A_690 : memref<640x32xf32, #tpu.memory_space<hbm>>) target_semaphore(%arg17 : memref<!tpu.dma_semaphore, #tpu.memory_space<semaphore_mem>>)
      %dma_wait3A_691 = arith.constant 0 : i32
      %dma_wait3A_692 = tpu.memref_slice %arg4[%mul3A_2, %dma_wait3A_691] : memref<819200x32xf32, #tpu.memory_space<hbm>> -> memref<640x32xf32, #tpu.memory_space<hbm>>
      %dma_wait3A_693 = arith.constant 0 : i32
      %dma_wait3A_694 = tpu.memref_slice %arg4[%mul3A_2, %dma_wait3A_693] : memref<819200x32xf32, #tpu.memory_space<hbm>> -> memref<640x32xf32, #tpu.memory_space<hbm>>
      tpu.wait_dma2 semaphore(%arg14 : memref<!tpu.dma_semaphore, #tpu.memory_space<semaphore_mem>>) src(%arg6 : memref<640x32xf32, #tpu.memory_space<vmem>>) dst(%dma_wait3A_694 : memref<640x32xf32, #tpu.memory_space<hbm>>)
      %add3A_695 = arith.constant 1 : i32
      %add3A_696 = arith.addi %scan3A_446, %add3A_695 : i32
      %mul3A_697 = arith.constant 4 : i32
      %mul3A_698 = arith.muli %add3A_696, %mul3A_697 : i32
      %add3A_699 = arith.constant 0 : i32
      %add3A_700 = arith.addi %mul3A_698, %add3A_699 : i32
      %mul3A_701 = arith.constant 5 : i32
      %mul3A_702 = arith.muli %add3A_700, %mul3A_701 : i32
      %add3A_703 = arith.constant 0 : i32
      %add3A_704 = arith.addi %mul3A_702, %add3A_703 : i32
      %dma_start3A_705 = arith.constant 0 : i32
      %dma_start3A_706 = arith.constant 0 : i32
      %dma_start3A_707 = tpu.memref_slice %arg6[%dma_start3A_705, %dma_start3A_706] : memref<640x32xf32, #tpu.memory_space<vmem>> -> memref<128x32xf32, #tpu.memory_space<vmem>>
      %dma_start3A_708 = arith.constant 0 : i32
      %dma_start3A_709 = tpu.memref_slice %arg5[%add3A_704, %dma_start3A_708] : memref<200x128xi32, #tpu.memory_space<vmem>> -> memref<1x128xi32, #tpu.memory_space<vmem>>
      %dma_start3A_710 = tpu.memref_squeeze %dma_start3A_709 : memref<1x128xi32, #tpu.memory_space<vmem>> -> memref<128xi32, #tpu.memory_space<vmem>>
      %dma_start3A_711 = arith.constant 0 : i32
      %dma_start3A_712 = arith.constant 0 : i32
      %dma_start3A_713 = tpu.memref_slice %arg3[%dma_start3A_711, %dma_start3A_712] : memref<1000064x32xf32, #tpu.memory_space<hbm>> -> memref<1000064x32xf32, #tpu.memory_space<hbm>>
      tpu.enqueue_indirect_dma source(%dma_start3A_713 : memref<1000064x32xf32, #tpu.memory_space<hbm>>) target(%dma_start3A_707 : memref<128x32xf32, #tpu.memory_space<vmem>>) offsets(%dma_start3A_710 : memref<128xi32, #tpu.memory_space<vmem>>) semaphore(%arg10 : memref<!tpu.dma_semaphore, #tpu.memory_space<semaphore_mem>>)
      %mul3A_714 = arith.constant 5 : i32
      %mul3A_715 = arith.muli %add3A_700, %mul3A_714 : i32
      %add3A_716 = arith.constant 1 : i32
      %add3A_717 = arith.addi %mul3A_715, %add3A_716 : i32
      %dma_start3A_718 = arith.constant 128 : i32
      %dma_start3A_719 = arith.constant 0 : i32
      %dma_start3A_720 = tpu.memref_slice %arg6[%dma_start3A_718, %dma_start3A_719] : memref<640x32xf32, #tpu.memory_space<vmem>> -> memref<128x32xf32, #tpu.memory_space<vmem>>
      %dma_start3A_721 = arith.constant 0 : i32
      %dma_start3A_722 = tpu.memref_slice %arg5[%add3A_717, %dma_start3A_721] : memref<200x128xi32, #tpu.memory_space<vmem>> -> memref<1x128xi32, #tpu.memory_space<vmem>>
      %dma_start3A_723 = tpu.memref_squeeze %dma_start3A_722 : memref<1x128xi32, #tpu.memory_space<vmem>> -> memref<128xi32, #tpu.memory_space<vmem>>
      %dma_start3A_724 = arith.constant 0 : i32
      %dma_start3A_725 = arith.constant 0 : i32
      %dma_start3A_726 = tpu.memref_slice %arg3[%dma_start3A_724, %dma_start3A_725] : memref<1000064x32xf32, #tpu.memory_space<hbm>> -> memref<1000064x32xf32, #tpu.memory_space<hbm>>
      tpu.enqueue_indirect_dma source(%dma_start3A_726 : memref<1000064x32xf32, #tpu.memory_space<hbm>>) target(%dma_start3A_720 : memref<128x32xf32, #tpu.memory_space<vmem>>) offsets(%dma_start3A_723 : memref<128xi32, #tpu.memory_space<vmem>>) semaphore(%arg10 : memref<!tpu.dma_semaphore, #tpu.memory_space<semaphore_mem>>)
      %mul3A_727 = arith.constant 5 : i32
      %mul3A_728 = arith.muli %add3A_700, %mul3A_727 : i32
      %add3A_729 = arith.constant 2 : i32
      %add3A_730 = arith.addi %mul3A_728, %add3A_729 : i32
      %dma_start3A_731 = arith.constant 256 : i32
      %dma_start3A_732 = arith.constant 0 : i32
      %dma_start3A_733 = tpu.memref_slice %arg6[%dma_start3A_731, %dma_start3A_732] : memref<640x32xf32, #tpu.memory_space<vmem>> -> memref<128x32xf32, #tpu.memory_space<vmem>>
      %dma_start3A_734 = arith.constant 0 : i32
      %dma_start3A_735 = tpu.memref_slice %arg5[%add3A_730, %dma_start3A_734] : memref<200x128xi32, #tpu.memory_space<vmem>> -> memref<1x128xi32, #tpu.memory_space<vmem>>
      %dma_start3A_736 = tpu.memref_squeeze %dma_start3A_735 : memref<1x128xi32, #tpu.memory_space<vmem>> -> memref<128xi32, #tpu.memory_space<vmem>>
      %dma_start3A_737 = arith.constant 0 : i32
      %dma_start3A_738 = arith.constant 0 : i32
      %dma_start3A_739 = tpu.memref_slice %arg3[%dma_start3A_737, %dma_start3A_738] : memref<1000064x32xf32, #tpu.memory_space<hbm>> -> memref<1000064x32xf32, #tpu.memory_space<hbm>>
      tpu.enqueue_indirect_dma source(%dma_start3A_739 : memref<1000064x32xf32, #tpu.memory_space<hbm>>) target(%dma_start3A_733 : memref<128x32xf32, #tpu.memory_space<vmem>>) offsets(%dma_start3A_736 : memref<128xi32, #tpu.memory_space<vmem>>) semaphore(%arg10 : memref<!tpu.dma_semaphore, #tpu.memory_space<semaphore_mem>>)
      %mul3A_740 = arith.constant 5 : i32
      %mul3A_741 = arith.muli %add3A_700, %mul3A_740 : i32
      %add3A_742 = arith.constant 3 : i32
      %add3A_743 = arith.addi %mul3A_741, %add3A_742 : i32
      %dma_start3A_744 = arith.constant 384 : i32
      %dma_start3A_745 = arith.constant 0 : i32
      %dma_start3A_746 = tpu.memref_slice %arg6[%dma_start3A_744, %dma_start3A_745] : memref<640x32xf32, #tpu.memory_space<vmem>> -> memref<128x32xf32, #tpu.memory_space<vmem>>
      %dma_start3A_747 = arith.constant 0 : i32
      %dma_start3A_748 = tpu.memref_slice %arg5[%add3A_743, %dma_start3A_747] : memref<200x128xi32, #tpu.memory_space<vmem>> -> memref<1x128xi32, #tpu.memory_space<vmem>>
      %dma_start3A_749 = tpu.memref_squeeze %dma_start3A_748 : memref<1x128xi32, #tpu.memory_space<vmem>> -> memref<128xi32, #tpu.memory_space<vmem>>
      %dma_start3A_750 = arith.constant 0 : i32
      %dma_start3A_751 = arith.constant 0 : i32
      %dma_start3A_752 = tpu.memref_slice %arg3[%dma_start3A_750, %dma_start3A_751] : memref<1000064x32xf32, #tpu.memory_space<hbm>> -> memref<1000064x32xf32, #tpu.memory_space<hbm>>
      tpu.enqueue_indirect_dma source(%dma_start3A_752 : memref<1000064x32xf32, #tpu.memory_space<hbm>>) target(%dma_start3A_746 : memref<128x32xf32, #tpu.memory_space<vmem>>) offsets(%dma_start3A_749 : memref<128xi32, #tpu.memory_space<vmem>>) semaphore(%arg10 : memref<!tpu.dma_semaphore, #tpu.memory_space<semaphore_mem>>)
      %mul3A_753 = arith.constant 5 : i32
      %mul3A_754 = arith.muli %add3A_700, %mul3A_753 : i32
      %add3A_755 = arith.constant 4 : i32
      %add3A_756 = arith.addi %mul3A_754, %add3A_755 : i32
      %dma_start3A_757 = arith.constant 512 : i32
      %dma_start3A_758 = arith.constant 0 : i32
      %dma_start3A_759 = tpu.memref_slice %arg6[%dma_start3A_757, %dma_start3A_758] : memref<640x32xf32, #tpu.memory_space<vmem>> -> memref<128x32xf32, #tpu.memory_space<vmem>>
      %dma_start3A_760 = arith.constant 0 : i32
      %dma_start3A_761 = tpu.memref_slice %arg5[%add3A_756, %dma_start3A_760] : memref<200x128xi32, #tpu.memory_space<vmem>> -> memref<1x128xi32, #tpu.memory_space<vmem>>
      %dma_start3A_762 = tpu.memref_squeeze %dma_start3A_761 : memref<1x128xi32, #tpu.memory_space<vmem>> -> memref<128xi32, #tpu.memory_space<vmem>>
      %dma_start3A_763 = arith.constant 0 : i32
      %dma_start3A_764 = arith.constant 0 : i32
      %dma_start3A_765 = tpu.memref_slice %arg3[%dma_start3A_763, %dma_start3A_764] : memref<1000064x32xf32, #tpu.memory_space<hbm>> -> memref<1000064x32xf32, #tpu.memory_space<hbm>>
      tpu.enqueue_indirect_dma source(%dma_start3A_765 : memref<1000064x32xf32, #tpu.memory_space<hbm>>) target(%dma_start3A_759 : memref<128x32xf32, #tpu.memory_space<vmem>>) offsets(%dma_start3A_762 : memref<128xi32, #tpu.memory_space<vmem>>) semaphore(%arg10 : memref<!tpu.dma_semaphore, #tpu.memory_space<semaphore_mem>>)
      %dma_wait3A_766 = arith.constant 0 : i32
      %dma_wait3A_767 = tpu.memref_slice %arg4[%mul3A_2, %dma_wait3A_766] : memref<819200x32xf32, #tpu.memory_space<hbm>> -> memref<640x32xf32, #tpu.memory_space<hbm>>
      %dma_wait3A_768 = arith.constant 0 : i32
      %dma_wait3A_769 = tpu.memref_slice %arg4[%mul3A_2, %dma_wait3A_768] : memref<819200x32xf32, #tpu.memory_space<hbm>> -> memref<640x32xf32, #tpu.memory_space<hbm>>
      tpu.wait_dma2 semaphore(%arg15 : memref<!tpu.dma_semaphore, #tpu.memory_space<semaphore_mem>>) src(%arg7 : memref<640x32xf32, #tpu.memory_space<vmem>>) dst(%dma_wait3A_769 : memref<640x32xf32, #tpu.memory_space<hbm>>)
      %add3A_770 = arith.constant 1 : i32
      %add3A_771 = arith.addi %scan3A_446, %add3A_770 : i32
      %mul3A_772 = arith.constant 4 : i32
      %mul3A_773 = arith.muli %add3A_771, %mul3A_772 : i32
      %add3A_774 = arith.constant 1 : i32
      %add3A_775 = arith.addi %mul3A_773, %add3A_774 : i32
      %mul3A_776 = arith.constant 5 : i32
      %mul3A_777 = arith.muli %add3A_775, %mul3A_776 : i32
      %add3A_778 = arith.constant 0 : i32
      %add3A_779 = arith.addi %mul3A_777, %add3A_778 : i32
      %dma_start3A_780 = arith.constant 0 : i32
      %dma_start3A_781 = arith.constant 0 : i32
      %dma_start3A_782 = tpu.memref_slice %arg7[%dma_start3A_780, %dma_start3A_781] : memref<640x32xf32, #tpu.memory_space<vmem>> -> memref<128x32xf32, #tpu.memory_space<vmem>>
      %dma_start3A_783 = arith.constant 0 : i32
      %dma_start3A_784 = tpu.memref_slice %arg5[%add3A_779, %dma_start3A_783] : memref<200x128xi32, #tpu.memory_space<vmem>> -> memref<1x128xi32, #tpu.memory_space<vmem>>
      %dma_start3A_785 = tpu.memref_squeeze %dma_start3A_784 : memref<1x128xi32, #tpu.memory_space<vmem>> -> memref<128xi32, #tpu.memory_space<vmem>>
      %dma_start3A_786 = arith.constant 0 : i32
      %dma_start3A_787 = arith.constant 0 : i32
      %dma_start3A_788 = tpu.memref_slice %arg3[%dma_start3A_786, %dma_start3A_787] : memref<1000064x32xf32, #tpu.memory_space<hbm>> -> memref<1000064x32xf32, #tpu.memory_space<hbm>>
      tpu.enqueue_indirect_dma source(%dma_start3A_788 : memref<1000064x32xf32, #tpu.memory_space<hbm>>) target(%dma_start3A_782 : memref<128x32xf32, #tpu.memory_space<vmem>>) offsets(%dma_start3A_785 : memref<128xi32, #tpu.memory_space<vmem>>) semaphore(%arg11 : memref<!tpu.dma_semaphore, #tpu.memory_space<semaphore_mem>>)
      %mul3A_789 = arith.constant 5 : i32
      %mul3A_790 = arith.muli %add3A_775, %mul3A_789 : i32
      %add3A_791 = arith.constant 1 : i32
      %add3A_792 = arith.addi %mul3A_790, %add3A_791 : i32
      %dma_start3A_793 = arith.constant 128 : i32
      %dma_start3A_794 = arith.constant 0 : i32
      %dma_start3A_795 = tpu.memref_slice %arg7[%dma_start3A_793, %dma_start3A_794] : memref<640x32xf32, #tpu.memory_space<vmem>> -> memref<128x32xf32, #tpu.memory_space<vmem>>
      %dma_start3A_796 = arith.constant 0 : i32
      %dma_start3A_797 = tpu.memref_slice %arg5[%add3A_792, %dma_start3A_796] : memref<200x128xi32, #tpu.memory_space<vmem>> -> memref<1x128xi32, #tpu.memory_space<vmem>>
      %dma_start3A_798 = tpu.memref_squeeze %dma_start3A_797 : memref<1x128xi32, #tpu.memory_space<vmem>> -> memref<128xi32, #tpu.memory_space<vmem>>
      %dma_start3A_799 = arith.constant 0 : i32
      %dma_start3A_800 = arith.constant 0 : i32
      %dma_start3A_801 = tpu.memref_slice %arg3[%dma_start3A_799, %dma_start3A_800] : memref<1000064x32xf32, #tpu.memory_space<hbm>> -> memref<1000064x32xf32, #tpu.memory_space<hbm>>
      tpu.enqueue_indirect_dma source(%dma_start3A_801 : memref<1000064x32xf32, #tpu.memory_space<hbm>>) target(%dma_start3A_795 : memref<128x32xf32, #tpu.memory_space<vmem>>) offsets(%dma_start3A_798 : memref<128xi32, #tpu.memory_space<vmem>>) semaphore(%arg11 : memref<!tpu.dma_semaphore, #tpu.memory_space<semaphore_mem>>)
      %mul3A_802 = arith.constant 5 : i32
      %mul3A_803 = arith.muli %add3A_775, %mul3A_802 : i32
      %add3A_804 = arith.constant 2 : i32
      %add3A_805 = arith.addi %mul3A_803, %add3A_804 : i32
      %dma_start3A_806 = arith.constant 256 : i32
      %dma_start3A_807 = arith.constant 0 : i32
      %dma_start3A_808 = tpu.memref_slice %arg7[%dma_start3A_806, %dma_start3A_807] : memref<640x32xf32, #tpu.memory_space<vmem>> -> memref<128x32xf32, #tpu.memory_space<vmem>>
      %dma_start3A_809 = arith.constant 0 : i32
      %dma_start3A_810 = tpu.memref_slice %arg5[%add3A_805, %dma_start3A_809] : memref<200x128xi32, #tpu.memory_space<vmem>> -> memref<1x128xi32, #tpu.memory_space<vmem>>
      %dma_start3A_811 = tpu.memref_squeeze %dma_start3A_810 : memref<1x128xi32, #tpu.memory_space<vmem>> -> memref<128xi32, #tpu.memory_space<vmem>>
      %dma_start3A_812 = arith.constant 0 : i32
      %dma_start3A_813 = arith.constant 0 : i32
      %dma_start3A_814 = tpu.memref_slice %arg3[%dma_start3A_812, %dma_start3A_813] : memref<1000064x32xf32, #tpu.memory_space<hbm>> -> memref<1000064x32xf32, #tpu.memory_space<hbm>>
      tpu.enqueue_indirect_dma source(%dma_start3A_814 : memref<1000064x32xf32, #tpu.memory_space<hbm>>) target(%dma_start3A_808 : memref<128x32xf32, #tpu.memory_space<vmem>>) offsets(%dma_start3A_811 : memref<128xi32, #tpu.memory_space<vmem>>) semaphore(%arg11 : memref<!tpu.dma_semaphore, #tpu.memory_space<semaphore_mem>>)
      %mul3A_815 = arith.constant 5 : i32
      %mul3A_816 = arith.muli %add3A_775, %mul3A_815 : i32
      %add3A_817 = arith.constant 3 : i32
      %add3A_818 = arith.addi %mul3A_816, %add3A_817 : i32
      %dma_start3A_819 = arith.constant 384 : i32
      %dma_start3A_820 = arith.constant 0 : i32
      %dma_start3A_821 = tpu.memref_slice %arg7[%dma_start3A_819, %dma_start3A_820] : memref<640x32xf32, #tpu.memory_space<vmem>> -> memref<128x32xf32, #tpu.memory_space<vmem>>
      %dma_start3A_822 = arith.constant 0 : i32
      %dma_start3A_823 = tpu.memref_slice %arg5[%add3A_818, %dma_start3A_822] : memref<200x128xi32, #tpu.memory_space<vmem>> -> memref<1x128xi32, #tpu.memory_space<vmem>>
      %dma_start3A_824 = tpu.memref_squeeze %dma_start3A_823 : memref<1x128xi32, #tpu.memory_space<vmem>> -> memref<128xi32, #tpu.memory_space<vmem>>
      %dma_start3A_825 = arith.constant 0 : i32
      %dma_start3A_826 = arith.constant 0 : i32
      %dma_start3A_827 = tpu.memref_slice %arg3[%dma_start3A_825, %dma_start3A_826] : memref<1000064x32xf32, #tpu.memory_space<hbm>> -> memref<1000064x32xf32, #tpu.memory_space<hbm>>
      tpu.enqueue_indirect_dma source(%dma_start3A_827 : memref<1000064x32xf32, #tpu.memory_space<hbm>>) target(%dma_start3A_821 : memref<128x32xf32, #tpu.memory_space<vmem>>) offsets(%dma_start3A_824 : memref<128xi32, #tpu.memory_space<vmem>>) semaphore(%arg11 : memref<!tpu.dma_semaphore, #tpu.memory_space<semaphore_mem>>)
      %mul3A_828 = arith.constant 5 : i32
      %mul3A_829 = arith.muli %add3A_775, %mul3A_828 : i32
      %add3A_830 = arith.constant 4 : i32
      %add3A_831 = arith.addi %mul3A_829, %add3A_830 : i32
      %dma_start3A_832 = arith.constant 512 : i32
      %dma_start3A_833 = arith.constant 0 : i32
      %dma_start3A_834 = tpu.memref_slice %arg7[%dma_start3A_832, %dma_start3A_833] : memref<640x32xf32, #tpu.memory_space<vmem>> -> memref<128x32xf32, #tpu.memory_space<vmem>>
      %dma_start3A_835 = arith.constant 0 : i32
      %dma_start3A_836 = tpu.memref_slice %arg5[%add3A_831, %dma_start3A_835] : memref<200x128xi32, #tpu.memory_space<vmem>> -> memref<1x128xi32, #tpu.memory_space<vmem>>
      %dma_start3A_837 = tpu.memref_squeeze %dma_start3A_836 : memref<1x128xi32, #tpu.memory_space<vmem>> -> memref<128xi32, #tpu.memory_space<vmem>>
      %dma_start3A_838 = arith.constant 0 : i32
      %dma_start3A_839 = arith.constant 0 : i32
      %dma_start3A_840 = tpu.memref_slice %arg3[%dma_start3A_838, %dma_start3A_839] : memref<1000064x32xf32, #tpu.memory_space<hbm>> -> memref<1000064x32xf32, #tpu.memory_space<hbm>>
      tpu.enqueue_indirect_dma source(%dma_start3A_840 : memref<1000064x32xf32, #tpu.memory_space<hbm>>) target(%dma_start3A_834 : memref<128x32xf32, #tpu.memory_space<vmem>>) offsets(%dma_start3A_837 : memref<128xi32, #tpu.memory_space<vmem>>) semaphore(%arg11 : memref<!tpu.dma_semaphore, #tpu.memory_space<semaphore_mem>>)
      %dma_wait3A_841 = arith.constant 0 : i32
      %dma_wait3A_842 = tpu.memref_slice %arg4[%mul3A_2, %dma_wait3A_841] : memref<819200x32xf32, #tpu.memory_space<hbm>> -> memref<640x32xf32, #tpu.memory_space<hbm>>
      %dma_wait3A_843 = arith.constant 0 : i32
      %dma_wait3A_844 = tpu.memref_slice %arg4[%mul3A_2, %dma_wait3A_843] : memref<819200x32xf32, #tpu.memory_space<hbm>> -> memref<640x32xf32, #tpu.memory_space<hbm>>
      tpu.wait_dma2 semaphore(%arg16 : memref<!tpu.dma_semaphore, #tpu.memory_space<semaphore_mem>>) src(%arg8 : memref<640x32xf32, #tpu.memory_space<vmem>>) dst(%dma_wait3A_844 : memref<640x32xf32, #tpu.memory_space<hbm>>)
      %add3A_845 = arith.constant 1 : i32
      %add3A_846 = arith.addi %scan3A_446, %add3A_845 : i32
      %mul3A_847 = arith.constant 4 : i32
      %mul3A_848 = arith.muli %add3A_846, %mul3A_847 : i32
      %add3A_849 = arith.constant 2 : i32
      %add3A_850 = arith.addi %mul3A_848, %add3A_849 : i32
      %mul3A_851 = arith.constant 5 : i32
      %mul3A_852 = arith.muli %add3A_850, %mul3A_851 : i32
      %add3A_853 = arith.constant 0 : i32
      %add3A_854 = arith.addi %mul3A_852, %add3A_853 : i32
      %dma_start3A_855 = arith.constant 0 : i32
      %dma_start3A_856 = arith.constant 0 : i32
      %dma_start3A_857 = tpu.memref_slice %arg8[%dma_start3A_855, %dma_start3A_856] : memref<640x32xf32, #tpu.memory_space<vmem>> -> memref<128x32xf32, #tpu.memory_space<vmem>>
      %dma_start3A_858 = arith.constant 0 : i32
      %dma_start3A_859 = tpu.memref_slice %arg5[%add3A_854, %dma_start3A_858] : memref<200x128xi32, #tpu.memory_space<vmem>> -> memref<1x128xi32, #tpu.memory_space<vmem>>
      %dma_start3A_860 = tpu.memref_squeeze %dma_start3A_859 : memref<1x128xi32, #tpu.memory_space<vmem>> -> memref<128xi32, #tpu.memory_space<vmem>>
      %dma_start3A_861 = arith.constant 0 : i32
      %dma_start3A_862 = arith.constant 0 : i32
      %dma_start3A_863 = tpu.memref_slice %arg3[%dma_start3A_861, %dma_start3A_862] : memref<1000064x32xf32, #tpu.memory_space<hbm>> -> memref<1000064x32xf32, #tpu.memory_space<hbm>>
      tpu.enqueue_indirect_dma source(%dma_start3A_863 : memref<1000064x32xf32, #tpu.memory_space<hbm>>) target(%dma_start3A_857 : memref<128x32xf32, #tpu.memory_space<vmem>>) offsets(%dma_start3A_860 : memref<128xi32, #tpu.memory_space<vmem>>) semaphore(%arg12 : memref<!tpu.dma_semaphore, #tpu.memory_space<semaphore_mem>>)
      %mul3A_864 = arith.constant 5 : i32
      %mul3A_865 = arith.muli %add3A_850, %mul3A_864 : i32
      %add3A_866 = arith.constant 1 : i32
      %add3A_867 = arith.addi %mul3A_865, %add3A_866 : i32
      %dma_start3A_868 = arith.constant 128 : i32
      %dma_start3A_869 = arith.constant 0 : i32
      %dma_start3A_870 = tpu.memref_slice %arg8[%dma_start3A_868, %dma_start3A_869] : memref<640x32xf32, #tpu.memory_space<vmem>> -> memref<128x32xf32, #tpu.memory_space<vmem>>
      %dma_start3A_871 = arith.constant 0 : i32
      %dma_start3A_872 = tpu.memref_slice %arg5[%add3A_867, %dma_start3A_871] : memref<200x128xi32, #tpu.memory_space<vmem>> -> memref<1x128xi32, #tpu.memory_space<vmem>>
      %dma_start3A_873 = tpu.memref_squeeze %dma_start3A_872 : memref<1x128xi32, #tpu.memory_space<vmem>> -> memref<128xi32, #tpu.memory_space<vmem>>
      %dma_start3A_874 = arith.constant 0 : i32
      %dma_start3A_875 = arith.constant 0 : i32
      %dma_start3A_876 = tpu.memref_slice %arg3[%dma_start3A_874, %dma_start3A_875] : memref<1000064x32xf32, #tpu.memory_space<hbm>> -> memref<1000064x32xf32, #tpu.memory_space<hbm>>
      tpu.enqueue_indirect_dma source(%dma_start3A_876 : memref<1000064x32xf32, #tpu.memory_space<hbm>>) target(%dma_start3A_870 : memref<128x32xf32, #tpu.memory_space<vmem>>) offsets(%dma_start3A_873 : memref<128xi32, #tpu.memory_space<vmem>>) semaphore(%arg12 : memref<!tpu.dma_semaphore, #tpu.memory_space<semaphore_mem>>)
      %mul3A_877 = arith.constant 5 : i32
      %mul3A_878 = arith.muli %add3A_850, %mul3A_877 : i32
      %add3A_879 = arith.constant 2 : i32
      %add3A_880 = arith.addi %mul3A_878, %add3A_879 : i32
      %dma_start3A_881 = arith.constant 256 : i32
      %dma_start3A_882 = arith.constant 0 : i32
      %dma_start3A_883 = tpu.memref_slice %arg8[%dma_start3A_881, %dma_start3A_882] : memref<640x32xf32, #tpu.memory_space<vmem>> -> memref<128x32xf32, #tpu.memory_space<vmem>>
      %dma_start3A_884 = arith.constant 0 : i32
      %dma_start3A_885 = tpu.memref_slice %arg5[%add3A_880, %dma_start3A_884] : memref<200x128xi32, #tpu.memory_space<vmem>> -> memref<1x128xi32, #tpu.memory_space<vmem>>
      %dma_start3A_886 = tpu.memref_squeeze %dma_start3A_885 : memref<1x128xi32, #tpu.memory_space<vmem>> -> memref<128xi32, #tpu.memory_space<vmem>>
      %dma_start3A_887 = arith.constant 0 : i32
      %dma_start3A_888 = arith.constant 0 : i32
      %dma_start3A_889 = tpu.memref_slice %arg3[%dma_start3A_887, %dma_start3A_888] : memref<1000064x32xf32, #tpu.memory_space<hbm>> -> memref<1000064x32xf32, #tpu.memory_space<hbm>>
      tpu.enqueue_indirect_dma source(%dma_start3A_889 : memref<1000064x32xf32, #tpu.memory_space<hbm>>) target(%dma_start3A_883 : memref<128x32xf32, #tpu.memory_space<vmem>>) offsets(%dma_start3A_886 : memref<128xi32, #tpu.memory_space<vmem>>) semaphore(%arg12 : memref<!tpu.dma_semaphore, #tpu.memory_space<semaphore_mem>>)
      %mul3A_890 = arith.constant 5 : i32
      %mul3A_891 = arith.muli %add3A_850, %mul3A_890 : i32
      %add3A_892 = arith.constant 3 : i32
      %add3A_893 = arith.addi %mul3A_891, %add3A_892 : i32
      %dma_start3A_894 = arith.constant 384 : i32
      %dma_start3A_895 = arith.constant 0 : i32
      %dma_start3A_896 = tpu.memref_slice %arg8[%dma_start3A_894, %dma_start3A_895] : memref<640x32xf32, #tpu.memory_space<vmem>> -> memref<128x32xf32, #tpu.memory_space<vmem>>
      %dma_start3A_897 = arith.constant 0 : i32
      %dma_start3A_898 = tpu.memref_slice %arg5[%add3A_893, %dma_start3A_897] : memref<200x128xi32, #tpu.memory_space<vmem>> -> memref<1x128xi32, #tpu.memory_space<vmem>>
      %dma_start3A_899 = tpu.memref_squeeze %dma_start3A_898 : memref<1x128xi32, #tpu.memory_space<vmem>> -> memref<128xi32, #tpu.memory_space<vmem>>
      %dma_start3A_900 = arith.constant 0 : i32
      %dma_start3A_901 = arith.constant 0 : i32
      %dma_start3A_902 = tpu.memref_slice %arg3[%dma_start3A_900, %dma_start3A_901] : memref<1000064x32xf32, #tpu.memory_space<hbm>> -> memref<1000064x32xf32, #tpu.memory_space<hbm>>
      tpu.enqueue_indirect_dma source(%dma_start3A_902 : memref<1000064x32xf32, #tpu.memory_space<hbm>>) target(%dma_start3A_896 : memref<128x32xf32, #tpu.memory_space<vmem>>) offsets(%dma_start3A_899 : memref<128xi32, #tpu.memory_space<vmem>>) semaphore(%arg12 : memref<!tpu.dma_semaphore, #tpu.memory_space<semaphore_mem>>)
      %mul3A_903 = arith.constant 5 : i32
      %mul3A_904 = arith.muli %add3A_850, %mul3A_903 : i32
      %add3A_905 = arith.constant 4 : i32
      %add3A_906 = arith.addi %mul3A_904, %add3A_905 : i32
      %dma_start3A_907 = arith.constant 512 : i32
      %dma_start3A_908 = arith.constant 0 : i32
      %dma_start3A_909 = tpu.memref_slice %arg8[%dma_start3A_907, %dma_start3A_908] : memref<640x32xf32, #tpu.memory_space<vmem>> -> memref<128x32xf32, #tpu.memory_space<vmem>>
      %dma_start3A_910 = arith.constant 0 : i32
      %dma_start3A_911 = tpu.memref_slice %arg5[%add3A_906, %dma_start3A_910] : memref<200x128xi32, #tpu.memory_space<vmem>> -> memref<1x128xi32, #tpu.memory_space<vmem>>
      %dma_start3A_912 = tpu.memref_squeeze %dma_start3A_911 : memref<1x128xi32, #tpu.memory_space<vmem>> -> memref<128xi32, #tpu.memory_space<vmem>>
      %dma_start3A_913 = arith.constant 0 : i32
      %dma_start3A_914 = arith.constant 0 : i32
      %dma_start3A_915 = tpu.memref_slice %arg3[%dma_start3A_913, %dma_start3A_914] : memref<1000064x32xf32, #tpu.memory_space<hbm>> -> memref<1000064x32xf32, #tpu.memory_space<hbm>>
      tpu.enqueue_indirect_dma source(%dma_start3A_915 : memref<1000064x32xf32, #tpu.memory_space<hbm>>) target(%dma_start3A_909 : memref<128x32xf32, #tpu.memory_space<vmem>>) offsets(%dma_start3A_912 : memref<128xi32, #tpu.memory_space<vmem>>) semaphore(%arg12 : memref<!tpu.dma_semaphore, #tpu.memory_space<semaphore_mem>>)
      %dma_wait3A_916 = arith.constant 0 : i32
      %dma_wait3A_917 = tpu.memref_slice %arg4[%mul3A_2, %dma_wait3A_916] : memref<819200x32xf32, #tpu.memory_space<hbm>> -> memref<640x32xf32, #tpu.memory_space<hbm>>
      %dma_wait3A_918 = arith.constant 0 : i32
      %dma_wait3A_919 = tpu.memref_slice %arg4[%mul3A_2, %dma_wait3A_918] : memref<819200x32xf32, #tpu.memory_space<hbm>> -> memref<640x32xf32, #tpu.memory_space<hbm>>
      tpu.wait_dma2 semaphore(%arg17 : memref<!tpu.dma_semaphore, #tpu.memory_space<semaphore_mem>>) src(%arg9 : memref<640x32xf32, #tpu.memory_space<vmem>>) dst(%dma_wait3A_919 : memref<640x32xf32, #tpu.memory_space<hbm>>)
      %add3A_920 = arith.constant 1 : i32
      %add3A_921 = arith.addi %scan3A_446, %add3A_920 : i32
      %mul3A_922 = arith.constant 4 : i32
      %mul3A_923 = arith.muli %add3A_921, %mul3A_922 : i32
      %add3A_924 = arith.constant 3 : i32
      %add3A_925 = arith.addi %mul3A_923, %add3A_924 : i32
      %mul3A_926 = arith.constant 5 : i32
      %mul3A_927 = arith.muli %add3A_925, %mul3A_926 : i32
      %add3A_928 = arith.constant 0 : i32
      %add3A_929 = arith.addi %mul3A_927, %add3A_928 : i32
      %dma_start3A_930 = arith.constant 0 : i32
      %dma_start3A_931 = arith.constant 0 : i32
      %dma_start3A_932 = tpu.memref_slice %arg9[%dma_start3A_930, %dma_start3A_931] : memref<640x32xf32, #tpu.memory_space<vmem>> -> memref<128x32xf32, #tpu.memory_space<vmem>>
      %dma_start3A_933 = arith.constant 0 : i32
      %dma_start3A_934 = tpu.memref_slice %arg5[%add3A_929, %dma_start3A_933] : memref<200x128xi32, #tpu.memory_space<vmem>> -> memref<1x128xi32, #tpu.memory_space<vmem>>
      %dma_start3A_935 = tpu.memref_squeeze %dma_start3A_934 : memref<1x128xi32, #tpu.memory_space<vmem>> -> memref<128xi32, #tpu.memory_space<vmem>>
      %dma_start3A_936 = arith.constant 0 : i32
      %dma_start3A_937 = arith.constant 0 : i32
      %dma_start3A_938 = tpu.memref_slice %arg3[%dma_start3A_936, %dma_start3A_937] : memref<1000064x32xf32, #tpu.memory_space<hbm>> -> memref<1000064x32xf32, #tpu.memory_space<hbm>>
      tpu.enqueue_indirect_dma source(%dma_start3A_938 : memref<1000064x32xf32, #tpu.memory_space<hbm>>) target(%dma_start3A_932 : memref<128x32xf32, #tpu.memory_space<vmem>>) offsets(%dma_start3A_935 : memref<128xi32, #tpu.memory_space<vmem>>) semaphore(%arg13 : memref<!tpu.dma_semaphore, #tpu.memory_space<semaphore_mem>>)
      %mul3A_939 = arith.constant 5 : i32
      %mul3A_940 = arith.muli %add3A_925, %mul3A_939 : i32
      %add3A_941 = arith.constant 1 : i32
      %add3A_942 = arith.addi %mul3A_940, %add3A_941 : i32
      %dma_start3A_943 = arith.constant 128 : i32
      %dma_start3A_944 = arith.constant 0 : i32
      %dma_start3A_945 = tpu.memref_slice %arg9[%dma_start3A_943, %dma_start3A_944] : memref<640x32xf32, #tpu.memory_space<vmem>> -> memref<128x32xf32, #tpu.memory_space<vmem>>
      %dma_start3A_946 = arith.constant 0 : i32
      %dma_start3A_947 = tpu.memref_slice %arg5[%add3A_942, %dma_start3A_946] : memref<200x128xi32, #tpu.memory_space<vmem>> -> memref<1x128xi32, #tpu.memory_space<vmem>>
      %dma_start3A_948 = tpu.memref_squeeze %dma_start3A_947 : memref<1x128xi32, #tpu.memory_space<vmem>> -> memref<128xi32, #tpu.memory_space<vmem>>
      %dma_start3A_949 = arith.constant 0 : i32
      %dma_start3A_950 = arith.constant 0 : i32
      %dma_start3A_951 = tpu.memref_slice %arg3[%dma_start3A_949, %dma_start3A_950] : memref<1000064x32xf32, #tpu.memory_space<hbm>> -> memref<1000064x32xf32, #tpu.memory_space<hbm>>
      tpu.enqueue_indirect_dma source(%dma_start3A_951 : memref<1000064x32xf32, #tpu.memory_space<hbm>>) target(%dma_start3A_945 : memref<128x32xf32, #tpu.memory_space<vmem>>) offsets(%dma_start3A_948 : memref<128xi32, #tpu.memory_space<vmem>>) semaphore(%arg13 : memref<!tpu.dma_semaphore, #tpu.memory_space<semaphore_mem>>)
      %mul3A_952 = arith.constant 5 : i32
      %mul3A_953 = arith.muli %add3A_925, %mul3A_952 : i32
      %add3A_954 = arith.constant 2 : i32
      %add3A_955 = arith.addi %mul3A_953, %add3A_954 : i32
      %dma_start3A_956 = arith.constant 256 : i32
      %dma_start3A_957 = arith.constant 0 : i32
      %dma_start3A_958 = tpu.memref_slice %arg9[%dma_start3A_956, %dma_start3A_957] : memref<640x32xf32, #tpu.memory_space<vmem>> -> memref<128x32xf32, #tpu.memory_space<vmem>>
      %dma_start3A_959 = arith.constant 0 : i32
      %dma_start3A_960 = tpu.memref_slice %arg5[%add3A_955, %dma_start3A_959] : memref<200x128xi32, #tpu.memory_space<vmem>> -> memref<1x128xi32, #tpu.memory_space<vmem>>
      %dma_start3A_961 = tpu.memref_squeeze %dma_start3A_960 : memref<1x128xi32, #tpu.memory_space<vmem>> -> memref<128xi32, #tpu.memory_space<vmem>>
      %dma_start3A_962 = arith.constant 0 : i32
      %dma_start3A_963 = arith.constant 0 : i32
      %dma_start3A_964 = tpu.memref_slice %arg3[%dma_start3A_962, %dma_start3A_963] : memref<1000064x32xf32, #tpu.memory_space<hbm>> -> memref<1000064x32xf32, #tpu.memory_space<hbm>>
      tpu.enqueue_indirect_dma source(%dma_start3A_964 : memref<1000064x32xf32, #tpu.memory_space<hbm>>) target(%dma_start3A_958 : memref<128x32xf32, #tpu.memory_space<vmem>>) offsets(%dma_start3A_961 : memref<128xi32, #tpu.memory_space<vmem>>) semaphore(%arg13 : memref<!tpu.dma_semaphore, #tpu.memory_space<semaphore_mem>>)
      %mul3A_965 = arith.constant 5 : i32
      %mul3A_966 = arith.muli %add3A_925, %mul3A_965 : i32
      %add3A_967 = arith.constant 3 : i32
      %add3A_968 = arith.addi %mul3A_966, %add3A_967 : i32
      %dma_start3A_969 = arith.constant 384 : i32
      %dma_start3A_970 = arith.constant 0 : i32
      %dma_start3A_971 = tpu.memref_slice %arg9[%dma_start3A_969, %dma_start3A_970] : memref<640x32xf32, #tpu.memory_space<vmem>> -> memref<128x32xf32, #tpu.memory_space<vmem>>
      %dma_start3A_972 = arith.constant 0 : i32
      %dma_start3A_973 = tpu.memref_slice %arg5[%add3A_968, %dma_start3A_972] : memref<200x128xi32, #tpu.memory_space<vmem>> -> memref<1x128xi32, #tpu.memory_space<vmem>>
      %dma_start3A_974 = tpu.memref_squeeze %dma_start3A_973 : memref<1x128xi32, #tpu.memory_space<vmem>> -> memref<128xi32, #tpu.memory_space<vmem>>
      %dma_start3A_975 = arith.constant 0 : i32
      %dma_start3A_976 = arith.constant 0 : i32
      %dma_start3A_977 = tpu.memref_slice %arg3[%dma_start3A_975, %dma_start3A_976] : memref<1000064x32xf32, #tpu.memory_space<hbm>> -> memref<1000064x32xf32, #tpu.memory_space<hbm>>
      tpu.enqueue_indirect_dma source(%dma_start3A_977 : memref<1000064x32xf32, #tpu.memory_space<hbm>>) target(%dma_start3A_971 : memref<128x32xf32, #tpu.memory_space<vmem>>) offsets(%dma_start3A_974 : memref<128xi32, #tpu.memory_space<vmem>>) semaphore(%arg13 : memref<!tpu.dma_semaphore, #tpu.memory_space<semaphore_mem>>)
      %mul3A_978 = arith.constant 5 : i32
      %mul3A_979 = arith.muli %add3A_925, %mul3A_978 : i32
      %add3A_980 = arith.constant 4 : i32
      %add3A_981 = arith.addi %mul3A_979, %add3A_980 : i32
      %dma_start3A_982 = arith.constant 512 : i32
      %dma_start3A_983 = arith.constant 0 : i32
      %dma_start3A_984 = tpu.memref_slice %arg9[%dma_start3A_982, %dma_start3A_983] : memref<640x32xf32, #tpu.memory_space<vmem>> -> memref<128x32xf32, #tpu.memory_space<vmem>>
      %dma_start3A_985 = arith.constant 0 : i32
      %dma_start3A_986 = tpu.memref_slice %arg5[%add3A_981, %dma_start3A_985] : memref<200x128xi32, #tpu.memory_space<vmem>> -> memref<1x128xi32, #tpu.memory_space<vmem>>
      %dma_start3A_987 = tpu.memref_squeeze %dma_start3A_986 : memref<1x128xi32, #tpu.memory_space<vmem>> -> memref<128xi32, #tpu.memory_space<vmem>>
      %dma_start3A_988 = arith.constant 0 : i32
      %dma_start3A_989 = arith.constant 0 : i32
      %dma_start3A_990 = tpu.memref_slice %arg3[%dma_start3A_988, %dma_start3A_989] : memref<1000064x32xf32, #tpu.memory_space<hbm>> -> memref<1000064x32xf32, #tpu.memory_space<hbm>>
      tpu.enqueue_indirect_dma source(%dma_start3A_990 : memref<1000064x32xf32, #tpu.memory_space<hbm>>) target(%dma_start3A_984 : memref<128x32xf32, #tpu.memory_space<vmem>>) offsets(%dma_start3A_987 : memref<128xi32, #tpu.memory_space<vmem>>) semaphore(%arg13 : memref<!tpu.dma_semaphore, #tpu.memory_space<semaphore_mem>>)
    }
    %scan3A_206 = arith.constant 9 : i32
    %dma_wait3A = arith.constant 0 : i32
    %dma_wait3A_207 = arith.constant 0 : i32
    %dma_wait3A_208 = arith.constant 0 : i32
    %dma_wait3A_209 = tpu.memref_slice %arg6[%dma_wait3A_207, %dma_wait3A_208] : memref<640x32xf32, #tpu.memory_space<vmem>> -> memref<128x32xf32, #tpu.memory_space<vmem>>
    %dma_wait3A_210 = arith.constant 0 : i32
    %dma_wait3A_211 = tpu.memref_slice %arg5[%dma_wait3A, %dma_wait3A_210] : memref<200x128xi32, #tpu.memory_space<vmem>> -> memref<1x128xi32, #tpu.memory_space<vmem>>
    %dma_wait3A_212 = tpu.memref_squeeze %dma_wait3A_211 : memref<1x128xi32, #tpu.memory_space<vmem>> -> memref<128xi32, #tpu.memory_space<vmem>>
    %dma_wait3A_213 = arith.constant 0 : i32
    %dma_wait3A_214 = arith.constant 0 : i32
    %dma_wait3A_215 = tpu.memref_slice %arg3[%dma_wait3A_213, %dma_wait3A_214] : memref<1000064x32xf32, #tpu.memory_space<hbm>> -> memref<1000064x32xf32, #tpu.memory_space<hbm>>
    tpu.wait_indirect_dma semaphore(%arg10 : memref<!tpu.dma_semaphore, #tpu.memory_space<semaphore_mem>>) src(%dma_wait3A_215 : memref<1000064x32xf32, #tpu.memory_space<hbm>>) dst(%dma_wait3A_209 : memref<128x32xf32, #tpu.memory_space<vmem>>)
    %dma_wait3A_216 = arith.constant 1 : i32
    %dma_wait3A_217 = arith.constant 128 : i32
    %dma_wait3A_218 = arith.constant 0 : i32
    %dma_wait3A_219 = tpu.memref_slice %arg6[%dma_wait3A_217, %dma_wait3A_218] : memref<640x32xf32, #tpu.memory_space<vmem>> -> memref<128x32xf32, #tpu.memory_space<vmem>>
    %dma_wait3A_220 = arith.constant 0 : i32
    %dma_wait3A_221 = tpu.memref_slice %arg5[%dma_wait3A_216, %dma_wait3A_220] : memref<200x128xi32, #tpu.memory_space<vmem>> -> memref<1x128xi32, #tpu.memory_space<vmem>>
    %dma_wait3A_222 = tpu.memref_squeeze %dma_wait3A_221 : memref<1x128xi32, #tpu.memory_space<vmem>> -> memref<128xi32, #tpu.memory_space<vmem>>
    %dma_wait3A_223 = arith.constant 0 : i32
    %dma_wait3A_224 = arith.constant 0 : i32
    %dma_wait3A_225 = tpu.memref_slice %arg3[%dma_wait3A_223, %dma_wait3A_224] : memref<1000064x32xf32, #tpu.memory_space<hbm>> -> memref<1000064x32xf32, #tpu.memory_space<hbm>>
    tpu.wait_indirect_dma semaphore(%arg10 : memref<!tpu.dma_semaphore, #tpu.memory_space<semaphore_mem>>) src(%dma_wait3A_225 : memref<1000064x32xf32, #tpu.memory_space<hbm>>) dst(%dma_wait3A_219 : memref<128x32xf32, #tpu.memory_space<vmem>>)
    %dma_wait3A_226 = arith.constant 2 : i32
    %dma_wait3A_227 = arith.constant 256 : i32
    %dma_wait3A_228 = arith.constant 0 : i32
    %dma_wait3A_229 = tpu.memref_slice %arg6[%dma_wait3A_227, %dma_wait3A_228] : memref<640x32xf32, #tpu.memory_space<vmem>> -> memref<128x32xf32, #tpu.memory_space<vmem>>
    %dma_wait3A_230 = arith.constant 0 : i32
    %dma_wait3A_231 = tpu.memref_slice %arg5[%dma_wait3A_226, %dma_wait3A_230] : memref<200x128xi32, #tpu.memory_space<vmem>> -> memref<1x128xi32, #tpu.memory_space<vmem>>
    %dma_wait3A_232 = tpu.memref_squeeze %dma_wait3A_231 : memref<1x128xi32, #tpu.memory_space<vmem>> -> memref<128xi32, #tpu.memory_space<vmem>>
    %dma_wait3A_233 = arith.constant 0 : i32
    %dma_wait3A_234 = arith.constant 0 : i32
    %dma_wait3A_235 = tpu.memref_slice %arg3[%dma_wait3A_233, %dma_wait3A_234] : memref<1000064x32xf32, #tpu.memory_space<hbm>> -> memref<1000064x32xf32, #tpu.memory_space<hbm>>
    tpu.wait_indirect_dma semaphore(%arg10 : memref<!tpu.dma_semaphore, #tpu.memory_space<semaphore_mem>>) src(%dma_wait3A_235 : memref<1000064x32xf32, #tpu.memory_space<hbm>>) dst(%dma_wait3A_229 : memref<128x32xf32, #tpu.memory_space<vmem>>)
    %dma_wait3A_236 = arith.constant 3 : i32
    %dma_wait3A_237 = arith.constant 384 : i32
    %dma_wait3A_238 = arith.constant 0 : i32
    %dma_wait3A_239 = tpu.memref_slice %arg6[%dma_wait3A_237, %dma_wait3A_238] : memref<640x32xf32, #tpu.memory_space<vmem>> -> memref<128x32xf32, #tpu.memory_space<vmem>>
    %dma_wait3A_240 = arith.constant 0 : i32
    %dma_wait3A_241 = tpu.memref_slice %arg5[%dma_wait3A_236, %dma_wait3A_240] : memref<200x128xi32, #tpu.memory_space<vmem>> -> memref<1x128xi32, #tpu.memory_space<vmem>>
    %dma_wait3A_242 = tpu.memref_squeeze %dma_wait3A_241 : memref<1x128xi32, #tpu.memory_space<vmem>> -> memref<128xi32, #tpu.memory_space<vmem>>
    %dma_wait3A_243 = arith.constant 0 : i32
    %dma_wait3A_244 = arith.constant 0 : i32
    %dma_wait3A_245 = tpu.memref_slice %arg3[%dma_wait3A_243, %dma_wait3A_244] : memref<1000064x32xf32, #tpu.memory_space<hbm>> -> memref<1000064x32xf32, #tpu.memory_space<hbm>>
    tpu.wait_indirect_dma semaphore(%arg10 : memref<!tpu.dma_semaphore, #tpu.memory_space<semaphore_mem>>) src(%dma_wait3A_245 : memref<1000064x32xf32, #tpu.memory_space<hbm>>) dst(%dma_wait3A_239 : memref<128x32xf32, #tpu.memory_space<vmem>>)
    %dma_wait3A_246 = arith.constant 4 : i32
    %dma_wait3A_247 = arith.constant 512 : i32
    %dma_wait3A_248 = arith.constant 0 : i32
    %dma_wait3A_249 = tpu.memref_slice %arg6[%dma_wait3A_247, %dma_wait3A_248] : memref<640x32xf32, #tpu.memory_space<vmem>> -> memref<128x32xf32, #tpu.memory_space<vmem>>
    %dma_wait3A_250 = arith.constant 0 : i32
    %dma_wait3A_251 = tpu.memref_slice %arg5[%dma_wait3A_246, %dma_wait3A_250] : memref<200x128xi32, #tpu.memory_space<vmem>> -> memref<1x128xi32, #tpu.memory_space<vmem>>
    %dma_wait3A_252 = tpu.memref_squeeze %dma_wait3A_251 : memref<1x128xi32, #tpu.memory_space<vmem>> -> memref<128xi32, #tpu.memory_space<vmem>>
    %dma_wait3A_253 = arith.constant 0 : i32
    %dma_wait3A_254 = arith.constant 0 : i32
    %dma_wait3A_255 = tpu.memref_slice %arg3[%dma_wait3A_253, %dma_wait3A_254] : memref<1000064x32xf32, #tpu.memory_space<hbm>> -> memref<1000064x32xf32, #tpu.memory_space<hbm>>
    tpu.wait_indirect_dma semaphore(%arg10 : memref<!tpu.dma_semaphore, #tpu.memory_space<semaphore_mem>>) src(%dma_wait3A_255 : memref<1000064x32xf32, #tpu.memory_space<hbm>>) dst(%dma_wait3A_249 : memref<128x32xf32, #tpu.memory_space<vmem>>)
    %add3A_256 = arith.constant 23040 : i32
    %add3A_257 = arith.addi %mul3A_2, %add3A_256 : i32
    %dma_start3A_258 = arith.constant 0 : i32
    %dma_start3A_259 = tpu.memref_slice %arg4[%add3A_257, %dma_start3A_258] : memref<819200x32xf32, #tpu.memory_space<hbm>> -> memref<640x32xf32, #tpu.memory_space<hbm>>
    %dma_start3A_260 = arith.constant 0 : i32
    %dma_start3A_261 = tpu.memref_slice %arg4[%add3A_257, %dma_start3A_260] : memref<819200x32xf32, #tpu.memory_space<hbm>> -> memref<640x32xf32, #tpu.memory_space<hbm>>
    tpu.enqueue_dma source(%arg6 : memref<640x32xf32, #tpu.memory_space<vmem>>) target(%dma_start3A_261 : memref<640x32xf32, #tpu.memory_space<hbm>>) target_semaphore(%arg14 : memref<!tpu.dma_semaphore, #tpu.memory_space<semaphore_mem>>)
    %dma_wait3A_262 = arith.constant 0 : i32
    %dma_wait3A_263 = arith.constant 0 : i32
    %dma_wait3A_264 = arith.constant 0 : i32
    %dma_wait3A_265 = tpu.memref_slice %arg7[%dma_wait3A_263, %dma_wait3A_264] : memref<640x32xf32, #tpu.memory_space<vmem>> -> memref<128x32xf32, #tpu.memory_space<vmem>>
    %dma_wait3A_266 = arith.constant 0 : i32
    %dma_wait3A_267 = tpu.memref_slice %arg5[%dma_wait3A_262, %dma_wait3A_266] : memref<200x128xi32, #tpu.memory_space<vmem>> -> memref<1x128xi32, #tpu.memory_space<vmem>>
    %dma_wait3A_268 = tpu.memref_squeeze %dma_wait3A_267 : memref<1x128xi32, #tpu.memory_space<vmem>> -> memref<128xi32, #tpu.memory_space<vmem>>
    %dma_wait3A_269 = arith.constant 0 : i32
    %dma_wait3A_270 = arith.constant 0 : i32
    %dma_wait3A_271 = tpu.memref_slice %arg3[%dma_wait3A_269, %dma_wait3A_270] : memref<1000064x32xf32, #tpu.memory_space<hbm>> -> memref<1000064x32xf32, #tpu.memory_space<hbm>>
    tpu.wait_indirect_dma semaphore(%arg11 : memref<!tpu.dma_semaphore, #tpu.memory_space<semaphore_mem>>) src(%dma_wait3A_271 : memref<1000064x32xf32, #tpu.memory_space<hbm>>) dst(%dma_wait3A_265 : memref<128x32xf32, #tpu.memory_space<vmem>>)
    %dma_wait3A_272 = arith.constant 1 : i32
    %dma_wait3A_273 = arith.constant 128 : i32
    %dma_wait3A_274 = arith.constant 0 : i32
    %dma_wait3A_275 = tpu.memref_slice %arg7[%dma_wait3A_273, %dma_wait3A_274] : memref<640x32xf32, #tpu.memory_space<vmem>> -> memref<128x32xf32, #tpu.memory_space<vmem>>
    %dma_wait3A_276 = arith.constant 0 : i32
    %dma_wait3A_277 = tpu.memref_slice %arg5[%dma_wait3A_272, %dma_wait3A_276] : memref<200x128xi32, #tpu.memory_space<vmem>> -> memref<1x128xi32, #tpu.memory_space<vmem>>
    %dma_wait3A_278 = tpu.memref_squeeze %dma_wait3A_277 : memref<1x128xi32, #tpu.memory_space<vmem>> -> memref<128xi32, #tpu.memory_space<vmem>>
    %dma_wait3A_279 = arith.constant 0 : i32
    %dma_wait3A_280 = arith.constant 0 : i32
    %dma_wait3A_281 = tpu.memref_slice %arg3[%dma_wait3A_279, %dma_wait3A_280] : memref<1000064x32xf32, #tpu.memory_space<hbm>> -> memref<1000064x32xf32, #tpu.memory_space<hbm>>
    tpu.wait_indirect_dma semaphore(%arg11 : memref<!tpu.dma_semaphore, #tpu.memory_space<semaphore_mem>>) src(%dma_wait3A_281 : memref<1000064x32xf32, #tpu.memory_space<hbm>>) dst(%dma_wait3A_275 : memref<128x32xf32, #tpu.memory_space<vmem>>)
    %dma_wait3A_282 = arith.constant 2 : i32
    %dma_wait3A_283 = arith.constant 256 : i32
    %dma_wait3A_284 = arith.constant 0 : i32
    %dma_wait3A_285 = tpu.memref_slice %arg7[%dma_wait3A_283, %dma_wait3A_284] : memref<640x32xf32, #tpu.memory_space<vmem>> -> memref<128x32xf32, #tpu.memory_space<vmem>>
    %dma_wait3A_286 = arith.constant 0 : i32
    %dma_wait3A_287 = tpu.memref_slice %arg5[%dma_wait3A_282, %dma_wait3A_286] : memref<200x128xi32, #tpu.memory_space<vmem>> -> memref<1x128xi32, #tpu.memory_space<vmem>>
    %dma_wait3A_288 = tpu.memref_squeeze %dma_wait3A_287 : memref<1x128xi32, #tpu.memory_space<vmem>> -> memref<128xi32, #tpu.memory_space<vmem>>
    %dma_wait3A_289 = arith.constant 0 : i32
    %dma_wait3A_290 = arith.constant 0 : i32
    %dma_wait3A_291 = tpu.memref_slice %arg3[%dma_wait3A_289, %dma_wait3A_290] : memref<1000064x32xf32, #tpu.memory_space<hbm>> -> memref<1000064x32xf32, #tpu.memory_space<hbm>>
    tpu.wait_indirect_dma semaphore(%arg11 : memref<!tpu.dma_semaphore, #tpu.memory_space<semaphore_mem>>) src(%dma_wait3A_291 : memref<1000064x32xf32, #tpu.memory_space<hbm>>) dst(%dma_wait3A_285 : memref<128x32xf32, #tpu.memory_space<vmem>>)
    %dma_wait3A_292 = arith.constant 3 : i32
    %dma_wait3A_293 = arith.constant 384 : i32
    %dma_wait3A_294 = arith.constant 0 : i32
    %dma_wait3A_295 = tpu.memref_slice %arg7[%dma_wait3A_293, %dma_wait3A_294] : memref<640x32xf32, #tpu.memory_space<vmem>> -> memref<128x32xf32, #tpu.memory_space<vmem>>
    %dma_wait3A_296 = arith.constant 0 : i32
    %dma_wait3A_297 = tpu.memref_slice %arg5[%dma_wait3A_292, %dma_wait3A_296] : memref<200x128xi32, #tpu.memory_space<vmem>> -> memref<1x128xi32, #tpu.memory_space<vmem>>
    %dma_wait3A_298 = tpu.memref_squeeze %dma_wait3A_297 : memref<1x128xi32, #tpu.memory_space<vmem>> -> memref<128xi32, #tpu.memory_space<vmem>>
    %dma_wait3A_299 = arith.constant 0 : i32
    %dma_wait3A_300 = arith.constant 0 : i32
    %dma_wait3A_301 = tpu.memref_slice %arg3[%dma_wait3A_299, %dma_wait3A_300] : memref<1000064x32xf32, #tpu.memory_space<hbm>> -> memref<1000064x32xf32, #tpu.memory_space<hbm>>
    tpu.wait_indirect_dma semaphore(%arg11 : memref<!tpu.dma_semaphore, #tpu.memory_space<semaphore_mem>>) src(%dma_wait3A_301 : memref<1000064x32xf32, #tpu.memory_space<hbm>>) dst(%dma_wait3A_295 : memref<128x32xf32, #tpu.memory_space<vmem>>)
    %dma_wait3A_302 = arith.constant 4 : i32
    %dma_wait3A_303 = arith.constant 512 : i32
    %dma_wait3A_304 = arith.constant 0 : i32
    %dma_wait3A_305 = tpu.memref_slice %arg7[%dma_wait3A_303, %dma_wait3A_304] : memref<640x32xf32, #tpu.memory_space<vmem>> -> memref<128x32xf32, #tpu.memory_space<vmem>>
    %dma_wait3A_306 = arith.constant 0 : i32
    %dma_wait3A_307 = tpu.memref_slice %arg5[%dma_wait3A_302, %dma_wait3A_306] : memref<200x128xi32, #tpu.memory_space<vmem>> -> memref<1x128xi32, #tpu.memory_space<vmem>>
    %dma_wait3A_308 = tpu.memref_squeeze %dma_wait3A_307 : memref<1x128xi32, #tpu.memory_space<vmem>> -> memref<128xi32, #tpu.memory_space<vmem>>
    %dma_wait3A_309 = arith.constant 0 : i32
    %dma_wait3A_310 = arith.constant 0 : i32
    %dma_wait3A_311 = tpu.memref_slice %arg3[%dma_wait3A_309, %dma_wait3A_310] : memref<1000064x32xf32, #tpu.memory_space<hbm>> -> memref<1000064x32xf32, #tpu.memory_space<hbm>>
    tpu.wait_indirect_dma semaphore(%arg11 : memref<!tpu.dma_semaphore, #tpu.memory_space<semaphore_mem>>) src(%dma_wait3A_311 : memref<1000064x32xf32, #tpu.memory_space<hbm>>) dst(%dma_wait3A_305 : memref<128x32xf32, #tpu.memory_space<vmem>>)
    %add3A_312 = arith.constant 23680 : i32
    %add3A_313 = arith.addi %mul3A_2, %add3A_312 : i32
    %dma_start3A_314 = arith.constant 0 : i32
    %dma_start3A_315 = tpu.memref_slice %arg4[%add3A_313, %dma_start3A_314] : memref<819200x32xf32, #tpu.memory_space<hbm>> -> memref<640x32xf32, #tpu.memory_space<hbm>>
    %dma_start3A_316 = arith.constant 0 : i32
    %dma_start3A_317 = tpu.memref_slice %arg4[%add3A_313, %dma_start3A_316] : memref<819200x32xf32, #tpu.memory_space<hbm>> -> memref<640x32xf32, #tpu.memory_space<hbm>>
    tpu.enqueue_dma source(%arg7 : memref<640x32xf32, #tpu.memory_space<vmem>>) target(%dma_start3A_317 : memref<640x32xf32, #tpu.memory_space<hbm>>) target_semaphore(%arg15 : memref<!tpu.dma_semaphore, #tpu.memory_space<semaphore_mem>>)
    %dma_wait3A_318 = arith.constant 0 : i32
    %dma_wait3A_319 = arith.constant 0 : i32
    %dma_wait3A_320 = arith.constant 0 : i32
    %dma_wait3A_321 = tpu.memref_slice %arg8[%dma_wait3A_319, %dma_wait3A_320] : memref<640x32xf32, #tpu.memory_space<vmem>> -> memref<128x32xf32, #tpu.memory_space<vmem>>
    %dma_wait3A_322 = arith.constant 0 : i32
    %dma_wait3A_323 = tpu.memref_slice %arg5[%dma_wait3A_318, %dma_wait3A_322] : memref<200x128xi32, #tpu.memory_space<vmem>> -> memref<1x128xi32, #tpu.memory_space<vmem>>
    %dma_wait3A_324 = tpu.memref_squeeze %dma_wait3A_323 : memref<1x128xi32, #tpu.memory_space<vmem>> -> memref<128xi32, #tpu.memory_space<vmem>>
    %dma_wait3A_325 = arith.constant 0 : i32
    %dma_wait3A_326 = arith.constant 0 : i32
    %dma_wait3A_327 = tpu.memref_slice %arg3[%dma_wait3A_325, %dma_wait3A_326] : memref<1000064x32xf32, #tpu.memory_space<hbm>> -> memref<1000064x32xf32, #tpu.memory_space<hbm>>
    tpu.wait_indirect_dma semaphore(%arg12 : memref<!tpu.dma_semaphore, #tpu.memory_space<semaphore_mem>>) src(%dma_wait3A_327 : memref<1000064x32xf32, #tpu.memory_space<hbm>>) dst(%dma_wait3A_321 : memref<128x32xf32, #tpu.memory_space<vmem>>)
    %dma_wait3A_328 = arith.constant 1 : i32
    %dma_wait3A_329 = arith.constant 128 : i32
    %dma_wait3A_330 = arith.constant 0 : i32
    %dma_wait3A_331 = tpu.memref_slice %arg8[%dma_wait3A_329, %dma_wait3A_330] : memref<640x32xf32, #tpu.memory_space<vmem>> -> memref<128x32xf32, #tpu.memory_space<vmem>>
    %dma_wait3A_332 = arith.constant 0 : i32
    %dma_wait3A_333 = tpu.memref_slice %arg5[%dma_wait3A_328, %dma_wait3A_332] : memref<200x128xi32, #tpu.memory_space<vmem>> -> memref<1x128xi32, #tpu.memory_space<vmem>>
    %dma_wait3A_334 = tpu.memref_squeeze %dma_wait3A_333 : memref<1x128xi32, #tpu.memory_space<vmem>> -> memref<128xi32, #tpu.memory_space<vmem>>
    %dma_wait3A_335 = arith.constant 0 : i32
    %dma_wait3A_336 = arith.constant 0 : i32
    %dma_wait3A_337 = tpu.memref_slice %arg3[%dma_wait3A_335, %dma_wait3A_336] : memref<1000064x32xf32, #tpu.memory_space<hbm>> -> memref<1000064x32xf32, #tpu.memory_space<hbm>>
    tpu.wait_indirect_dma semaphore(%arg12 : memref<!tpu.dma_semaphore, #tpu.memory_space<semaphore_mem>>) src(%dma_wait3A_337 : memref<1000064x32xf32, #tpu.memory_space<hbm>>) dst(%dma_wait3A_331 : memref<128x32xf32, #tpu.memory_space<vmem>>)
    %dma_wait3A_338 = arith.constant 2 : i32
    %dma_wait3A_339 = arith.constant 256 : i32
    %dma_wait3A_340 = arith.constant 0 : i32
    %dma_wait3A_341 = tpu.memref_slice %arg8[%dma_wait3A_339, %dma_wait3A_340] : memref<640x32xf32, #tpu.memory_space<vmem>> -> memref<128x32xf32, #tpu.memory_space<vmem>>
    %dma_wait3A_342 = arith.constant 0 : i32
    %dma_wait3A_343 = tpu.memref_slice %arg5[%dma_wait3A_338, %dma_wait3A_342] : memref<200x128xi32, #tpu.memory_space<vmem>> -> memref<1x128xi32, #tpu.memory_space<vmem>>
    %dma_wait3A_344 = tpu.memref_squeeze %dma_wait3A_343 : memref<1x128xi32, #tpu.memory_space<vmem>> -> memref<128xi32, #tpu.memory_space<vmem>>
    %dma_wait3A_345 = arith.constant 0 : i32
    %dma_wait3A_346 = arith.constant 0 : i32
    %dma_wait3A_347 = tpu.memref_slice %arg3[%dma_wait3A_345, %dma_wait3A_346] : memref<1000064x32xf32, #tpu.memory_space<hbm>> -> memref<1000064x32xf32, #tpu.memory_space<hbm>>
    tpu.wait_indirect_dma semaphore(%arg12 : memref<!tpu.dma_semaphore, #tpu.memory_space<semaphore_mem>>) src(%dma_wait3A_347 : memref<1000064x32xf32, #tpu.memory_space<hbm>>) dst(%dma_wait3A_341 : memref<128x32xf32, #tpu.memory_space<vmem>>)
    %dma_wait3A_348 = arith.constant 3 : i32
    %dma_wait3A_349 = arith.constant 384 : i32
    %dma_wait3A_350 = arith.constant 0 : i32
    %dma_wait3A_351 = tpu.memref_slice %arg8[%dma_wait3A_349, %dma_wait3A_350] : memref<640x32xf32, #tpu.memory_space<vmem>> -> memref<128x32xf32, #tpu.memory_space<vmem>>
    %dma_wait3A_352 = arith.constant 0 : i32
    %dma_wait3A_353 = tpu.memref_slice %arg5[%dma_wait3A_348, %dma_wait3A_352] : memref<200x128xi32, #tpu.memory_space<vmem>> -> memref<1x128xi32, #tpu.memory_space<vmem>>
    %dma_wait3A_354 = tpu.memref_squeeze %dma_wait3A_353 : memref<1x128xi32, #tpu.memory_space<vmem>> -> memref<128xi32, #tpu.memory_space<vmem>>
    %dma_wait3A_355 = arith.constant 0 : i32
    %dma_wait3A_356 = arith.constant 0 : i32
    %dma_wait3A_357 = tpu.memref_slice %arg3[%dma_wait3A_355, %dma_wait3A_356] : memref<1000064x32xf32, #tpu.memory_space<hbm>> -> memref<1000064x32xf32, #tpu.memory_space<hbm>>
    tpu.wait_indirect_dma semaphore(%arg12 : memref<!tpu.dma_semaphore, #tpu.memory_space<semaphore_mem>>) src(%dma_wait3A_357 : memref<1000064x32xf32, #tpu.memory_space<hbm>>) dst(%dma_wait3A_351 : memref<128x32xf32, #tpu.memory_space<vmem>>)
    %dma_wait3A_358 = arith.constant 4 : i32
    %dma_wait3A_359 = arith.constant 512 : i32
    %dma_wait3A_360 = arith.constant 0 : i32
    %dma_wait3A_361 = tpu.memref_slice %arg8[%dma_wait3A_359, %dma_wait3A_360] : memref<640x32xf32, #tpu.memory_space<vmem>> -> memref<128x32xf32, #tpu.memory_space<vmem>>
    %dma_wait3A_362 = arith.constant 0 : i32
    %dma_wait3A_363 = tpu.memref_slice %arg5[%dma_wait3A_358, %dma_wait3A_362] : memref<200x128xi32, #tpu.memory_space<vmem>> -> memref<1x128xi32, #tpu.memory_space<vmem>>
    %dma_wait3A_364 = tpu.memref_squeeze %dma_wait3A_363 : memref<1x128xi32, #tpu.memory_space<vmem>> -> memref<128xi32, #tpu.memory_space<vmem>>
    %dma_wait3A_365 = arith.constant 0 : i32
    %dma_wait3A_366 = arith.constant 0 : i32
    %dma_wait3A_367 = tpu.memref_slice %arg3[%dma_wait3A_365, %dma_wait3A_366] : memref<1000064x32xf32, #tpu.memory_space<hbm>> -> memref<1000064x32xf32, #tpu.memory_space<hbm>>
    tpu.wait_indirect_dma semaphore(%arg12 : memref<!tpu.dma_semaphore, #tpu.memory_space<semaphore_mem>>) src(%dma_wait3A_367 : memref<1000064x32xf32, #tpu.memory_space<hbm>>) dst(%dma_wait3A_361 : memref<128x32xf32, #tpu.memory_space<vmem>>)
    %add3A_368 = arith.constant 24320 : i32
    %add3A_369 = arith.addi %mul3A_2, %add3A_368 : i32
    %dma_start3A_370 = arith.constant 0 : i32
    %dma_start3A_371 = tpu.memref_slice %arg4[%add3A_369, %dma_start3A_370] : memref<819200x32xf32, #tpu.memory_space<hbm>> -> memref<640x32xf32, #tpu.memory_space<hbm>>
    %dma_start3A_372 = arith.constant 0 : i32
    %dma_start3A_373 = tpu.memref_slice %arg4[%add3A_369, %dma_start3A_372] : memref<819200x32xf32, #tpu.memory_space<hbm>> -> memref<640x32xf32, #tpu.memory_space<hbm>>
    tpu.enqueue_dma source(%arg8 : memref<640x32xf32, #tpu.memory_space<vmem>>) target(%dma_start3A_373 : memref<640x32xf32, #tpu.memory_space<hbm>>) target_semaphore(%arg16 : memref<!tpu.dma_semaphore, #tpu.memory_space<semaphore_mem>>)
    %dma_wait3A_374 = arith.constant 0 : i32
    %dma_wait3A_375 = arith.constant 0 : i32
    %dma_wait3A_376 = arith.constant 0 : i32
    %dma_wait3A_377 = tpu.memref_slice %arg9[%dma_wait3A_375, %dma_wait3A_376] : memref<640x32xf32, #tpu.memory_space<vmem>> -> memref<128x32xf32, #tpu.memory_space<vmem>>
    %dma_wait3A_378 = arith.constant 0 : i32
    %dma_wait3A_379 = tpu.memref_slice %arg5[%dma_wait3A_374, %dma_wait3A_378] : memref<200x128xi32, #tpu.memory_space<vmem>> -> memref<1x128xi32, #tpu.memory_space<vmem>>
    %dma_wait3A_380 = tpu.memref_squeeze %dma_wait3A_379 : memref<1x128xi32, #tpu.memory_space<vmem>> -> memref<128xi32, #tpu.memory_space<vmem>>
    %dma_wait3A_381 = arith.constant 0 : i32
    %dma_wait3A_382 = arith.constant 0 : i32
    %dma_wait3A_383 = tpu.memref_slice %arg3[%dma_wait3A_381, %dma_wait3A_382] : memref<1000064x32xf32, #tpu.memory_space<hbm>> -> memref<1000064x32xf32, #tpu.memory_space<hbm>>
    tpu.wait_indirect_dma semaphore(%arg13 : memref<!tpu.dma_semaphore, #tpu.memory_space<semaphore_mem>>) src(%dma_wait3A_383 : memref<1000064x32xf32, #tpu.memory_space<hbm>>) dst(%dma_wait3A_377 : memref<128x32xf32, #tpu.memory_space<vmem>>)
    %dma_wait3A_384 = arith.constant 1 : i32
    %dma_wait3A_385 = arith.constant 128 : i32
    %dma_wait3A_386 = arith.constant 0 : i32
    %dma_wait3A_387 = tpu.memref_slice %arg9[%dma_wait3A_385, %dma_wait3A_386] : memref<640x32xf32, #tpu.memory_space<vmem>> -> memref<128x32xf32, #tpu.memory_space<vmem>>
    %dma_wait3A_388 = arith.constant 0 : i32
    %dma_wait3A_389 = tpu.memref_slice %arg5[%dma_wait3A_384, %dma_wait3A_388] : memref<200x128xi32, #tpu.memory_space<vmem>> -> memref<1x128xi32, #tpu.memory_space<vmem>>
    %dma_wait3A_390 = tpu.memref_squeeze %dma_wait3A_389 : memref<1x128xi32, #tpu.memory_space<vmem>> -> memref<128xi32, #tpu.memory_space<vmem>>
    %dma_wait3A_391 = arith.constant 0 : i32
    %dma_wait3A_392 = arith.constant 0 : i32
    %dma_wait3A_393 = tpu.memref_slice %arg3[%dma_wait3A_391, %dma_wait3A_392] : memref<1000064x32xf32, #tpu.memory_space<hbm>> -> memref<1000064x32xf32, #tpu.memory_space<hbm>>
    tpu.wait_indirect_dma semaphore(%arg13 : memref<!tpu.dma_semaphore, #tpu.memory_space<semaphore_mem>>) src(%dma_wait3A_393 : memref<1000064x32xf32, #tpu.memory_space<hbm>>) dst(%dma_wait3A_387 : memref<128x32xf32, #tpu.memory_space<vmem>>)
    %dma_wait3A_394 = arith.constant 2 : i32
    %dma_wait3A_395 = arith.constant 256 : i32
    %dma_wait3A_396 = arith.constant 0 : i32
    %dma_wait3A_397 = tpu.memref_slice %arg9[%dma_wait3A_395, %dma_wait3A_396] : memref<640x32xf32, #tpu.memory_space<vmem>> -> memref<128x32xf32, #tpu.memory_space<vmem>>
    %dma_wait3A_398 = arith.constant 0 : i32
    %dma_wait3A_399 = tpu.memref_slice %arg5[%dma_wait3A_394, %dma_wait3A_398] : memref<200x128xi32, #tpu.memory_space<vmem>> -> memref<1x128xi32, #tpu.memory_space<vmem>>
    %dma_wait3A_400 = tpu.memref_squeeze %dma_wait3A_399 : memref<1x128xi32, #tpu.memory_space<vmem>> -> memref<128xi32, #tpu.memory_space<vmem>>
    %dma_wait3A_401 = arith.constant 0 : i32
    %dma_wait3A_402 = arith.constant 0 : i32
    %dma_wait3A_403 = tpu.memref_slice %arg3[%dma_wait3A_401, %dma_wait3A_402] : memref<1000064x32xf32, #tpu.memory_space<hbm>> -> memref<1000064x32xf32, #tpu.memory_space<hbm>>
    tpu.wait_indirect_dma semaphore(%arg13 : memref<!tpu.dma_semaphore, #tpu.memory_space<semaphore_mem>>) src(%dma_wait3A_403 : memref<1000064x32xf32, #tpu.memory_space<hbm>>) dst(%dma_wait3A_397 : memref<128x32xf32, #tpu.memory_space<vmem>>)
    %dma_wait3A_404 = arith.constant 3 : i32
    %dma_wait3A_405 = arith.constant 384 : i32
    %dma_wait3A_406 = arith.constant 0 : i32
    %dma_wait3A_407 = tpu.memref_slice %arg9[%dma_wait3A_405, %dma_wait3A_406] : memref<640x32xf32, #tpu.memory_space<vmem>> -> memref<128x32xf32, #tpu.memory_space<vmem>>
    %dma_wait3A_408 = arith.constant 0 : i32
    %dma_wait3A_409 = tpu.memref_slice %arg5[%dma_wait3A_404, %dma_wait3A_408] : memref<200x128xi32, #tpu.memory_space<vmem>> -> memref<1x128xi32, #tpu.memory_space<vmem>>
    %dma_wait3A_410 = tpu.memref_squeeze %dma_wait3A_409 : memref<1x128xi32, #tpu.memory_space<vmem>> -> memref<128xi32, #tpu.memory_space<vmem>>
    %dma_wait3A_411 = arith.constant 0 : i32
    %dma_wait3A_412 = arith.constant 0 : i32
    %dma_wait3A_413 = tpu.memref_slice %arg3[%dma_wait3A_411, %dma_wait3A_412] : memref<1000064x32xf32, #tpu.memory_space<hbm>> -> memref<1000064x32xf32, #tpu.memory_space<hbm>>
    tpu.wait_indirect_dma semaphore(%arg13 : memref<!tpu.dma_semaphore, #tpu.memory_space<semaphore_mem>>) src(%dma_wait3A_413 : memref<1000064x32xf32, #tpu.memory_space<hbm>>) dst(%dma_wait3A_407 : memref<128x32xf32, #tpu.memory_space<vmem>>)
    %dma_wait3A_414 = arith.constant 4 : i32
    %dma_wait3A_415 = arith.constant 512 : i32
    %dma_wait3A_416 = arith.constant 0 : i32
    %dma_wait3A_417 = tpu.memref_slice %arg9[%dma_wait3A_415, %dma_wait3A_416] : memref<640x32xf32, #tpu.memory_space<vmem>> -> memref<128x32xf32, #tpu.memory_space<vmem>>
    %dma_wait3A_418 = arith.constant 0 : i32
    %dma_wait3A_419 = tpu.memref_slice %arg5[%dma_wait3A_414, %dma_wait3A_418] : memref<200x128xi32, #tpu.memory_space<vmem>> -> memref<1x128xi32, #tpu.memory_space<vmem>>
    %dma_wait3A_420 = tpu.memref_squeeze %dma_wait3A_419 : memref<1x128xi32, #tpu.memory_space<vmem>> -> memref<128xi32, #tpu.memory_space<vmem>>
    %dma_wait3A_421 = arith.constant 0 : i32
    %dma_wait3A_422 = arith.constant 0 : i32
    %dma_wait3A_423 = tpu.memref_slice %arg3[%dma_wait3A_421, %dma_wait3A_422] : memref<1000064x32xf32, #tpu.memory_space<hbm>> -> memref<1000064x32xf32, #tpu.memory_space<hbm>>
    tpu.wait_indirect_dma semaphore(%arg13 : memref<!tpu.dma_semaphore, #tpu.memory_space<semaphore_mem>>) src(%dma_wait3A_423 : memref<1000064x32xf32, #tpu.memory_space<hbm>>) dst(%dma_wait3A_417 : memref<128x32xf32, #tpu.memory_space<vmem>>)
    %add3A_424 = arith.constant 24960 : i32
    %add3A_425 = arith.addi %mul3A_2, %add3A_424 : i32
    %dma_start3A_426 = arith.constant 0 : i32
    %dma_start3A_427 = tpu.memref_slice %arg4[%add3A_425, %dma_start3A_426] : memref<819200x32xf32, #tpu.memory_space<hbm>> -> memref<640x32xf32, #tpu.memory_space<hbm>>
    %dma_start3A_428 = arith.constant 0 : i32
    %dma_start3A_429 = tpu.memref_slice %arg4[%add3A_425, %dma_start3A_428] : memref<819200x32xf32, #tpu.memory_space<hbm>> -> memref<640x32xf32, #tpu.memory_space<hbm>>
    tpu.enqueue_dma source(%arg9 : memref<640x32xf32, #tpu.memory_space<vmem>>) target(%dma_start3A_429 : memref<640x32xf32, #tpu.memory_space<hbm>>) target_semaphore(%arg17 : memref<!tpu.dma_semaphore, #tpu.memory_space<semaphore_mem>>)
    %dma_wait3A_430 = arith.constant 0 : i32
    %dma_wait3A_431 = tpu.memref_slice %arg4[%mul3A_2, %dma_wait3A_430] : memref<819200x32xf32, #tpu.memory_space<hbm>> -> memref<640x32xf32, #tpu.memory_space<hbm>>
    %dma_wait3A_432 = arith.constant 0 : i32
    %dma_wait3A_433 = tpu.memref_slice %arg4[%mul3A_2, %dma_wait3A_432] : memref<819200x32xf32, #tpu.memory_space<hbm>> -> memref<640x32xf32, #tpu.memory_space<hbm>>
    tpu.wait_dma2 semaphore(%arg14 : memref<!tpu.dma_semaphore, #tpu.memory_space<semaphore_mem>>) src(%arg6 : memref<640x32xf32, #tpu.memory_space<vmem>>) dst(%dma_wait3A_433 : memref<640x32xf32, #tpu.memory_space<hbm>>)
    %dma_wait3A_434 = arith.constant 0 : i32
    %dma_wait3A_435 = tpu.memref_slice %arg4[%mul3A_2, %dma_wait3A_434] : memref<819200x32xf32, #tpu.memory_space<hbm>> -> memref<640x32xf32, #tpu.memory_space<hbm>>
    %dma_wait3A_436 = arith.constant 0 : i32
    %dma_wait3A_437 = tpu.memref_slice %arg4[%mul3A_2, %dma_wait3A_436] : memref<819200x32xf32, #tpu.memory_space<hbm>> -> memref<640x32xf32, #tpu.memory_space<hbm>>
    tpu.wait_dma2 semaphore(%arg15 : memref<!tpu.dma_semaphore, #tpu.memory_space<semaphore_mem>>) src(%arg7 : memref<640x32xf32, #tpu.memory_space<vmem>>) dst(%dma_wait3A_437 : memref<640x32xf32, #tpu.memory_space<hbm>>)
    %dma_wait3A_438 = arith.constant 0 : i32
    %dma_wait3A_439 = tpu.memref_slice %arg4[%mul3A_2, %dma_wait3A_438] : memref<819200x32xf32, #tpu.memory_space<hbm>> -> memref<640x32xf32, #tpu.memory_space<hbm>>
    %dma_wait3A_440 = arith.constant 0 : i32
    %dma_wait3A_441 = tpu.memref_slice %arg4[%mul3A_2, %dma_wait3A_440] : memref<819200x32xf32, #tpu.memory_space<hbm>> -> memref<640x32xf32, #tpu.memory_space<hbm>>
    tpu.wait_dma2 semaphore(%arg16 : memref<!tpu.dma_semaphore, #tpu.memory_space<semaphore_mem>>) src(%arg8 : memref<640x32xf32, #tpu.memory_space<vmem>>) dst(%dma_wait3A_441 : memref<640x32xf32, #tpu.memory_space<hbm>>)
    %dma_wait3A_442 = arith.constant 0 : i32
    %dma_wait3A_443 = tpu.memref_slice %arg4[%mul3A_2, %dma_wait3A_442] : memref<819200x32xf32, #tpu.memory_space<hbm>> -> memref<640x32xf32, #tpu.memory_space<hbm>>
    %dma_wait3A_444 = arith.constant 0 : i32
    %dma_wait3A_445 = tpu.memref_slice %arg4[%mul3A_2, %dma_wait3A_444] : memref<819200x32xf32, #tpu.memory_space<hbm>> -> memref<640x32xf32, #tpu.memory_space<hbm>>
    tpu.wait_dma2 semaphore(%arg17 : memref<!tpu.dma_semaphore, #tpu.memory_space<semaphore_mem>>) src(%arg9 : memref<640x32xf32, #tpu.memory_space<vmem>>) dst(%dma_wait3A_445 : memref<640x32xf32, #tpu.memory_space<hbm>>)
    return
  }
}

#map = affine_map<(d0, d1) -> (0, 0)>
#map1 = affine_map<(d0, d1) -> (0, 0, 0)>
module attributes {stable_mosaic.version = 14 : i64} {
  func.func @_c_body(%arg0: i32, %arg1: i32, %arg2: memref<204800x128xf32, #tpu.memory_space<hbm>>, %arg3: memref<200x32x4096xf32, #tpu.memory_space<hbm>>, %arg4: memref<128x128xf32, #tpu.memory_space<vmem>>, %arg5: memref<128x128xf32, #tpu.memory_space<vmem>>, %arg6: memref<32x528xf32, #tpu.memory_space<vmem>>, %arg7: memref<32x528xf32, #tpu.memory_space<vmem>>, %arg8: memref<!tpu.dma_semaphore, #tpu.memory_space<semaphore_mem>>, %arg9: memref<!tpu.dma_semaphore, #tpu.memory_space<semaphore_mem>>, %arg10: memref<!tpu.dma_semaphore, #tpu.memory_space<semaphore_mem>>, %arg11: memref<!tpu.dma_semaphore, #tpu.memory_space<semaphore_mem>>) attributes {dimension_semantics = [#tpu.dimension_semantics<core_parallel>, #tpu.dimension_semantics<subcore_parallel>], iteration_bounds = array<i64: 2, 16>, scalar_prefetch = 0 : i64, scratch_operands = 8 : i64, tpu.core_type = #tpu.core_type<sc_vector_subcore>, window_params = [{transform_indices = #map}, {transform_indices = #map1}]} {
    %mul3A = arith.constant 2 : i32
    %mul3A_0 = arith.muli %arg1, %mul3A : i32
    %add3A = arith.addi %mul3A_0, %arg0 : i32
    %mul3A_1 = arith.constant 50 : i32
    %mul3A_2 = arith.muli %add3A, %mul3A_1 : i32
    %mul3A_3 = arith.constant 128 : i32
    %mul3A_4 = arith.muli %mul3A_2, %mul3A_3 : i32
    %multiple_of3A = tpu.assume_multiple %mul3A_4, 128 : i32
    %dma_start3A = arith.constant 0 : i32
    %dma_start3A_5 = tpu.memref_slice %arg2[%multiple_of3A, %dma_start3A] : memref<204800x128xf32, #tpu.memory_space<hbm>> -> memref<128x128xf32, #tpu.memory_space<hbm>>
    %dma_start3A_6 = arith.constant 0 : i32
    %dma_start3A_7 = tpu.memref_slice %arg2[%multiple_of3A, %dma_start3A_6] : memref<204800x128xf32, #tpu.memory_space<hbm>> -> memref<128x128xf32, #tpu.memory_space<hbm>>
    tpu.enqueue_dma source(%dma_start3A_7 : memref<128x128xf32, #tpu.memory_space<hbm>>) target(%arg4 : memref<128x128xf32, #tpu.memory_space<vmem>>) target_semaphore(%arg8 : memref<!tpu.dma_semaphore, #tpu.memory_space<semaphore_mem>>)
    %add3A_8 = arith.constant 1 : i32
    %add3A_9 = arith.addi %mul3A_2, %add3A_8 : i32
    %mul3A_10 = arith.constant 128 : i32
    %mul3A_11 = arith.muli %add3A_9, %mul3A_10 : i32
    %multiple_of3A_12 = tpu.assume_multiple %mul3A_11, 128 : i32
    %dma_start3A_13 = arith.constant 0 : i32
    %dma_start3A_14 = tpu.memref_slice %arg2[%multiple_of3A_12, %dma_start3A_13] : memref<204800x128xf32, #tpu.memory_space<hbm>> -> memref<128x128xf32, #tpu.memory_space<hbm>>
    %dma_start3A_15 = arith.constant 0 : i32
    %dma_start3A_16 = tpu.memref_slice %arg2[%multiple_of3A_12, %dma_start3A_15] : memref<204800x128xf32, #tpu.memory_space<hbm>> -> memref<128x128xf32, #tpu.memory_space<hbm>>
    tpu.enqueue_dma source(%dma_start3A_16 : memref<128x128xf32, #tpu.memory_space<hbm>>) target(%arg5 : memref<128x128xf32, #tpu.memory_space<vmem>>) target_semaphore(%arg9 : memref<!tpu.dma_semaphore, #tpu.memory_space<semaphore_mem>>)
    %scan3A = arith.constant 0 : i32
    %scan3A_17 = arith.constant 0 : i32
    %scan3A_18 = arith.constant 25 : i32
    %scan3A_19 = arith.addi %scan3A_17, %scan3A_18 : i32
    %scan3A_20 = arith.constant 1 : i32
    scf.for %scan3A_141 = %scan3A_17 to %scan3A_19 step %scan3A_20  : i32 {
      %mul3A_142 = arith.constant 2 : i32
      %mul3A_143 = arith.muli %mul3A_142, %scan3A_141 : i32
      %add3A_144 = arith.addi %mul3A_2, %mul3A_143 : i32
      %add3A_145 = arith.constant 0 : i32
      %add3A_146 = arith.addi %add3A_144, %add3A_145 : i32
      %dma_wait3A_147 = arith.constant 0 : i32
      %dma_wait3A_148 = arith.constant 0 : i32
      %dma_wait3A_149 = tpu.memref_slice %arg2[%dma_wait3A_147, %dma_wait3A_148] : memref<204800x128xf32, #tpu.memory_space<hbm>> -> memref<128x128xf32, #tpu.memory_space<hbm>>
      %dma_wait3A_150 = arith.constant 0 : i32
      %dma_wait3A_151 = arith.constant 0 : i32
      %dma_wait3A_152 = tpu.memref_slice %arg2[%dma_wait3A_150, %dma_wait3A_151] : memref<204800x128xf32, #tpu.memory_space<hbm>> -> memref<128x128xf32, #tpu.memory_space<hbm>>
      tpu.wait_dma2 semaphore(%arg8 : memref<!tpu.dma_semaphore, #tpu.memory_space<semaphore_mem>>) src(%dma_wait3A_152 : memref<128x128xf32, #tpu.memory_space<hbm>>) dst(%arg4 : memref<128x128xf32, #tpu.memory_space<vmem>>)
      %gt3A = arith.constant 0 : i32
      %gt3A_153 = arith.cmpi sgt, %scan3A_141, %gt3A : i32
      %convert_element_type3A = arith.extui %gt3A_153 : i1 to i32
      %cond3A = arith.constant 0 : i32
      %cond3A_154 = arith.cmpi ne, %convert_element_type3A, %cond3A : i32
      scf.if %cond3A_154 {
        %dma_wait3A_370 = arith.constant 0 : i32
        %dma_wait3A_371 = arith.constant 0 : i32
        %dma_wait3A_372 = arith.constant 0 : i32
        %dma_wait3A_373 = tpu.memref_slice %arg6[%dma_wait3A_371, %dma_wait3A_372] : memref<32x528xf32, #tpu.memory_space<vmem>> -> memref<8x512xf32, #tpu.memory_space<vmem>>
        %dma_wait3A_374 = arith.constant 0 : i32
        %dma_wait3A_375 = arith.constant 0 : i32
        %dma_wait3A_376 = tpu.memref_slice %arg3[%dma_wait3A_370, %dma_wait3A_374, %dma_wait3A_375] : memref<200x32x4096xf32, #tpu.memory_space<hbm>> -> memref<1x8x512xf32, #tpu.memory_space<hbm>>
        %dma_wait3A_377 = tpu.memref_squeeze %dma_wait3A_376 : memref<1x8x512xf32, #tpu.memory_space<hbm>> -> memref<8x512xf32, #tpu.memory_space<hbm>>
        %dma_wait3A_378 = arith.constant 0 : i32
        %dma_wait3A_379 = arith.constant 0 : i32
        %dma_wait3A_380 = tpu.memref_slice %arg3[%dma_wait3A_370, %dma_wait3A_378, %dma_wait3A_379] : memref<200x32x4096xf32, #tpu.memory_space<hbm>> -> memref<1x8x512xf32, #tpu.memory_space<hbm>>
        %dma_wait3A_381 = tpu.memref_squeeze %dma_wait3A_380 : memref<1x8x512xf32, #tpu.memory_space<hbm>> -> memref<8x512xf32, #tpu.memory_space<hbm>>
        %dma_wait3A_382 = arith.constant 0 : i32
        %dma_wait3A_383 = arith.constant 0 : i32
        %dma_wait3A_384 = tpu.memref_slice %arg6[%dma_wait3A_382, %dma_wait3A_383] : memref<32x528xf32, #tpu.memory_space<vmem>> -> memref<8x512xf32, #tpu.memory_space<vmem>>
        tpu.wait_dma2 semaphore(%arg10 : memref<!tpu.dma_semaphore, #tpu.memory_space<semaphore_mem>>) src(%dma_wait3A_384 : memref<8x512xf32, #tpu.memory_space<vmem>>) dst(%dma_wait3A_381 : memref<8x512xf32, #tpu.memory_space<hbm>>)
        %dma_wait3A_385 = arith.constant 0 : i32
        %dma_wait3A_386 = arith.constant 8 : i32
        %dma_wait3A_387 = arith.constant 0 : i32
        %dma_wait3A_388 = tpu.memref_slice %arg6[%dma_wait3A_386, %dma_wait3A_387] : memref<32x528xf32, #tpu.memory_space<vmem>> -> memref<8x512xf32, #tpu.memory_space<vmem>>
        %dma_wait3A_389 = arith.constant 8 : i32
        %dma_wait3A_390 = arith.constant 0 : i32
        %dma_wait3A_391 = tpu.memref_slice %arg3[%dma_wait3A_385, %dma_wait3A_389, %dma_wait3A_390] : memref<200x32x4096xf32, #tpu.memory_space<hbm>> -> memref<1x8x512xf32, #tpu.memory_space<hbm>>
        %dma_wait3A_392 = tpu.memref_squeeze %dma_wait3A_391 : memref<1x8x512xf32, #tpu.memory_space<hbm>> -> memref<8x512xf32, #tpu.memory_space<hbm>>
        %dma_wait3A_393 = arith.constant 8 : i32
        %dma_wait3A_394 = arith.constant 0 : i32
        %dma_wait3A_395 = tpu.memref_slice %arg3[%dma_wait3A_385, %dma_wait3A_393, %dma_wait3A_394] : memref<200x32x4096xf32, #tpu.memory_space<hbm>> -> memref<1x8x512xf32, #tpu.memory_space<hbm>>
        %dma_wait3A_396 = tpu.memref_squeeze %dma_wait3A_395 : memref<1x8x512xf32, #tpu.memory_space<hbm>> -> memref<8x512xf32, #tpu.memory_space<hbm>>
        %dma_wait3A_397 = arith.constant 8 : i32
        %dma_wait3A_398 = arith.constant 0 : i32
        %dma_wait3A_399 = tpu.memref_slice %arg6[%dma_wait3A_397, %dma_wait3A_398] : memref<32x528xf32, #tpu.memory_space<vmem>> -> memref<8x512xf32, #tpu.memory_space<vmem>>
        tpu.wait_dma2 semaphore(%arg10 : memref<!tpu.dma_semaphore, #tpu.memory_space<semaphore_mem>>) src(%dma_wait3A_399 : memref<8x512xf32, #tpu.memory_space<vmem>>) dst(%dma_wait3A_396 : memref<8x512xf32, #tpu.memory_space<hbm>>)
        %dma_wait3A_400 = arith.constant 0 : i32
        %dma_wait3A_401 = arith.constant 16 : i32
        %dma_wait3A_402 = arith.constant 0 : i32
        %dma_wait3A_403 = tpu.memref_slice %arg6[%dma_wait3A_401, %dma_wait3A_402] : memref<32x528xf32, #tpu.memory_space<vmem>> -> memref<8x512xf32, #tpu.memory_space<vmem>>
        %dma_wait3A_404 = arith.constant 16 : i32
        %dma_wait3A_405 = arith.constant 0 : i32
        %dma_wait3A_406 = tpu.memref_slice %arg3[%dma_wait3A_400, %dma_wait3A_404, %dma_wait3A_405] : memref<200x32x4096xf32, #tpu.memory_space<hbm>> -> memref<1x8x512xf32, #tpu.memory_space<hbm>>
        %dma_wait3A_407 = tpu.memref_squeeze %dma_wait3A_406 : memref<1x8x512xf32, #tpu.memory_space<hbm>> -> memref<8x512xf32, #tpu.memory_space<hbm>>
        %dma_wait3A_408 = arith.constant 16 : i32
        %dma_wait3A_409 = arith.constant 0 : i32
        %dma_wait3A_410 = tpu.memref_slice %arg3[%dma_wait3A_400, %dma_wait3A_408, %dma_wait3A_409] : memref<200x32x4096xf32, #tpu.memory_space<hbm>> -> memref<1x8x512xf32, #tpu.memory_space<hbm>>
        %dma_wait3A_411 = tpu.memref_squeeze %dma_wait3A_410 : memref<1x8x512xf32, #tpu.memory_space<hbm>> -> memref<8x512xf32, #tpu.memory_space<hbm>>
        %dma_wait3A_412 = arith.constant 16 : i32
        %dma_wait3A_413 = arith.constant 0 : i32
        %dma_wait3A_414 = tpu.memref_slice %arg6[%dma_wait3A_412, %dma_wait3A_413] : memref<32x528xf32, #tpu.memory_space<vmem>> -> memref<8x512xf32, #tpu.memory_space<vmem>>
        tpu.wait_dma2 semaphore(%arg10 : memref<!tpu.dma_semaphore, #tpu.memory_space<semaphore_mem>>) src(%dma_wait3A_414 : memref<8x512xf32, #tpu.memory_space<vmem>>) dst(%dma_wait3A_411 : memref<8x512xf32, #tpu.memory_space<hbm>>)
        %dma_wait3A_415 = arith.constant 0 : i32
        %dma_wait3A_416 = arith.constant 24 : i32
        %dma_wait3A_417 = arith.constant 0 : i32
        %dma_wait3A_418 = tpu.memref_slice %arg6[%dma_wait3A_416, %dma_wait3A_417] : memref<32x528xf32, #tpu.memory_space<vmem>> -> memref<8x512xf32, #tpu.memory_space<vmem>>
        %dma_wait3A_419 = arith.constant 24 : i32
        %dma_wait3A_420 = arith.constant 0 : i32
        %dma_wait3A_421 = tpu.memref_slice %arg3[%dma_wait3A_415, %dma_wait3A_419, %dma_wait3A_420] : memref<200x32x4096xf32, #tpu.memory_space<hbm>> -> memref<1x8x512xf32, #tpu.memory_space<hbm>>
        %dma_wait3A_422 = tpu.memref_squeeze %dma_wait3A_421 : memref<1x8x512xf32, #tpu.memory_space<hbm>> -> memref<8x512xf32, #tpu.memory_space<hbm>>
        %dma_wait3A_423 = arith.constant 24 : i32
        %dma_wait3A_424 = arith.constant 0 : i32
        %dma_wait3A_425 = tpu.memref_slice %arg3[%dma_wait3A_415, %dma_wait3A_423, %dma_wait3A_424] : memref<200x32x4096xf32, #tpu.memory_space<hbm>> -> memref<1x8x512xf32, #tpu.memory_space<hbm>>
        %dma_wait3A_426 = tpu.memref_squeeze %dma_wait3A_425 : memref<1x8x512xf32, #tpu.memory_space<hbm>> -> memref<8x512xf32, #tpu.memory_space<hbm>>
        %dma_wait3A_427 = arith.constant 24 : i32
        %dma_wait3A_428 = arith.constant 0 : i32
        %dma_wait3A_429 = tpu.memref_slice %arg6[%dma_wait3A_427, %dma_wait3A_428] : memref<32x528xf32, #tpu.memory_space<vmem>> -> memref<8x512xf32, #tpu.memory_space<vmem>>
        tpu.wait_dma2 semaphore(%arg10 : memref<!tpu.dma_semaphore, #tpu.memory_space<semaphore_mem>>) src(%dma_wait3A_429 : memref<8x512xf32, #tpu.memory_space<vmem>>) dst(%dma_wait3A_426 : memref<8x512xf32, #tpu.memory_space<hbm>>)
      } else {
      }
      %parallel_loop3A = arith.constant 0 : i32
      %parallel_loop3A_155 = arith.constant 128 : i32
      %parallel_loop3A_156 = arith.constant 1 : i32
      scf.for %parallel_loop3A_370 = %parallel_loop3A to %parallel_loop3A_155 step %parallel_loop3A_156  : i32 {
        %parallel_loop3A_371 = arith.constant 0 : i32
        %parallel_loop3A_372 = vector.broadcast %parallel_loop3A_371 : i32 to vector<16xi32>
        %parallel_loop3A_373 = arith.constant 4 : i32
        %parallel_loop3A_374 = arith.muli %parallel_loop3A_370, %parallel_loop3A_373 : i32
        %parallel_loop3A_375 = arith.constant 0 : i32
        %parallel_loop3A_376 = arith.addi %parallel_loop3A_374, %parallel_loop3A_375 : i32
        %parallel_loop3A_377 = vector.broadcast %parallel_loop3A_376 : i32 to vector<16xi32>
        %parallel_loop3A_378 = arith.addi %parallel_loop3A_372, %parallel_loop3A_377 : vector<16xi32>
        %parallel_loop3A_379 = arith.index_cast %parallel_loop3A_370 : i32 to index
        %parallel_loop3A_380 = arith.constant 0 : index
        %parallel_loop3A_381 = tpu.vector_load %arg4[%parallel_loop3A_379, %parallel_loop3A_380] {strides = array<i32>} : memref<128x128xf32, #tpu.memory_space<vmem>>, vector<16xf32>,
        %parallel_loop3A_382 = tpu.iota {dimensions = array<i32: 0>} : vector<16xi32>
        %parallel_loop3A_383 = arith.constant 0 : i32
        %parallel_loop3A_384 = vector.broadcast %parallel_loop3A_383 : i32 to vector<16xi32>
        %parallel_loop3A_385 = arith.addi %parallel_loop3A_382, %parallel_loop3A_384 : vector<16xi32>
        tpu.vector_store_idx %arg6[%parallel_loop3A_385, %parallel_loop3A_378], %parallel_loop3A_381 : memref<32x528xf32, #tpu.memory_space<vmem>>[vector<16xi32>, vector<16xi32>], vector<16xf32>,
        %parallel_loop3A_386 = arith.index_cast %parallel_loop3A_370 : i32 to index
        %parallel_loop3A_387 = arith.constant 16 : index
        %parallel_loop3A_388 = tpu.vector_load %arg4[%parallel_loop3A_386, %parallel_loop3A_387] {strides = array<i32>} : memref<128x128xf32, #tpu.memory_space<vmem>>, vector<16xf32>,
        %parallel_loop3A_389 = tpu.iota {dimensions = array<i32: 0>} : vector<16xi32>
        %parallel_loop3A_390 = arith.constant 16 : i32
        %parallel_loop3A_391 = vector.broadcast %parallel_loop3A_390 : i32 to vector<16xi32>
        %parallel_loop3A_392 = arith.addi %parallel_loop3A_389, %parallel_loop3A_391 : vector<16xi32>
        tpu.vector_store_idx %arg6[%parallel_loop3A_392, %parallel_loop3A_378], %parallel_loop3A_388 : memref<32x528xf32, #tpu.memory_space<vmem>>[vector<16xi32>, vector<16xi32>], vector<16xf32>,
        %parallel_loop3A_393 = arith.constant 0 : i32
        %parallel_loop3A_394 = vector.broadcast %parallel_loop3A_393 : i32 to vector<16xi32>
        %parallel_loop3A_395 = arith.constant 4 : i32
        %parallel_loop3A_396 = arith.muli %parallel_loop3A_370, %parallel_loop3A_395 : i32
        %parallel_loop3A_397 = arith.constant 1 : i32
        %parallel_loop3A_398 = arith.addi %parallel_loop3A_396, %parallel_loop3A_397 : i32
        %parallel_loop3A_399 = vector.broadcast %parallel_loop3A_398 : i32 to vector<16xi32>
        %parallel_loop3A_400 = arith.addi %parallel_loop3A_394, %parallel_loop3A_399 : vector<16xi32>
        %parallel_loop3A_401 = arith.index_cast %parallel_loop3A_370 : i32 to index
        %parallel_loop3A_402 = arith.constant 32 : index
        %parallel_loop3A_403 = tpu.vector_load %arg4[%parallel_loop3A_401, %parallel_loop3A_402] {strides = array<i32>} : memref<128x128xf32, #tpu.memory_space<vmem>>, vector<16xf32>,
        %parallel_loop3A_404 = tpu.iota {dimensions = array<i32: 0>} : vector<16xi32>
        %parallel_loop3A_405 = arith.constant 0 : i32
        %parallel_loop3A_406 = vector.broadcast %parallel_loop3A_405 : i32 to vector<16xi32>
        %parallel_loop3A_407 = arith.addi %parallel_loop3A_404, %parallel_loop3A_406 : vector<16xi32>
        tpu.vector_store_idx %arg6[%parallel_loop3A_407, %parallel_loop3A_400], %parallel_loop3A_403 : memref<32x528xf32, #tpu.memory_space<vmem>>[vector<16xi32>, vector<16xi32>], vector<16xf32>,
        %parallel_loop3A_408 = arith.index_cast %parallel_loop3A_370 : i32 to index
        %parallel_loop3A_409 = arith.constant 48 : index
        %parallel_loop3A_410 = tpu.vector_load %arg4[%parallel_loop3A_408, %parallel_loop3A_409] {strides = array<i32>} : memref<128x128xf32, #tpu.memory_space<vmem>>, vector<16xf32>,
        %parallel_loop3A_411 = tpu.iota {dimensions = array<i32: 0>} : vector<16xi32>
        %parallel_loop3A_412 = arith.constant 16 : i32
        %parallel_loop3A_413 = vector.broadcast %parallel_loop3A_412 : i32 to vector<16xi32>
        %parallel_loop3A_414 = arith.addi %parallel_loop3A_411, %parallel_loop3A_413 : vector<16xi32>
        tpu.vector_store_idx %arg6[%parallel_loop3A_414, %parallel_loop3A_400], %parallel_loop3A_410 : memref<32x528xf32, #tpu.memory_space<vmem>>[vector<16xi32>, vector<16xi32>], vector<16xf32>,
        %parallel_loop3A_415 = arith.constant 0 : i32
        %parallel_loop3A_416 = vector.broadcast %parallel_loop3A_415 : i32 to vector<16xi32>
        %parallel_loop3A_417 = arith.constant 4 : i32
        %parallel_loop3A_418 = arith.muli %parallel_loop3A_370, %parallel_loop3A_417 : i32
        %parallel_loop3A_419 = arith.constant 2 : i32
        %parallel_loop3A_420 = arith.addi %parallel_loop3A_418, %parallel_loop3A_419 : i32
        %parallel_loop3A_421 = vector.broadcast %parallel_loop3A_420 : i32 to vector<16xi32>
        %parallel_loop3A_422 = arith.addi %parallel_loop3A_416, %parallel_loop3A_421 : vector<16xi32>
        %parallel_loop3A_423 = arith.index_cast %parallel_loop3A_370 : i32 to index
        %parallel_loop3A_424 = arith.constant 64 : index
        %parallel_loop3A_425 = tpu.vector_load %arg4[%parallel_loop3A_423, %parallel_loop3A_424] {strides = array<i32>} : memref<128x128xf32, #tpu.memory_space<vmem>>, vector<16xf32>,
        %parallel_loop3A_426 = tpu.iota {dimensions = array<i32: 0>} : vector<16xi32>
        %parallel_loop3A_427 = arith.constant 0 : i32
        %parallel_loop3A_428 = vector.broadcast %parallel_loop3A_427 : i32 to vector<16xi32>
        %parallel_loop3A_429 = arith.addi %parallel_loop3A_426, %parallel_loop3A_428 : vector<16xi32>
        tpu.vector_store_idx %arg6[%parallel_loop3A_429, %parallel_loop3A_422], %parallel_loop3A_425 : memref<32x528xf32, #tpu.memory_space<vmem>>[vector<16xi32>, vector<16xi32>], vector<16xf32>,
        %parallel_loop3A_430 = arith.index_cast %parallel_loop3A_370 : i32 to index
        %parallel_loop3A_431 = arith.constant 80 : index
        %parallel_loop3A_432 = tpu.vector_load %arg4[%parallel_loop3A_430, %parallel_loop3A_431] {strides = array<i32>} : memref<128x128xf32, #tpu.memory_space<vmem>>, vector<16xf32>,
        %parallel_loop3A_433 = tpu.iota {dimensions = array<i32: 0>} : vector<16xi32>
        %parallel_loop3A_434 = arith.constant 16 : i32
        %parallel_loop3A_435 = vector.broadcast %parallel_loop3A_434 : i32 to vector<16xi32>
        %parallel_loop3A_436 = arith.addi %parallel_loop3A_433, %parallel_loop3A_435 : vector<16xi32>
        tpu.vector_store_idx %arg6[%parallel_loop3A_436, %parallel_loop3A_422], %parallel_loop3A_432 : memref<32x528xf32, #tpu.memory_space<vmem>>[vector<16xi32>, vector<16xi32>], vector<16xf32>,
        %parallel_loop3A_437 = arith.constant 0 : i32
        %parallel_loop3A_438 = vector.broadcast %parallel_loop3A_437 : i32 to vector<16xi32>
        %parallel_loop3A_439 = arith.constant 4 : i32
        %parallel_loop3A_440 = arith.muli %parallel_loop3A_370, %parallel_loop3A_439 : i32
        %parallel_loop3A_441 = arith.constant 3 : i32
        %parallel_loop3A_442 = arith.addi %parallel_loop3A_440, %parallel_loop3A_441 : i32
        %parallel_loop3A_443 = vector.broadcast %parallel_loop3A_442 : i32 to vector<16xi32>
        %parallel_loop3A_444 = arith.addi %parallel_loop3A_438, %parallel_loop3A_443 : vector<16xi32>
        %parallel_loop3A_445 = arith.index_cast %parallel_loop3A_370 : i32 to index
        %parallel_loop3A_446 = arith.constant 96 : index
        %parallel_loop3A_447 = tpu.vector_load %arg4[%parallel_loop3A_445, %parallel_loop3A_446] {strides = array<i32>} : memref<128x128xf32, #tpu.memory_space<vmem>>, vector<16xf32>,
        %parallel_loop3A_448 = tpu.iota {dimensions = array<i32: 0>} : vector<16xi32>
        %parallel_loop3A_449 = arith.constant 0 : i32
        %parallel_loop3A_450 = vector.broadcast %parallel_loop3A_449 : i32 to vector<16xi32>
        %parallel_loop3A_451 = arith.addi %parallel_loop3A_448, %parallel_loop3A_450 : vector<16xi32>
        tpu.vector_store_idx %arg6[%parallel_loop3A_451, %parallel_loop3A_444], %parallel_loop3A_447 : memref<32x528xf32, #tpu.memory_space<vmem>>[vector<16xi32>, vector<16xi32>], vector<16xf32>,
        %parallel_loop3A_452 = arith.index_cast %parallel_loop3A_370 : i32 to index
        %parallel_loop3A_453 = arith.constant 112 : index
        %parallel_loop3A_454 = tpu.vector_load %arg4[%parallel_loop3A_452, %parallel_loop3A_453] {strides = array<i32>} : memref<128x128xf32, #tpu.memory_space<vmem>>, vector<16xf32>,
        %parallel_loop3A_455 = tpu.iota {dimensions = array<i32: 0>} : vector<16xi32>
        %parallel_loop3A_456 = arith.constant 16 : i32
        %parallel_loop3A_457 = vector.broadcast %parallel_loop3A_456 : i32 to vector<16xi32>
        %parallel_loop3A_458 = arith.addi %parallel_loop3A_455, %parallel_loop3A_457 : vector<16xi32>
        tpu.vector_store_idx %arg6[%parallel_loop3A_458, %parallel_loop3A_444], %parallel_loop3A_454 : memref<32x528xf32, #tpu.memory_space<vmem>>[vector<16xi32>, vector<16xi32>], vector<16xf32>,
      } {sc.loop_unroll_factor = 8 : i64, sc.parallel_access}
      %jit3A = arith.constant 8 : i32
      %div3A = arith.divsi %add3A_146, %jit3A : i32
      %sign3A = arith.constant 0 : i32
      %sign3A_157 = arith.cmpi sgt, %add3A_146, %sign3A : i32
      %sign3A_158 = arith.extui %sign3A_157 : i1 to i32
      %sign3A_159 = arith.constant 0 : i32
      %sign3A_160 = arith.cmpi slt, %add3A_146, %sign3A_159 : i32
      %sign3A_161 = arith.extui %sign3A_160 : i1 to i32
      %sign3A_162 = arith.subi %sign3A_158, %sign3A_161 : i32
      %sign3A_163 = arith.constant 0 : i32
      %sign3A_164 = arith.cmpi sgt, %jit3A, %sign3A_163 : i32
      %sign3A_165 = arith.extui %sign3A_164 : i1 to i32
      %sign3A_166 = arith.constant 0 : i32
      %sign3A_167 = arith.cmpi slt, %jit3A, %sign3A_166 : i32
      %sign3A_168 = arith.extui %sign3A_167 : i1 to i32
      %sign3A_169 = arith.subi %sign3A_165, %sign3A_168 : i32
      %ne3A = arith.cmpi ne, %sign3A_162, %sign3A_169 : i32
      %rem3A = arith.remsi %add3A_146, %jit3A : i32
      %ne3A_170 = arith.constant 0 : i32
      %ne3A_171 = arith.cmpi ne, %rem3A, %ne3A_170 : i32
      %and3A = arith.andi %ne3A, %ne3A_171 : i1
      %sub3A = arith.constant 1 : i32
      %sub3A_172 = arith.subi %div3A, %sub3A : i32
      %select_n3A = arith.select %and3A, %sub3A_172, %div3A : i32
      %jit3A_173 = arith.constant 8 : i32
      %eq3A = arith.constant 0 : i32
      %eq3A_174 = arith.cmpi eq, %jit3A_173, %eq3A : i32
      %jit3A_175 = arith.constant 1 : i32
      %select_n3A_176 = arith.select %eq3A_174, %jit3A_175, %jit3A_173 : i32
      %rem3A_177 = arith.remsi %add3A_146, %select_n3A_176 : i32
      %ne3A_178 = arith.constant 0 : i32
      %ne3A_179 = arith.cmpi ne, %rem3A_177, %ne3A_178 : i32
      %lt3A = arith.constant 0 : i32
      %lt3A_180 = arith.cmpi slt, %rem3A_177, %lt3A : i32
      %lt3A_181 = arith.constant 0 : i32
      %lt3A_182 = arith.cmpi slt, %select_n3A_176, %lt3A_181 : i32
      %ne3A_183 = arith.xori %lt3A_180, %lt3A_182 : i1
      %and3A_184 = arith.andi %ne3A_183, %ne3A_179 : i1
      %add3A_185 = arith.addi %rem3A_177, %select_n3A_176 : i32
      %select_n3A_186 = arith.select %and3A_184, %add3A_185, %rem3A_177 : i32
      %mul3A_187 = arith.constant 512 : i32
      %mul3A_188 = arith.muli %select_n3A_186, %mul3A_187 : i32
      %multiple_of3A_189 = tpu.assume_multiple %mul3A_188, 512 : i32
      %dma_start3A_190 = arith.constant 0 : i32
      %dma_start3A_191 = arith.constant 0 : i32
      %dma_start3A_192 = tpu.memref_slice %arg6[%dma_start3A_190, %dma_start3A_191] : memref<32x528xf32, #tpu.memory_space<vmem>> -> memref<8x512xf32, #tpu.memory_space<vmem>>
      %dma_start3A_193 = arith.constant 0 : i32
      %dma_start3A_194 = tpu.memref_slice %arg3[%select_n3A, %dma_start3A_193, %multiple_of3A_189] : memref<200x32x4096xf32, #tpu.memory_space<hbm>> -> memref<1x8x512xf32, #tpu.memory_space<hbm>>
      %dma_start3A_195 = tpu.memref_squeeze %dma_start3A_194 : memref<1x8x512xf32, #tpu.memory_space<hbm>> -> memref<8x512xf32, #tpu.memory_space<hbm>>
      %dma_start3A_196 = arith.constant 0 : i32
      %dma_start3A_197 = tpu.memref_slice %arg3[%select_n3A, %dma_start3A_196, %multiple_of3A_189] : memref<200x32x4096xf32, #tpu.memory_space<hbm>> -> memref<1x8x512xf32, #tpu.memory_space<hbm>>
      %dma_start3A_198 = tpu.memref_squeeze %dma_start3A_197 : memref<1x8x512xf32, #tpu.memory_space<hbm>> -> memref<8x512xf32, #tpu.memory_space<hbm>>
      %dma_start3A_199 = arith.constant 0 : i32
      %dma_start3A_200 = arith.constant 0 : i32
      %dma_start3A_201 = tpu.memref_slice %arg6[%dma_start3A_199, %dma_start3A_200] : memref<32x528xf32, #tpu.memory_space<vmem>> -> memref<8x512xf32, #tpu.memory_space<vmem>>
      tpu.enqueue_dma source(%dma_start3A_201 : memref<8x512xf32, #tpu.memory_space<vmem>>) target(%dma_start3A_198 : memref<8x512xf32, #tpu.memory_space<hbm>>) target_semaphore(%arg10 : memref<!tpu.dma_semaphore, #tpu.memory_space<semaphore_mem>>)
      %dma_start3A_202 = arith.constant 8 : i32
      %dma_start3A_203 = arith.constant 0 : i32
      %dma_start3A_204 = tpu.memref_slice %arg6[%dma_start3A_202, %dma_start3A_203] : memref<32x528xf32, #tpu.memory_space<vmem>> -> memref<8x512xf32, #tpu.memory_space<vmem>>
      %dma_start3A_205 = arith.constant 8 : i32
      %dma_start3A_206 = tpu.memref_slice %arg3[%select_n3A, %dma_start3A_205, %multiple_of3A_189] : memref<200x32x4096xf32, #tpu.memory_space<hbm>> -> memref<1x8x512xf32, #tpu.memory_space<hbm>>
      %dma_start3A_207 = tpu.memref_squeeze %dma_start3A_206 : memref<1x8x512xf32, #tpu.memory_space<hbm>> -> memref<8x512xf32, #tpu.memory_space<hbm>>
      %dma_start3A_208 = arith.constant 8 : i32
      %dma_start3A_209 = tpu.memref_slice %arg3[%select_n3A, %dma_start3A_208, %multiple_of3A_189] : memref<200x32x4096xf32, #tpu.memory_space<hbm>> -> memref<1x8x512xf32, #tpu.memory_space<hbm>>
      %dma_start3A_210 = tpu.memref_squeeze %dma_start3A_209 : memref<1x8x512xf32, #tpu.memory_space<hbm>> -> memref<8x512xf32, #tpu.memory_space<hbm>>
      %dma_start3A_211 = arith.constant 8 : i32
      %dma_start3A_212 = arith.constant 0 : i32
      %dma_start3A_213 = tpu.memref_slice %arg6[%dma_start3A_211, %dma_start3A_212] : memref<32x528xf32, #tpu.memory_space<vmem>> -> memref<8x512xf32, #tpu.memory_space<vmem>>
      tpu.enqueue_dma source(%dma_start3A_213 : memref<8x512xf32, #tpu.memory_space<vmem>>) target(%dma_start3A_210 : memref<8x512xf32, #tpu.memory_space<hbm>>) target_semaphore(%arg10 : memref<!tpu.dma_semaphore, #tpu.memory_space<semaphore_mem>>)
      %dma_start3A_214 = arith.constant 16 : i32
      %dma_start3A_215 = arith.constant 0 : i32
      %dma_start3A_216 = tpu.memref_slice %arg6[%dma_start3A_214, %dma_start3A_215] : memref<32x528xf32, #tpu.memory_space<vmem>> -> memref<8x512xf32, #tpu.memory_space<vmem>>
      %dma_start3A_217 = arith.constant 16 : i32
      %dma_start3A_218 = tpu.memref_slice %arg3[%select_n3A, %dma_start3A_217, %multiple_of3A_189] : memref<200x32x4096xf32, #tpu.memory_space<hbm>> -> memref<1x8x512xf32, #tpu.memory_space<hbm>>
      %dma_start3A_219 = tpu.memref_squeeze %dma_start3A_218 : memref<1x8x512xf32, #tpu.memory_space<hbm>> -> memref<8x512xf32, #tpu.memory_space<hbm>>
      %dma_start3A_220 = arith.constant 16 : i32
      %dma_start3A_221 = tpu.memref_slice %arg3[%select_n3A, %dma_start3A_220, %multiple_of3A_189] : memref<200x32x4096xf32, #tpu.memory_space<hbm>> -> memref<1x8x512xf32, #tpu.memory_space<hbm>>
      %dma_start3A_222 = tpu.memref_squeeze %dma_start3A_221 : memref<1x8x512xf32, #tpu.memory_space<hbm>> -> memref<8x512xf32, #tpu.memory_space<hbm>>
      %dma_start3A_223 = arith.constant 16 : i32
      %dma_start3A_224 = arith.constant 0 : i32
      %dma_start3A_225 = tpu.memref_slice %arg6[%dma_start3A_223, %dma_start3A_224] : memref<32x528xf32, #tpu.memory_space<vmem>> -> memref<8x512xf32, #tpu.memory_space<vmem>>
      tpu.enqueue_dma source(%dma_start3A_225 : memref<8x512xf32, #tpu.memory_space<vmem>>) target(%dma_start3A_222 : memref<8x512xf32, #tpu.memory_space<hbm>>) target_semaphore(%arg10 : memref<!tpu.dma_semaphore, #tpu.memory_space<semaphore_mem>>)
      %dma_start3A_226 = arith.constant 24 : i32
      %dma_start3A_227 = arith.constant 0 : i32
      %dma_start3A_228 = tpu.memref_slice %arg6[%dma_start3A_226, %dma_start3A_227] : memref<32x528xf32, #tpu.memory_space<vmem>> -> memref<8x512xf32, #tpu.memory_space<vmem>>
      %dma_start3A_229 = arith.constant 24 : i32
      %dma_start3A_230 = tpu.memref_slice %arg3[%select_n3A, %dma_start3A_229, %multiple_of3A_189] : memref<200x32x4096xf32, #tpu.memory_space<hbm>> -> memref<1x8x512xf32, #tpu.memory_space<hbm>>
      %dma_start3A_231 = tpu.memref_squeeze %dma_start3A_230 : memref<1x8x512xf32, #tpu.memory_space<hbm>> -> memref<8x512xf32, #tpu.memory_space<hbm>>
      %dma_start3A_232 = arith.constant 24 : i32
      %dma_start3A_233 = tpu.memref_slice %arg3[%select_n3A, %dma_start3A_232, %multiple_of3A_189] : memref<200x32x4096xf32, #tpu.memory_space<hbm>> -> memref<1x8x512xf32, #tpu.memory_space<hbm>>
      %dma_start3A_234 = tpu.memref_squeeze %dma_start3A_233 : memref<1x8x512xf32, #tpu.memory_space<hbm>> -> memref<8x512xf32, #tpu.memory_space<hbm>>
      %dma_start3A_235 = arith.constant 24 : i32
      %dma_start3A_236 = arith.constant 0 : i32
      %dma_start3A_237 = tpu.memref_slice %arg6[%dma_start3A_235, %dma_start3A_236] : memref<32x528xf32, #tpu.memory_space<vmem>> -> memref<8x512xf32, #tpu.memory_space<vmem>>
      tpu.enqueue_dma source(%dma_start3A_237 : memref<8x512xf32, #tpu.memory_space<vmem>>) target(%dma_start3A_234 : memref<8x512xf32, #tpu.memory_space<hbm>>) target_semaphore(%arg10 : memref<!tpu.dma_semaphore, #tpu.memory_space<semaphore_mem>>)
      %mul3A_238 = arith.constant 2 : i32
      %mul3A_239 = arith.muli %mul3A_238, %scan3A_141 : i32
      %add3A_240 = arith.constant 0 : i32
      %add3A_241 = arith.addi %mul3A_239, %add3A_240 : i32
      %add3A_242 = arith.constant 2 : i32
      %add3A_243 = arith.addi %add3A_241, %add3A_242 : i32
      %lt3A_244 = arith.constant 50 : i32
      %lt3A_245 = arith.cmpi slt, %add3A_243, %lt3A_244 : i32
      %convert_element_type3A_246 = arith.extui %lt3A_245 : i1 to i32
      %cond3A_247 = arith.constant 0 : i32
      %cond3A_248 = arith.cmpi ne, %convert_element_type3A_246, %cond3A_247 : i32
      scf.if %cond3A_248 {
        %add3A_370 = arith.constant 2 : i32
        %add3A_371 = arith.addi %add3A_146, %add3A_370 : i32
        %mul3A_372 = arith.constant 128 : i32
        %mul3A_373 = arith.muli %add3A_371, %mul3A_372 : i32
        %multiple_of3A_374 = tpu.assume_multiple %mul3A_373, 128 : i32
        %dma_start3A_375 = arith.constant 0 : i32
        %dma_start3A_376 = tpu.memref_slice %arg2[%multiple_of3A_374, %dma_start3A_375] : memref<204800x128xf32, #tpu.memory_space<hbm>> -> memref<128x128xf32, #tpu.memory_space<hbm>>
        %dma_start3A_377 = arith.constant 0 : i32
        %dma_start3A_378 = tpu.memref_slice %arg2[%multiple_of3A_374, %dma_start3A_377] : memref<204800x128xf32, #tpu.memory_space<hbm>> -> memref<128x128xf32, #tpu.memory_space<hbm>>
        tpu.enqueue_dma source(%dma_start3A_378 : memref<128x128xf32, #tpu.memory_space<hbm>>) target(%arg4 : memref<128x128xf32, #tpu.memory_space<vmem>>) target_semaphore(%arg8 : memref<!tpu.dma_semaphore, #tpu.memory_space<semaphore_mem>>)
      } else {
      }
      %mul3A_249 = arith.constant 2 : i32
      %mul3A_250 = arith.muli %mul3A_249, %scan3A_141 : i32
      %add3A_251 = arith.addi %mul3A_2, %mul3A_250 : i32
      %add3A_252 = arith.constant 1 : i32
      %add3A_253 = arith.addi %add3A_251, %add3A_252 : i32
      %dma_wait3A_254 = arith.constant 0 : i32
      %dma_wait3A_255 = arith.constant 0 : i32
      %dma_wait3A_256 = tpu.memref_slice %arg2[%dma_wait3A_254, %dma_wait3A_255] : memref<204800x128xf32, #tpu.memory_space<hbm>> -> memref<128x128xf32, #tpu.memory_space<hbm>>
      %dma_wait3A_257 = arith.constant 0 : i32
      %dma_wait3A_258 = arith.constant 0 : i32
      %dma_wait3A_259 = tpu.memref_slice %arg2[%dma_wait3A_257, %dma_wait3A_258] : memref<204800x128xf32, #tpu.memory_space<hbm>> -> memref<128x128xf32, #tpu.memory_space<hbm>>
      tpu.wait_dma2 semaphore(%arg9 : memref<!tpu.dma_semaphore, #tpu.memory_space<semaphore_mem>>) src(%dma_wait3A_259 : memref<128x128xf32, #tpu.memory_space<hbm>>) dst(%arg5 : memref<128x128xf32, #tpu.memory_space<vmem>>)
      %gt3A_260 = arith.constant 0 : i32
      %gt3A_261 = arith.cmpi sgt, %scan3A_141, %gt3A_260 : i32
      %convert_element_type3A_262 = arith.extui %gt3A_261 : i1 to i32
      %cond3A_263 = arith.constant 0 : i32
      %cond3A_264 = arith.cmpi ne, %convert_element_type3A_262, %cond3A_263 : i32
      scf.if %cond3A_264 {
        %dma_wait3A_370 = arith.constant 0 : i32
        %dma_wait3A_371 = arith.constant 0 : i32
        %dma_wait3A_372 = arith.constant 0 : i32
        %dma_wait3A_373 = tpu.memref_slice %arg7[%dma_wait3A_371, %dma_wait3A_372] : memref<32x528xf32, #tpu.memory_space<vmem>> -> memref<8x512xf32, #tpu.memory_space<vmem>>
        %dma_wait3A_374 = arith.constant 0 : i32
        %dma_wait3A_375 = arith.constant 0 : i32
        %dma_wait3A_376 = tpu.memref_slice %arg3[%dma_wait3A_370, %dma_wait3A_374, %dma_wait3A_375] : memref<200x32x4096xf32, #tpu.memory_space<hbm>> -> memref<1x8x512xf32, #tpu.memory_space<hbm>>
        %dma_wait3A_377 = tpu.memref_squeeze %dma_wait3A_376 : memref<1x8x512xf32, #tpu.memory_space<hbm>> -> memref<8x512xf32, #tpu.memory_space<hbm>>
        %dma_wait3A_378 = arith.constant 0 : i32
        %dma_wait3A_379 = arith.constant 0 : i32
        %dma_wait3A_380 = tpu.memref_slice %arg3[%dma_wait3A_370, %dma_wait3A_378, %dma_wait3A_379] : memref<200x32x4096xf32, #tpu.memory_space<hbm>> -> memref<1x8x512xf32, #tpu.memory_space<hbm>>
        %dma_wait3A_381 = tpu.memref_squeeze %dma_wait3A_380 : memref<1x8x512xf32, #tpu.memory_space<hbm>> -> memref<8x512xf32, #tpu.memory_space<hbm>>
        %dma_wait3A_382 = arith.constant 0 : i32
        %dma_wait3A_383 = arith.constant 0 : i32
        %dma_wait3A_384 = tpu.memref_slice %arg7[%dma_wait3A_382, %dma_wait3A_383] : memref<32x528xf32, #tpu.memory_space<vmem>> -> memref<8x512xf32, #tpu.memory_space<vmem>>
        tpu.wait_dma2 semaphore(%arg11 : memref<!tpu.dma_semaphore, #tpu.memory_space<semaphore_mem>>) src(%dma_wait3A_384 : memref<8x512xf32, #tpu.memory_space<vmem>>) dst(%dma_wait3A_381 : memref<8x512xf32, #tpu.memory_space<hbm>>)
        %dma_wait3A_385 = arith.constant 0 : i32
        %dma_wait3A_386 = arith.constant 8 : i32
        %dma_wait3A_387 = arith.constant 0 : i32
        %dma_wait3A_388 = tpu.memref_slice %arg7[%dma_wait3A_386, %dma_wait3A_387] : memref<32x528xf32, #tpu.memory_space<vmem>> -> memref<8x512xf32, #tpu.memory_space<vmem>>
        %dma_wait3A_389 = arith.constant 8 : i32
        %dma_wait3A_390 = arith.constant 0 : i32
        %dma_wait3A_391 = tpu.memref_slice %arg3[%dma_wait3A_385, %dma_wait3A_389, %dma_wait3A_390] : memref<200x32x4096xf32, #tpu.memory_space<hbm>> -> memref<1x8x512xf32, #tpu.memory_space<hbm>>
        %dma_wait3A_392 = tpu.memref_squeeze %dma_wait3A_391 : memref<1x8x512xf32, #tpu.memory_space<hbm>> -> memref<8x512xf32, #tpu.memory_space<hbm>>
        %dma_wait3A_393 = arith.constant 8 : i32
        %dma_wait3A_394 = arith.constant 0 : i32
        %dma_wait3A_395 = tpu.memref_slice %arg3[%dma_wait3A_385, %dma_wait3A_393, %dma_wait3A_394] : memref<200x32x4096xf32, #tpu.memory_space<hbm>> -> memref<1x8x512xf32, #tpu.memory_space<hbm>>
        %dma_wait3A_396 = tpu.memref_squeeze %dma_wait3A_395 : memref<1x8x512xf32, #tpu.memory_space<hbm>> -> memref<8x512xf32, #tpu.memory_space<hbm>>
        %dma_wait3A_397 = arith.constant 8 : i32
        %dma_wait3A_398 = arith.constant 0 : i32
        %dma_wait3A_399 = tpu.memref_slice %arg7[%dma_wait3A_397, %dma_wait3A_398] : memref<32x528xf32, #tpu.memory_space<vmem>> -> memref<8x512xf32, #tpu.memory_space<vmem>>
        tpu.wait_dma2 semaphore(%arg11 : memref<!tpu.dma_semaphore, #tpu.memory_space<semaphore_mem>>) src(%dma_wait3A_399 : memref<8x512xf32, #tpu.memory_space<vmem>>) dst(%dma_wait3A_396 : memref<8x512xf32, #tpu.memory_space<hbm>>)
        %dma_wait3A_400 = arith.constant 0 : i32
        %dma_wait3A_401 = arith.constant 16 : i32
        %dma_wait3A_402 = arith.constant 0 : i32
        %dma_wait3A_403 = tpu.memref_slice %arg7[%dma_wait3A_401, %dma_wait3A_402] : memref<32x528xf32, #tpu.memory_space<vmem>> -> memref<8x512xf32, #tpu.memory_space<vmem>>
        %dma_wait3A_404 = arith.constant 16 : i32
        %dma_wait3A_405 = arith.constant 0 : i32
        %dma_wait3A_406 = tpu.memref_slice %arg3[%dma_wait3A_400, %dma_wait3A_404, %dma_wait3A_405] : memref<200x32x4096xf32, #tpu.memory_space<hbm>> -> memref<1x8x512xf32, #tpu.memory_space<hbm>>
        %dma_wait3A_407 = tpu.memref_squeeze %dma_wait3A_406 : memref<1x8x512xf32, #tpu.memory_space<hbm>> -> memref<8x512xf32, #tpu.memory_space<hbm>>
        %dma_wait3A_408 = arith.constant 16 : i32
        %dma_wait3A_409 = arith.constant 0 : i32
        %dma_wait3A_410 = tpu.memref_slice %arg3[%dma_wait3A_400, %dma_wait3A_408, %dma_wait3A_409] : memref<200x32x4096xf32, #tpu.memory_space<hbm>> -> memref<1x8x512xf32, #tpu.memory_space<hbm>>
        %dma_wait3A_411 = tpu.memref_squeeze %dma_wait3A_410 : memref<1x8x512xf32, #tpu.memory_space<hbm>> -> memref<8x512xf32, #tpu.memory_space<hbm>>
        %dma_wait3A_412 = arith.constant 16 : i32
        %dma_wait3A_413 = arith.constant 0 : i32
        %dma_wait3A_414 = tpu.memref_slice %arg7[%dma_wait3A_412, %dma_wait3A_413] : memref<32x528xf32, #tpu.memory_space<vmem>> -> memref<8x512xf32, #tpu.memory_space<vmem>>
        tpu.wait_dma2 semaphore(%arg11 : memref<!tpu.dma_semaphore, #tpu.memory_space<semaphore_mem>>) src(%dma_wait3A_414 : memref<8x512xf32, #tpu.memory_space<vmem>>) dst(%dma_wait3A_411 : memref<8x512xf32, #tpu.memory_space<hbm>>)
        %dma_wait3A_415 = arith.constant 0 : i32
        %dma_wait3A_416 = arith.constant 24 : i32
        %dma_wait3A_417 = arith.constant 0 : i32
        %dma_wait3A_418 = tpu.memref_slice %arg7[%dma_wait3A_416, %dma_wait3A_417] : memref<32x528xf32, #tpu.memory_space<vmem>> -> memref<8x512xf32, #tpu.memory_space<vmem>>
        %dma_wait3A_419 = arith.constant 24 : i32
        %dma_wait3A_420 = arith.constant 0 : i32
        %dma_wait3A_421 = tpu.memref_slice %arg3[%dma_wait3A_415, %dma_wait3A_419, %dma_wait3A_420] : memref<200x32x4096xf32, #tpu.memory_space<hbm>> -> memref<1x8x512xf32, #tpu.memory_space<hbm>>
        %dma_wait3A_422 = tpu.memref_squeeze %dma_wait3A_421 : memref<1x8x512xf32, #tpu.memory_space<hbm>> -> memref<8x512xf32, #tpu.memory_space<hbm>>
        %dma_wait3A_423 = arith.constant 24 : i32
        %dma_wait3A_424 = arith.constant 0 : i32
        %dma_wait3A_425 = tpu.memref_slice %arg3[%dma_wait3A_415, %dma_wait3A_423, %dma_wait3A_424] : memref<200x32x4096xf32, #tpu.memory_space<hbm>> -> memref<1x8x512xf32, #tpu.memory_space<hbm>>
        %dma_wait3A_426 = tpu.memref_squeeze %dma_wait3A_425 : memref<1x8x512xf32, #tpu.memory_space<hbm>> -> memref<8x512xf32, #tpu.memory_space<hbm>>
        %dma_wait3A_427 = arith.constant 24 : i32
        %dma_wait3A_428 = arith.constant 0 : i32
        %dma_wait3A_429 = tpu.memref_slice %arg7[%dma_wait3A_427, %dma_wait3A_428] : memref<32x528xf32, #tpu.memory_space<vmem>> -> memref<8x512xf32, #tpu.memory_space<vmem>>
        tpu.wait_dma2 semaphore(%arg11 : memref<!tpu.dma_semaphore, #tpu.memory_space<semaphore_mem>>) src(%dma_wait3A_429 : memref<8x512xf32, #tpu.memory_space<vmem>>) dst(%dma_wait3A_426 : memref<8x512xf32, #tpu.memory_space<hbm>>)
      } else {
      }
      %parallel_loop3A_265 = arith.constant 0 : i32
      %parallel_loop3A_266 = arith.constant 128 : i32
      %parallel_loop3A_267 = arith.constant 1 : i32
      scf.for %parallel_loop3A_370 = %parallel_loop3A_265 to %parallel_loop3A_266 step %parallel_loop3A_267  : i32 {
        %parallel_loop3A_371 = arith.constant 0 : i32
        %parallel_loop3A_372 = vector.broadcast %parallel_loop3A_371 : i32 to vector<16xi32>
        %parallel_loop3A_373 = arith.constant 4 : i32
        %parallel_loop3A_374 = arith.muli %parallel_loop3A_370, %parallel_loop3A_373 : i32
        %parallel_loop3A_375 = arith.constant 0 : i32
        %parallel_loop3A_376 = arith.addi %parallel_loop3A_374, %parallel_loop3A_375 : i32
        %parallel_loop3A_377 = vector.broadcast %parallel_loop3A_376 : i32 to vector<16xi32>
        %parallel_loop3A_378 = arith.addi %parallel_loop3A_372, %parallel_loop3A_377 : vector<16xi32>
        %parallel_loop3A_379 = arith.index_cast %parallel_loop3A_370 : i32 to index
        %parallel_loop3A_380 = arith.constant 0 : index
        %parallel_loop3A_381 = tpu.vector_load %arg5[%parallel_loop3A_379, %parallel_loop3A_380] {strides = array<i32>} : memref<128x128xf32, #tpu.memory_space<vmem>>, vector<16xf32>,
        %parallel_loop3A_382 = tpu.iota {dimensions = array<i32: 0>} : vector<16xi32>
        %parallel_loop3A_383 = arith.constant 0 : i32
        %parallel_loop3A_384 = vector.broadcast %parallel_loop3A_383 : i32 to vector<16xi32>
        %parallel_loop3A_385 = arith.addi %parallel_loop3A_382, %parallel_loop3A_384 : vector<16xi32>
        tpu.vector_store_idx %arg7[%parallel_loop3A_385, %parallel_loop3A_378], %parallel_loop3A_381 : memref<32x528xf32, #tpu.memory_space<vmem>>[vector<16xi32>, vector<16xi32>], vector<16xf32>,
        %parallel_loop3A_386 = arith.index_cast %parallel_loop3A_370 : i32 to index
        %parallel_loop3A_387 = arith.constant 16 : index
        %parallel_loop3A_388 = tpu.vector_load %arg5[%parallel_loop3A_386, %parallel_loop3A_387] {strides = array<i32>} : memref<128x128xf32, #tpu.memory_space<vmem>>, vector<16xf32>,
        %parallel_loop3A_389 = tpu.iota {dimensions = array<i32: 0>} : vector<16xi32>
        %parallel_loop3A_390 = arith.constant 16 : i32
        %parallel_loop3A_391 = vector.broadcast %parallel_loop3A_390 : i32 to vector<16xi32>
        %parallel_loop3A_392 = arith.addi %parallel_loop3A_389, %parallel_loop3A_391 : vector<16xi32>
        tpu.vector_store_idx %arg7[%parallel_loop3A_392, %parallel_loop3A_378], %parallel_loop3A_388 : memref<32x528xf32, #tpu.memory_space<vmem>>[vector<16xi32>, vector<16xi32>], vector<16xf32>,
        %parallel_loop3A_393 = arith.constant 0 : i32
        %parallel_loop3A_394 = vector.broadcast %parallel_loop3A_393 : i32 to vector<16xi32>
        %parallel_loop3A_395 = arith.constant 4 : i32
        %parallel_loop3A_396 = arith.muli %parallel_loop3A_370, %parallel_loop3A_395 : i32
        %parallel_loop3A_397 = arith.constant 1 : i32
        %parallel_loop3A_398 = arith.addi %parallel_loop3A_396, %parallel_loop3A_397 : i32
        %parallel_loop3A_399 = vector.broadcast %parallel_loop3A_398 : i32 to vector<16xi32>
        %parallel_loop3A_400 = arith.addi %parallel_loop3A_394, %parallel_loop3A_399 : vector<16xi32>
        %parallel_loop3A_401 = arith.index_cast %parallel_loop3A_370 : i32 to index
        %parallel_loop3A_402 = arith.constant 32 : index
        %parallel_loop3A_403 = tpu.vector_load %arg5[%parallel_loop3A_401, %parallel_loop3A_402] {strides = array<i32>} : memref<128x128xf32, #tpu.memory_space<vmem>>, vector<16xf32>,
        %parallel_loop3A_404 = tpu.iota {dimensions = array<i32: 0>} : vector<16xi32>
        %parallel_loop3A_405 = arith.constant 0 : i32
        %parallel_loop3A_406 = vector.broadcast %parallel_loop3A_405 : i32 to vector<16xi32>
        %parallel_loop3A_407 = arith.addi %parallel_loop3A_404, %parallel_loop3A_406 : vector<16xi32>
        tpu.vector_store_idx %arg7[%parallel_loop3A_407, %parallel_loop3A_400], %parallel_loop3A_403 : memref<32x528xf32, #tpu.memory_space<vmem>>[vector<16xi32>, vector<16xi32>], vector<16xf32>,
        %parallel_loop3A_408 = arith.index_cast %parallel_loop3A_370 : i32 to index
        %parallel_loop3A_409 = arith.constant 48 : index
        %parallel_loop3A_410 = tpu.vector_load %arg5[%parallel_loop3A_408, %parallel_loop3A_409] {strides = array<i32>} : memref<128x128xf32, #tpu.memory_space<vmem>>, vector<16xf32>,
        %parallel_loop3A_411 = tpu.iota {dimensions = array<i32: 0>} : vector<16xi32>
        %parallel_loop3A_412 = arith.constant 16 : i32
        %parallel_loop3A_413 = vector.broadcast %parallel_loop3A_412 : i32 to vector<16xi32>
        %parallel_loop3A_414 = arith.addi %parallel_loop3A_411, %parallel_loop3A_413 : vector<16xi32>
        tpu.vector_store_idx %arg7[%parallel_loop3A_414, %parallel_loop3A_400], %parallel_loop3A_410 : memref<32x528xf32, #tpu.memory_space<vmem>>[vector<16xi32>, vector<16xi32>], vector<16xf32>,
        %parallel_loop3A_415 = arith.constant 0 : i32
        %parallel_loop3A_416 = vector.broadcast %parallel_loop3A_415 : i32 to vector<16xi32>
        %parallel_loop3A_417 = arith.constant 4 : i32
        %parallel_loop3A_418 = arith.muli %parallel_loop3A_370, %parallel_loop3A_417 : i32
        %parallel_loop3A_419 = arith.constant 2 : i32
        %parallel_loop3A_420 = arith.addi %parallel_loop3A_418, %parallel_loop3A_419 : i32
        %parallel_loop3A_421 = vector.broadcast %parallel_loop3A_420 : i32 to vector<16xi32>
        %parallel_loop3A_422 = arith.addi %parallel_loop3A_416, %parallel_loop3A_421 : vector<16xi32>
        %parallel_loop3A_423 = arith.index_cast %parallel_loop3A_370 : i32 to index
        %parallel_loop3A_424 = arith.constant 64 : index
        %parallel_loop3A_425 = tpu.vector_load %arg5[%parallel_loop3A_423, %parallel_loop3A_424] {strides = array<i32>} : memref<128x128xf32, #tpu.memory_space<vmem>>, vector<16xf32>,
        %parallel_loop3A_426 = tpu.iota {dimensions = array<i32: 0>} : vector<16xi32>
        %parallel_loop3A_427 = arith.constant 0 : i32
        %parallel_loop3A_428 = vector.broadcast %parallel_loop3A_427 : i32 to vector<16xi32>
        %parallel_loop3A_429 = arith.addi %parallel_loop3A_426, %parallel_loop3A_428 : vector<16xi32>
        tpu.vector_store_idx %arg7[%parallel_loop3A_429, %parallel_loop3A_422], %parallel_loop3A_425 : memref<32x528xf32, #tpu.memory_space<vmem>>[vector<16xi32>, vector<16xi32>], vector<16xf32>,
        %parallel_loop3A_430 = arith.index_cast %parallel_loop3A_370 : i32 to index
        %parallel_loop3A_431 = arith.constant 80 : index
        %parallel_loop3A_432 = tpu.vector_load %arg5[%parallel_loop3A_430, %parallel_loop3A_431] {strides = array<i32>} : memref<128x128xf32, #tpu.memory_space<vmem>>, vector<16xf32>,
        %parallel_loop3A_433 = tpu.iota {dimensions = array<i32: 0>} : vector<16xi32>
        %parallel_loop3A_434 = arith.constant 16 : i32
        %parallel_loop3A_435 = vector.broadcast %parallel_loop3A_434 : i32 to vector<16xi32>
        %parallel_loop3A_436 = arith.addi %parallel_loop3A_433, %parallel_loop3A_435 : vector<16xi32>
        tpu.vector_store_idx %arg7[%parallel_loop3A_436, %parallel_loop3A_422], %parallel_loop3A_432 : memref<32x528xf32, #tpu.memory_space<vmem>>[vector<16xi32>, vector<16xi32>], vector<16xf32>,
        %parallel_loop3A_437 = arith.constant 0 : i32
        %parallel_loop3A_438 = vector.broadcast %parallel_loop3A_437 : i32 to vector<16xi32>
        %parallel_loop3A_439 = arith.constant 4 : i32
        %parallel_loop3A_440 = arith.muli %parallel_loop3A_370, %parallel_loop3A_439 : i32
        %parallel_loop3A_441 = arith.constant 3 : i32
        %parallel_loop3A_442 = arith.addi %parallel_loop3A_440, %parallel_loop3A_441 : i32
        %parallel_loop3A_443 = vector.broadcast %parallel_loop3A_442 : i32 to vector<16xi32>
        %parallel_loop3A_444 = arith.addi %parallel_loop3A_438, %parallel_loop3A_443 : vector<16xi32>
        %parallel_loop3A_445 = arith.index_cast %parallel_loop3A_370 : i32 to index
        %parallel_loop3A_446 = arith.constant 96 : index
        %parallel_loop3A_447 = tpu.vector_load %arg5[%parallel_loop3A_445, %parallel_loop3A_446] {strides = array<i32>} : memref<128x128xf32, #tpu.memory_space<vmem>>, vector<16xf32>,
        %parallel_loop3A_448 = tpu.iota {dimensions = array<i32: 0>} : vector<16xi32>
        %parallel_loop3A_449 = arith.constant 0 : i32
        %parallel_loop3A_450 = vector.broadcast %parallel_loop3A_449 : i32 to vector<16xi32>
        %parallel_loop3A_451 = arith.addi %parallel_loop3A_448, %parallel_loop3A_450 : vector<16xi32>
        tpu.vector_store_idx %arg7[%parallel_loop3A_451, %parallel_loop3A_444], %parallel_loop3A_447 : memref<32x528xf32, #tpu.memory_space<vmem>>[vector<16xi32>, vector<16xi32>], vector<16xf32>,
        %parallel_loop3A_452 = arith.index_cast %parallel_loop3A_370 : i32 to index
        %parallel_loop3A_453 = arith.constant 112 : index
        %parallel_loop3A_454 = tpu.vector_load %arg5[%parallel_loop3A_452, %parallel_loop3A_453] {strides = array<i32>} : memref<128x128xf32, #tpu.memory_space<vmem>>, vector<16xf32>,
        %parallel_loop3A_455 = tpu.iota {dimensions = array<i32: 0>} : vector<16xi32>
        %parallel_loop3A_456 = arith.constant 16 : i32
        %parallel_loop3A_457 = vector.broadcast %parallel_loop3A_456 : i32 to vector<16xi32>
        %parallel_loop3A_458 = arith.addi %parallel_loop3A_455, %parallel_loop3A_457 : vector<16xi32>
        tpu.vector_store_idx %arg7[%parallel_loop3A_458, %parallel_loop3A_444], %parallel_loop3A_454 : memref<32x528xf32, #tpu.memory_space<vmem>>[vector<16xi32>, vector<16xi32>], vector<16xf32>,
      } {sc.loop_unroll_factor = 8 : i64, sc.parallel_access}
      %jit3A_268 = arith.constant 8 : i32
      %div3A_269 = arith.divsi %add3A_253, %jit3A_268 : i32
      %sign3A_270 = arith.constant 0 : i32
      %sign3A_271 = arith.cmpi sgt, %add3A_253, %sign3A_270 : i32
      %sign3A_272 = arith.extui %sign3A_271 : i1 to i32
      %sign3A_273 = arith.constant 0 : i32
      %sign3A_274 = arith.cmpi slt, %add3A_253, %sign3A_273 : i32
      %sign3A_275 = arith.extui %sign3A_274 : i1 to i32
      %sign3A_276 = arith.subi %sign3A_272, %sign3A_275 : i32
      %sign3A_277 = arith.constant 0 : i32
      %sign3A_278 = arith.cmpi sgt, %jit3A_268, %sign3A_277 : i32
      %sign3A_279 = arith.extui %sign3A_278 : i1 to i32
      %sign3A_280 = arith.constant 0 : i32
      %sign3A_281 = arith.cmpi slt, %jit3A_268, %sign3A_280 : i32
      %sign3A_282 = arith.extui %sign3A_281 : i1 to i32
      %sign3A_283 = arith.subi %sign3A_279, %sign3A_282 : i32
      %ne3A_284 = arith.cmpi ne, %sign3A_276, %sign3A_283 : i32
      %rem3A_285 = arith.remsi %add3A_253, %jit3A_268 : i32
      %ne3A_286 = arith.constant 0 : i32
      %ne3A_287 = arith.cmpi ne, %rem3A_285, %ne3A_286 : i32
      %and3A_288 = arith.andi %ne3A_284, %ne3A_287 : i1
      %sub3A_289 = arith.constant 1 : i32
      %sub3A_290 = arith.subi %div3A_269, %sub3A_289 : i32
      %select_n3A_291 = arith.select %and3A_288, %sub3A_290, %div3A_269 : i32
      %jit3A_292 = arith.constant 8 : i32
      %eq3A_293 = arith.constant 0 : i32
      %eq3A_294 = arith.cmpi eq, %jit3A_292, %eq3A_293 : i32
      %jit3A_295 = arith.constant 1 : i32
      %select_n3A_296 = arith.select %eq3A_294, %jit3A_295, %jit3A_292 : i32
      %rem3A_297 = arith.remsi %add3A_253, %select_n3A_296 : i32
      %ne3A_298 = arith.constant 0 : i32
      %ne3A_299 = arith.cmpi ne, %rem3A_297, %ne3A_298 : i32
      %lt3A_300 = arith.constant 0 : i32
      %lt3A_301 = arith.cmpi slt, %rem3A_297, %lt3A_300 : i32
      %lt3A_302 = arith.constant 0 : i32
      %lt3A_303 = arith.cmpi slt, %select_n3A_296, %lt3A_302 : i32
      %ne3A_304 = arith.xori %lt3A_301, %lt3A_303 : i1
      %and3A_305 = arith.andi %ne3A_304, %ne3A_299 : i1
      %add3A_306 = arith.addi %rem3A_297, %select_n3A_296 : i32
      %select_n3A_307 = arith.select %and3A_305, %add3A_306, %rem3A_297 : i32
      %mul3A_308 = arith.constant 512 : i32
      %mul3A_309 = arith.muli %select_n3A_307, %mul3A_308 : i32
      %multiple_of3A_310 = tpu.assume_multiple %mul3A_309, 512 : i32
      %dma_start3A_311 = arith.constant 0 : i32
      %dma_start3A_312 = arith.constant 0 : i32
      %dma_start3A_313 = tpu.memref_slice %arg7[%dma_start3A_311, %dma_start3A_312] : memref<32x528xf32, #tpu.memory_space<vmem>> -> memref<8x512xf32, #tpu.memory_space<vmem>>
      %dma_start3A_314 = arith.constant 0 : i32
      %dma_start3A_315 = tpu.memref_slice %arg3[%select_n3A_291, %dma_start3A_314, %multiple_of3A_310] : memref<200x32x4096xf32, #tpu.memory_space<hbm>> -> memref<1x8x512xf32, #tpu.memory_space<hbm>>
      %dma_start3A_316 = tpu.memref_squeeze %dma_start3A_315 : memref<1x8x512xf32, #tpu.memory_space<hbm>> -> memref<8x512xf32, #tpu.memory_space<hbm>>
      %dma_start3A_317 = arith.constant 0 : i32
      %dma_start3A_318 = tpu.memref_slice %arg3[%select_n3A_291, %dma_start3A_317, %multiple_of3A_310] : memref<200x32x4096xf32, #tpu.memory_space<hbm>> -> memref<1x8x512xf32, #tpu.memory_space<hbm>>
      %dma_start3A_319 = tpu.memref_squeeze %dma_start3A_318 : memref<1x8x512xf32, #tpu.memory_space<hbm>> -> memref<8x512xf32, #tpu.memory_space<hbm>>
      %dma_start3A_320 = arith.constant 0 : i32
      %dma_start3A_321 = arith.constant 0 : i32
      %dma_start3A_322 = tpu.memref_slice %arg7[%dma_start3A_320, %dma_start3A_321] : memref<32x528xf32, #tpu.memory_space<vmem>> -> memref<8x512xf32, #tpu.memory_space<vmem>>
      tpu.enqueue_dma source(%dma_start3A_322 : memref<8x512xf32, #tpu.memory_space<vmem>>) target(%dma_start3A_319 : memref<8x512xf32, #tpu.memory_space<hbm>>) target_semaphore(%arg11 : memref<!tpu.dma_semaphore, #tpu.memory_space<semaphore_mem>>)
      %dma_start3A_323 = arith.constant 8 : i32
      %dma_start3A_324 = arith.constant 0 : i32
      %dma_start3A_325 = tpu.memref_slice %arg7[%dma_start3A_323, %dma_start3A_324] : memref<32x528xf32, #tpu.memory_space<vmem>> -> memref<8x512xf32, #tpu.memory_space<vmem>>
      %dma_start3A_326 = arith.constant 8 : i32
      %dma_start3A_327 = tpu.memref_slice %arg3[%select_n3A_291, %dma_start3A_326, %multiple_of3A_310] : memref<200x32x4096xf32, #tpu.memory_space<hbm>> -> memref<1x8x512xf32, #tpu.memory_space<hbm>>
      %dma_start3A_328 = tpu.memref_squeeze %dma_start3A_327 : memref<1x8x512xf32, #tpu.memory_space<hbm>> -> memref<8x512xf32, #tpu.memory_space<hbm>>
      %dma_start3A_329 = arith.constant 8 : i32
      %dma_start3A_330 = tpu.memref_slice %arg3[%select_n3A_291, %dma_start3A_329, %multiple_of3A_310] : memref<200x32x4096xf32, #tpu.memory_space<hbm>> -> memref<1x8x512xf32, #tpu.memory_space<hbm>>
      %dma_start3A_331 = tpu.memref_squeeze %dma_start3A_330 : memref<1x8x512xf32, #tpu.memory_space<hbm>> -> memref<8x512xf32, #tpu.memory_space<hbm>>
      %dma_start3A_332 = arith.constant 8 : i32
      %dma_start3A_333 = arith.constant 0 : i32
      %dma_start3A_334 = tpu.memref_slice %arg7[%dma_start3A_332, %dma_start3A_333] : memref<32x528xf32, #tpu.memory_space<vmem>> -> memref<8x512xf32, #tpu.memory_space<vmem>>
      tpu.enqueue_dma source(%dma_start3A_334 : memref<8x512xf32, #tpu.memory_space<vmem>>) target(%dma_start3A_331 : memref<8x512xf32, #tpu.memory_space<hbm>>) target_semaphore(%arg11 : memref<!tpu.dma_semaphore, #tpu.memory_space<semaphore_mem>>)
      %dma_start3A_335 = arith.constant 16 : i32
      %dma_start3A_336 = arith.constant 0 : i32
      %dma_start3A_337 = tpu.memref_slice %arg7[%dma_start3A_335, %dma_start3A_336] : memref<32x528xf32, #tpu.memory_space<vmem>> -> memref<8x512xf32, #tpu.memory_space<vmem>>
      %dma_start3A_338 = arith.constant 16 : i32
      %dma_start3A_339 = tpu.memref_slice %arg3[%select_n3A_291, %dma_start3A_338, %multiple_of3A_310] : memref<200x32x4096xf32, #tpu.memory_space<hbm>> -> memref<1x8x512xf32, #tpu.memory_space<hbm>>
      %dma_start3A_340 = tpu.memref_squeeze %dma_start3A_339 : memref<1x8x512xf32, #tpu.memory_space<hbm>> -> memref<8x512xf32, #tpu.memory_space<hbm>>
      %dma_start3A_341 = arith.constant 16 : i32
      %dma_start3A_342 = tpu.memref_slice %arg3[%select_n3A_291, %dma_start3A_341, %multiple_of3A_310] : memref<200x32x4096xf32, #tpu.memory_space<hbm>> -> memref<1x8x512xf32, #tpu.memory_space<hbm>>
      %dma_start3A_343 = tpu.memref_squeeze %dma_start3A_342 : memref<1x8x512xf32, #tpu.memory_space<hbm>> -> memref<8x512xf32, #tpu.memory_space<hbm>>
      %dma_start3A_344 = arith.constant 16 : i32
      %dma_start3A_345 = arith.constant 0 : i32
      %dma_start3A_346 = tpu.memref_slice %arg7[%dma_start3A_344, %dma_start3A_345] : memref<32x528xf32, #tpu.memory_space<vmem>> -> memref<8x512xf32, #tpu.memory_space<vmem>>
      tpu.enqueue_dma source(%dma_start3A_346 : memref<8x512xf32, #tpu.memory_space<vmem>>) target(%dma_start3A_343 : memref<8x512xf32, #tpu.memory_space<hbm>>) target_semaphore(%arg11 : memref<!tpu.dma_semaphore, #tpu.memory_space<semaphore_mem>>)
      %dma_start3A_347 = arith.constant 24 : i32
      %dma_start3A_348 = arith.constant 0 : i32
      %dma_start3A_349 = tpu.memref_slice %arg7[%dma_start3A_347, %dma_start3A_348] : memref<32x528xf32, #tpu.memory_space<vmem>> -> memref<8x512xf32, #tpu.memory_space<vmem>>
      %dma_start3A_350 = arith.constant 24 : i32
      %dma_start3A_351 = tpu.memref_slice %arg3[%select_n3A_291, %dma_start3A_350, %multiple_of3A_310] : memref<200x32x4096xf32, #tpu.memory_space<hbm>> -> memref<1x8x512xf32, #tpu.memory_space<hbm>>
      %dma_start3A_352 = tpu.memref_squeeze %dma_start3A_351 : memref<1x8x512xf32, #tpu.memory_space<hbm>> -> memref<8x512xf32, #tpu.memory_space<hbm>>
      %dma_start3A_353 = arith.constant 24 : i32
      %dma_start3A_354 = tpu.memref_slice %arg3[%select_n3A_291, %dma_start3A_353, %multiple_of3A_310] : memref<200x32x4096xf32, #tpu.memory_space<hbm>> -> memref<1x8x512xf32, #tpu.memory_space<hbm>>
      %dma_start3A_355 = tpu.memref_squeeze %dma_start3A_354 : memref<1x8x512xf32, #tpu.memory_space<hbm>> -> memref<8x512xf32, #tpu.memory_space<hbm>>
      %dma_start3A_356 = arith.constant 24 : i32
      %dma_start3A_357 = arith.constant 0 : i32
      %dma_start3A_358 = tpu.memref_slice %arg7[%dma_start3A_356, %dma_start3A_357] : memref<32x528xf32, #tpu.memory_space<vmem>> -> memref<8x512xf32, #tpu.memory_space<vmem>>
      tpu.enqueue_dma source(%dma_start3A_358 : memref<8x512xf32, #tpu.memory_space<vmem>>) target(%dma_start3A_355 : memref<8x512xf32, #tpu.memory_space<hbm>>) target_semaphore(%arg11 : memref<!tpu.dma_semaphore, #tpu.memory_space<semaphore_mem>>)
      %mul3A_359 = arith.constant 2 : i32
      %mul3A_360 = arith.muli %mul3A_359, %scan3A_141 : i32
      %add3A_361 = arith.constant 1 : i32
      %add3A_362 = arith.addi %mul3A_360, %add3A_361 : i32
      %add3A_363 = arith.constant 2 : i32
      %add3A_364 = arith.addi %add3A_362, %add3A_363 : i32
      %lt3A_365 = arith.constant 50 : i32
      %lt3A_366 = arith.cmpi slt, %add3A_364, %lt3A_365 : i32
      %convert_element_type3A_367 = arith.extui %lt3A_366 : i1 to i32
      %cond3A_368 = arith.constant 0 : i32
      %cond3A_369 = arith.cmpi ne, %convert_element_type3A_367, %cond3A_368 : i32
      scf.if %cond3A_369 {
        %add3A_370 = arith.constant 2 : i32
        %add3A_371 = arith.addi %add3A_253, %add3A_370 : i32
        %mul3A_372 = arith.constant 128 : i32
        %mul3A_373 = arith.muli %add3A_371, %mul3A_372 : i32
        %multiple_of3A_374 = tpu.assume_multiple %mul3A_373, 128 : i32
        %dma_start3A_375 = arith.constant 0 : i32
        %dma_start3A_376 = tpu.memref_slice %arg2[%multiple_of3A_374, %dma_start3A_375] : memref<204800x128xf32, #tpu.memory_space<hbm>> -> memref<128x128xf32, #tpu.memory_space<hbm>>
        %dma_start3A_377 = arith.constant 0 : i32
        %dma_start3A_378 = tpu.memref_slice %arg2[%multiple_of3A_374, %dma_start3A_377] : memref<204800x128xf32, #tpu.memory_space<hbm>> -> memref<128x128xf32, #tpu.memory_space<hbm>>
        tpu.enqueue_dma source(%dma_start3A_378 : memref<128x128xf32, #tpu.memory_space<hbm>>) target(%arg5 : memref<128x128xf32, #tpu.memory_space<vmem>>) target_semaphore(%arg9 : memref<!tpu.dma_semaphore, #tpu.memory_space<semaphore_mem>>)
      } else {
      }
    }
    %scan3A_21 = arith.constant 25 : i32
    %dma_wait3A = arith.constant 0 : i32
    %dma_wait3A_22 = arith.constant 0 : i32
    %dma_wait3A_23 = arith.constant 0 : i32
    %dma_wait3A_24 = tpu.memref_slice %arg6[%dma_wait3A_22, %dma_wait3A_23] : memref<32x528xf32, #tpu.memory_space<vmem>> -> memref<8x512xf32, #tpu.memory_space<vmem>>
    %dma_wait3A_25 = arith.constant 0 : i32
    %dma_wait3A_26 = arith.constant 0 : i32
    %dma_wait3A_27 = tpu.memref_slice %arg3[%dma_wait3A, %dma_wait3A_25, %dma_wait3A_26] : memref<200x32x4096xf32, #tpu.memory_space<hbm>> -> memref<1x8x512xf32, #tpu.memory_space<hbm>>
    %dma_wait3A_28 = tpu.memref_squeeze %dma_wait3A_27 : memref<1x8x512xf32, #tpu.memory_space<hbm>> -> memref<8x512xf32, #tpu.memory_space<hbm>>
    %dma_wait3A_29 = arith.constant 0 : i32
    %dma_wait3A_30 = arith.constant 0 : i32
    %dma_wait3A_31 = tpu.memref_slice %arg3[%dma_wait3A, %dma_wait3A_29, %dma_wait3A_30] : memref<200x32x4096xf32, #tpu.memory_space<hbm>> -> memref<1x8x512xf32, #tpu.memory_space<hbm>>
    %dma_wait3A_32 = tpu.memref_squeeze %dma_wait3A_31 : memref<1x8x512xf32, #tpu.memory_space<hbm>> -> memref<8x512xf32, #tpu.memory_space<hbm>>
    %dma_wait3A_33 = arith.constant 0 : i32
    %dma_wait3A_34 = arith.constant 0 : i32
    %dma_wait3A_35 = tpu.memref_slice %arg6[%dma_wait3A_33, %dma_wait3A_34] : memref<32x528xf32, #tpu.memory_space<vmem>> -> memref<8x512xf32, #tpu.memory_space<vmem>>
    tpu.wait_dma2 semaphore(%arg10 : memref<!tpu.dma_semaphore, #tpu.memory_space<semaphore_mem>>) src(%dma_wait3A_35 : memref<8x512xf32, #tpu.memory_space<vmem>>) dst(%dma_wait3A_32 : memref<8x512xf32, #tpu.memory_space<hbm>>)
    %dma_wait3A_36 = arith.constant 0 : i32
    %dma_wait3A_37 = arith.constant 8 : i32
    %dma_wait3A_38 = arith.constant 0 : i32
    %dma_wait3A_39 = tpu.memref_slice %arg6[%dma_wait3A_37, %dma_wait3A_38] : memref<32x528xf32, #tpu.memory_space<vmem>> -> memref<8x512xf32, #tpu.memory_space<vmem>>
    %dma_wait3A_40 = arith.constant 8 : i32
    %dma_wait3A_41 = arith.constant 0 : i32
    %dma_wait3A_42 = tpu.memref_slice %arg3[%dma_wait3A_36, %dma_wait3A_40, %dma_wait3A_41] : memref<200x32x4096xf32, #tpu.memory_space<hbm>> -> memref<1x8x512xf32, #tpu.memory_space<hbm>>
    %dma_wait3A_43 = tpu.memref_squeeze %dma_wait3A_42 : memref<1x8x512xf32, #tpu.memory_space<hbm>> -> memref<8x512xf32, #tpu.memory_space<hbm>>
    %dma_wait3A_44 = arith.constant 8 : i32
    %dma_wait3A_45 = arith.constant 0 : i32
    %dma_wait3A_46 = tpu.memref_slice %arg3[%dma_wait3A_36, %dma_wait3A_44, %dma_wait3A_45] : memref<200x32x4096xf32, #tpu.memory_space<hbm>> -> memref<1x8x512xf32, #tpu.memory_space<hbm>>
    %dma_wait3A_47 = tpu.memref_squeeze %dma_wait3A_46 : memref<1x8x512xf32, #tpu.memory_space<hbm>> -> memref<8x512xf32, #tpu.memory_space<hbm>>
    %dma_wait3A_48 = arith.constant 8 : i32
    %dma_wait3A_49 = arith.constant 0 : i32
    %dma_wait3A_50 = tpu.memref_slice %arg6[%dma_wait3A_48, %dma_wait3A_49] : memref<32x528xf32, #tpu.memory_space<vmem>> -> memref<8x512xf32, #tpu.memory_space<vmem>>
    tpu.wait_dma2 semaphore(%arg10 : memref<!tpu.dma_semaphore, #tpu.memory_space<semaphore_mem>>) src(%dma_wait3A_50 : memref<8x512xf32, #tpu.memory_space<vmem>>) dst(%dma_wait3A_47 : memref<8x512xf32, #tpu.memory_space<hbm>>)
    %dma_wait3A_51 = arith.constant 0 : i32
    %dma_wait3A_52 = arith.constant 16 : i32
    %dma_wait3A_53 = arith.constant 0 : i32
    %dma_wait3A_54 = tpu.memref_slice %arg6[%dma_wait3A_52, %dma_wait3A_53] : memref<32x528xf32, #tpu.memory_space<vmem>> -> memref<8x512xf32, #tpu.memory_space<vmem>>
    %dma_wait3A_55 = arith.constant 16 : i32
    %dma_wait3A_56 = arith.constant 0 : i32
    %dma_wait3A_57 = tpu.memref_slice %arg3[%dma_wait3A_51, %dma_wait3A_55, %dma_wait3A_56] : memref<200x32x4096xf32, #tpu.memory_space<hbm>> -> memref<1x8x512xf32, #tpu.memory_space<hbm>>
    %dma_wait3A_58 = tpu.memref_squeeze %dma_wait3A_57 : memref<1x8x512xf32, #tpu.memory_space<hbm>> -> memref<8x512xf32, #tpu.memory_space<hbm>>
    %dma_wait3A_59 = arith.constant 16 : i32
    %dma_wait3A_60 = arith.constant 0 : i32
    %dma_wait3A_61 = tpu.memref_slice %arg3[%dma_wait3A_51, %dma_wait3A_59, %dma_wait3A_60] : memref<200x32x4096xf32, #tpu.memory_space<hbm>> -> memref<1x8x512xf32, #tpu.memory_space<hbm>>
    %dma_wait3A_62 = tpu.memref_squeeze %dma_wait3A_61 : memref<1x8x512xf32, #tpu.memory_space<hbm>> -> memref<8x512xf32, #tpu.memory_space<hbm>>
    %dma_wait3A_63 = arith.constant 16 : i32
    %dma_wait3A_64 = arith.constant 0 : i32
    %dma_wait3A_65 = tpu.memref_slice %arg6[%dma_wait3A_63, %dma_wait3A_64] : memref<32x528xf32, #tpu.memory_space<vmem>> -> memref<8x512xf32, #tpu.memory_space<vmem>>
    tpu.wait_dma2 semaphore(%arg10 : memref<!tpu.dma_semaphore, #tpu.memory_space<semaphore_mem>>) src(%dma_wait3A_65 : memref<8x512xf32, #tpu.memory_space<vmem>>) dst(%dma_wait3A_62 : memref<8x512xf32, #tpu.memory_space<hbm>>)
    %dma_wait3A_66 = arith.constant 0 : i32
    %dma_wait3A_67 = arith.constant 24 : i32
    %dma_wait3A_68 = arith.constant 0 : i32
    %dma_wait3A_69 = tpu.memref_slice %arg6[%dma_wait3A_67, %dma_wait3A_68] : memref<32x528xf32, #tpu.memory_space<vmem>> -> memref<8x512xf32, #tpu.memory_space<vmem>>
    %dma_wait3A_70 = arith.constant 24 : i32
    %dma_wait3A_71 = arith.constant 0 : i32
    %dma_wait3A_72 = tpu.memref_slice %arg3[%dma_wait3A_66, %dma_wait3A_70, %dma_wait3A_71] : memref<200x32x4096xf32, #tpu.memory_space<hbm>> -> memref<1x8x512xf32, #tpu.memory_space<hbm>>
    %dma_wait3A_73 = tpu.memref_squeeze %dma_wait3A_72 : memref<1x8x512xf32, #tpu.memory_space<hbm>> -> memref<8x512xf32, #tpu.memory_space<hbm>>
    %dma_wait3A_74 = arith.constant 24 : i32
    %dma_wait3A_75 = arith.constant 0 : i32
    %dma_wait3A_76 = tpu.memref_slice %arg3[%dma_wait3A_66, %dma_wait3A_74, %dma_wait3A_75] : memref<200x32x4096xf32, #tpu.memory_space<hbm>> -> memref<1x8x512xf32, #tpu.memory_space<hbm>>
    %dma_wait3A_77 = tpu.memref_squeeze %dma_wait3A_76 : memref<1x8x512xf32, #tpu.memory_space<hbm>> -> memref<8x512xf32, #tpu.memory_space<hbm>>
    %dma_wait3A_78 = arith.constant 24 : i32
    %dma_wait3A_79 = arith.constant 0 : i32
    %dma_wait3A_80 = tpu.memref_slice %arg6[%dma_wait3A_78, %dma_wait3A_79] : memref<32x528xf32, #tpu.memory_space<vmem>> -> memref<8x512xf32, #tpu.memory_space<vmem>>
    tpu.wait_dma2 semaphore(%arg10 : memref<!tpu.dma_semaphore, #tpu.memory_space<semaphore_mem>>) src(%dma_wait3A_80 : memref<8x512xf32, #tpu.memory_space<vmem>>) dst(%dma_wait3A_77 : memref<8x512xf32, #tpu.memory_space<hbm>>)
    %dma_wait3A_81 = arith.constant 0 : i32
    %dma_wait3A_82 = arith.constant 0 : i32
    %dma_wait3A_83 = arith.constant 0 : i32
    %dma_wait3A_84 = tpu.memref_slice %arg7[%dma_wait3A_82, %dma_wait3A_83] : memref<32x528xf32, #tpu.memory_space<vmem>> -> memref<8x512xf32, #tpu.memory_space<vmem>>
    %dma_wait3A_85 = arith.constant 0 : i32
    %dma_wait3A_86 = arith.constant 0 : i32
    %dma_wait3A_87 = tpu.memref_slice %arg3[%dma_wait3A_81, %dma_wait3A_85, %dma_wait3A_86] : memref<200x32x4096xf32, #tpu.memory_space<hbm>> -> memref<1x8x512xf32, #tpu.memory_space<hbm>>
    %dma_wait3A_88 = tpu.memref_squeeze %dma_wait3A_87 : memref<1x8x512xf32, #tpu.memory_space<hbm>> -> memref<8x512xf32, #tpu.memory_space<hbm>>
    %dma_wait3A_89 = arith.constant 0 : i32
    %dma_wait3A_90 = arith.constant 0 : i32
    %dma_wait3A_91 = tpu.memref_slice %arg3[%dma_wait3A_81, %dma_wait3A_89, %dma_wait3A_90] : memref<200x32x4096xf32, #tpu.memory_space<hbm>> -> memref<1x8x512xf32, #tpu.memory_space<hbm>>
    %dma_wait3A_92 = tpu.memref_squeeze %dma_wait3A_91 : memref<1x8x512xf32, #tpu.memory_space<hbm>> -> memref<8x512xf32, #tpu.memory_space<hbm>>
    %dma_wait3A_93 = arith.constant 0 : i32
    %dma_wait3A_94 = arith.constant 0 : i32
    %dma_wait3A_95 = tpu.memref_slice %arg7[%dma_wait3A_93, %dma_wait3A_94] : memref<32x528xf32, #tpu.memory_space<vmem>> -> memref<8x512xf32, #tpu.memory_space<vmem>>
    tpu.wait_dma2 semaphore(%arg11 : memref<!tpu.dma_semaphore, #tpu.memory_space<semaphore_mem>>) src(%dma_wait3A_95 : memref<8x512xf32, #tpu.memory_space<vmem>>) dst(%dma_wait3A_92 : memref<8x512xf32, #tpu.memory_space<hbm>>)
    %dma_wait3A_96 = arith.constant 0 : i32
    %dma_wait3A_97 = arith.constant 8 : i32
    %dma_wait3A_98 = arith.constant 0 : i32
    %dma_wait3A_99 = tpu.memref_slice %arg7[%dma_wait3A_97, %dma_wait3A_98] : memref<32x528xf32, #tpu.memory_space<vmem>> -> memref<8x512xf32, #tpu.memory_space<vmem>>
    %dma_wait3A_100 = arith.constant 8 : i32
    %dma_wait3A_101 = arith.constant 0 : i32
    %dma_wait3A_102 = tpu.memref_slice %arg3[%dma_wait3A_96, %dma_wait3A_100, %dma_wait3A_101] : memref<200x32x4096xf32, #tpu.memory_space<hbm>> -> memref<1x8x512xf32, #tpu.memory_space<hbm>>
    %dma_wait3A_103 = tpu.memref_squeeze %dma_wait3A_102 : memref<1x8x512xf32, #tpu.memory_space<hbm>> -> memref<8x512xf32, #tpu.memory_space<hbm>>
    %dma_wait3A_104 = arith.constant 8 : i32
    %dma_wait3A_105 = arith.constant 0 : i32
    %dma_wait3A_106 = tpu.memref_slice %arg3[%dma_wait3A_96, %dma_wait3A_104, %dma_wait3A_105] : memref<200x32x4096xf32, #tpu.memory_space<hbm>> -> memref<1x8x512xf32, #tpu.memory_space<hbm>>
    %dma_wait3A_107 = tpu.memref_squeeze %dma_wait3A_106 : memref<1x8x512xf32, #tpu.memory_space<hbm>> -> memref<8x512xf32, #tpu.memory_space<hbm>>
    %dma_wait3A_108 = arith.constant 8 : i32
    %dma_wait3A_109 = arith.constant 0 : i32
    %dma_wait3A_110 = tpu.memref_slice %arg7[%dma_wait3A_108, %dma_wait3A_109] : memref<32x528xf32, #tpu.memory_space<vmem>> -> memref<8x512xf32, #tpu.memory_space<vmem>>
    tpu.wait_dma2 semaphore(%arg11 : memref<!tpu.dma_semaphore, #tpu.memory_space<semaphore_mem>>) src(%dma_wait3A_110 : memref<8x512xf32, #tpu.memory_space<vmem>>) dst(%dma_wait3A_107 : memref<8x512xf32, #tpu.memory_space<hbm>>)
    %dma_wait3A_111 = arith.constant 0 : i32
    %dma_wait3A_112 = arith.constant 16 : i32
    %dma_wait3A_113 = arith.constant 0 : i32
    %dma_wait3A_114 = tpu.memref_slice %arg7[%dma_wait3A_112, %dma_wait3A_113] : memref<32x528xf32, #tpu.memory_space<vmem>> -> memref<8x512xf32, #tpu.memory_space<vmem>>
    %dma_wait3A_115 = arith.constant 16 : i32
    %dma_wait3A_116 = arith.constant 0 : i32
    %dma_wait3A_117 = tpu.memref_slice %arg3[%dma_wait3A_111, %dma_wait3A_115, %dma_wait3A_116] : memref<200x32x4096xf32, #tpu.memory_space<hbm>> -> memref<1x8x512xf32, #tpu.memory_space<hbm>>
    %dma_wait3A_118 = tpu.memref_squeeze %dma_wait3A_117 : memref<1x8x512xf32, #tpu.memory_space<hbm>> -> memref<8x512xf32, #tpu.memory_space<hbm>>
    %dma_wait3A_119 = arith.constant 16 : i32
    %dma_wait3A_120 = arith.constant 0 : i32
    %dma_wait3A_121 = tpu.memref_slice %arg3[%dma_wait3A_111, %dma_wait3A_119, %dma_wait3A_120] : memref<200x32x4096xf32, #tpu.memory_space<hbm>> -> memref<1x8x512xf32, #tpu.memory_space<hbm>>
    %dma_wait3A_122 = tpu.memref_squeeze %dma_wait3A_121 : memref<1x8x512xf32, #tpu.memory_space<hbm>> -> memref<8x512xf32, #tpu.memory_space<hbm>>
    %dma_wait3A_123 = arith.constant 16 : i32
    %dma_wait3A_124 = arith.constant 0 : i32
    %dma_wait3A_125 = tpu.memref_slice %arg7[%dma_wait3A_123, %dma_wait3A_124] : memref<32x528xf32, #tpu.memory_space<vmem>> -> memref<8x512xf32, #tpu.memory_space<vmem>>
    tpu.wait_dma2 semaphore(%arg11 : memref<!tpu.dma_semaphore, #tpu.memory_space<semaphore_mem>>) src(%dma_wait3A_125 : memref<8x512xf32, #tpu.memory_space<vmem>>) dst(%dma_wait3A_122 : memref<8x512xf32, #tpu.memory_space<hbm>>)
    %dma_wait3A_126 = arith.constant 0 : i32
    %dma_wait3A_127 = arith.constant 24 : i32
    %dma_wait3A_128 = arith.constant 0 : i32
    %dma_wait3A_129 = tpu.memref_slice %arg7[%dma_wait3A_127, %dma_wait3A_128] : memref<32x528xf32, #tpu.memory_space<vmem>> -> memref<8x512xf32, #tpu.memory_space<vmem>>
    %dma_wait3A_130 = arith.constant 24 : i32
    %dma_wait3A_131 = arith.constant 0 : i32
    %dma_wait3A_132 = tpu.memref_slice %arg3[%dma_wait3A_126, %dma_wait3A_130, %dma_wait3A_131] : memref<200x32x4096xf32, #tpu.memory_space<hbm>> -> memref<1x8x512xf32, #tpu.memory_space<hbm>>
    %dma_wait3A_133 = tpu.memref_squeeze %dma_wait3A_132 : memref<1x8x512xf32, #tpu.memory_space<hbm>> -> memref<8x512xf32, #tpu.memory_space<hbm>>
    %dma_wait3A_134 = arith.constant 24 : i32
    %dma_wait3A_135 = arith.constant 0 : i32
    %dma_wait3A_136 = tpu.memref_slice %arg3[%dma_wait3A_126, %dma_wait3A_134, %dma_wait3A_135] : memref<200x32x4096xf32, #tpu.memory_space<hbm>> -> memref<1x8x512xf32, #tpu.memory_space<hbm>>
    %dma_wait3A_137 = tpu.memref_squeeze %dma_wait3A_136 : memref<1x8x512xf32, #tpu.memory_space<hbm>> -> memref<8x512xf32, #tpu.memory_space<hbm>>
    %dma_wait3A_138 = arith.constant 24 : i32
    %dma_wait3A_139 = arith.constant 0 : i32
    %dma_wait3A_140 = tpu.memref_slice %arg7[%dma_wait3A_138, %dma_wait3A_139] : memref<32x528xf32, #tpu.memory_space<vmem>> -> memref<8x512xf32, #tpu.memory_space<vmem>>
    tpu.wait_dma2 semaphore(%arg11 : memref<!tpu.dma_semaphore, #tpu.memory_space<semaphore_mem>>) src(%dma_wait3A_140 : memref<8x512xf32, #tpu.memory_space<vmem>>) dst(%dma_wait3A_137 : memref<8x512xf32, #tpu.memory_space<hbm>>)
    return
  }
}

#map = affine_map<(d0, d1) -> (0, 0)>
module attributes {stable_mosaic.version = 14 : i64} {
  func.func @_a_body(%arg0: i32, %arg1: i32, %arg2: memref<32x1000000xf32, #tpu.memory_space<hbm>>, %arg3: memref<16x128xf32, #tpu.memory_space<hbm>>, %arg4: memref<250016x128xf32, #tpu.memory_space<hbm>>, %arg5: memref<32x528xf32, #tpu.memory_space<vmem>>, %arg6: memref<32x528xf32, #tpu.memory_space<vmem>>, %arg7: memref<128x128xf32, #tpu.memory_space<vmem>>, %arg8: memref<128x128xf32, #tpu.memory_space<vmem>>, %arg9: memref<!tpu.dma_semaphore, #tpu.memory_space<semaphore_mem>>, %arg10: memref<!tpu.dma_semaphore, #tpu.memory_space<semaphore_mem>>, %arg11: memref<!tpu.dma_semaphore, #tpu.memory_space<semaphore_mem>>, %arg12: memref<!tpu.dma_semaphore, #tpu.memory_space<semaphore_mem>>) attributes {dimension_semantics = [#tpu.dimension_semantics<core_parallel>, #tpu.dimension_semantics<subcore_parallel>], iteration_bounds = array<i64: 2, 16>, scalar_prefetch = 0 : i64, scratch_operands = 8 : i64, tpu.core_type = #tpu.core_type<sc_vector_subcore>, window_params = [{transform_indices = #map}, {transform_indices = #map}, {transform_indices = #map}]} {
    %mul3A = arith.constant 2 : i32
    %mul3A_0 = arith.muli %arg1, %mul3A : i32
    %add3A = arith.addi %mul3A_0, %arg0 : i32
    %add3A_1 = arith.constant 0 : i32
    %add3A_2 = arith.addi %add3A, %add3A_1 : i32
    %mul3A_3 = arith.constant 512 : i32
    %mul3A_4 = arith.muli %add3A_2, %mul3A_3 : i32
    %min3A = arith.constant 999424 : i32
    %min3A_5 = arith.minsi %mul3A_4, %min3A : i32
    %multiple_of3A = tpu.assume_multiple %min3A_5, 512 : i32
    %dma_start3A = arith.constant 0 : i32
    %dma_start3A_6 = arith.constant 0 : i32
    %dma_start3A_7 = tpu.memref_slice %arg5[%dma_start3A, %dma_start3A_6] : memref<32x528xf32, #tpu.memory_space<vmem>> -> memref<8x512xf32, #tpu.memory_space<vmem>>
    %dma_start3A_8 = arith.constant 0 : i32
    %dma_start3A_9 = tpu.memref_slice %arg2[%dma_start3A_8, %multiple_of3A] : memref<32x1000000xf32, #tpu.memory_space<hbm>> -> memref<8x512xf32, #tpu.memory_space<hbm>>
    %dma_start3A_10 = arith.constant 0 : i32
    %dma_start3A_11 = arith.constant 0 : i32
    %dma_start3A_12 = tpu.memref_slice %arg5[%dma_start3A_10, %dma_start3A_11] : memref<32x528xf32, #tpu.memory_space<vmem>> -> memref<8x512xf32, #tpu.memory_space<vmem>>
    %dma_start3A_13 = arith.constant 0 : i32
    %dma_start3A_14 = tpu.memref_slice %arg2[%dma_start3A_13, %multiple_of3A] : memref<32x1000000xf32, #tpu.memory_space<hbm>> -> memref<8x512xf32, #tpu.memory_space<hbm>>
    tpu.enqueue_dma source(%dma_start3A_14 : memref<8x512xf32, #tpu.memory_space<hbm>>) target(%dma_start3A_12 : memref<8x512xf32, #tpu.memory_space<vmem>>) target_semaphore(%arg9 : memref<!tpu.dma_semaphore, #tpu.memory_space<semaphore_mem>>)
    %dma_start3A_15 = arith.constant 8 : i32
    %dma_start3A_16 = arith.constant 0 : i32
    %dma_start3A_17 = tpu.memref_slice %arg5[%dma_start3A_15, %dma_start3A_16] : memref<32x528xf32, #tpu.memory_space<vmem>> -> memref<8x512xf32, #tpu.memory_space<vmem>>
    %dma_start3A_18 = arith.constant 8 : i32
    %dma_start3A_19 = tpu.memref_slice %arg2[%dma_start3A_18, %multiple_of3A] : memref<32x1000000xf32, #tpu.memory_space<hbm>> -> memref<8x512xf32, #tpu.memory_space<hbm>>
    %dma_start3A_20 = arith.constant 8 : i32
    %dma_start3A_21 = arith.constant 0 : i32
    %dma_start3A_22 = tpu.memref_slice %arg5[%dma_start3A_20, %dma_start3A_21] : memref<32x528xf32, #tpu.memory_space<vmem>> -> memref<8x512xf32, #tpu.memory_space<vmem>>
    %dma_start3A_23 = arith.constant 8 : i32
    %dma_start3A_24 = tpu.memref_slice %arg2[%dma_start3A_23, %multiple_of3A] : memref<32x1000000xf32, #tpu.memory_space<hbm>> -> memref<8x512xf32, #tpu.memory_space<hbm>>
    tpu.enqueue_dma source(%dma_start3A_24 : memref<8x512xf32, #tpu.memory_space<hbm>>) target(%dma_start3A_22 : memref<8x512xf32, #tpu.memory_space<vmem>>) target_semaphore(%arg9 : memref<!tpu.dma_semaphore, #tpu.memory_space<semaphore_mem>>)
    %dma_start3A_25 = arith.constant 16 : i32
    %dma_start3A_26 = arith.constant 0 : i32
    %dma_start3A_27 = tpu.memref_slice %arg5[%dma_start3A_25, %dma_start3A_26] : memref<32x528xf32, #tpu.memory_space<vmem>> -> memref<8x512xf32, #tpu.memory_space<vmem>>
    %dma_start3A_28 = arith.constant 16 : i32
    %dma_start3A_29 = tpu.memref_slice %arg2[%dma_start3A_28, %multiple_of3A] : memref<32x1000000xf32, #tpu.memory_space<hbm>> -> memref<8x512xf32, #tpu.memory_space<hbm>>
    %dma_start3A_30 = arith.constant 16 : i32
    %dma_start3A_31 = arith.constant 0 : i32
    %dma_start3A_32 = tpu.memref_slice %arg5[%dma_start3A_30, %dma_start3A_31] : memref<32x528xf32, #tpu.memory_space<vmem>> -> memref<8x512xf32, #tpu.memory_space<vmem>>
    %dma_start3A_33 = arith.constant 16 : i32
    %dma_start3A_34 = tpu.memref_slice %arg2[%dma_start3A_33, %multiple_of3A] : memref<32x1000000xf32, #tpu.memory_space<hbm>> -> memref<8x512xf32, #tpu.memory_space<hbm>>
    tpu.enqueue_dma source(%dma_start3A_34 : memref<8x512xf32, #tpu.memory_space<hbm>>) target(%dma_start3A_32 : memref<8x512xf32, #tpu.memory_space<vmem>>) target_semaphore(%arg9 : memref<!tpu.dma_semaphore, #tpu.memory_space<semaphore_mem>>)
    %dma_start3A_35 = arith.constant 24 : i32
    %dma_start3A_36 = arith.constant 0 : i32
    %dma_start3A_37 = tpu.memref_slice %arg5[%dma_start3A_35, %dma_start3A_36] : memref<32x528xf32, #tpu.memory_space<vmem>> -> memref<8x512xf32, #tpu.memory_space<vmem>>
    %dma_start3A_38 = arith.constant 24 : i32
    %dma_start3A_39 = tpu.memref_slice %arg2[%dma_start3A_38, %multiple_of3A] : memref<32x1000000xf32, #tpu.memory_space<hbm>> -> memref<8x512xf32, #tpu.memory_space<hbm>>
    %dma_start3A_40 = arith.constant 24 : i32
    %dma_start3A_41 = arith.constant 0 : i32
    %dma_start3A_42 = tpu.memref_slice %arg5[%dma_start3A_40, %dma_start3A_41] : memref<32x528xf32, #tpu.memory_space<vmem>> -> memref<8x512xf32, #tpu.memory_space<vmem>>
    %dma_start3A_43 = arith.constant 24 : i32
    %dma_start3A_44 = tpu.memref_slice %arg2[%dma_start3A_43, %multiple_of3A] : memref<32x1000000xf32, #tpu.memory_space<hbm>> -> memref<8x512xf32, #tpu.memory_space<hbm>>
    tpu.enqueue_dma source(%dma_start3A_44 : memref<8x512xf32, #tpu.memory_space<hbm>>) target(%dma_start3A_42 : memref<8x512xf32, #tpu.memory_space<vmem>>) target_semaphore(%arg9 : memref<!tpu.dma_semaphore, #tpu.memory_space<semaphore_mem>>)
    %add3A_45 = arith.constant 32 : i32
    %add3A_46 = arith.addi %add3A, %add3A_45 : i32
    %mul3A_47 = arith.constant 512 : i32
    %mul3A_48 = arith.muli %add3A_46, %mul3A_47 : i32
    %min3A_49 = arith.constant 999424 : i32
    %min3A_50 = arith.minsi %mul3A_48, %min3A_49 : i32
    %multiple_of3A_51 = tpu.assume_multiple %min3A_50, 512 : i32
    %dma_start3A_52 = arith.constant 0 : i32
    %dma_start3A_53 = arith.constant 0 : i32
    %dma_start3A_54 = tpu.memref_slice %arg6[%dma_start3A_52, %dma_start3A_53] : memref<32x528xf32, #tpu.memory_space<vmem>> -> memref<8x512xf32, #tpu.memory_space<vmem>>
    %dma_start3A_55 = arith.constant 0 : i32
    %dma_start3A_56 = tpu.memref_slice %arg2[%dma_start3A_55, %multiple_of3A_51] : memref<32x1000000xf32, #tpu.memory_space<hbm>> -> memref<8x512xf32, #tpu.memory_space<hbm>>
    %dma_start3A_57 = arith.constant 0 : i32
    %dma_start3A_58 = arith.constant 0 : i32
    %dma_start3A_59 = tpu.memref_slice %arg6[%dma_start3A_57, %dma_start3A_58] : memref<32x528xf32, #tpu.memory_space<vmem>> -> memref<8x512xf32, #tpu.memory_space<vmem>>
    %dma_start3A_60 = arith.constant 0 : i32
    %dma_start3A_61 = tpu.memref_slice %arg2[%dma_start3A_60, %multiple_of3A_51] : memref<32x1000000xf32, #tpu.memory_space<hbm>> -> memref<8x512xf32, #tpu.memory_space<hbm>>
    tpu.enqueue_dma source(%dma_start3A_61 : memref<8x512xf32, #tpu.memory_space<hbm>>) target(%dma_start3A_59 : memref<8x512xf32, #tpu.memory_space<vmem>>) target_semaphore(%arg10 : memref<!tpu.dma_semaphore, #tpu.memory_space<semaphore_mem>>)
    %dma_start3A_62 = arith.constant 8 : i32
    %dma_start3A_63 = arith.constant 0 : i32
    %dma_start3A_64 = tpu.memref_slice %arg6[%dma_start3A_62, %dma_start3A_63] : memref<32x528xf32, #tpu.memory_space<vmem>> -> memref<8x512xf32, #tpu.memory_space<vmem>>
    %dma_start3A_65 = arith.constant 8 : i32
    %dma_start3A_66 = tpu.memref_slice %arg2[%dma_start3A_65, %multiple_of3A_51] : memref<32x1000000xf32, #tpu.memory_space<hbm>> -> memref<8x512xf32, #tpu.memory_space<hbm>>
    %dma_start3A_67 = arith.constant 8 : i32
    %dma_start3A_68 = arith.constant 0 : i32
    %dma_start3A_69 = tpu.memref_slice %arg6[%dma_start3A_67, %dma_start3A_68] : memref<32x528xf32, #tpu.memory_space<vmem>> -> memref<8x512xf32, #tpu.memory_space<vmem>>
    %dma_start3A_70 = arith.constant 8 : i32
    %dma_start3A_71 = tpu.memref_slice %arg2[%dma_start3A_70, %multiple_of3A_51] : memref<32x1000000xf32, #tpu.memory_space<hbm>> -> memref<8x512xf32, #tpu.memory_space<hbm>>
    tpu.enqueue_dma source(%dma_start3A_71 : memref<8x512xf32, #tpu.memory_space<hbm>>) target(%dma_start3A_69 : memref<8x512xf32, #tpu.memory_space<vmem>>) target_semaphore(%arg10 : memref<!tpu.dma_semaphore, #tpu.memory_space<semaphore_mem>>)
    %dma_start3A_72 = arith.constant 16 : i32
    %dma_start3A_73 = arith.constant 0 : i32
    %dma_start3A_74 = tpu.memref_slice %arg6[%dma_start3A_72, %dma_start3A_73] : memref<32x528xf32, #tpu.memory_space<vmem>> -> memref<8x512xf32, #tpu.memory_space<vmem>>
    %dma_start3A_75 = arith.constant 16 : i32
    %dma_start3A_76 = tpu.memref_slice %arg2[%dma_start3A_75, %multiple_of3A_51] : memref<32x1000000xf32, #tpu.memory_space<hbm>> -> memref<8x512xf32, #tpu.memory_space<hbm>>
    %dma_start3A_77 = arith.constant 16 : i32
    %dma_start3A_78 = arith.constant 0 : i32
    %dma_start3A_79 = tpu.memref_slice %arg6[%dma_start3A_77, %dma_start3A_78] : memref<32x528xf32, #tpu.memory_space<vmem>> -> memref<8x512xf32, #tpu.memory_space<vmem>>
    %dma_start3A_80 = arith.constant 16 : i32
    %dma_start3A_81 = tpu.memref_slice %arg2[%dma_start3A_80, %multiple_of3A_51] : memref<32x1000000xf32, #tpu.memory_space<hbm>> -> memref<8x512xf32, #tpu.memory_space<hbm>>
    tpu.enqueue_dma source(%dma_start3A_81 : memref<8x512xf32, #tpu.memory_space<hbm>>) target(%dma_start3A_79 : memref<8x512xf32, #tpu.memory_space<vmem>>) target_semaphore(%arg10 : memref<!tpu.dma_semaphore, #tpu.memory_space<semaphore_mem>>)
    %dma_start3A_82 = arith.constant 24 : i32
    %dma_start3A_83 = arith.constant 0 : i32
    %dma_start3A_84 = tpu.memref_slice %arg6[%dma_start3A_82, %dma_start3A_83] : memref<32x528xf32, #tpu.memory_space<vmem>> -> memref<8x512xf32, #tpu.memory_space<vmem>>
    %dma_start3A_85 = arith.constant 24 : i32
    %dma_start3A_86 = tpu.memref_slice %arg2[%dma_start3A_85, %multiple_of3A_51] : memref<32x1000000xf32, #tpu.memory_space<hbm>> -> memref<8x512xf32, #tpu.memory_space<hbm>>
    %dma_start3A_87 = arith.constant 24 : i32
    %dma_start3A_88 = arith.constant 0 : i32
    %dma_start3A_89 = tpu.memref_slice %arg6[%dma_start3A_87, %dma_start3A_88] : memref<32x528xf32, #tpu.memory_space<vmem>> -> memref<8x512xf32, #tpu.memory_space<vmem>>
    %dma_start3A_90 = arith.constant 24 : i32
    %dma_start3A_91 = tpu.memref_slice %arg2[%dma_start3A_90, %multiple_of3A_51] : memref<32x1000000xf32, #tpu.memory_space<hbm>> -> memref<8x512xf32, #tpu.memory_space<hbm>>
    tpu.enqueue_dma source(%dma_start3A_91 : memref<8x512xf32, #tpu.memory_space<hbm>>) target(%dma_start3A_89 : memref<8x512xf32, #tpu.memory_space<vmem>>) target_semaphore(%arg10 : memref<!tpu.dma_semaphore, #tpu.memory_space<semaphore_mem>>)
    %scan3A = arith.constant 0 : i32
    %scan3A_92 = arith.constant 0 : i32
    %scan3A_93 = arith.constant 31 : i32
    %scan3A_94 = arith.addi %scan3A_92, %scan3A_93 : i32
    %scan3A_95 = arith.constant 1 : i32
    scf.for %scan3A_110 = %scan3A_92 to %scan3A_94 step %scan3A_95  : i32 {
      %mul3A_111 = arith.constant 2 : i32
      %mul3A_112 = arith.muli %mul3A_111, %scan3A_110 : i32
      %mul3A_113 = arith.constant 2 : i32
      %mul3A_114 = arith.muli %mul3A_113, %scan3A_110 : i32
      %add3A_115 = arith.constant 1 : i32
      %add3A_116 = arith.addi %mul3A_114, %add3A_115 : i32
      %dma_wait3A_117 = arith.constant 0 : i32
      %dma_wait3A_118 = arith.constant 0 : i32
      %dma_wait3A_119 = tpu.memref_slice %arg5[%dma_wait3A_117, %dma_wait3A_118] : memref<32x528xf32, #tpu.memory_space<vmem>> -> memref<8x512xf32, #tpu.memory_space<vmem>>
      %dma_wait3A_120 = arith.constant 0 : i32
      %dma_wait3A_121 = arith.constant 0 : i32
      %dma_wait3A_122 = tpu.memref_slice %arg2[%dma_wait3A_120, %dma_wait3A_121] : memref<32x1000000xf32, #tpu.memory_space<hbm>> -> memref<8x512xf32, #tpu.memory_space<hbm>>
      %dma_wait3A_123 = arith.constant 0 : i32
      %dma_wait3A_124 = arith.constant 0 : i32
      %dma_wait3A_125 = tpu.memref_slice %arg5[%dma_wait3A_123, %dma_wait3A_124] : memref<32x528xf32, #tpu.memory_space<vmem>> -> memref<8x512xf32, #tpu.memory_space<vmem>>
      %dma_wait3A_126 = arith.constant 0 : i32
      %dma_wait3A_127 = arith.constant 0 : i32
      %dma_wait3A_128 = tpu.memref_slice %arg2[%dma_wait3A_126, %dma_wait3A_127] : memref<32x1000000xf32, #tpu.memory_space<hbm>> -> memref<8x512xf32, #tpu.memory_space<hbm>>
      tpu.wait_dma2 semaphore(%arg9 : memref<!tpu.dma_semaphore, #tpu.memory_space<semaphore_mem>>) src(%dma_wait3A_128 : memref<8x512xf32, #tpu.memory_space<hbm>>) dst(%dma_wait3A_125 : memref<8x512xf32, #tpu.memory_space<vmem>>)
      %dma_wait3A_129 = arith.constant 8 : i32
      %dma_wait3A_130 = arith.constant 0 : i32
      %dma_wait3A_131 = tpu.memref_slice %arg5[%dma_wait3A_129, %dma_wait3A_130] : memref<32x528xf32, #tpu.memory_space<vmem>> -> memref<8x512xf32, #tpu.memory_space<vmem>>
      %dma_wait3A_132 = arith.constant 8 : i32
      %dma_wait3A_133 = arith.constant 0 : i32
      %dma_wait3A_134 = tpu.memref_slice %arg2[%dma_wait3A_132, %dma_wait3A_133] : memref<32x1000000xf32, #tpu.memory_space<hbm>> -> memref<8x512xf32, #tpu.memory_space<hbm>>
      %dma_wait3A_135 = arith.constant 8 : i32
      %dma_wait3A_136 = arith.constant 0 : i32
      %dma_wait3A_137 = tpu.memref_slice %arg5[%dma_wait3A_135, %dma_wait3A_136] : memref<32x528xf32, #tpu.memory_space<vmem>> -> memref<8x512xf32, #tpu.memory_space<vmem>>
      %dma_wait3A_138 = arith.constant 8 : i32
      %dma_wait3A_139 = arith.constant 0 : i32
      %dma_wait3A_140 = tpu.memref_slice %arg2[%dma_wait3A_138, %dma_wait3A_139] : memref<32x1000000xf32, #tpu.memory_space<hbm>> -> memref<8x512xf32, #tpu.memory_space<hbm>>
      tpu.wait_dma2 semaphore(%arg9 : memref<!tpu.dma_semaphore, #tpu.memory_space<semaphore_mem>>) src(%dma_wait3A_140 : memref<8x512xf32, #tpu.memory_space<hbm>>) dst(%dma_wait3A_137 : memref<8x512xf32, #tpu.memory_space<vmem>>)
      %dma_wait3A_141 = arith.constant 16 : i32
      %dma_wait3A_142 = arith.constant 0 : i32
      %dma_wait3A_143 = tpu.memref_slice %arg5[%dma_wait3A_141, %dma_wait3A_142] : memref<32x528xf32, #tpu.memory_space<vmem>> -> memref<8x512xf32, #tpu.memory_space<vmem>>
      %dma_wait3A_144 = arith.constant 16 : i32
      %dma_wait3A_145 = arith.constant 0 : i32
      %dma_wait3A_146 = tpu.memref_slice %arg2[%dma_wait3A_144, %dma_wait3A_145] : memref<32x1000000xf32, #tpu.memory_space<hbm>> -> memref<8x512xf32, #tpu.memory_space<hbm>>
      %dma_wait3A_147 = arith.constant 16 : i32
      %dma_wait3A_148 = arith.constant 0 : i32
      %dma_wait3A_149 = tpu.memref_slice %arg5[%dma_wait3A_147, %dma_wait3A_148] : memref<32x528xf32, #tpu.memory_space<vmem>> -> memref<8x512xf32, #tpu.memory_space<vmem>>
      %dma_wait3A_150 = arith.constant 16 : i32
      %dma_wait3A_151 = arith.constant 0 : i32
      %dma_wait3A_152 = tpu.memref_slice %arg2[%dma_wait3A_150, %dma_wait3A_151] : memref<32x1000000xf32, #tpu.memory_space<hbm>> -> memref<8x512xf32, #tpu.memory_space<hbm>>
      tpu.wait_dma2 semaphore(%arg9 : memref<!tpu.dma_semaphore, #tpu.memory_space<semaphore_mem>>) src(%dma_wait3A_152 : memref<8x512xf32, #tpu.memory_space<hbm>>) dst(%dma_wait3A_149 : memref<8x512xf32, #tpu.memory_space<vmem>>)
      %dma_wait3A_153 = arith.constant 24 : i32
      %dma_wait3A_154 = arith.constant 0 : i32
      %dma_wait3A_155 = tpu.memref_slice %arg5[%dma_wait3A_153, %dma_wait3A_154] : memref<32x528xf32, #tpu.memory_space<vmem>> -> memref<8x512xf32, #tpu.memory_space<vmem>>
      %dma_wait3A_156 = arith.constant 24 : i32
      %dma_wait3A_157 = arith.constant 0 : i32
      %dma_wait3A_158 = tpu.memref_slice %arg2[%dma_wait3A_156, %dma_wait3A_157] : memref<32x1000000xf32, #tpu.memory_space<hbm>> -> memref<8x512xf32, #tpu.memory_space<hbm>>
      %dma_wait3A_159 = arith.constant 24 : i32
      %dma_wait3A_160 = arith.constant 0 : i32
      %dma_wait3A_161 = tpu.memref_slice %arg5[%dma_wait3A_159, %dma_wait3A_160] : memref<32x528xf32, #tpu.memory_space<vmem>> -> memref<8x512xf32, #tpu.memory_space<vmem>>
      %dma_wait3A_162 = arith.constant 24 : i32
      %dma_wait3A_163 = arith.constant 0 : i32
      %dma_wait3A_164 = tpu.memref_slice %arg2[%dma_wait3A_162, %dma_wait3A_163] : memref<32x1000000xf32, #tpu.memory_space<hbm>> -> memref<8x512xf32, #tpu.memory_space<hbm>>
      tpu.wait_dma2 semaphore(%arg9 : memref<!tpu.dma_semaphore, #tpu.memory_space<semaphore_mem>>) src(%dma_wait3A_164 : memref<8x512xf32, #tpu.memory_space<hbm>>) dst(%dma_wait3A_161 : memref<8x512xf32, #tpu.memory_space<vmem>>)
      %gt3A = arith.constant 0 : i32
      %gt3A_165 = arith.cmpi sgt, %scan3A_110, %gt3A : i32
      %convert_element_type3A_166 = arith.extui %gt3A_165 : i1 to i32
      %cond3A_167 = arith.constant 0 : i32
      %cond3A_168 = arith.cmpi ne, %convert_element_type3A_166, %cond3A_167 : i32
      scf.if %cond3A_168 {
        %dma_wait3A_306 = arith.constant 0 : i32
        %dma_wait3A_307 = arith.constant 0 : i32
        %dma_wait3A_308 = tpu.memref_slice %arg4[%dma_wait3A_306, %dma_wait3A_307] : memref<250016x128xf32, #tpu.memory_space<hbm>> -> memref<128x128xf32, #tpu.memory_space<hbm>>
        %dma_wait3A_309 = arith.constant 0 : i32
        %dma_wait3A_310 = arith.constant 0 : i32
        %dma_wait3A_311 = tpu.memref_slice %arg4[%dma_wait3A_309, %dma_wait3A_310] : memref<250016x128xf32, #tpu.memory_space<hbm>> -> memref<128x128xf32, #tpu.memory_space<hbm>>
        tpu.wait_dma2 semaphore(%arg11 : memref<!tpu.dma_semaphore, #tpu.memory_space<semaphore_mem>>) src(%arg7 : memref<128x128xf32, #tpu.memory_space<vmem>>) dst(%dma_wait3A_311 : memref<128x128xf32, #tpu.memory_space<hbm>>)
      } else {
      }
      %parallel_loop3A = arith.constant 0 : i32
      %parallel_loop3A_169 = arith.constant 512 : i32
      %parallel_loop3A_170 = arith.constant 1 : i32
      scf.for %parallel_loop3A_306 = %parallel_loop3A to %parallel_loop3A_169 step %parallel_loop3A_170  : i32 {
        %parallel_loop3A_307 = arith.constant 4 : i32
        %parallel_loop3A_308 = arith.divsi %parallel_loop3A_306, %parallel_loop3A_307 : i32
        %parallel_loop3A_309 = arith.constant 0 : i32
        %parallel_loop3A_310 = arith.cmpi sgt, %parallel_loop3A_306, %parallel_loop3A_309 : i32
        %parallel_loop3A_311 = arith.extui %parallel_loop3A_310 : i1 to i32
        %parallel_loop3A_312 = arith.constant 0 : i32
        %parallel_loop3A_313 = arith.cmpi slt, %parallel_loop3A_306, %parallel_loop3A_312 : i32
        %parallel_loop3A_314 = arith.extui %parallel_loop3A_313 : i1 to i32
        %parallel_loop3A_315 = arith.subi %parallel_loop3A_311, %parallel_loop3A_314 : i32
        %parallel_loop3A_316 = arith.constant 0 : i32
        %parallel_loop3A_317 = arith.cmpi sgt, %parallel_loop3A_307, %parallel_loop3A_316 : i32
        %parallel_loop3A_318 = arith.extui %parallel_loop3A_317 : i1 to i32
        %parallel_loop3A_319 = arith.constant 0 : i32
        %parallel_loop3A_320 = arith.cmpi slt, %parallel_loop3A_307, %parallel_loop3A_319 : i32
        %parallel_loop3A_321 = arith.extui %parallel_loop3A_320 : i1 to i32
        %parallel_loop3A_322 = arith.subi %parallel_loop3A_318, %parallel_loop3A_321 : i32
        %parallel_loop3A_323 = arith.cmpi ne, %parallel_loop3A_315, %parallel_loop3A_322 : i32
        %parallel_loop3A_324 = arith.remsi %parallel_loop3A_306, %parallel_loop3A_307 : i32
        %parallel_loop3A_325 = arith.constant 0 : i32
        %parallel_loop3A_326 = arith.cmpi ne, %parallel_loop3A_324, %parallel_loop3A_325 : i32
        %parallel_loop3A_327 = arith.andi %parallel_loop3A_323, %parallel_loop3A_326 : i1
        %parallel_loop3A_328 = arith.constant 1 : i32
        %parallel_loop3A_329 = arith.subi %parallel_loop3A_308, %parallel_loop3A_328 : i32
        %parallel_loop3A_330 = arith.select %parallel_loop3A_327, %parallel_loop3A_329, %parallel_loop3A_308 : i32
        %parallel_loop3A_331 = arith.constant 4 : i32
        %parallel_loop3A_332 = arith.constant 0 : i32
        %parallel_loop3A_333 = arith.cmpi eq, %parallel_loop3A_331, %parallel_loop3A_332 : i32
        %parallel_loop3A_334 = arith.constant 1 : i32
        %parallel_loop3A_335 = arith.select %parallel_loop3A_333, %parallel_loop3A_334, %parallel_loop3A_331 : i32
        %parallel_loop3A_336 = arith.remsi %parallel_loop3A_306, %parallel_loop3A_335 : i32
        %parallel_loop3A_337 = arith.constant 0 : i32
        %parallel_loop3A_338 = arith.cmpi ne, %parallel_loop3A_336, %parallel_loop3A_337 : i32
        %parallel_loop3A_339 = arith.constant 0 : i32
        %parallel_loop3A_340 = arith.cmpi slt, %parallel_loop3A_336, %parallel_loop3A_339 : i32
        %parallel_loop3A_341 = arith.constant 0 : i32
        %parallel_loop3A_342 = arith.cmpi slt, %parallel_loop3A_335, %parallel_loop3A_341 : i32
        %parallel_loop3A_343 = arith.xori %parallel_loop3A_340, %parallel_loop3A_342 : i1
        %parallel_loop3A_344 = arith.andi %parallel_loop3A_343, %parallel_loop3A_338 : i1
        %parallel_loop3A_345 = arith.addi %parallel_loop3A_336, %parallel_loop3A_335 : i32
        %parallel_loop3A_346 = arith.select %parallel_loop3A_344, %parallel_loop3A_345, %parallel_loop3A_336 : i32
        %parallel_loop3A_347 = arith.constant 32 : i32
        %parallel_loop3A_348 = arith.muli %parallel_loop3A_346, %parallel_loop3A_347 : i32
        %parallel_loop3A_349 = tpu.iota {dimensions = array<i32: 0>} : vector<16xi32>
        %parallel_loop3A_350 = arith.constant 0 : i32
        %parallel_loop3A_351 = vector.broadcast %parallel_loop3A_350 : i32 to vector<16xi32>
        %parallel_loop3A_352 = arith.addi %parallel_loop3A_349, %parallel_loop3A_351 : vector<16xi32>
        %parallel_loop3A_353 = arith.constant 0 : i32
        %parallel_loop3A_354 = vector.broadcast %parallel_loop3A_353 : i32 to vector<16xi32>
        %parallel_loop3A_355 = vector.broadcast %parallel_loop3A_306 : i32 to vector<16xi32>
        %parallel_loop3A_356 = arith.addi %parallel_loop3A_354, %parallel_loop3A_355 : vector<16xi32>
        %parallel_loop3A_357 = tpu.vector_load_idx %arg5[%parallel_loop3A_352, %parallel_loop3A_356] : memref<32x528xf32, #tpu.memory_space<vmem>>[vector<16xi32>, vector<16xi32>], vector<16xf32>,
        %parallel_loop3A_358 = arith.constant 0 : i32
        %parallel_loop3A_359 = arith.addi %parallel_loop3A_348, %parallel_loop3A_358 : i32
        %parallel_loop3A_360 = arith.index_cast %parallel_loop3A_330 : i32 to index
        %parallel_loop3A_361 = arith.index_cast %parallel_loop3A_359 : i32 to index
        %parallel_loop3A_362 = tpu.vector_load %arg7[%parallel_loop3A_360, %parallel_loop3A_361] {strides = array<i32>} : memref<128x128xf32, #tpu.memory_space<vmem>>, vector<16xf32>,
        tpu.vector_store %arg7[%parallel_loop3A_360, %parallel_loop3A_361], %parallel_loop3A_357 {strides = array<i32>} : memref<128x128xf32, #tpu.memory_space<vmem>>, vector<16xf32>,
        %parallel_loop3A_363 = tpu.iota {dimensions = array<i32: 0>} : vector<16xi32>
        %parallel_loop3A_364 = arith.constant 16 : i32
        %parallel_loop3A_365 = vector.broadcast %parallel_loop3A_364 : i32 to vector<16xi32>
        %parallel_loop3A_366 = arith.addi %parallel_loop3A_363, %parallel_loop3A_365 : vector<16xi32>
        %parallel_loop3A_367 = arith.constant 0 : i32
        %parallel_loop3A_368 = vector.broadcast %parallel_loop3A_367 : i32 to vector<16xi32>
        %parallel_loop3A_369 = vector.broadcast %parallel_loop3A_306 : i32 to vector<16xi32>
        %parallel_loop3A_370 = arith.addi %parallel_loop3A_368, %parallel_loop3A_369 : vector<16xi32>
        %parallel_loop3A_371 = tpu.vector_load_idx %arg5[%parallel_loop3A_366, %parallel_loop3A_370] : memref<32x528xf32, #tpu.memory_space<vmem>>[vector<16xi32>, vector<16xi32>], vector<16xf32>,
        %parallel_loop3A_372 = arith.constant 16 : i32
        %parallel_loop3A_373 = arith.addi %parallel_loop3A_348, %parallel_loop3A_372 : i32
        %parallel_loop3A_374 = arith.index_cast %parallel_loop3A_330 : i32 to index
        %parallel_loop3A_375 = arith.index_cast %parallel_loop3A_373 : i32 to index
        %parallel_loop3A_376 = tpu.vector_load %arg7[%parallel_loop3A_374, %parallel_loop3A_375] {strides = array<i32>} : memref<128x128xf32, #tpu.memory_space<vmem>>, vector<16xf32>,
        tpu.vector_store %arg7[%parallel_loop3A_374, %parallel_loop3A_375], %parallel_loop3A_371 {strides = array<i32>} : memref<128x128xf32, #tpu.memory_space<vmem>>, vector<16xf32>,
      } {sc.loop_unroll_factor = 16 : i64, sc.parallel_access}
      %mul3A_171 = arith.constant 32 : i32
      %mul3A_172 = arith.muli %mul3A_171, %mul3A_112 : i32
      %add3A_173 = arith.addi %add3A, %mul3A_172 : i32
      %mul3A_174 = arith.constant 512 : i32
      %mul3A_175 = arith.muli %add3A_173, %mul3A_174 : i32
      %min3A_176 = arith.constant 999424 : i32
      %min3A_177 = arith.minsi %mul3A_175, %min3A_176 : i32
      %multiple_of3A_178 = tpu.assume_multiple %min3A_177, 512 : i32
      %jit3A = arith.constant 4 : i32
      %div3A = arith.divsi %multiple_of3A_178, %jit3A : i32
      %sign3A = arith.constant 0 : i32
      %sign3A_179 = arith.cmpi sgt, %multiple_of3A_178, %sign3A : i32
      %sign3A_180 = arith.extui %sign3A_179 : i1 to i32
      %sign3A_181 = arith.constant 0 : i32
      %sign3A_182 = arith.cmpi slt, %multiple_of3A_178, %sign3A_181 : i32
      %sign3A_183 = arith.extui %sign3A_182 : i1 to i32
      %sign3A_184 = arith.subi %sign3A_180, %sign3A_183 : i32
      %sign3A_185 = arith.constant 0 : i32
      %sign3A_186 = arith.cmpi sgt, %jit3A, %sign3A_185 : i32
      %sign3A_187 = arith.extui %sign3A_186 : i1 to i32
      %sign3A_188 = arith.constant 0 : i32
      %sign3A_189 = arith.cmpi slt, %jit3A, %sign3A_188 : i32
      %sign3A_190 = arith.extui %sign3A_189 : i1 to i32
      %sign3A_191 = arith.subi %sign3A_187, %sign3A_190 : i32
      %ne3A = arith.cmpi ne, %sign3A_184, %sign3A_191 : i32
      %rem3A = arith.remsi %multiple_of3A_178, %jit3A : i32
      %ne3A_192 = arith.constant 0 : i32
      %ne3A_193 = arith.cmpi ne, %rem3A, %ne3A_192 : i32
      %and3A = arith.andi %ne3A, %ne3A_193 : i1
      %sub3A = arith.constant 1 : i32
      %sub3A_194 = arith.subi %div3A, %sub3A : i32
      %select_n3A = arith.select %and3A, %sub3A_194, %div3A : i32
      %multiple_of3A_195 = tpu.assume_multiple %select_n3A, 128 : i32
      %dma_start3A_196 = arith.constant 0 : i32
      %dma_start3A_197 = tpu.memref_slice %arg4[%multiple_of3A_195, %dma_start3A_196] : memref<250016x128xf32, #tpu.memory_space<hbm>> -> memref<128x128xf32, #tpu.memory_space<hbm>>
      %dma_start3A_198 = arith.constant 0 : i32
      %dma_start3A_199 = tpu.memref_slice %arg4[%multiple_of3A_195, %dma_start3A_198] : memref<250016x128xf32, #tpu.memory_space<hbm>> -> memref<128x128xf32, #tpu.memory_space<hbm>>
      tpu.enqueue_dma source(%arg7 : memref<128x128xf32, #tpu.memory_space<vmem>>) target(%dma_start3A_199 : memref<128x128xf32, #tpu.memory_space<hbm>>) target_semaphore(%arg11 : memref<!tpu.dma_semaphore, #tpu.memory_space<semaphore_mem>>)
      %add3A_200 = arith.constant 2 : i32
      %add3A_201 = arith.addi %mul3A_112, %add3A_200 : i32
      %lt3A = arith.constant 62 : i32
      %lt3A_202 = arith.cmpi slt, %add3A_201, %lt3A : i32
      %convert_element_type3A_203 = arith.extui %lt3A_202 : i1 to i32
      %cond3A_204 = arith.constant 0 : i32
      %cond3A_205 = arith.cmpi ne, %convert_element_type3A_203, %cond3A_204 : i32
      scf.if %cond3A_205 {
        %add3A_306 = arith.constant 2 : i32
        %add3A_307 = arith.addi %mul3A_112, %add3A_306 : i32
        %mul3A_308 = arith.constant 32 : i32
        %mul3A_309 = arith.muli %mul3A_308, %add3A_307 : i32
        %add3A_310 = arith.addi %add3A, %mul3A_309 : i32
        %mul3A_311 = arith.constant 512 : i32
        %mul3A_312 = arith.muli %add3A_310, %mul3A_311 : i32
        %min3A_313 = arith.constant 999424 : i32
        %min3A_314 = arith.minsi %mul3A_312, %min3A_313 : i32
        %multiple_of3A_315 = tpu.assume_multiple %min3A_314, 512 : i32
        %dma_start3A_316 = arith.constant 0 : i32
        %dma_start3A_317 = arith.constant 0 : i32
        %dma_start3A_318 = tpu.memref_slice %arg5[%dma_start3A_316, %dma_start3A_317] : memref<32x528xf32, #tpu.memory_space<vmem>> -> memref<8x512xf32, #tpu.memory_space<vmem>>
        %dma_start3A_319 = arith.constant 0 : i32
        %dma_start3A_320 = tpu.memref_slice %arg2[%dma_start3A_319, %multiple_of3A_315] : memref<32x1000000xf32, #tpu.memory_space<hbm>> -> memref<8x512xf32, #tpu.memory_space<hbm>>
        %dma_start3A_321 = arith.constant 0 : i32
        %dma_start3A_322 = arith.constant 0 : i32
        %dma_start3A_323 = tpu.memref_slice %arg5[%dma_start3A_321, %dma_start3A_322] : memref<32x528xf32, #tpu.memory_space<vmem>> -> memref<8x512xf32, #tpu.memory_space<vmem>>
        %dma_start3A_324 = arith.constant 0 : i32
        %dma_start3A_325 = tpu.memref_slice %arg2[%dma_start3A_324, %multiple_of3A_315] : memref<32x1000000xf32, #tpu.memory_space<hbm>> -> memref<8x512xf32, #tpu.memory_space<hbm>>
        tpu.enqueue_dma source(%dma_start3A_325 : memref<8x512xf32, #tpu.memory_space<hbm>>) target(%dma_start3A_323 : memref<8x512xf32, #tpu.memory_space<vmem>>) target_semaphore(%arg9 : memref<!tpu.dma_semaphore, #tpu.memory_space<semaphore_mem>>)
        %dma_start3A_326 = arith.constant 8 : i32
        %dma_start3A_327 = arith.constant 0 : i32
        %dma_start3A_328 = tpu.memref_slice %arg5[%dma_start3A_326, %dma_start3A_327] : memref<32x528xf32, #tpu.memory_space<vmem>> -> memref<8x512xf32, #tpu.memory_space<vmem>>
        %dma_start3A_329 = arith.constant 8 : i32
        %dma_start3A_330 = tpu.memref_slice %arg2[%dma_start3A_329, %multiple_of3A_315] : memref<32x1000000xf32, #tpu.memory_space<hbm>> -> memref<8x512xf32, #tpu.memory_space<hbm>>
        %dma_start3A_331 = arith.constant 8 : i32
        %dma_start3A_332 = arith.constant 0 : i32
        %dma_start3A_333 = tpu.memref_slice %arg5[%dma_start3A_331, %dma_start3A_332] : memref<32x528xf32, #tpu.memory_space<vmem>> -> memref<8x512xf32, #tpu.memory_space<vmem>>
        %dma_start3A_334 = arith.constant 8 : i32
        %dma_start3A_335 = tpu.memref_slice %arg2[%dma_start3A_334, %multiple_of3A_315] : memref<32x1000000xf32, #tpu.memory_space<hbm>> -> memref<8x512xf32, #tpu.memory_space<hbm>>
        tpu.enqueue_dma source(%dma_start3A_335 : memref<8x512xf32, #tpu.memory_space<hbm>>) target(%dma_start3A_333 : memref<8x512xf32, #tpu.memory_space<vmem>>) target_semaphore(%arg9 : memref<!tpu.dma_semaphore, #tpu.memory_space<semaphore_mem>>)
        %dma_start3A_336 = arith.constant 16 : i32
        %dma_start3A_337 = arith.constant 0 : i32
        %dma_start3A_338 = tpu.memref_slice %arg5[%dma_start3A_336, %dma_start3A_337] : memref<32x528xf32, #tpu.memory_space<vmem>> -> memref<8x512xf32, #tpu.memory_space<vmem>>
        %dma_start3A_339 = arith.constant 16 : i32
        %dma_start3A_340 = tpu.memref_slice %arg2[%dma_start3A_339, %multiple_of3A_315] : memref<32x1000000xf32, #tpu.memory_space<hbm>> -> memref<8x512xf32, #tpu.memory_space<hbm>>
        %dma_start3A_341 = arith.constant 16 : i32
        %dma_start3A_342 = arith.constant 0 : i32
        %dma_start3A_343 = tpu.memref_slice %arg5[%dma_start3A_341, %dma_start3A_342] : memref<32x528xf32, #tpu.memory_space<vmem>> -> memref<8x512xf32, #tpu.memory_space<vmem>>
        %dma_start3A_344 = arith.constant 16 : i32
        %dma_start3A_345 = tpu.memref_slice %arg2[%dma_start3A_344, %multiple_of3A_315] : memref<32x1000000xf32, #tpu.memory_space<hbm>> -> memref<8x512xf32, #tpu.memory_space<hbm>>
        tpu.enqueue_dma source(%dma_start3A_345 : memref<8x512xf32, #tpu.memory_space<hbm>>) target(%dma_start3A_343 : memref<8x512xf32, #tpu.memory_space<vmem>>) target_semaphore(%arg9 : memref<!tpu.dma_semaphore, #tpu.memory_space<semaphore_mem>>)
        %dma_start3A_346 = arith.constant 24 : i32
        %dma_start3A_347 = arith.constant 0 : i32
        %dma_start3A_348 = tpu.memref_slice %arg5[%dma_start3A_346, %dma_start3A_347] : memref<32x528xf32, #tpu.memory_space<vmem>> -> memref<8x512xf32, #tpu.memory_space<vmem>>
        %dma_start3A_349 = arith.constant 24 : i32
        %dma_start3A_350 = tpu.memref_slice %arg2[%dma_start3A_349, %multiple_of3A_315] : memref<32x1000000xf32, #tpu.memory_space<hbm>> -> memref<8x512xf32, #tpu.memory_space<hbm>>
        %dma_start3A_351 = arith.constant 24 : i32
        %dma_start3A_352 = arith.constant 0 : i32
        %dma_start3A_353 = tpu.memref_slice %arg5[%dma_start3A_351, %dma_start3A_352] : memref<32x528xf32, #tpu.memory_space<vmem>> -> memref<8x512xf32, #tpu.memory_space<vmem>>
        %dma_start3A_354 = arith.constant 24 : i32
        %dma_start3A_355 = tpu.memref_slice %arg2[%dma_start3A_354, %multiple_of3A_315] : memref<32x1000000xf32, #tpu.memory_space<hbm>> -> memref<8x512xf32, #tpu.memory_space<hbm>>
        tpu.enqueue_dma source(%dma_start3A_355 : memref<8x512xf32, #tpu.memory_space<hbm>>) target(%dma_start3A_353 : memref<8x512xf32, #tpu.memory_space<vmem>>) target_semaphore(%arg9 : memref<!tpu.dma_semaphore, #tpu.memory_space<semaphore_mem>>)
      } else {
      }
      %dma_wait3A_206 = arith.constant 0 : i32
      %dma_wait3A_207 = arith.constant 0 : i32
      %dma_wait3A_208 = tpu.memref_slice %arg6[%dma_wait3A_206, %dma_wait3A_207] : memref<32x528xf32, #tpu.memory_space<vmem>> -> memref<8x512xf32, #tpu.memory_space<vmem>>
      %dma_wait3A_209 = arith.constant 0 : i32
      %dma_wait3A_210 = arith.constant 0 : i32
      %dma_wait3A_211 = tpu.memref_slice %arg2[%dma_wait3A_209, %dma_wait3A_210] : memref<32x1000000xf32, #tpu.memory_space<hbm>> -> memref<8x512xf32, #tpu.memory_space<hbm>>
      %dma_wait3A_212 = arith.constant 0 : i32
      %dma_wait3A_213 = arith.constant 0 : i32
      %dma_wait3A_214 = tpu.memref_slice %arg6[%dma_wait3A_212, %dma_wait3A_213] : memref<32x528xf32, #tpu.memory_space<vmem>> -> memref<8x512xf32, #tpu.memory_space<vmem>>
      %dma_wait3A_215 = arith.constant 0 : i32
      %dma_wait3A_216 = arith.constant 0 : i32
      %dma_wait3A_217 = tpu.memref_slice %arg2[%dma_wait3A_215, %dma_wait3A_216] : memref<32x1000000xf32, #tpu.memory_space<hbm>> -> memref<8x512xf32, #tpu.memory_space<hbm>>
      tpu.wait_dma2 semaphore(%arg10 : memref<!tpu.dma_semaphore, #tpu.memory_space<semaphore_mem>>) src(%dma_wait3A_217 : memref<8x512xf32, #tpu.memory_space<hbm>>) dst(%dma_wait3A_214 : memref<8x512xf32, #tpu.memory_space<vmem>>)
      %dma_wait3A_218 = arith.constant 8 : i32
      %dma_wait3A_219 = arith.constant 0 : i32
      %dma_wait3A_220 = tpu.memref_slice %arg6[%dma_wait3A_218, %dma_wait3A_219] : memref<32x528xf32, #tpu.memory_space<vmem>> -> memref<8x512xf32, #tpu.memory_space<vmem>>
      %dma_wait3A_221 = arith.constant 8 : i32
      %dma_wait3A_222 = arith.constant 0 : i32
      %dma_wait3A_223 = tpu.memref_slice %arg2[%dma_wait3A_221, %dma_wait3A_222] : memref<32x1000000xf32, #tpu.memory_space<hbm>> -> memref<8x512xf32, #tpu.memory_space<hbm>>
      %dma_wait3A_224 = arith.constant 8 : i32
      %dma_wait3A_225 = arith.constant 0 : i32
      %dma_wait3A_226 = tpu.memref_slice %arg6[%dma_wait3A_224, %dma_wait3A_225] : memref<32x528xf32, #tpu.memory_space<vmem>> -> memref<8x512xf32, #tpu.memory_space<vmem>>
      %dma_wait3A_227 = arith.constant 8 : i32
      %dma_wait3A_228 = arith.constant 0 : i32
      %dma_wait3A_229 = tpu.memref_slice %arg2[%dma_wait3A_227, %dma_wait3A_228] : memref<32x1000000xf32, #tpu.memory_space<hbm>> -> memref<8x512xf32, #tpu.memory_space<hbm>>
      tpu.wait_dma2 semaphore(%arg10 : memref<!tpu.dma_semaphore, #tpu.memory_space<semaphore_mem>>) src(%dma_wait3A_229 : memref<8x512xf32, #tpu.memory_space<hbm>>) dst(%dma_wait3A_226 : memref<8x512xf32, #tpu.memory_space<vmem>>)
      %dma_wait3A_230 = arith.constant 16 : i32
      %dma_wait3A_231 = arith.constant 0 : i32
      %dma_wait3A_232 = tpu.memref_slice %arg6[%dma_wait3A_230, %dma_wait3A_231] : memref<32x528xf32, #tpu.memory_space<vmem>> -> memref<8x512xf32, #tpu.memory_space<vmem>>
      %dma_wait3A_233 = arith.constant 16 : i32
      %dma_wait3A_234 = arith.constant 0 : i32
      %dma_wait3A_235 = tpu.memref_slice %arg2[%dma_wait3A_233, %dma_wait3A_234] : memref<32x1000000xf32, #tpu.memory_space<hbm>> -> memref<8x512xf32, #tpu.memory_space<hbm>>
      %dma_wait3A_236 = arith.constant 16 : i32
      %dma_wait3A_237 = arith.constant 0 : i32
      %dma_wait3A_238 = tpu.memref_slice %arg6[%dma_wait3A_236, %dma_wait3A_237] : memref<32x528xf32, #tpu.memory_space<vmem>> -> memref<8x512xf32, #tpu.memory_space<vmem>>
      %dma_wait3A_239 = arith.constant 16 : i32
      %dma_wait3A_240 = arith.constant 0 : i32
      %dma_wait3A_241 = tpu.memref_slice %arg2[%dma_wait3A_239, %dma_wait3A_240] : memref<32x1000000xf32, #tpu.memory_space<hbm>> -> memref<8x512xf32, #tpu.memory_space<hbm>>
      tpu.wait_dma2 semaphore(%arg10 : memref<!tpu.dma_semaphore, #tpu.memory_space<semaphore_mem>>) src(%dma_wait3A_241 : memref<8x512xf32, #tpu.memory_space<hbm>>) dst(%dma_wait3A_238 : memref<8x512xf32, #tpu.memory_space<vmem>>)
      %dma_wait3A_242 = arith.constant 24 : i32
      %dma_wait3A_243 = arith.constant 0 : i32
      %dma_wait3A_244 = tpu.memref_slice %arg6[%dma_wait3A_242, %dma_wait3A_243] : memref<32x528xf32, #tpu.memory_space<vmem>> -> memref<8x512xf32, #tpu.memory_space<vmem>>
      %dma_wait3A_245 = arith.constant 24 : i32
      %dma_wait3A_246 = arith.constant 0 : i32
      %dma_wait3A_247 = tpu.memref_slice %arg2[%dma_wait3A_245, %dma_wait3A_246] : memref<32x1000000xf32, #tpu.memory_space<hbm>> -> memref<8x512xf32, #tpu.memory_space<hbm>>
      %dma_wait3A_248 = arith.constant 24 : i32
      %dma_wait3A_249 = arith.constant 0 : i32
      %dma_wait3A_250 = tpu.memref_slice %arg6[%dma_wait3A_248, %dma_wait3A_249] : memref<32x528xf32, #tpu.memory_space<vmem>> -> memref<8x512xf32, #tpu.memory_space<vmem>>
      %dma_wait3A_251 = arith.constant 24 : i32
      %dma_wait3A_252 = arith.constant 0 : i32
      %dma_wait3A_253 = tpu.memref_slice %arg2[%dma_wait3A_251, %dma_wait3A_252] : memref<32x1000000xf32, #tpu.memory_space<hbm>> -> memref<8x512xf32, #tpu.memory_space<hbm>>
      tpu.wait_dma2 semaphore(%arg10 : memref<!tpu.dma_semaphore, #tpu.memory_space<semaphore_mem>>) src(%dma_wait3A_253 : memref<8x512xf32, #tpu.memory_space<hbm>>) dst(%dma_wait3A_250 : memref<8x512xf32, #tpu.memory_space<vmem>>)
      %gt3A_254 = arith.constant 0 : i32
      %gt3A_255 = arith.cmpi sgt, %scan3A_110, %gt3A_254 : i32
      %convert_element_type3A_256 = arith.extui %gt3A_255 : i1 to i32
      %cond3A_257 = arith.constant 0 : i32
      %cond3A_258 = arith.cmpi ne, %convert_element_type3A_256, %cond3A_257 : i32
      scf.if %cond3A_258 {
        %dma_wait3A_306 = arith.constant 0 : i32
        %dma_wait3A_307 = arith.constant 0 : i32
        %dma_wait3A_308 = tpu.memref_slice %arg4[%dma_wait3A_306, %dma_wait3A_307] : memref<250016x128xf32, #tpu.memory_space<hbm>> -> memref<128x128xf32, #tpu.memory_space<hbm>>
        %dma_wait3A_309 = arith.constant 0 : i32
        %dma_wait3A_310 = arith.constant 0 : i32
        %dma_wait3A_311 = tpu.memref_slice %arg4[%dma_wait3A_309, %dma_wait3A_310] : memref<250016x128xf32, #tpu.memory_space<hbm>> -> memref<128x128xf32, #tpu.memory_space<hbm>>
        tpu.wait_dma2 semaphore(%arg12 : memref<!tpu.dma_semaphore, #tpu.memory_space<semaphore_mem>>) src(%arg8 : memref<128x128xf32, #tpu.memory_space<vmem>>) dst(%dma_wait3A_311 : memref<128x128xf32, #tpu.memory_space<hbm>>)
      } else {
      }
      %parallel_loop3A_259 = arith.constant 0 : i32
      %parallel_loop3A_260 = arith.constant 512 : i32
      %parallel_loop3A_261 = arith.constant 1 : i32
      scf.for %parallel_loop3A_306 = %parallel_loop3A_259 to %parallel_loop3A_260 step %parallel_loop3A_261  : i32 {
        %parallel_loop3A_307 = arith.constant 4 : i32
        %parallel_loop3A_308 = arith.divsi %parallel_loop3A_306, %parallel_loop3A_307 : i32
        %parallel_loop3A_309 = arith.constant 0 : i32
        %parallel_loop3A_310 = arith.cmpi sgt, %parallel_loop3A_306, %parallel_loop3A_309 : i32
        %parallel_loop3A_311 = arith.extui %parallel_loop3A_310 : i1 to i32
        %parallel_loop3A_312 = arith.constant 0 : i32
        %parallel_loop3A_313 = arith.cmpi slt, %parallel_loop3A_306, %parallel_loop3A_312 : i32
        %parallel_loop3A_314 = arith.extui %parallel_loop3A_313 : i1 to i32
        %parallel_loop3A_315 = arith.subi %parallel_loop3A_311, %parallel_loop3A_314 : i32
        %parallel_loop3A_316 = arith.constant 0 : i32
        %parallel_loop3A_317 = arith.cmpi sgt, %parallel_loop3A_307, %parallel_loop3A_316 : i32
        %parallel_loop3A_318 = arith.extui %parallel_loop3A_317 : i1 to i32
        %parallel_loop3A_319 = arith.constant 0 : i32
        %parallel_loop3A_320 = arith.cmpi slt, %parallel_loop3A_307, %parallel_loop3A_319 : i32
        %parallel_loop3A_321 = arith.extui %parallel_loop3A_320 : i1 to i32
        %parallel_loop3A_322 = arith.subi %parallel_loop3A_318, %parallel_loop3A_321 : i32
        %parallel_loop3A_323 = arith.cmpi ne, %parallel_loop3A_315, %parallel_loop3A_322 : i32
        %parallel_loop3A_324 = arith.remsi %parallel_loop3A_306, %parallel_loop3A_307 : i32
        %parallel_loop3A_325 = arith.constant 0 : i32
        %parallel_loop3A_326 = arith.cmpi ne, %parallel_loop3A_324, %parallel_loop3A_325 : i32
        %parallel_loop3A_327 = arith.andi %parallel_loop3A_323, %parallel_loop3A_326 : i1
        %parallel_loop3A_328 = arith.constant 1 : i32
        %parallel_loop3A_329 = arith.subi %parallel_loop3A_308, %parallel_loop3A_328 : i32
        %parallel_loop3A_330 = arith.select %parallel_loop3A_327, %parallel_loop3A_329, %parallel_loop3A_308 : i32
        %parallel_loop3A_331 = arith.constant 4 : i32
        %parallel_loop3A_332 = arith.constant 0 : i32
        %parallel_loop3A_333 = arith.cmpi eq, %parallel_loop3A_331, %parallel_loop3A_332 : i32
        %parallel_loop3A_334 = arith.constant 1 : i32
        %parallel_loop3A_335 = arith.select %parallel_loop3A_333, %parallel_loop3A_334, %parallel_loop3A_331 : i32
        %parallel_loop3A_336 = arith.remsi %parallel_loop3A_306, %parallel_loop3A_335 : i32
        %parallel_loop3A_337 = arith.constant 0 : i32
        %parallel_loop3A_338 = arith.cmpi ne, %parallel_loop3A_336, %parallel_loop3A_337 : i32
        %parallel_loop3A_339 = arith.constant 0 : i32
        %parallel_loop3A_340 = arith.cmpi slt, %parallel_loop3A_336, %parallel_loop3A_339 : i32
        %parallel_loop3A_341 = arith.constant 0 : i32
        %parallel_loop3A_342 = arith.cmpi slt, %parallel_loop3A_335, %parallel_loop3A_341 : i32
        %parallel_loop3A_343 = arith.xori %parallel_loop3A_340, %parallel_loop3A_342 : i1
        %parallel_loop3A_344 = arith.andi %parallel_loop3A_343, %parallel_loop3A_338 : i1
        %parallel_loop3A_345 = arith.addi %parallel_loop3A_336, %parallel_loop3A_335 : i32
        %parallel_loop3A_346 = arith.select %parallel_loop3A_344, %parallel_loop3A_345, %parallel_loop3A_336 : i32
        %parallel_loop3A_347 = arith.constant 32 : i32
        %parallel_loop3A_348 = arith.muli %parallel_loop3A_346, %parallel_loop3A_347 : i32
        %parallel_loop3A_349 = tpu.iota {dimensions = array<i32: 0>} : vector<16xi32>
        %parallel_loop3A_350 = arith.constant 0 : i32
        %parallel_loop3A_351 = vector.broadcast %parallel_loop3A_350 : i32 to vector<16xi32>
        %parallel_loop3A_352 = arith.addi %parallel_loop3A_349, %parallel_loop3A_351 : vector<16xi32>
        %parallel_loop3A_353 = arith.constant 0 : i32
        %parallel_loop3A_354 = vector.broadcast %parallel_loop3A_353 : i32 to vector<16xi32>
        %parallel_loop3A_355 = vector.broadcast %parallel_loop3A_306 : i32 to vector<16xi32>
        %parallel_loop3A_356 = arith.addi %parallel_loop3A_354, %parallel_loop3A_355 : vector<16xi32>
        %parallel_loop3A_357 = tpu.vector_load_idx %arg6[%parallel_loop3A_352, %parallel_loop3A_356] : memref<32x528xf32, #tpu.memory_space<vmem>>[vector<16xi32>, vector<16xi32>], vector<16xf32>,
        %parallel_loop3A_358 = arith.constant 0 : i32
        %parallel_loop3A_359 = arith.addi %parallel_loop3A_348, %parallel_loop3A_358 : i32
        %parallel_loop3A_360 = arith.index_cast %parallel_loop3A_330 : i32 to index
        %parallel_loop3A_361 = arith.index_cast %parallel_loop3A_359 : i32 to index
        %parallel_loop3A_362 = tpu.vector_load %arg8[%parallel_loop3A_360, %parallel_loop3A_361] {strides = array<i32>} : memref<128x128xf32, #tpu.memory_space<vmem>>, vector<16xf32>,
        tpu.vector_store %arg8[%parallel_loop3A_360, %parallel_loop3A_361], %parallel_loop3A_357 {strides = array<i32>} : memref<128x128xf32, #tpu.memory_space<vmem>>, vector<16xf32>,
        %parallel_loop3A_363 = tpu.iota {dimensions = array<i32: 0>} : vector<16xi32>
        %parallel_loop3A_364 = arith.constant 16 : i32
        %parallel_loop3A_365 = vector.broadcast %parallel_loop3A_364 : i32 to vector<16xi32>
        %parallel_loop3A_366 = arith.addi %parallel_loop3A_363, %parallel_loop3A_365 : vector<16xi32>
        %parallel_loop3A_367 = arith.constant 0 : i32
        %parallel_loop3A_368 = vector.broadcast %parallel_loop3A_367 : i32 to vector<16xi32>
        %parallel_loop3A_369 = vector.broadcast %parallel_loop3A_306 : i32 to vector<16xi32>
        %parallel_loop3A_370 = arith.addi %parallel_loop3A_368, %parallel_loop3A_369 : vector<16xi32>
        %parallel_loop3A_371 = tpu.vector_load_idx %arg6[%parallel_loop3A_366, %parallel_loop3A_370] : memref<32x528xf32, #tpu.memory_space<vmem>>[vector<16xi32>, vector<16xi32>], vector<16xf32>,
        %parallel_loop3A_372 = arith.constant 16 : i32
        %parallel_loop3A_373 = arith.addi %parallel_loop3A_348, %parallel_loop3A_372 : i32
        %parallel_loop3A_374 = arith.index_cast %parallel_loop3A_330 : i32 to index
        %parallel_loop3A_375 = arith.index_cast %parallel_loop3A_373 : i32 to index
        %parallel_loop3A_376 = tpu.vector_load %arg8[%parallel_loop3A_374, %parallel_loop3A_375] {strides = array<i32>} : memref<128x128xf32, #tpu.memory_space<vmem>>, vector<16xf32>,
        tpu.vector_store %arg8[%parallel_loop3A_374, %parallel_loop3A_375], %parallel_loop3A_371 {strides = array<i32>} : memref<128x128xf32, #tpu.memory_space<vmem>>, vector<16xf32>,
      } {sc.loop_unroll_factor = 16 : i64, sc.parallel_access}
      %mul3A_262 = arith.constant 32 : i32
      %mul3A_263 = arith.muli %mul3A_262, %add3A_116 : i32
      %add3A_264 = arith.addi %add3A, %mul3A_263 : i32
      %mul3A_265 = arith.constant 512 : i32
      %mul3A_266 = arith.muli %add3A_264, %mul3A_265 : i32
      %min3A_267 = arith.constant 999424 : i32
      %min3A_268 = arith.minsi %mul3A_266, %min3A_267 : i32
      %multiple_of3A_269 = tpu.assume_multiple %min3A_268, 512 : i32
      %jit3A_270 = arith.constant 4 : i32
      %div3A_271 = arith.divsi %multiple_of3A_269, %jit3A_270 : i32
      %sign3A_272 = arith.constant 0 : i32
      %sign3A_273 = arith.cmpi sgt, %multiple_of3A_269, %sign3A_272 : i32
      %sign3A_274 = arith.extui %sign3A_273 : i1 to i32
      %sign3A_275 = arith.constant 0 : i32
      %sign3A_276 = arith.cmpi slt, %multiple_of3A_269, %sign3A_275 : i32
      %sign3A_277 = arith.extui %sign3A_276 : i1 to i32
      %sign3A_278 = arith.subi %sign3A_274, %sign3A_277 : i32
      %sign3A_279 = arith.constant 0 : i32
      %sign3A_280 = arith.cmpi sgt, %jit3A_270, %sign3A_279 : i32
      %sign3A_281 = arith.extui %sign3A_280 : i1 to i32
      %sign3A_282 = arith.constant 0 : i32
      %sign3A_283 = arith.cmpi slt, %jit3A_270, %sign3A_282 : i32
      %sign3A_284 = arith.extui %sign3A_283 : i1 to i32
      %sign3A_285 = arith.subi %sign3A_281, %sign3A_284 : i32
      %ne3A_286 = arith.cmpi ne, %sign3A_278, %sign3A_285 : i32
      %rem3A_287 = arith.remsi %multiple_of3A_269, %jit3A_270 : i32
      %ne3A_288 = arith.constant 0 : i32
      %ne3A_289 = arith.cmpi ne, %rem3A_287, %ne3A_288 : i32
      %and3A_290 = arith.andi %ne3A_286, %ne3A_289 : i1
      %sub3A_291 = arith.constant 1 : i32
      %sub3A_292 = arith.subi %div3A_271, %sub3A_291 : i32
      %select_n3A_293 = arith.select %and3A_290, %sub3A_292, %div3A_271 : i32
      %multiple_of3A_294 = tpu.assume_multiple %select_n3A_293, 128 : i32
      %dma_start3A_295 = arith.constant 0 : i32
      %dma_start3A_296 = tpu.memref_slice %arg4[%multiple_of3A_294, %dma_start3A_295] : memref<250016x128xf32, #tpu.memory_space<hbm>> -> memref<128x128xf32, #tpu.memory_space<hbm>>
      %dma_start3A_297 = arith.constant 0 : i32
      %dma_start3A_298 = tpu.memref_slice %arg4[%multiple_of3A_294, %dma_start3A_297] : memref<250016x128xf32, #tpu.memory_space<hbm>> -> memref<128x128xf32, #tpu.memory_space<hbm>>
      tpu.enqueue_dma source(%arg8 : memref<128x128xf32, #tpu.memory_space<vmem>>) target(%dma_start3A_298 : memref<128x128xf32, #tpu.memory_space<hbm>>) target_semaphore(%arg12 : memref<!tpu.dma_semaphore, #tpu.memory_space<semaphore_mem>>)
      %add3A_299 = arith.constant 2 : i32
      %add3A_300 = arith.addi %add3A_116, %add3A_299 : i32
      %lt3A_301 = arith.constant 62 : i32
      %lt3A_302 = arith.cmpi slt, %add3A_300, %lt3A_301 : i32
      %convert_element_type3A_303 = arith.extui %lt3A_302 : i1 to i32
      %cond3A_304 = arith.constant 0 : i32
      %cond3A_305 = arith.cmpi ne, %convert_element_type3A_303, %cond3A_304 : i32
      scf.if %cond3A_305 {
        %add3A_306 = arith.constant 2 : i32
        %add3A_307 = arith.addi %add3A_116, %add3A_306 : i32
        %mul3A_308 = arith.constant 32 : i32
        %mul3A_309 = arith.muli %mul3A_308, %add3A_307 : i32
        %add3A_310 = arith.addi %add3A, %mul3A_309 : i32
        %mul3A_311 = arith.constant 512 : i32
        %mul3A_312 = arith.muli %add3A_310, %mul3A_311 : i32
        %min3A_313 = arith.constant 999424 : i32
        %min3A_314 = arith.minsi %mul3A_312, %min3A_313 : i32
        %multiple_of3A_315 = tpu.assume_multiple %min3A_314, 512 : i32
        %dma_start3A_316 = arith.constant 0 : i32
        %dma_start3A_317 = arith.constant 0 : i32
        %dma_start3A_318 = tpu.memref_slice %arg6[%dma_start3A_316, %dma_start3A_317] : memref<32x528xf32, #tpu.memory_space<vmem>> -> memref<8x512xf32, #tpu.memory_space<vmem>>
        %dma_start3A_319 = arith.constant 0 : i32
        %dma_start3A_320 = tpu.memref_slice %arg2[%dma_start3A_319, %multiple_of3A_315] : memref<32x1000000xf32, #tpu.memory_space<hbm>> -> memref<8x512xf32, #tpu.memory_space<hbm>>
        %dma_start3A_321 = arith.constant 0 : i32
        %dma_start3A_322 = arith.constant 0 : i32
        %dma_start3A_323 = tpu.memref_slice %arg6[%dma_start3A_321, %dma_start3A_322] : memref<32x528xf32, #tpu.memory_space<vmem>> -> memref<8x512xf32, #tpu.memory_space<vmem>>
        %dma_start3A_324 = arith.constant 0 : i32
        %dma_start3A_325 = tpu.memref_slice %arg2[%dma_start3A_324, %multiple_of3A_315] : memref<32x1000000xf32, #tpu.memory_space<hbm>> -> memref<8x512xf32, #tpu.memory_space<hbm>>
        tpu.enqueue_dma source(%dma_start3A_325 : memref<8x512xf32, #tpu.memory_space<hbm>>) target(%dma_start3A_323 : memref<8x512xf32, #tpu.memory_space<vmem>>) target_semaphore(%arg10 : memref<!tpu.dma_semaphore, #tpu.memory_space<semaphore_mem>>)
        %dma_start3A_326 = arith.constant 8 : i32
        %dma_start3A_327 = arith.constant 0 : i32
        %dma_start3A_328 = tpu.memref_slice %arg6[%dma_start3A_326, %dma_start3A_327] : memref<32x528xf32, #tpu.memory_space<vmem>> -> memref<8x512xf32, #tpu.memory_space<vmem>>
        %dma_start3A_329 = arith.constant 8 : i32
        %dma_start3A_330 = tpu.memref_slice %arg2[%dma_start3A_329, %multiple_of3A_315] : memref<32x1000000xf32, #tpu.memory_space<hbm>> -> memref<8x512xf32, #tpu.memory_space<hbm>>
        %dma_start3A_331 = arith.constant 8 : i32
        %dma_start3A_332 = arith.constant 0 : i32
        %dma_start3A_333 = tpu.memref_slice %arg6[%dma_start3A_331, %dma_start3A_332] : memref<32x528xf32, #tpu.memory_space<vmem>> -> memref<8x512xf32, #tpu.memory_space<vmem>>
        %dma_start3A_334 = arith.constant 8 : i32
        %dma_start3A_335 = tpu.memref_slice %arg2[%dma_start3A_334, %multiple_of3A_315] : memref<32x1000000xf32, #tpu.memory_space<hbm>> -> memref<8x512xf32, #tpu.memory_space<hbm>>
        tpu.enqueue_dma source(%dma_start3A_335 : memref<8x512xf32, #tpu.memory_space<hbm>>) target(%dma_start3A_333 : memref<8x512xf32, #tpu.memory_space<vmem>>) target_semaphore(%arg10 : memref<!tpu.dma_semaphore, #tpu.memory_space<semaphore_mem>>)
        %dma_start3A_336 = arith.constant 16 : i32
        %dma_start3A_337 = arith.constant 0 : i32
        %dma_start3A_338 = tpu.memref_slice %arg6[%dma_start3A_336, %dma_start3A_337] : memref<32x528xf32, #tpu.memory_space<vmem>> -> memref<8x512xf32, #tpu.memory_space<vmem>>
        %dma_start3A_339 = arith.constant 16 : i32
        %dma_start3A_340 = tpu.memref_slice %arg2[%dma_start3A_339, %multiple_of3A_315] : memref<32x1000000xf32, #tpu.memory_space<hbm>> -> memref<8x512xf32, #tpu.memory_space<hbm>>
        %dma_start3A_341 = arith.constant 16 : i32
        %dma_start3A_342 = arith.constant 0 : i32
        %dma_start3A_343 = tpu.memref_slice %arg6[%dma_start3A_341, %dma_start3A_342] : memref<32x528xf32, #tpu.memory_space<vmem>> -> memref<8x512xf32, #tpu.memory_space<vmem>>
        %dma_start3A_344 = arith.constant 16 : i32
        %dma_start3A_345 = tpu.memref_slice %arg2[%dma_start3A_344, %multiple_of3A_315] : memref<32x1000000xf32, #tpu.memory_space<hbm>> -> memref<8x512xf32, #tpu.memory_space<hbm>>
        tpu.enqueue_dma source(%dma_start3A_345 : memref<8x512xf32, #tpu.memory_space<hbm>>) target(%dma_start3A_343 : memref<8x512xf32, #tpu.memory_space<vmem>>) target_semaphore(%arg10 : memref<!tpu.dma_semaphore, #tpu.memory_space<semaphore_mem>>)
        %dma_start3A_346 = arith.constant 24 : i32
        %dma_start3A_347 = arith.constant 0 : i32
        %dma_start3A_348 = tpu.memref_slice %arg6[%dma_start3A_346, %dma_start3A_347] : memref<32x528xf32, #tpu.memory_space<vmem>> -> memref<8x512xf32, #tpu.memory_space<vmem>>
        %dma_start3A_349 = arith.constant 24 : i32
        %dma_start3A_350 = tpu.memref_slice %arg2[%dma_start3A_349, %multiple_of3A_315] : memref<32x1000000xf32, #tpu.memory_space<hbm>> -> memref<8x512xf32, #tpu.memory_space<hbm>>
        %dma_start3A_351 = arith.constant 24 : i32
        %dma_start3A_352 = arith.constant 0 : i32
        %dma_start3A_353 = tpu.memref_slice %arg6[%dma_start3A_351, %dma_start3A_352] : memref<32x528xf32, #tpu.memory_space<vmem>> -> memref<8x512xf32, #tpu.memory_space<vmem>>
        %dma_start3A_354 = arith.constant 24 : i32
        %dma_start3A_355 = tpu.memref_slice %arg2[%dma_start3A_354, %multiple_of3A_315] : memref<32x1000000xf32, #tpu.memory_space<hbm>> -> memref<8x512xf32, #tpu.memory_space<hbm>>
        tpu.enqueue_dma source(%dma_start3A_355 : memref<8x512xf32, #tpu.memory_space<hbm>>) target(%dma_start3A_353 : memref<8x512xf32, #tpu.memory_space<vmem>>) target_semaphore(%arg10 : memref<!tpu.dma_semaphore, #tpu.memory_space<semaphore_mem>>)
      } else {
      }
    }
    %scan3A_96 = arith.constant 31 : i32
    %dma_wait3A = arith.constant 0 : i32
    %dma_wait3A_97 = arith.constant 0 : i32
    %dma_wait3A_98 = tpu.memref_slice %arg4[%dma_wait3A, %dma_wait3A_97] : memref<250016x128xf32, #tpu.memory_space<hbm>> -> memref<128x128xf32, #tpu.memory_space<hbm>>
    %dma_wait3A_99 = arith.constant 0 : i32
    %dma_wait3A_100 = arith.constant 0 : i32
    %dma_wait3A_101 = tpu.memref_slice %arg4[%dma_wait3A_99, %dma_wait3A_100] : memref<250016x128xf32, #tpu.memory_space<hbm>> -> memref<128x128xf32, #tpu.memory_space<hbm>>
    tpu.wait_dma2 semaphore(%arg11 : memref<!tpu.dma_semaphore, #tpu.memory_space<semaphore_mem>>) src(%arg7 : memref<128x128xf32, #tpu.memory_space<vmem>>) dst(%dma_wait3A_101 : memref<128x128xf32, #tpu.memory_space<hbm>>)
    %dma_wait3A_102 = arith.constant 0 : i32
    %dma_wait3A_103 = arith.constant 0 : i32
    %dma_wait3A_104 = tpu.memref_slice %arg4[%dma_wait3A_102, %dma_wait3A_103] : memref<250016x128xf32, #tpu.memory_space<hbm>> -> memref<128x128xf32, #tpu.memory_space<hbm>>
    %dma_wait3A_105 = arith.constant 0 : i32
    %dma_wait3A_106 = arith.constant 0 : i32
    %dma_wait3A_107 = tpu.memref_slice %arg4[%dma_wait3A_105, %dma_wait3A_106] : memref<250016x128xf32, #tpu.memory_space<hbm>> -> memref<128x128xf32, #tpu.memory_space<hbm>>
    tpu.wait_dma2 semaphore(%arg12 : memref<!tpu.dma_semaphore, #tpu.memory_space<semaphore_mem>>) src(%arg8 : memref<128x128xf32, #tpu.memory_space<vmem>>) dst(%dma_wait3A_107 : memref<128x128xf32, #tpu.memory_space<hbm>>)
    %eq3A = arith.constant 0 : i32
    %eq3A_108 = arith.cmpi eq, %add3A, %eq3A : i32
    %convert_element_type3A = arith.extui %eq3A_108 : i1 to i32
    %cond3A = arith.constant 0 : i32
    %cond3A_109 = arith.cmpi ne, %convert_element_type3A, %cond3A : i32
    scf.if %cond3A_109 {
      %dma_start3A_110 = arith.constant 0 : i32
      %dma_start3A_111 = arith.constant 0 : i32
      %dma_start3A_112 = tpu.memref_slice %arg7[%dma_start3A_110, %dma_start3A_111] : memref<128x128xf32, #tpu.memory_space<vmem>> -> memref<16x128xf32, #tpu.memory_space<vmem>>
      %dma_start3A_113 = arith.constant 0 : i32
      %dma_start3A_114 = arith.constant 0 : i32
      %dma_start3A_115 = tpu.memref_slice %arg7[%dma_start3A_113, %dma_start3A_114] : memref<128x128xf32, #tpu.memory_space<vmem>> -> memref<16x128xf32, #tpu.memory_space<vmem>>
      tpu.enqueue_dma source(%arg3 : memref<16x128xf32, #tpu.memory_space<hbm>>) target(%dma_start3A_115 : memref<16x128xf32, #tpu.memory_space<vmem>>) target_semaphore(%arg9 : memref<!tpu.dma_semaphore, #tpu.memory_space<semaphore_mem>>)
      %dma_wait3A_116 = arith.constant 0 : i32
      %dma_wait3A_117 = arith.constant 0 : i32
      %dma_wait3A_118 = tpu.memref_slice %arg7[%dma_wait3A_116, %dma_wait3A_117] : memref<128x128xf32, #tpu.memory_space<vmem>> -> memref<16x128xf32, #tpu.memory_space<vmem>>
      %dma_wait3A_119 = arith.constant 0 : i32
      %dma_wait3A_120 = arith.constant 0 : i32
      %dma_wait3A_121 = tpu.memref_slice %arg7[%dma_wait3A_119, %dma_wait3A_120] : memref<128x128xf32, #tpu.memory_space<vmem>> -> memref<16x128xf32, #tpu.memory_space<vmem>>
      tpu.wait_dma2 semaphore(%arg9 : memref<!tpu.dma_semaphore, #tpu.memory_space<semaphore_mem>>) src(%arg3 : memref<16x128xf32, #tpu.memory_space<hbm>>) dst(%dma_wait3A_121 : memref<16x128xf32, #tpu.memory_space<vmem>>)
      %dma_start3A_122 = arith.constant 0 : i32
      %dma_start3A_123 = arith.constant 0 : i32
      %dma_start3A_124 = tpu.memref_slice %arg7[%dma_start3A_122, %dma_start3A_123] : memref<128x128xf32, #tpu.memory_space<vmem>> -> memref<16x128xf32, #tpu.memory_space<vmem>>
      %dma_start3A_125 = arith.constant 249984 : i32
      %dma_start3A_126 = arith.constant 0 : i32
      %dma_start3A_127 = tpu.memref_slice %arg4[%dma_start3A_125, %dma_start3A_126] : memref<250016x128xf32, #tpu.memory_space<hbm>> -> memref<16x128xf32, #tpu.memory_space<hbm>>
      %dma_start3A_128 = arith.constant 249984 : i32
      %dma_start3A_129 = arith.constant 0 : i32
      %dma_start3A_130 = tpu.memref_slice %arg4[%dma_start3A_128, %dma_start3A_129] : memref<250016x128xf32, #tpu.memory_space<hbm>> -> memref<16x128xf32, #tpu.memory_space<hbm>>
      %dma_start3A_131 = arith.constant 0 : i32
      %dma_start3A_132 = arith.constant 0 : i32
      %dma_start3A_133 = tpu.memref_slice %arg7[%dma_start3A_131, %dma_start3A_132] : memref<128x128xf32, #tpu.memory_space<vmem>> -> memref<16x128xf32, #tpu.memory_space<vmem>>
      tpu.enqueue_dma source(%dma_start3A_133 : memref<16x128xf32, #tpu.memory_space<vmem>>) target(%dma_start3A_130 : memref<16x128xf32, #tpu.memory_space<hbm>>) target_semaphore(%arg11 : memref<!tpu.dma_semaphore, #tpu.memory_space<semaphore_mem>>)
      %dma_wait3A_134 = arith.constant 0 : i32
      %dma_wait3A_135 = arith.constant 0 : i32
      %dma_wait3A_136 = tpu.memref_slice %arg7[%dma_wait3A_134, %dma_wait3A_135] : memref<128x128xf32, #tpu.memory_space<vmem>> -> memref<16x128xf32, #tpu.memory_space<vmem>>
      %dma_wait3A_137 = arith.constant 249984 : i32
      %dma_wait3A_138 = arith.constant 0 : i32
      %dma_wait3A_139 = tpu.memref_slice %arg4[%dma_wait3A_137, %dma_wait3A_138] : memref<250016x128xf32, #tpu.memory_space<hbm>> -> memref<16x128xf32, #tpu.memory_space<hbm>>
      %dma_wait3A_140 = arith.constant 249984 : i32
      %dma_wait3A_141 = arith.constant 0 : i32
      %dma_wait3A_142 = tpu.memref_slice %arg4[%dma_wait3A_140, %dma_wait3A_141] : memref<250016x128xf32, #tpu.memory_space<hbm>> -> memref<16x128xf32, #tpu.memory_space<hbm>>
      %dma_wait3A_143 = arith.constant 0 : i32
      %dma_wait3A_144 = arith.constant 0 : i32
      %dma_wait3A_145 = tpu.memref_slice %arg7[%dma_wait3A_143, %dma_wait3A_144] : memref<128x128xf32, #tpu.memory_space<vmem>> -> memref<16x128xf32, #tpu.memory_space<vmem>>
      tpu.wait_dma2 semaphore(%arg11 : memref<!tpu.dma_semaphore, #tpu.memory_space<semaphore_mem>>) src(%dma_wait3A_145 : memref<16x128xf32, #tpu.memory_space<vmem>>) dst(%dma_wait3A_142 : memref<16x128xf32, #tpu.memory_space<hbm>>)
    } else {
    }
    return
  }
}

</mosaic_0001>

<sc_bundles>
// kernel: kernel.11.cloned.1.call-start
scs
__scs_entry_jumppad:
0x0: {  	(pc) =	sbr.rel $0x88, $3  }
0x1: {  	(tag) =	ssettag $0x0;
	lr =	simm.s32 $0x1  }
0x2: {  	[smem:$0x3F9F] =	sst lr;
	_ =	strace $0xD0000000  }
0x3: {  	_ = 	snop  }
0x4: {  	_ = 	snop  }
0x5: {  	_ = 	snop  }
0x6: {  	_ = 	snop  }
0x7: {  	_ = 	snop  }
__scs_overlays_trampoline_lowered:
0x8: {  	[smem:$0x3FAE] =	sst s0  }
0x9: {  	[smem:$0x3FAF] =	sst s1  }
0xa: {  	[smem:$0x3FB0] =	sst s2  }
0xb: {  	[smem:$0x3FB1] =	sst s3  }
0xc: {  	[smem:$0x3FB2] =	sst s4  }
0xd: {  	[smem:$0x3FB3] =	sst s5  }
0xe: {  	[smem:$0x3FB4] =	sst s6  }
0xf: {  	[smem:$0x3FB5] =	sst s7  }
0x10: {  	[smem:$0x3FB6] =	sst s8  }
0x11: {  	[smem:$0x3FB7] =	sst s9;
	s0 =	simm.s32 @!p0 $0x0  }
0x12: {  	s1 =	sld [smem:$0x3F9D];
	s0 =	simm.s32 @p0 $0x1  }
0x13: {  	[smem:$0x3FB8] =	sst s0;
	s0 =	simm.s32 @!p1 $0x0  }
0x14: {  	s2 =	sld [smem:$0x3F9C];
	s0 =	simm.s32 @p1 $0x1  }
0x15: {  	[smem:$0x3FB9] =	sst s0;
	s0 =	simm.s32 @!p2 $0x0  }
0x16: {  	s3 =	sld [smem:$0x3FDB];
	s0 =	simm.s32 @p2 $0x1  }
0x17: {  	s4 =	simm.s32 $0x1BF5;
	[smem:$0x3FBB] =	sst s0  }
0x18: {  	s0 =	sld [smem:$0x3F9E];
	_ =	swait.ge [sflag:s4], $0x0  }
0x19: {  	s7 =	sld [smem:$0x3F9F]  }
0x1a: {  	s8 =	sadd.s32 $0xFFFFE003, lr  }
0x1b: {  	s9 =	sadd.s32 $0xFFFFFEF7, lr;
	s5 =	simm.s32 $0xFFFFFFFF;
	p2 =	slt.u32 s8, $0xFFFFF086  }
0x1c: {  	p1 =	slt.u32 s9, $0xF7A;
	s5 =	simm.s32 @!p2 $0x0  }
0x1d: {  	s5 =	simm.s32 @p1 $0x1;
	p0 =	seq.s32 s7, s2  }
0x1e: {  	s7 =	smul.u32 @!p0 $0xF7A, s2;
	p2 =	seq.s32 @!p0 s5, $0x0  }
0x1f: {  	s9 =	smul.u32 $0xF7A, s1;
	s8 =	simm.s32 @!p0 $0x1BF5;
	p2 =	por !p2, p0  }
0x20: {  	[sflag:s8] =	ssyncset.s32 @!p0 $0xFFFFF086;
	s6 =	sadd.s32 @!p0 s3, s7;
	s7 =	simm.s32 @!p0 $0x108  }
0x21: {  	s3 =	sadd.s32 s3, s9;
	s6 =	sadd.s32 @!p0 $0x88, s6;
	s7 =	simm.s32 @p2 $0x1082  }
0x22: {  	[simem:s7], [sflag:s8] =	dma.local @!p0 [hbm:s6], $0xF7A  }
0x23: {  	s9 =	sor.u32 $0xD0000000, s2;
	s6 =	simm.s32 $0x108;
	_ =	swait.ge @!p0 [sflag:s8], $0x0  }
0x24: {  	s3 =	sadd.s32 $0x88, s3;
	s6 =	simm.s32 @!p1 $0x1082;
	[sflag:s4] =	ssyncset.s32 $0xFFFFF086  }
0x25: {  	[simem:s6], [sflag:s4] =	dma.local [hbm:s3], $0xF7A  }
0x26: {  	[smem:$0x3F9F] =	sst s1;
	(tag) =	ssettag s2;
	_ =	strace s9  }
0x27: {  	s1 =	sld [smem:$0x3FAF]  }
0x28: {  	s2 =	sld [smem:$0x3FB0]  }
0x29: {  	s4 =	sld [smem:$0x3FB2]  }
0x2a: {  	p0 =	seq.s32 s5, $0x0;
	s5 =	sld [smem:$0x3FB3]  }
0x2b: {  	s6 =	sld [smem:$0x3FB4]  }
0x2c: {  	s7 =	sld [smem:$0x3FB5]  }
0x2d: {  	s3 =	simm.s32 $0x108;
	s8 =	sld [smem:$0x3FB6]  }
0x2e: {  	s3 =	simm.s32 @!p0 $0x1082;
	s9 =	sld [smem:$0x3FB7]  }
0x2f: {  	lr =	sadd.s32 s0, s3;
	s0 =	sld [smem:$0x3FAE]  }
0x30: {  	s3 =	sld [smem:$0x3FB1]  }
0x31: {  	[smem:$0x3FBA] =	sst s10  }
0x32: {  	s10 =	sld [smem:$0x3FB8];
	_ =	sdelay $0x3  }
0x33: {  	p0 =	seq.s32 s10, $0x1;
	s10 =	sld [smem:$0x3FBA];
	_ =	sdelay $0x3  }
0x34: {  	[smem:$0x3FBA] =	sst s10  }
0x35: {  	s10 =	sld [smem:$0x3FB9];
	_ =	sdelay $0x3  }
0x36: {  	p1 =	seq.s32 s10, $0x1;
	s10 =	sld [smem:$0x3FBA];
	_ =	sdelay $0x3  }
0x37: {  	[smem:$0x3FBA] =	sst s10  }
0x38: {  	s10 =	sld [smem:$0x3FBB]  }
0x39: {  	_ = 	snop;
	(pc) =	sbr.ind lr, $3  }
0x3a: {  	_ = 	snop  }
0x3b: {  	_ = 	snop  }
0x3c: {  	p2 =	seq.s32 s10, $0x1;
	s10 =	sld [smem:$0x3FBA]  }
0x3d: {  	_ =	shalt  }
0x3e: {  	_ =	shalt  }
0x3f: {  	_ =	shalt  }
0x40: {  	_ =	shalt  }
0x41: {  	_ =	shalt  }
0x42: {  	_ =	shalt  }
0x43: {  	_ =	shalt  }
0x44: {  	_ =	shalt  }
0x45: {  	_ =	shalt  }
0x46: {  	_ =	shalt  }
0x47: {  	_ =	shalt  }
0x48: {  	_ =	shalt  }
0x49: {  	_ =	shalt  }
0x4a: {  	_ =	shalt  }
0x4b: {  	_ =	shalt  }
0x4c: {  	_ =	shalt  }
0x4d: {  	_ =	shalt  }
0x4e: {  	_ =	shalt  }
0x4f: {  	_ =	shalt  }
0x50: {  	_ =	shalt  }
0x51: {  	_ =	shalt  }
0x52: {  	_ =	shalt  }
0x53: {  	_ =	shalt  }
0x54: {  	_ =	shalt  }
0x55: {  	_ =	shalt  }
0x56: {  	_ =	shalt  }
0x57: {  	_ =	shalt  }
0x58: {  	_ =	shalt  }
0x59: {  	_ =	shalt  }
0x5a: {  	_ =	shalt  }
0x5b: {  	_ =	shalt  }
0x5c: {  	_ =	shalt  }
0x5d: {  	_ =	shalt  }
0x5e: {  	_ =	shalt  }
0x5f: {  	_ =	shalt  }
0x60: {  	_ =	shalt  }
0x61: {  	_ =	shalt  }
0x62: {  	_ =	shalt  }
0x63: {  	_ =	shalt  }
0x64: {  	_ =	shalt  }
0x65: {  	_ =	shalt  }
0x66: {  	_ =	shalt  }
0x67: {  	_ =	shalt  }
0x68: {  	_ =	shalt  }
0x69: {  	_ =	shalt  }
0x6a: {  	_ =	shalt  }
0x6b: {  	_ =	shalt  }
0x6c: {  	_ =	shalt  }
0x6d: {  	_ =	shalt  }
0x6e: {  	_ =	shalt  }
0x6f: {  	_ =	shalt  }
0x70: {  	_ =	shalt  }
0x71: {  	_ =	shalt  }
0x72: {  	_ =	shalt  }
0x73: {  	_ =	shalt  }
0x74: {  	_ =	shalt  }
0x75: {  	_ =	shalt  }
0x76: {  	_ =	shalt  }
0x77: {  	_ =	shalt  }
0x78: {  	_ =	shalt  }
0x79: {  	_ =	shalt  }
0x7a: {  	_ =	shalt  }
0x7b: {  	_ =	shalt  }
0x7c: {  	_ =	shalt  }
0x7d: {  	_ =	shalt  }
0x7e: {  	_ =	shalt  }
0x7f: {  	_ =	shalt  }
0x80: {  	_ =	shalt  }
0x81: {  	_ =	shalt  }
0x82: {  	_ =	shalt  }
0x83: {  	_ =	shalt  }
0x84: {  	_ =	shalt  }
0x85: {  	_ =	shalt  }
0x86: {  	_ =	shalt  }
0x87: {  	_ =	shalt  }
.Lfunc_end0:
.L_simem_size_0:
called_computation.2_lowered:
.L_overlay_start_0:
0x88: {  	s2 =	sld [smem:$0x3FD9]  }
0x89: {  	s3 =	sld [smem:$0x3FFE];
	_ =	sdelay $0x1  }
0x8a: {  	s1 =	srdreg.scid  }
0x8b: {  	s0 =	sand.u32 $0x1, s1  }
0x8c: {  	s17 =	sshll.u32 s0, $0xA;
	s2 =	sadd.s32 s3, s2  }
0x8d: {  	s2 =	sadd.s32 s2, s17  }
0x8e: {  	[smem:$0x3FC6] =	sst s2  }
0x8f: {  	_ = 	snop  }
0x90: {  	s2 =	sld [smem:$0x3FD0];
	(tm) =	ssettm $0x1  }
0x91: {  	s18 =	sld [smem:$0x3FFB];
	_ =	sdelay $0x3  }
0x92: {  	_ =	strace s18  }
0x93: {  	s3 =	sld [smem:$0x3FFC];
	_ =	sdelay $0x3  }
0x94: {  	_ =	strace s3  }
0x95: {  	s3 =	sld [smem:$0x3FFD];
	_ =	sdelay $0x3  }
0x96: {  	_ =	strace s3  }
0x97: {  	_ =	strace $0x8FFFFFFF  }
0x98: {  	s19 =	sld [smem:$0x3FDB];
	_ =	sdelay $0x1  }
0x99: {  	s4 =	simm.s32 $_scs_section_size  }
0x9a: {  	s5 =	simm.s32 $_size__tile_overlayer_lowered;
	s6 =	simm.s32 $_tile_overlayer_lowered  }
0x9b: {  	s22 =	simm.s32 $0x1BFF;
	s21 =	sshll.u32 s6, $0x1;
	s3 =	sadd.s32 s4, s19  }
0x9c: {  	s7 =	simm.s32 $0x0;
	s20 =	sshll.u32 s5, $0x1;
	s5 =	sadd.s32 s21, s3  }
0x9d: {  	[timem:s7], [sflag:s22] =	dma.local [hbm:s5], s20  }
0x9e: {  	_ =	swait.ge [sflag:s22], s20  }
0x9f: {  	s4 =	ssub.s32 $0x0, s20;
	[sflag:s22] =	ssyncset.done $0x0  }
0xa0: {  	[sflag:s22] =	ssyncadd.s32 s4;
	_ =	sdelay $0x1  }
0xa1: {  	s23 =	simm.s32 $0x1B8B  }
0xa2: {  	_ =	swait.ge [sflag:s23], $0x1  }
0xa3: {  	[sflag:s23] =	ssyncset.done $0x0  }
0xa4: {  	s25 =	simm.s32 $0x1B8E;
	s24 =	sld [smem:$0x3FFE];
	[sflag:s23] =	ssyncadd.s32 $0xFFFFFFFF  }
0xa5: {  	s26 =	simm.s32 $execute0_lowered;
	[smem:$0x3FD2] =	sst s25  }
0xa6: {  	s5 =	sshll.u32 s26, $0x1;
	_ =	strace $0x8000004C;
	[dreg:$0x1] =	wrdreg $0xFFFFFFFF  }
0xa7: {  	s28 =	simm.s32 $_size_execute0_lowered;
	s3 =	sadd.s32 s3, s5;
	[dreg:$0x0] =	wrdreg $0x0  }
0xa8: {  	s5 =	sshll.u32 s28, $0x1;
	[dreg:$0x2] =	wrdreg s3  }
0xa9: {  	[dreg:$0x3] =	wrdreg s5  }
0xaa: {  	[dreg:$0x4] =	wrdreg $0xC0  }
0xab: {  	_ =	task [dreg:s7], $0x5FFFF  }
0xac: {  	[dreg:$0x1] =	wrdreg $0xFFFFFFFF  }
0xad: {  	[dreg:$0x0] =	wrdreg $0x60  }
0xae: {  	[dreg:$0x2] =	wrdreg s24  }
0xaf: {  	[dreg:$0x3] =	wrdreg s2  }
0xb0: {  	[dreg:$0x4] =	wrdreg $0x9  }
0xb1: {  	_ =	task.clear_ibuf [dreg:s7], $0x5FFFF;
	_ =	strace $0x9000004C  }
0xb2: {  	s29 =	simm.s32 $0x9;
	_ =	strace $0x8000004E  }
0xb3: {  	_ =	swait.ge [sflag:s29], $0x1  }
0xb4: {  	[sflag:s29] =	ssyncadd.s32 $0xFFFFFFFF  }
0xb5: {  	_ =	strace $0x9000004E  }
0xb6: {  	_ =	sfence  }
0xb7: {  	s30 =	sld [smem:$0x0];
	_ =	sdelay $0x2  }
0xb8: {  	s31 =	sshll.u32 s1, $0xD;
	s1 =	sshrl.u32 s1, $0x2  }
0xb9: {  	s3 =	sand.u32 $0x4000, s31;
	s1 =	sadd.s32 s1, s30  }
0xba: {  	s0 =	sor.u32 s3, s0;
	s1 =	sshll.u32 s1, $0x11  }
0xbb: {  	s0 =	sor.u32 s1, s0  }
0xbc: {  	s0 =	sadd.s32 $0x8F2B, s0  }
0xbd: {  	[sflag:s0] =	ssyncadd.remote.s32 $0x1  }
0xbe: {  	_ =	sfence.sel $0xFFFF  }
0xbf: {  	[dreg:$0x0] =	wrdreg $0xFFFFFFFF;
	(pc) =	sbr.abs _section_cstart, $3  }
0xc0: {  	[dreg:$0x1] =	wrdreg $0xFFFFFFFF  }
0xc1: {  	_ =	task.clear_ibuf [dreg:s7], $0x2FFFF;
	_ =	strace $0x9FFFFFFF  }
0xc2: {  	(tm) =	ssettm $0x7FFFFFFF  }
0xc3: {  	_ =	shalt  }
tec
execute0_lowered:
.L_overlay_start_1:
0x0: {  	(tag) =	ssettag $0x1  }
0x1: {  	v0 =	vimm.s32 $0x1780  }
0x2: {  	vm0 =	vcmask $0x300;
	v1 =	vimm.s32 $0x3F80;
	vm1 =	vcmask $0x704  }
0x3: {  	s0 =	srdreg.scid;
	vm15 =	vcmask $0xB08;
	v0 =	vsel vm0, $0x0, v0;
	v1 =	vsel vm0, $0x2800, v1  }
0x4: {  	s2 =	stileid.u32;
	s1 =	rddreg [dreg:$0x0];
	vm4 =	vcmask $0xF0C;
	v0 =	vsel vm1, $0x80, v0;
	v1 =	vsel vm1, $0x2880, v1  }
0x5: {  	vm5 =	vcmask $0x1310;
	s13 =	simm.s32 $0x4000;
	s14 =	simm.s32 $0x1;
	s15 =	simm.s32 $0x8000;
	v0 =	vsel vm15, $0x100, v0;
	v1 =	vsel vm15, $0x2900, v1  }
0x6: {  	vm6 =	vcmask $0x1714;
	s16 =	simm.s32 $0x9400;
	s17 =	simm.s32 $0xA800;
	s18 =	simm.s32 $0xBC00;
	v0 =	vsel vm4, $0x180, v0;
	v1 =	vsel vm4, $0x2980, v1  }
0x7: {  	vm7 =	vcmask $0x1B18;
	s19 =	simm.s32 $0x2;
	s20 =	simm.s32 $0x4;
	s21 =	simm.s32 $0xD000;
	v0 =	vsel vm5, $0x200, v0;
	v1 =	vsel vm5, $0x2A00, v1  }
0x8: {  	vm8 =	vcmask $0x1F1C;
	s22 =	simm.s32 $0xE400;
	s23 =	simm.s32 $0xF800;
	s24 =	simm.s32 $0x10C00;
	v0 =	vsel vm6, $0x280, v0;
	v1 =	vsel vm6, $0x2A80, v1  }
0x9: {  	vm9 =	vcmask $0x2320;
	s0 =	sand.u32 $0x1, s0;
	s3 =	sshll.u32 s2, $0x1;
	s2 =	rddreg [dreg:$0x1];
	v0 =	vsel vm7, $0x300, v0;
	v1 =	vsel vm7, $0x2B00, v1  }
0xa: {  	s31 =	sadd.s32 $0x3D2A00, s1;
	s11 =	sadd.s32 $0x3D3200, s1;
	s4 =	sor.u32 s0, s3;
	v0 =	vsel vm8, $0x380, v0;
	v1 =	vsel vm8, $0x2B80, v1  }
0xb: {  	vm10 =	vcmask $0x2724;
	s3 =	simm.s32 $0x0;
	s0 =	ssub.s32 $0x2, s0;
	s7 =	sadd.s32 $0x1000, s2;
	v0 =	vsel vm9, $0x1400, v0;
	v1 =	vsel vm9, $0x3C00, v1  }
0xc: {  	vm11 =	vcmask $0x2B28;
	s5 =	smul.u32 $0x19000, s4;
	[smem:$0x7FF] =	sst s3;
	s30 =	sshrl.u32 s0, $0x1;
	v0 =	vsel vm10, $0x1480, v0;
	v1 =	vsel vm10, $0x3C80, v1  }
.Ltmp0:
0xd: {  	vm12 =	vcmask $0x2F2C;
	_ =	strace $0x8000004D;
	s0 =	ssub.s32 s0, s30;
	v0 =	vsel vm11, $0x1500, v0;
	v1 =	vsel vm11, $0x3D00, v1;
	(pc) =	sbr.rel .LBB2_1-.Ltmp0, $4  }
0xe: {  	vm13 =	vcmask $0x3330;
	[dreg:$0x5] =	wrdreg s31;
	s5 =	sadd.s32 s5, s1;
	s0 =	smax.u32 s0, $0x1;
	v0 =	vsel vm12, $0x1580, v0;
	v1 =	vsel vm12, $0x3D80, v1  }
0xf: {  	vm14 =	vcmask $0x3734;
	s8 =	sadd.s32 $0x2000, s2;
	s6 =	sadd.s32 $0x3D1A00, s5;
	[dreg:$0x6] =	wrdreg s0;
	v0 =	vsel vm13, $0x1600, v0;
	v1 =	vsel vm13, $0x3E00, v1  }
0x10: {  	s10 =	sadd.s32 $0x3000, s2;
	vm15 =	vcmask $0x3B38;
	s5 =	sadd.s32 $0x3D2200, s5;
	[dreg:$0x3] =	wrdreg s6;
	v0 =	vsel vm14, $0x1680, v0;
	v1 =	vsel vm14, $0x3E80, v1  }
0x11: {  	s4 =	smul.u32 $0x32, s4;
	s1 =	simm.s32 $0x0;
	[dreg:$0x4] =	wrdreg s5;
	v0 =	vsel vm15, $0x1700, v0;
	v1 =	vsel vm15, $0x3F00, v1  }
.LBB2_12:
0x12: {  	s0 =	simm.s32 $0x3  }
0x13: {  	_ =	swait.ge [sflag:s0], $0x1000  }
0x14: {  	[sflag:s0] =	ssyncset.done $0x0  }
0x15: {  	[sflag:s0] =	ssyncadd.s32 $0xFFFFF000  }
0x16: {  	_ =	swait.ge [sflag:s0], $0x1000  }
0x17: {  	[sflag:s0] =	ssyncset.done $0x0  }
0x18: {  	[sflag:s0] =	ssyncadd.s32 $0xFFFFF000  }
0x19: {  	_ =	swait.ge [sflag:s0], $0x1000  }
0x1a: {  	[sflag:s0] =	ssyncset.done $0x0  }
0x1b: {  	[sflag:s0] =	ssyncadd.s32 $0xFFFFF000  }
0x1c: {  	_ =	swait.ge [sflag:s0], $0x1000  }
0x1d: {  	[sflag:s0] =	ssyncset.done $0x0  }
0x1e: {  	[sflag:s0] =	ssyncadd.s32 $0xFFFFF000  }
0x1f: {  	_ =	swait.ge [sflag:s20], $0x1000  }
0x20: {  	[sflag:s20] =	ssyncset.done $0x0  }
0x21: {  	[sflag:s20] =	ssyncadd.s32 $0xFFFFF000  }
0x22: {  	_ =	swait.ge [sflag:s20], $0x1000  }
0x23: {  	[sflag:s20] =	ssyncset.done $0x0  }
0x24: {  	[sflag:s20] =	ssyncadd.s32 $0xFFFFF000  }
0x25: {  	_ =	swait.ge [sflag:s20], $0x1000  }
0x26: {  	[sflag:s20] =	ssyncset.done $0x0  }
0x27: {  	[sflag:s20] =	ssyncadd.s32 $0xFFFFF000  }
0x28: {  	_ =	swait.ge [sflag:s20], $0x1000  }
0x29: {  	s1 =	rddreg [dreg:$0x7]  }
0x2a: {  	s31 =	rddreg [dreg:$0x6];
	s1 =	sadd.s32 $0x1, s1  }
0x2b: {  	p0 =	sne.s32 s1, s31  }
.Ltmp1:
0x2c: {  	_ = 	snop;
	(pc) =	sbr.rel @!p0 .LBB2_13-.Ltmp1, $3  }
0x2d: {  	_ =	sdelay $0x1  }
0x2e: {  	[sflag:s20] =	ssyncset.done $0x0  }
0x2f: {  	[sflag:s20] =	ssyncadd.s32 $0xFFFFF000  }
.LBB2_1:
0x30: {  	[dreg:$0x7] =	wrdreg s1  }
0x31: {  	s0 =	rddreg [dreg:$0x3]  }
0x32: {  	[tilespmem:s3], [sflag:$0x1] =	stream.linear.gather [hbm4b:s0+s3], $0x4000, $0x38;
	[tilespmem:$0x12000] =	vst v63  }
0x33: {  	s31 =	rddreg [dreg:$0x4];
	s28 =	simm.s32 $0x0  }
0x34: {  	[tilespmem:s13], [sflag:$0x2] =	stream.linear.gather [hbm4b:s31+s3], $0x4000, $0x38;
	[tilespmem:$0x12000] =	vst v63  }
.LBB2_2:
0x35: {  	s0 =	simm.s32 $0x0;
	s1 =	simm.s32 $0x4  }
0x36: {  	s5 =	simm.s32 $0x8;
	s9 =	simm.s32 $0xC;
	s12 =	simm.s32 $0x10;
	v3 =	vmov s0;
	v4 =	vmov s1  }
0x37: {  	s25 =	simm.s32 $0x18;
	s26 =	simm.s32 $0x1C;
	s6 =	simm.s32 $0x9;
	v5 =	vmov s5;
	v6 =	vmov s9;
	v7 =	vmov s12  }
0x38: {  	v9 =	vmov s25;
	v10 =	vmov s26;
	v19 =	vmov s6  }
0x39: {  	s1 =	simm.s32 $0x1;
	v8 =	vshll.u32 v3, $0x3;
	v11 =	vshll.u32 v4, $0x3;
	v12 =	vshll.u32 v7, $0x3  }
0x3a: {  	s5 =	simm.s32 $0x12;
	v13 =	vshll.u32 v10, $0x3;
	v2 =	vmov s1;
	v14 =	vshll.u32 v6, $0x3  }
0x3b: {  	_ =	swait.ge [sflag:s14], $0x4000;
	v15 =	vmov s5;
	v10 =	vand.u32 $0x7C, v10;
	v6 =	vand.u32 $0x6C, v6  }
0x3c: {  	p0 =	seq.s32 s28, $0x0;
	[sflag:s14] =	ssyncset.done $0x0;
	v17 =	vand.u32 $0x64, v4;
	v4 =	vand.u32 $0x68, v5;
	v18 =	vand.u32 $0x78, v9  }
0x3d: {  	s0 =	simm.s32 @!p0 $0x3;
	s25 =	simm.s32 $0x19;
	[sflag:s14] =	ssyncadd.s32 $0xFFFFC000;
	v7 =	vand.u32 $0x70, v7;
	v5 =	vshll.u32 v5, $0x3;
	v9 =	vshll.u32 v9, $0x3  }
0x3e: {  	s26 =	simm.s32 $0x11;
	s6 =	simm.s32 $0x6;
	v20 =	vshll.u32 v19, $0x3;
	v3 =	vand.u32 $0x60, v3;
	v25 =	vmov s25;
	_ =	swait.ge @!p0 [sflag:s0], $0x1000  }
0x3f: {  	v29 =	vmov s26;
	v19 =	vand.u32 $0x69, v19;
	v52 =	vmov s6;
	[sflag:s0] =	ssyncset.done @!p0 $0x0  }
0x40: {  	v13 =	vand.u32 $0xC00, v13;
	v14 =	vand.u32 $0xC00, v14;
	v11 =	vand.u32 $0xC00, v11;
	[sflag:s0] =	ssyncadd.s32 @!p0 $0xFFFFF000  }
0x41: {  	v16 =	vshll.u32 v15, $0x3;
	v8 =	vand.u32 $0xC00, v8;
	v5 =	vand.u32 $0xC00, v5;
	_ =	swait.ge @!p0 [sflag:s0], $0x1000  }
0x42: {  	v12 =	vand.u32 $0xC00, v12;
	v9 =	vand.u32 $0xC00, v9;
	v20 =	vand.u32 $0x7FFFFC00, v20;
	[sflag:s0] =	ssyncset.done @!p0 $0x0  }
0x43: {  	v27 =	vand.u32 $0x79, v25;
	v25 =	vshll.u32 v25, $0x3;
	v30 =	vshll.u32 v29, $0x3;
	[sflag:s0] =	ssyncadd.s32 @!p0 $0xFFFFF000  }
0x44: {  	v29 =	vand.u32 $0x71, v29;
	v8 =	vor.u32 v3, v8;
	v5 =	vor.u32 v4, v5;
	_ =	swait.ge @!p0 [sflag:s0], $0x1000  }
0x45: {  	s9 =	simm.s32 $0x14;
	v7 =	vor.u32 v7, v12;
	v12 =	vadd.s32 v0, v5;
	v4 =	vadd.s32 v1, v8;
	[sflag:s0] =	ssyncset.done @!p0 $0x0  }
0x46: {  	v22 =	vadd.s32 v1, v5;
	v5 =	vadd.s32 v0, v8;
	v8 =	vmov s9;
	[sflag:s0] =	ssyncadd.s32 @!p0 $0xFFFFF000  }
0x47: {  	s12 =	simm.s32 $0x15;
	v15 =	vand.u32 $0x72, v15;
	v10 =	vor.u32 v10, v13;
	v23 =	vshll.u32 v8, $0x3;
	_ =	swait.ge @!p0 [sflag:s0], $0x1000  }
0x48: {  	v6 =	vor.u32 v6, v14;
	v14 =	vand.u32 $0xC00, v23;
	v23 =	vmov s12;
	[sflag:s0] =	ssyncset.done @!p0 $0x0  }
0x49: {  	s30 =	simm.s32 $0x200;
	v9 =	vor.u32 v18, v9;
	v24 =	vand.u32 $0x75, v23;
	v23 =	vshll.u32 v23, $0x3;
	[sflag:s0] =	ssyncadd.s32 @!p0 $0xFFFFF000  }
0x4a: {  	v3 =	vshll.u32 v2, $0x3;
	v18 =	vadd.s32 v0, v9;
	v23 =	vand.u32 $0x7FFFFC00, v23;
	v28 =	vld [tilespmem:s30+$0xFFFFFF00]  }
0x4b: {  	v8 =	vand.u32 $0x74, v8;
	v23 =	vor.u32 v24, v23;
	v24 =	vand.u32 $0x7FFFFC00, v25;
	v25 =	vld [tilespmem:s30+$0x100]  }
0x4c: {  	v21 =	vadd.s32 v1, v7;
	v7 =	vadd.s32 v0, v7;
	v8 =	vor.u32 v8, v14;
	v14 =	vld [tilespmem:s30+$0x0]  }
0x4d: {  	v30 =	vand.u32 $0x7FFFFC00, v30;
	v11 =	vor.u32 v17, v11;
	v13 =	vadd.s32 v0, v10  }
0x4e: {  	v9 =	vadd.s32 v1, v9;
	v10 =	vadd.s32 v1, v10;
	v29 =	vor.u32 v29, v30;
	v26 =	vld [tilespmem:s30+$0x180]  }
0x4f: {  	v16 =	vand.u32 $0x7FFFFC00, v16;
	v33 =	vadd.s32 v0, v6;
	v50 =	vadd.s32 v0, v8;
	v32 =	vld [tilespmem:s30+$0x80];
	[tilespmem:v12+s15+$0x0] =	vst.idx.msk $0xffff, v28  }
0x50: {  	v2 =	vand.u32 $0x61, v2;
	v34 =	vadd.s32 v1, v6;
	v24 =	vor.u32 v27, v24;
	v27 =	vld [tilespmem:s30+$0xFFFFFF80];
	[tilespmem:v18+s15+$0x0] =	vst.idx.msk $0xffff, v25  }
0x51: {  	s1 =	simm.s32 $0xD;
	v15 =	vor.u32 v15, v16;
	v3 =	vand.u32 $0xC00, v3;
	v18 =	vadd.s32 v0, v11;
	[tilespmem:v7+s15+$0x0] =	vst.idx.msk $0xffff, v14;
	v7 =	vld [tilespmem:s30+$0xFFFFFE80]  }
0x52: {  	v6 =	vmov s1;
	v55 =	vadd.s32 v0, v15;
	v2 =	vor.u32 v2, v3;
	v17 =	vld [tilespmem:s30+$0xFFFFFF10]  }
0x53: {  	s5 =	simm.s32 $0x5;
	v8 =	vadd.s32 v1, v8;
	v12 =	vshll.u32 v6, $0x3;
	[tilespmem:v13+s15+$0x0] =	vst.idx.msk $0xffff, v26;
	v14 =	vor.u32 v19, v20;
	v13 =	vld [tilespmem:s30+$0x110]  }
0x54: {  	v6 =	vand.u32 $0x6D, v6;
	[tilespmem:v50+s15+$0x0] =	vst.idx.msk $0xffff, v32;
	v20 =	vmov s5;
	v12 =	vand.u32 $0x7FFFFC00, v12;
	v19 =	vld [tilespmem:s30+$0x10]  }
0x55: {  	s12 =	simm.s32 $0x1D;
	[tilespmem:v33+s15+$0x0] =	vst.idx.msk $0xffff, v27;
	v53 =	vor.u32 v6, v12;
	v12 =	vld [tilespmem:s30+$0x90];
	v6 =	vand.u32 $0x65, v20;
	v20 =	vshll.u32 v20, $0x3  }
0x56: {  	v16 =	vmov s12;
	v31 =	vadd.s32 v0, v23;
	v51 =	vld [tilespmem:s30+$0xFFFFFE00];
	v20 =	vand.u32 $0x7FFFFC00, v20;
	[tilespmem:v18+s15+$0x0] =	vst.idx.msk $0xffff, v7  }
0x57: {  	s9 =	simm.s32 $0xE;
	v25 =	vadd.s32 v0, v24;
	v27 =	vshll.u32 v52, $0x3;
	v20 =	vor.u32 v6, v20;
	[tilespmem:v22+s15+$0x0] =	vst.idx.msk $0xffff, v17;
	v17 =	vld [tilespmem:s30+$0xFFFFFF90]  }
0x58: {  	v6 =	vand.u32 $0x7FFFFC00, v27;
	v7 =	vmov s9;
	v22 =	vand.u32 $0x66, v52;
	[tilespmem:v9+s15+$0x0] =	vst.idx.msk $0xffff, v13;
	v13 =	vld [tilespmem:s30+$0x190]  }
0x59: {  	v11 =	vadd.s32 v1, v11;
	[tilespmem:v21+s15+$0x0] =	vst.idx.msk $0xffff, v19;
	v19 =	vshll.u32 v7, $0x3;
	v6 =	vor.u32 v22, v6;
	v22 =	vld [tilespmem:s30+$0xFFFFFE90]  }
0x5a: {  	v26 =	vadd.s32 v0, v29;
	v21 =	vld [tilespmem:s30+$0x120];
	[tilespmem:v8+s15+$0x0] =	vst.idx.msk $0xffff, v12;
	v8 =	vand.u32 $0x7FFFFC00, v19;
	v12 =	vshll.u32 v16, $0x3  }
0x5b: {  	[tilespmem:v5+s15+$0x0] =	vst.idx.msk $0xffff, v51;
	v19 =	vadd.s32 v1, v23;
	v23 =	vld [tilespmem:s30+$0x20];
	v16 =	vand.u32 $0x7D, v16;
	v12 =	vand.u32 $0x7FFFFC00, v12  }
0x5c: {  	v59 =	vadd.s32 v0, v2;
	v12 =	vor.u32 v16, v12;
	v16 =	vld [tilespmem:s30+$0xA0];
	[tilespmem:v34+s15+$0x0] =	vst.idx.msk $0xffff, v17  }
0x5d: {  	v18 =	vadd.s32 v1, v29;
	v17 =	vadd.s32 v0, v53;
	[tilespmem:v10+s15+$0x0] =	vst.idx.msk $0xffff, v13;
	v27 =	vld [tilespmem:s30+$0xFFFFFFA0]  }
0x5e: {  	s26 =	simm.s32 $0x16;
	v35 =	vadd.s32 v0, v20;
	v7 =	vand.u32 $0x6E, v7;
	v56 =	vadd.s32 v0, v12;
	[tilespmem:v11+s15+$0x0] =	vst.idx.msk $0xffff, v22;
	v22 =	vld [tilespmem:s30+$0x1A0]  }
0x5f: {  	s25 =	simm.s32 $0xA;
	v7 =	vor.u32 v7, v8;
	v57 =	vadd.s32 v1, v12;
	v13 =	vmov s26;
	[tilespmem:v25+s15+$0x0] =	vst.idx.msk $0xffff, v21;
	v21 =	vld [tilespmem:s30+$0xFFFFFEA0]  }
0x60: {  	v28 =	vld [tilespmem:s30+$0xFFFFFE10];
	v10 =	vmov s25;
	v11 =	vand.u32 $0x76, v13;
	v13 =	vshll.u32 v13, $0x3;
	[tilespmem:v26+s15+$0x0] =	vst.idx.msk $0xffff, v23  }
0x61: {  	s5 =	simm.s32 $0x1E;
	v36 =	vand.u32 $0x6A, v10;
	v10 =	vshll.u32 v10, $0x3;
	v8 =	vand.u32 $0x7FFFFC00, v13;
	v23 =	vld [tilespmem:s30+$0x30];
	[tilespmem:v31+s15+$0x0] =	vst.idx.msk $0xffff, v16  }
0x62: {  	v10 =	vand.u32 $0x7FFFFC00, v10;
	v11 =	vor.u32 v11, v8;
	v8 =	vmov s5;
	v26 =	vld [tilespmem:s30+$0xB0];
	[tilespmem:v17+s15+$0x0] =	vst.idx.msk $0xffff, v27  }
0x63: {  	v10 =	vor.u32 v36, v10;
	v25 =	vand.u32 $0x7E, v8;
	v17 =	vadd.s32 v1, v53;
	[tilespmem:v56+s15+$0x0] =	vst.idx.msk $0xffff, v22;
	v16 =	vld [tilespmem:s30+$0xFFFFFFB0]  }
0x64: {  	v8 =	vshll.u32 v8, $0x3;
	v13 =	vadd.s32 v1, v10;
	v22 =	vadd.s32 v0, v10;
	[tilespmem:v35+s15+$0x0] =	vst.idx.msk $0xffff, v21;
	v10 =	vld [tilespmem:s30+$0x1B0]  }
0x65: {  	s6 =	simm.s32 $0xF;
	v54 =	vadd.s32 v0, v14;
	v20 =	vadd.s32 v1, v20;
	[tilespmem:v4+s15+$0x0] =	vst.idx.msk $0xffff, v28;
	v8 =	vand.u32 $0x7FFFFC00, v8;
	v5 =	vld [tilespmem:s30+$0xFFFFFEB0]  }
0x66: {  	s9 =	simm.s32 $0x17;
	v9 =	vadd.s32 v1, v24;
	v24 =	vld [tilespmem:s30+$0xFFFFFF20];
	v8 =	vor.u32 v25, v8;
	v21 =	vmov s6;
	[tilespmem:v18+s15+$0x0] =	vst.idx.msk $0xffff, v23  }
0x67: {  	v28 =	vld [tilespmem:s30+$0xFFFFFE20];
	v27 =	vmov s9;
	v25 =	vand.u32 $0x6F, v21;
	v21 =	vshll.u32 v21, $0x3;
	[tilespmem:v19+s15+$0x0] =	vst.idx.msk $0xffff, v26  }
0x68: {  	v23 =	vshll.u32 v27, $0x3;
	v18 =	vand.u32 $0x7FFFFC00, v21;
	v21 =	vand.u32 $0x77, v27;
	v27 =	vld [tilespmem:s30+$0x40];
	[tilespmem:v17+s15+$0x0] =	vst.idx.msk $0xffff, v16  }
0x69: {  	v16 =	vor.u32 v25, v18;
	v18 =	vand.u32 $0x7FFFFC00, v23;
	v25 =	vadd.s32 v0, v7;
	[tilespmem:v57+s15+$0x0] =	vst.idx.msk $0xffff, v10;
	v23 =	vld [tilespmem:s30+$0xFFFFFFC0]  }
0x6a: {  	v15 =	vadd.s32 v1, v15;
	s25 =	simm.s32 $0x13;
	v26 =	vadd.s32 v0, v8;
	[tilespmem:v20+s15+$0x0] =	vst.idx.msk $0xffff, v5;
	v5 =	vld [tilespmem:s30+$0x1C0]  }
0x6b: {  	v2 =	vadd.s32 v1, v2;
	s12 =	simm.s32 $0xB;
	[tilespmem:v54+s15+$0x0] =	vst.idx.msk $0xffff, v24;
	v24 =	vmov s25;
	v20 =	vadd.s32 v0, v6;
	v58 =	vld [tilespmem:s30+$0xFFFFFEC0]  }
0x6c: {  	[tilespmem:v59+s15+$0x0] =	vst.idx.msk $0xffff, v28;
	v30 =	vld [tilespmem:s30+$0xFFFFFF30];
	v3 =	vshll.u32 v24, $0x3;
	v19 =	vmov s12;
	s12 =	simm.s32 $0x1B;
	v10 =	vadd.s32 v1, v14  }
0x6d: {  	v61 =	vmov s12;
	v17 =	vadd.s32 v0, v11;
	v18 =	vor.u32 v21, v18;
	v21 =	vld [tilespmem:s30+$0xC0];
	[tilespmem:v55+s15+$0x0] =	vst.idx.msk $0xffff, v27  }
0x6e: {  	v24 =	vand.u32 $0x73, v24;
	v62 =	vand.u32 $0x7B, v61;
	v14 =	vshll.u32 v19, $0x3;
	v29 =	vld [tilespmem:s30+$0x50];
	[tilespmem:v25+s15+$0x0] =	vst.idx.msk $0xffff, v23  }
0x6f: {  	v7 =	vadd.s32 v1, v7;
	v14 =	vand.u32 $0x7FFFFC00, v14;
	v23 =	vand.u32 $0x7FFFFC00, v3;
	[tilespmem:v26+s15+$0x0] =	vst.idx.msk $0xffff, v5;
	v4 =	vld [tilespmem:s30+$0xFFFFFFD0]  }
0x70: {  	s26 =	simm.s32 $0x7;
	v5 =	vand.u32 $0x6B, v19;
	v19 =	vor.u32 v24, v23;
	v23 =	vadd.s32 v1, v8;
	[tilespmem:v20+s15+$0x0] =	vst.idx.msk $0xffff, v58;
	v20 =	vld [tilespmem:s30+$0x1D0]  }
0x71: {  	s6 =	simm.s32 $0x2;
	v63 =	vadd.s32 v1, v16;
	v27 =	vmov s26;
	[tilespmem:v10+s15+$0x0] =	vst.idx.msk $0xffff, v30;
	v24 =	vadd.s32 v1, v6;
	v25 =	vld [tilespmem:s30+$0xFFFFFED0]  }
0x72: {  	v12 =	vld [tilespmem:s30+$0x130];
	s5 =	simm.s32 $0x1F;
	v10 =	vand.u32 $0x67, v27;
	v3 =	vadd.s32 v0, v18;
	[tilespmem:v17+s15+$0x0] =	vst.idx.msk $0xffff, v21;
	v17 =	vmov s6  }
0x73: {  	v26 =	vld [tilespmem:s30+$0xFFFFFF40];
	v21 =	vadd.s32 v0, v16;
	v5 =	vor.u32 v5, v14;
	v14 =	vmov s5;
	[tilespmem:v15+s15+$0x0] =	vst.idx.msk $0xffff, v29  }
0x74: {  	v8 =	vshll.u32 v27, $0x3;
	v15 =	vadd.s32 v0, v19;
	v27 =	vand.u32 $0x7F, v14;
	v29 =	vld [tilespmem:s30+$0x60];
	[tilespmem:v7+s15+$0x0] =	vst.idx.msk $0xffff, v4  }
0x75: {  	v14 =	vshll.u32 v14, $0x3;
	v60 =	vand.u32 $0x7FFFFC00, v8;
	v4 =	vadd.s32 v1, v18;
	[tilespmem:v23+s15+$0x0] =	vst.idx.msk $0xffff, v20;
	v18 =	vld [tilespmem:s30+$0xFFFFFFE0]  }
0x76: {  	v8 =	vld [tilespmem:s30+$0xD0];
	v7 =	vand.u32 $0x7FFFFC00, v14;
	v20 =	vor.u32 v10, v60;
	v10 =	vand.u32 $0x62, v17;
	[tilespmem:v24+s15+$0x0] =	vst.idx.msk $0xffff, v25  }
0x77: {  	s9 =	simm.s32 $0x1A;
	[tilespmem:v9+s15+$0x0] =	vst.idx.msk $0xffff, v12;
	v14 =	vor.u32 v27, v7;
	v7 =	vshll.u32 v17, $0x3;
	v17 =	vadd.s32 v0, v20;
	v25 =	vld [tilespmem:s30+$0xFFFFFEE0]  }
0x78: {  	v6 =	vadd.s32 v0, v5;
	[tilespmem:v22+s15+$0x0] =	vst.idx.msk $0xffff, v26;
	v26 =	vmov s9;
	v24 =	vld [tilespmem:s30+$0x1E0];
	v23 =	vadd.s32 v0, v14  }
0x79: {  	v5 =	vadd.s32 v1, v5;
	v9 =	vadd.s32 v1, v19;
	v16 =	vand.u32 $0x7A, v26;
	v27 =	vld [tilespmem:s30+$0xFFFFFF50];
	[tilespmem:v15+s15+$0x0] =	vst.idx.msk $0xffff, v29  }
0x7a: {  	v20 =	vadd.s32 v1, v20;
	v7 =	vand.u32 $0xC00, v7;
	v15 =	vshll.u32 v26, $0x3;
	v26 =	vld [tilespmem:s30+$0xFFFFFE30];
	[tilespmem:v21+s15+$0x0] =	vst.idx.msk $0xffff, v18  }
0x7b: {  	v29 =	vshll.u32 v61, $0x3;
	v22 =	vor.u32 v10, v7;
	v21 =	vand.u32 $0x7FFFFC00, v15;
	v12 =	vld [tilespmem:s30+$0xFFFFFFF0]  }
0x7c: {  	s25 =	simm.s32 $0x3;
	v7 =	vld [tilespmem:s30+$0x70];
	v10 =	vadd.s32 v1, v22;
	v19 =	vor.u32 v16, v21;
	v16 =	vand.u32 $0x7FFFFC00, v29;
	[tilespmem:v17+s15+$0x0] =	vst.idx.msk $0xffff, v25  }
0x7d: {  	v15 =	vadd.s32 v0, v22;
	[tilespmem:v23+s15+$0x0] =	vst.idx.msk $0xffff, v24;
	v23 =	vmov s25;
	v22 =	vor.u32 v62, v16;
	v21 =	vld [tilespmem:s30+$0xFFFFFEF0]  }
0x7e: {  	v18 =	vld [tilespmem:s30+$0x140];
	[tilespmem:v13+s15+$0x0] =	vst.idx.msk $0xffff, v27;
	v13 =	vand.u32 $0x63, v23;
	v23 =	vshll.u32 v23, $0x3;
	v25 =	vadd.s32 v0, v19  }
0x7f: {  	s31 =	simm.s32 $0x0;
	s26 =	sshll.u32 s28, $0x1;
	v17 =	vld [tilespmem:s30+$0x1F0];
	v19 =	vadd.s32 v1, v19;
	v24 =	vand.u32 $0xC00, v23;
	v23 =	vadd.s32 v1, v11  }
0x80: {  	s1 =	simm.s32 $0x3F;
	s0 =	simm.s32 $0x600;
	s29 =	sadd.s32 s4, s26;
	v16 =	vld [tilespmem:s30+$0xFFFFFF60];
	v24 =	vor.u32 v13, v24;
	[tilespmem:v63+s15+$0x0] =	vst.idx.msk $0xffff, v12;
	v12 =	vadd.s32 v0, v22  }
.LBB2_3:
0x81: {  	s5 =	sadd.s32 $0xFFFFFFE1, s1;
	s6 =	sadd.s32 $0xFFFFFFE5, s1;
	s12 =	sadd.s32 $0xFFFFFFE9, s1;
	v11 =	vadd.s32 v1, v24;
	v13 =	vadd.s32 v1, v22;
	v14 =	vadd.s32 v1, v14  }
0x82: {  	v22 =	vmov s5;
	s5 =	sadd.s32 $0xFFFFFFE4, s1;
	v27 =	vmov s6;
	v28 =	vmov s12;
	s6 =	sadd.s32 $0xFFFFFFED, s1;
	s12 =	sadd.s32 $0xFFFFFFF1, s1;
	[tilespmem:v20+s15+$0x0] =	vst.idx.msk $0xffff, v21  }
0x83: {  	s25 =	sadd.s32 $0xFFFFFFE2, s1;
	v24 =	vadd.s32 v0, v24;
	v20 =	vmov s6;
	v21 =	vmov s12;
	s6 =	sadd.s32 $0xFFFFFFF9, s1;
	s12 =	sadd.s32 $0xFFFFFFFD, s1;
	[tilespmem:v25+s15+$0x0] =	vst.idx.msk $0xffff, v18  }
0x84: {  	s26 =	sadd.s32 $0xFFFFFFF3, s1;
	s31 =	sadd.s32 $0x8, s31;
	v18 =	vshll.u32 v22, $0x3;
	v25 =	vmov s6;
	v29 =	vmov s12;
	[tilespmem:v2+s15+$0x0] =	vst.idx.msk $0xffff, v26;
	v26 =	vld [tilespmem:s30+$0x150]  }
0x85: {  	p1 =	slt.u32 s31, $0x78;
	v30 =	vshll.u32 v27, $0x3;
	v31 =	vshll.u32 v21, $0x3;
	v32 =	vshll.u32 v29, $0x3;
	v33 =	vld [tilespmem:s30+$0xFFFFFE40];
	[tilespmem:v23+s15+$0x0] =	vst.idx.msk $0xffff, v8  }
0x86: {  	v2 =	vmov s25;
	v8 =	vshll.u32 v20, $0x3;
	v23 =	vand.u32 $0xC00, v32;
	v32 =	vld [tilespmem:s30+$0xE0];
	[tilespmem:v14+s15+$0x0] =	vst.idx.msk $0xffff, v17  }
0x87: {  	s6 =	sadd.s32 $0xFFFFFFEA, s1;
	v17 =	vand.u32 $0xC00, v8;
	v14 =	vmov s26;
	v8 =	vand.u32 $0x7C, v29  }
0x88: {  	v20 =	vand.u32 $0x6C, v20;
	v29 =	vand.u32 $0xC00, v30;
	v30 =	vshll.u32 v14, $0x3  }
0x89: {  	v27 =	vand.u32 $0x64, v27;
	v34 =	vand.u32 $0x68, v28;
	v35 =	vand.u32 $0x78, v25;
	v36 =	vld [tilespmem:s0+$0x180];
	[tilespmem:v19+s15+$0x0] =	vst.idx.msk $0xffff, v26  }
0x8a: {  	v21 =	vand.u32 $0x70, v21;
	v23 =	vor.u32 v8, v23;
	v19 =	vmov s6;
	[tilespmem:v15+s15+$0x0] =	vst.idx.msk $0xffff, v33;
	v8 =	vld [tilespmem:s30+$0x160]  }
0x8b: {  	v25 =	vshll.u32 v25, $0x3;
	v26 =	vadd.s32 v0, v23;
	v15 =	vshll.u32 v28, $0x3;
	v28 =	vld [tilespmem:s30+$0xFFFFFE50];
	[tilespmem:v3+s15+$0x0] =	vst.idx.msk $0xffff, v32  }
0x8c: {  	v3 =	vand.u32 $0xC00, v18;
	v15 =	vand.u32 $0xC00, v15;
	v18 =	vshll.u32 v19, $0x3;
	[tilespmem:v6+s15+$0x0] =	vst.idx.msk $0xffff, v16;
	v16 =	vld [tilespmem:s30+$0xF0]  }
0x8d: {  	v25 =	vand.u32 $0xC00, v25;
	v6 =	vand.u32 $0x60, v22;
	v22 =	vand.u32 $0xC00, v31;
	v31 =	vld [tilespmem:s30+$0xFFFFFF70]  }
0x8e: {  	v15 =	vor.u32 v34, v15;
	v32 =	vor.u32 v6, v3;
	v21 =	vor.u32 v21, v22;
	v33 =	vld [tilespmem:s0+$0xFFFFFF80]  }
0x8f: {  	s6 =	sadd.s32 $0xFFFFFFF5, s1;
	v3 =	vshll.u32 v2, $0x3;
	v34 =	vadd.s32 v0, v15;
	v37 =	vadd.s32 v1, v21;
	v22 =	vld [tilespmem:s0+$0xFFFFFF00];
	[tilespmem:v12+s15+$0x0] =	vst.idx.msk $0xffff, v8  }
0x90: {  	v25 =	vor.u32 v35, v25;
	v15 =	vadd.s32 v1, v15;
	v6 =	vadd.s32 v1, v32;
	v8 =	vld [tilespmem:s0+$0xFFFFFE00]  }
0x91: {  	v38 =	vadd.s32 v0, v25;
	v12 =	vadd.s32 v0, v32;
	v32 =	vmov s6;
	v35 =	vld [tilespmem:s0+$0x100];
	[tilespmem:v10+s15+$0x0] =	vst.idx.msk $0xffff, v28  }
0x92: {  	v25 =	vadd.s32 v1, v25;
	v10 =	vadd.s32 v0, v21;
	v21 =	vshll.u32 v32, $0x3;
	v28 =	vld [tilespmem:s30+$0xFFFFFE60];
	[tilespmem:v4+s15+$0x0] =	vst.idx.msk $0xffff, v16  }
0x93: {  	s6 =	sadd.s32 $0xFFFFFFF6, s1;
	v16 =	vor.u32 v20, v17;
	v17 =	vand.u32 $0xC00, v21;
	v20 =	vadd.s32 v1, v23;
	v4 =	vld [tilespmem:s0+$0x0];
	[tilespmem:v26+s15+$0x0] =	vst.idx.msk $0xffff, v36  }
0x94: {  	v18 =	vand.u32 $0x7FFFFC00, v18;
	v23 =	vmov s6;
	s6 =	sadd.s32 $0xFFFFFFFA, s1;
	[tilespmem:v34+s15+$0x0] =	vst.idx.msk $0xffff, v22;
	v21 =	vld [tilespmem:s0+$0x80];
	v22 =	vand.u32 $0x74, v32  }
0x95: {  	s12 =	sadd.s32 $0xFFFFFFF2, s1;
	v32 =	vand.u32 $0x75, v23;
	v23 =	vshll.u32 v23, $0x3;
	v34 =	vmov s6;
	v26 =	vld [tilespmem:s0+$0xFFFFFF10];
	[tilespmem:v9+s15+$0x0] =	vst.idx.msk $0xffff, v7  }
0x96: {  	v7 =	vand.u32 $0x7FFFFC00, v23;
	v9 =	vand.u32 $0x79, v34;
	v23 =	vshll.u32 v34, $0x3;
	[tilespmem:v38+s15+$0x0] =	vst.idx.msk $0xffff, v35;
	v34 =	vld [tilespmem:s30+$0x170]  }
0x97: {  	v35 =	vmov s12;
	v32 =	vor.u32 v32, v7;
	v23 =	vand.u32 $0x7FFFFC00, v23;
	v7 =	vld [tilespmem:s0+$0x110];
	[tilespmem:v24+s15+$0x0] =	vst.idx.msk $0xffff, v28  }
0x98: {  	v24 =	vshll.u32 v35, $0x3;
	v28 =	vadd.s32 v0, v32;
	v9 =	vor.u32 v9, v23;
	v23 =	vld [tilespmem:s30+$0xFFFFFE70];
	[tilespmem:v5+s15+$0x0] =	vst.idx.msk $0xffff, v31;
	s30 =	smov.u32 s0  }
0x99: {  	v5 =	vand.u32 $0x7FFFFC00, v24;
	[tilespmem:v10+s15+$0x0] =	vst.idx.msk $0xffff, v4;
	v4 =	vand.u32 $0x71, v35;
	v10 =	vor.u32 v22, v17  }
0x9a: {  	s6 =	sadd.s32 $0xFFFFFFEE, s1;
	v17 =	vand.u32 $0x7FFFFC00, v30;
	[tilespmem:v15+s15+$0x0] =	vst.idx.msk $0xffff, v26;
	v15 =	vor.u32 v4, v5;
	v5 =	vadd.s32 v0, v10  }
0x9b: {  	v24 =	vmov s6;
	v22 =	vadd.s32 v0, v16;
	v16 =	vadd.s32 v1, v16;
	v4 =	vld [tilespmem:s0+$0xFFFFFF20];
	[tilespmem:v13+s15+$0x0] =	vst.idx.msk $0xffff, v34  }
0x9c: {  	v26 =	vor.u32 v27, v29;
	v27 =	vshll.u32 v24, $0x3;
	v29 =	vadd.s32 v1, v10;
	v13 =	vld [tilespmem:s0+$0xFFFFFE80];
	[tilespmem:v25+s15+$0x0] =	vst.idx.msk $0xffff, v7  }
0x9d: {  	v14 =	vand.u32 $0x72, v14;
	v30 =	vadd.s32 v0, v9;
	v7 =	vadd.s32 v0, v26;
	v25 =	vld [tilespmem:s0+$0x120];
	[tilespmem:v11+s15+$0x0] =	vst.idx.msk $0xffff, v23  }
0x9e: {  	v10 =	vand.u32 $0x69, v19;
	v19 =	vadd.s32 v0, v15;
	v11 =	vadd.s32 v1, v26  }
0x9f: {  	s12 =	sadd.s32 $0xFFFFFFE7, s1;
	s6 =	sadd.s32 $0xFFFFFFE6, s1;
	v10 =	vor.u32 v10, v18;
	v18 =	vand.u32 $0x6D, v24;
	v23 =	vand.u32 $0x7FFFFC00, v27;
	v24 =	vld [tilespmem:s0+$0x10];
	[tilespmem:v5+s15+$0x0] =	vst.idx.msk $0xffff, v21  }
0xa0: {  	v18 =	vor.u32 v18, v23;
	v5 =	vmov s6;
	v21 =	vmov s12;
	[tilespmem:v22+s15+$0x0] =	vst.idx.msk $0xffff, v33;
	v22 =	vld [tilespmem:s0+$0x90]  }
0xa1: {  	v23 =	vand.u32 $0x65, v5;
	v5 =	vshll.u32 v5, $0x3;
	v26 =	vshll.u32 v21, $0x3;
	v27 =	vld [tilespmem:s0+$0xFFFFFF90]  }
0xa2: {  	v5 =	vand.u32 $0x7FFFFC00, v5;
	[tilespmem:v7+s15+$0x0] =	vst.idx.msk $0xffff, v13;
	v7 =	vand.u32 $0x66, v21;
	v21 =	vadd.s32 v0, v10;
	v13 =	vld [tilespmem:s0+$0x190]  }
0xa3: {  	s6 =	sadd.s32 $0xFFFFFFEF, s1;
	v26 =	vand.u32 $0x7FFFFC00, v26;
	v23 =	vor.u32 v23, v5;
	v5 =	vadd.s32 v1, v9;
	v31 =	vld [tilespmem:s0+$0xFFFFFE90];
	[tilespmem:v30+s15+$0x0] =	vst.idx.msk $0xffff, v25  }
0xa4: {  	v15 =	vadd.s32 v1, v15;
	v9 =	vor.u32 v7, v26;
	v25 =	vmov s6;
	s6 =	sadd.s32 $0xFFFFFFFE, s1;
	[tilespmem:v37+s15+$0x0] =	vst.idx.msk $0xffff, v24;
	v7 =	vld [tilespmem:s0+$0x130]  }
0xa5: {  	v14 =	vor.u32 v14, v17;
	v24 =	vshll.u32 v25, $0x3;
	v17 =	vmov s6;
	v26 =	vld [tilespmem:s0+$0x20];
	[tilespmem:v29+s15+$0x0] =	vst.idx.msk $0xffff, v22  }
0xa6: {  	[tilespmem:v16+s15+$0x0] =	vst.idx.msk $0xffff, v27;
	v16 =	vand.u32 $0x7FFFFC00, v24;
	v22 =	vld [tilespmem:s0+$0xA0];
	v24 =	vadd.s32 v1, v32;
	v27 =	vshll.u32 v17, $0x3  }
0xa7: {  	s12 =	sadd.s32 $0xFFFFFFF7, s1;
	v30 =	vadd.s32 v0, v18;
	s6 =	sadd.s32 $0xFFFFFFEB, s1;
	v29 =	vld [tilespmem:s0+$0xFFFFFFA0];
	[tilespmem:v20+s15+$0x0] =	vst.idx.msk $0xffff, v13;
	v13 =	vand.u32 $0x7D, v17;
	v17 =	vand.u32 $0x7FFFFC00, v27  }
0xa8: {  	v20 =	vmov s12;
	[tilespmem:v11+s15+$0x0] =	vst.idx.msk $0xffff, v31;
	v11 =	vmov s6;
	v27 =	vld [tilespmem:s0+$0x1A0];
	v13 =	vor.u32 v13, v17  }
0xa9: {  	v31 =	vadd.s32 v0, v14;
	v17 =	vld [tilespmem:s0+$0xFFFFFEA0];
	v32 =	vadd.s32 v0, v13;
	v33 =	vadd.s32 v1, v13  }
0xaa: {  	v13 =	vadd.s32 v0, v23;
	v34 =	vand.u32 $0x6A, v11;
	v11 =	vshll.u32 v11, $0x3;
	[tilespmem:v19+s15+$0x0] =	vst.idx.msk $0xffff, v26  }
0xab: {  	v19 =	vand.u32 $0x6E, v25;
	v25 =	vld [tilespmem:s0+$0x30];
	[tilespmem:v28+s15+$0x0] =	vst.idx.msk $0xffff, v22;
	v22 =	vand.u32 $0x76, v20;
	v20 =	vshll.u32 v20, $0x3  }
0xac: {  	s6 =	sadd.s32 $0xFFFFFFFF, s1;
	v16 =	vor.u32 v19, v16;
	[tilespmem:v12+s15+$0x0] =	vst.idx.msk $0xffff, v8;
	v8 =	vand.u32 $0x7FFFFC00, v11;
	v19 =	vld [tilespmem:s0+$0xB0];
	v11 =	vand.u32 $0x7FFFFC00, v20  }
0xad: {  	v18 =	vadd.s32 v1, v18;
	v12 =	vmov s6;
	v20 =	vld [tilespmem:s0+$0xFFFFFE10];
	[tilespmem:v30+s15+$0x0] =	vst.idx.msk $0xffff, v29;
	v11 =	vor.u32 v22, v11  }
0xae: {  	v8 =	vor.u32 v34, v8;
	v26 =	vand.u32 $0x7E, v12;
	v22 =	vld [tilespmem:s0+$0xFFFFFFB0];
	[tilespmem:v32+s15+$0x0] =	vst.idx.msk $0xffff, v27;
	v27 =	vshll.u32 v12, $0x3  }
0xaf: {  	s6 =	sadd.s32 $0xFFFFFFF0, s1;
	v12 =	vadd.s32 v1, v8;
	[tilespmem:v13+s15+$0x0] =	vst.idx.msk $0xffff, v17;
	v17 =	vadd.s32 v0, v8;
	v8 =	vld [tilespmem:s0+$0x1B0];
	v13 =	vand.u32 $0x7FFFFC00, v27  }
0xb0: {  	v23 =	vadd.s32 v1, v23;
	v28 =	vmov s6;
	s6 =	sadd.s32 $0xFFFFFFF8, s1;
	v27 =	vld [tilespmem:s0+$0xFFFFFEB0];
	[tilespmem:v15+s15+$0x0] =	vst.idx.msk $0xffff, v25;
	v15 =	vor.u32 v26, v13  }
0xb1: {  	v25 =	vand.u32 $0x6F, v28;
	v13 =	vshll.u32 v28, $0x3;
	v26 =	vld [tilespmem:s0+$0x40];
	[tilespmem:v24+s15+$0x0] =	vst.idx.msk $0xffff, v19;
	v19 =	vmov s6  }
0xb2: {  	[tilespmem:v6+s15+$0x0] =	vst.idx.msk $0xffff, v20;
	v6 =	vand.u32 $0x7FFFFC00, v13;
	v20 =	vld [tilespmem:s0+$0xC0];
	v24 =	vand.u32 $0x77, v19;
	v19 =	vshll.u32 v19, $0x3  }
0xb3: {  	s6 =	sadd.s32 $0xFFFFFFEC, s1;
	v13 =	vld [tilespmem:s0+$0xFFFFFE20];
	[tilespmem:v18+s15+$0x0] =	vst.idx.msk $0xffff, v22;
	v22 =	vor.u32 v25, v6;
	v6 =	vadd.s32 v0, v11;
	v18 =	vand.u32 $0x7FFFFC00, v19  }
0xb4: {  	v28 =	vadd.s32 v0, v16;
	v19 =	vmov s6;
	v25 =	vld [tilespmem:s0+$0xFFFFFFC0];
	v18 =	vor.u32 v24, v18;
	[tilespmem:v33+s15+$0x0] =	vst.idx.msk $0xffff, v8  }
0xb5: {  	v10 =	vadd.s32 v1, v10;
	v8 =	vshll.u32 v19, $0x3;
	v24 =	vadd.s32 v0, v15;
	[tilespmem:v23+s15+$0x0] =	vst.idx.msk $0xffff, v27;
	v23 =	vld [tilespmem:s0+$0x1C0]  }
0xb6: {  	v14 =	vadd.s32 v1, v14;
	v29 =	vadd.s32 v0, v9;
	s6 =	sadd.s32 $0xFFFFFFF4, s1;
	v27 =	vld [tilespmem:s0+$0xFFFFFEC0];
	[tilespmem:v21+s15+$0x0] =	vst.idx.msk $0xffff, v4;
	v4 =	vand.u32 $0x7FFFFC00, v8  }
0xb7: {  	v2 =	vand.u32 $0x61, v2;
	v3 =	vand.u32 $0xC00, v3;
	s12 =	sadd.s32 $0xFFFFFFE8, s1;
	v21 =	vld [tilespmem:s0+$0xFFFFFF30];
	[tilespmem:v31+s15+$0x0] =	vst.idx.msk $0xffff, v26;
	v26 =	vmov s6  }
0xb8: {  	v2 =	vor.u32 v2, v3;
	v30 =	vmov s12;
	v31 =	vld [tilespmem:s0+$0x50];
	v3 =	vshll.u32 v26, $0x3;
	[tilespmem:v6+s15+$0x0] =	vst.idx.msk $0xffff, v20  }
0xb9: {  	v32 =	vadd.s32 v0, v2;
	[tilespmem:v28+s15+$0x0] =	vst.idx.msk $0xffff, v25;
	v6 =	vand.u32 $0x7FFFFC00, v3;
	v8 =	vld [tilespmem:s0+$0xD0];
	v3 =	vadd.s32 v0, v18  }
0xba: {  	v2 =	vadd.s32 v1, v2;
	v16 =	vadd.s32 v1, v16;
	v25 =	vand.u32 $0x73, v26;
	v20 =	vld [tilespmem:s0+$0xFFFFFFD0];
	[tilespmem:v24+s15+$0x0] =	vst.idx.msk $0xffff, v23  }
0xbb: {  	v19 =	vand.u32 $0x6B, v19;
	v15 =	vadd.s32 v1, v15;
	v23 =	vor.u32 v25, v6;
	[tilespmem:v29+s15+$0x0] =	vst.idx.msk $0xffff, v27;
	v24 =	vld [tilespmem:s0+$0x1D0]  }
0xbc: {  	v9 =	vadd.s32 v1, v9;
	v26 =	vshll.u32 v30, $0x3;
	v25 =	vld [tilespmem:s0+$0xFFFFFED0];
	[tilespmem:v10+s15+$0x0] =	vst.idx.msk $0xffff, v21;
	v10 =	vor.u32 v19, v4  }
0xbd: {  	v19 =	vand.u32 $0x67, v30;
	v4 =	vmov s1;
	v21 =	vld [tilespmem:s0+$0xFFFFFF40];
	v6 =	vadd.s32 v0, v10;
	[tilespmem:v14+s15+$0x0] =	vst.idx.msk $0xffff, v31  }
0xbe: {  	v28 =	vadd.s32 v0, v23;
	v27 =	vld [tilespmem:s0+$0x60];
	[tilespmem:v5+s15+$0x0] =	vst.idx.msk $0xffff, v7;
	v5 =	vand.u32 $0x7F, v4;
	v7 =	vshll.u32 v4, $0x3  }
0xbf: {  	s6 =	sadd.s32 $0xFFFFFFE3, s1;
	v26 =	vand.u32 $0x7FFFFC00, v26;
	v4 =	vadd.s32 v1, v18;
	[tilespmem:v16+s15+$0x0] =	vst.idx.msk $0xffff, v20;
	v7 =	vand.u32 $0x7FFFFC00, v7  }
0xc0: {  	v16 =	vmov s6;
	v20 =	vadd.s32 v0, v22;
	v18 =	vld [tilespmem:s0+$0xFFFFFFE0];
	[tilespmem:v15+s15+$0x0] =	vst.idx.msk $0xffff, v24;
	v14 =	vor.u32 v5, v7  }
0xc1: {  	v19 =	vor.u32 v19, v26;
	v5 =	vshll.u32 v16, $0x3;
	[tilespmem:v9+s15+$0x0] =	vst.idx.msk $0xffff, v25;
	v9 =	vld [tilespmem:s0+$0x1E0];
	v24 =	vadd.s32 v0, v14  }
0xc2: {  	s6 =	sadd.s32 $0xFFFFFFFB, s1;
	v7 =	vand.u32 $0x62, v16;
	v5 =	vand.u32 $0xC00, v5;
	v25 =	vadd.s32 v0, v19;
	v16 =	vld [tilespmem:s0+$0xFFFFFEE0];
	[tilespmem:v17+s15+$0x0] =	vst.idx.msk $0xffff, v21  }
0xc3: {  	v15 =	vor.u32 v7, v5;
	v5 =	vadd.s32 v1, v10;
	v17 =	vmov s6;
	s6 =	sadd.s32 $0xFFFFFFFC, s1;
	v26 =	vld [tilespmem:s0+$0xFFFFFF50];
	[tilespmem:v28+s15+$0x0] =	vst.idx.msk $0xffff, v27  }
0xc4: {  	v10 =	vadd.s32 v1, v15;
	v21 =	vshll.u32 v17, $0x3;
	v27 =	vmov s6;
	v7 =	vld [tilespmem:s0+$0x70]  }
0xc5: {  	v28 =	vand.u32 $0x7B, v27;
	[tilespmem:v20+s15+$0x0] =	vst.idx.msk $0xffff, v18;
	v18 =	vld [tilespmem:s0+$0x140];
	v20 =	vand.u32 $0x7FFFFC00, v21;
	v21 =	vshll.u32 v27, $0x3  }
0xc6: {  	v29 =	vadd.s32 v1, v22;
	v15 =	vadd.s32 v0, v15;
	v17 =	vand.u32 $0x7A, v17;
	v27 =	vld [tilespmem:s0+$0xFFFFFFF0];
	[tilespmem:v24+s15+$0x0] =	vst.idx.msk $0xffff, v9  }
.Ltmp2:
0xc7: {  	v9 =	vadd.s32 v1, v23;
	v24 =	vor.u32 v17, v20;
	[tilespmem:v25+s15+$0x0] =	vst.idx.msk $0xffff, v16;
	v16 =	vand.u32 $0x7FFFFC00, v21;
	v17 =	vld [tilespmem:s0+$0x1F0];
	(pc) =	sbr.rel @p1 .LBB2_3-.Ltmp2, $4  }
0xc8: {  	v23 =	vmov s5;
	v20 =	vadd.s32 v1, v19;
	v21 =	vld [tilespmem:s0+$0xFFFFFEF0];
	[tilespmem:v12+s15+$0x0] =	vst.idx.msk $0xffff, v26;
	v22 =	vor.u32 v28, v16  }
0xc9: {  	v25 =	vadd.s32 v0, v24;
	v12 =	vand.u32 $0x63, v23;
	[tilespmem:v32+s15+$0x0] =	vst.idx.msk $0xffff, v13;
	v13 =	vshll.u32 v23, $0x3;
	v16 =	vld [tilespmem:s0+$0xFFFFFF60]  }
0xca: {  	v19 =	vadd.s32 v1, v24;
	v23 =	vadd.s32 v1, v11;
	v26 =	vld [tilespmem:s0+$0xFFFFFE30];
	v13 =	vand.u32 $0xC00, v13  }
0xcb: {  	s1 =	sadd.s32 $0x20, s1;
	s0 =	sadd.s32 $0x400, s0;
	v24 =	vor.u32 v12, v13;
	[tilespmem:v29+s15+$0x0] =	vst.idx.msk $0xffff, v27;
	v12 =	vadd.s32 v0, v22  }
0xcc: {  	_ =	sdelay $0x3  }
0xcd: {  	[tilespmem:v2+s15+$0x0] =	vst.idx.msk $0xffff, v26  }
0xce: {  	v2 =	vld [tilespmem:s30+$0xFFFFFE40];
	_ =	sdelay $0x3  }
0xcf: {  	[tilespmem:v25+s15+$0x0] =	vst.idx.msk $0xffff, v18  }
0xd0: {  	v11 =	vld [tilespmem:s30+$0x150];
	[tilespmem:v15+s15+$0x0] =	vst.idx.msk $0xffff, v2  }
0xd1: {  	v2 =	vld [tilespmem:s30+$0xFFFFFE50];
	_ =	sdelay $0x2  }
0xd2: {  	[tilespmem:v23+s15+$0x0] =	vst.idx.msk $0xffff, v8  }
0xd3: {  	v8 =	vld [tilespmem:s30+$0xE0];
	[tilespmem:v19+s15+$0x0] =	vst.idx.msk $0xffff, v11  }
0xd4: {  	v11 =	vld [tilespmem:s30+$0x160];
	[tilespmem:v10+s15+$0x0] =	vst.idx.msk $0xffff, v2  }
0xd5: {  	v2 =	vadd.s32 v0, v24;
	v10 =	vld [tilespmem:s30+$0xFFFFFE60]  }
0xd6: {  	[tilespmem:v9+s15+$0x0] =	vst.idx.msk $0xffff, v7  }
0xd7: {  	v13 =	vadd.s32 v1, v14;
	[tilespmem:v6+s15+$0x0] =	vst.idx.msk $0xffff, v16  }
0xd8: {  	v6 =	vld [tilespmem:s30+$0xFFFFFF70];
	[tilespmem:v3+s15+$0x0] =	vst.idx.msk $0xffff, v8  }
0xd9: {  	v3 =	vld [tilespmem:s30+$0xF0];
	[tilespmem:v12+s15+$0x0] =	vst.idx.msk $0xffff, v11  }
0xda: {  	v63 =	vadd.s32 v1, v22;
	v11 =	vld [tilespmem:s30+$0x170];
	[tilespmem:v2+s15+$0x0] =	vst.idx.msk $0xffff, v10  }
0xdb: {  	[tilespmem:v20+s15+$0x0] =	vst.idx.msk $0xffff, v21;
	v2 =	vadd.s32 v1, v24;
	v10 =	vld [tilespmem:s30+$0xFFFFFE70]  }
0xdc: {  	s0 =	sshll.u32 s29, $0xC;
	s1 =	sshll.u32 s29, $0xE;
	[tilespmem:v13+s15+$0x0] =	vst.idx.msk $0xffff, v17  }
0xdd: {  	s0 =	sand.u32 $0x6000, s0;
	s1 =	sand.u32 $0x7FFE0000, s1;
	[tilespmem:v5+s15+$0x0] =	vst.idx.msk $0xffff, v6  }
0xde: {  	s0 =	sor.u32 s0, s1;
	[tilespmem:v4+s15+$0x0] =	vst.idx.msk $0xffff, v3  }
0xdf: {  	[tilespmem:v63+s15+$0x0] =	vst.idx.msk $0xffff, v11;
	s30 =	sshrl.u32 s0, $0x3  }
0xe0: {  	s0 =	sadd.s32 s2, s30;
	[tilespmem:v2+s15+$0x0] =	vst.idx.msk $0xffff, v10  }
0xe1: {  	[hbm4b:s0+s3] =	stream.linear.scatter [tilespmem:s15], [sflag:$0x3], $0x1000, $0x38;
	[tilespmem:$0x12000] =	vst v63  }
0xe2: {  	p1 =	sne.s32 s28, $0x18;
	s25 =	sadd.s32 s30, s7  }
0xe3: {  	[hbm4b:s25+s3] =	stream.linear.scatter [tilespmem:s16], [sflag:$0x3], $0x1000, $0x38;
	[tilespmem:$0x12000] =	vst v63  }
.Ltmp3:
0xe4: {  	_ = 	snop;
	(pc) =	sbr.rel @p1 .LBB2_6-.Ltmp3, $4  }
0xe5: {  	s26 =	sadd.s32 s30, s8  }
0xe6: {  	[hbm4b:s26+s3] =	stream.linear.scatter [tilespmem:s17], [sflag:$0x3], $0x1000, $0x38;
	[tilespmem:$0x12000] =	vst v63  }
0xe7: {  	s31 =	sadd.s32 s30, s10  }
0xe8: {  	[hbm4b:s31+s3] =	stream.linear.scatter [tilespmem:s18], [sflag:$0x3], $0x1000, $0x38;
	[tilespmem:$0x12000] =	vst v63  }
.Ltmp4:
0xe9: {  	(pc) =	sbr.rel .LBB2_7-.Ltmp4, $4  }
0xea: {  	_ = 	snop  }
0xeb: {  	_ =	swait.ge [sflag:s19], $0x4000  }
0xec: {  	[sflag:s19] =	ssyncset.done $0x0  }
0xed: {  	[sflag:s19] =	ssyncadd.s32 $0xFFFFC000  }
.LBB2_6:
0xee: {  	s0 =	sshll.u32 s29, $0xB;
	s1 =	rddreg [dreg:$0x5]  }
.Ltmp5:
0xef: {  	s0 =	sadd.s32 s0, s1;
	(pc) =	sbr.rel @p0 .LBB2_8-.Ltmp5, $4  }
0xf0: {  	[tilespmem:s3], [sflag:$0x1] =	stream.linear.gather [hbm4b:s0+s3], $0x4000, $0x38;
	[tilespmem:$0x12000] =	vst v63  }
0xf1: {  	_ =	swait.ge [sflag:s19], $0x4000  }
0xf2: {  	[sflag:s19] =	ssyncset.done $0x0  }
0xf3: {  	[sflag:s19] =	ssyncadd.s32 $0xFFFFC000  }
.LBB2_7:
0xf4: {  	_ =	swait.ge [sflag:s20], $0x1000  }
0xf5: {  	[sflag:s20] =	ssyncset.done $0x0  }
0xf6: {  	[sflag:s20] =	ssyncadd.s32 $0xFFFFF000  }
0xf7: {  	_ =	swait.ge [sflag:s20], $0x1000  }
0xf8: {  	[sflag:s20] =	ssyncset.done $0x0  }
0xf9: {  	[sflag:s20] =	ssyncadd.s32 $0xFFFFF000  }
0xfa: {  	_ =	swait.ge [sflag:s20], $0x1000  }
0xfb: {  	[sflag:s20] =	ssyncset.done $0x0  }
0xfc: {  	[sflag:s20] =	ssyncadd.s32 $0xFFFFF000  }
0xfd: {  	_ =	swait.ge [sflag:s20], $0x1000  }
0xfe: {  	[sflag:s20] =	ssyncset.done $0x0  }
0xff: {  	[sflag:s20] =	ssyncadd.s32 $0xFFFFF000  }
.LBB2_8:
0x100: {  	s0 =	simm.s32 $0x0  }
0x101: {  	s1 =	simm.s32 $0x4;
	s5 =	simm.s32 $0x8;
	s25 =	simm.s32 $0xC;
	v3 =	vmov s0  }
0x102: {  	s26 =	simm.s32 $0x10;
	s6 =	simm.s32 $0x1C;
	s9 =	simm.s32 $0x1;
	v4 =	vmov s1;
	v5 =	vmov s5;
	v6 =	vmov s25  }
0x103: {  	s12 =	simm.s32 $0x12;
	v7 =	vmov s26;
	s5 =	simm.s32 $0x18;
	v10 =	vmov s6;
	v2 =	vmov s9  }
0x104: {  	v15 =	vmov s12;
	v8 =	vshll.u32 v3, $0x3;
	v9 =	vmov s5  }
0x105: {  	v11 =	vshll.u32 v4, $0x3;
	v12 =	vshll.u32 v7, $0x3;
	v13 =	vshll.u32 v10, $0x3  }
0x106: {  	v14 =	vshll.u32 v6, $0x3;
	v10 =	vand.u32 $0x7C, v10;
	v6 =	vand.u32 $0x6C, v6  }
0x107: {  	s25 =	simm.s32 $0x9;
	v16 =	vshll.u32 v15, $0x3;
	v17 =	vand.u32 $0x64, v4;
	v4 =	vand.u32 $0x68, v5  }
0x108: {  	s6 =	simm.s32 $0x11;
	v19 =	vmov s25;
	v7 =	vand.u32 $0x70, v7;
	v5 =	vshll.u32 v5, $0x3  }
0x109: {  	v3 =	vand.u32 $0x60, v3;
	v29 =	vmov s6;
	v15 =	vand.u32 $0x72, v15  }
0x10a: {  	v13 =	vand.u32 $0xC00, v13;
	v14 =	vand.u32 $0xC00, v14;
	v11 =	vand.u32 $0xC00, v11  }
0x10b: {  	v18 =	vand.u32 $0x78, v9;
	v9 =	vshll.u32 v9, $0x3;
	v8 =	vand.u32 $0xC00, v8  }
0x10c: {  	s5 =	simm.s32 $0x19;
	v5 =	vand.u32 $0xC00, v5;
	v20 =	vshll.u32 v19, $0x3;
	v12 =	vand.u32 $0xC00, v12  }
0x10d: {  	s25 =	simm.s32 $0x6;
	v25 =	vmov s5;
	v30 =	vshll.u32 v29, $0x3;
	v29 =	vand.u32 $0x71, v29  }
0x10e: {  	v16 =	vand.u32 $0x7FFFFC00, v16;
	v19 =	vand.u32 $0x69, v19;
	v52 =	vmov s25  }
0x10f: {  	v10 =	vor.u32 v10, v13;
	v9 =	vand.u32 $0xC00, v9;
	v8 =	vor.u32 v3, v8  }
0x110: {  	v5 =	vor.u32 v4, v5;
	v7 =	vor.u32 v7, v12;
	v3 =	vshll.u32 v2, $0x3  }
0x111: {  	v6 =	vor.u32 v6, v14;
	v20 =	vand.u32 $0x7FFFFC00, v20;
	v27 =	vand.u32 $0x79, v25  }
0x112: {  	v25 =	vshll.u32 v25, $0x3;
	v30 =	vand.u32 $0x7FFFFC00, v30;
	v11 =	vor.u32 v17, v11  }
0x113: {  	s26 =	simm.s32 $0x14;
	v15 =	vor.u32 v15, v16;
	v12 =	vadd.s32 v0, v5;
	v4 =	vadd.s32 v1, v8  }
0x114: {  	v22 =	vadd.s32 v1, v5;
	v5 =	vadd.s32 v0, v8;
	v8 =	vmov s26  }
0x115: {  	s1 =	simm.s32 $0x15;
	v2 =	vand.u32 $0x61, v2;
	v21 =	vadd.s32 v1, v7;
	v23 =	vshll.u32 v8, $0x3  }
0x116: {  	s31 =	simm.s32 $0x4200;
	v9 =	vor.u32 v18, v9;
	v14 =	vand.u32 $0xC00, v23;
	v23 =	vmov s1  }
0x117: {  	v28 =	vld [tilespmem:s31+$0xFFFFFF00];
	v8 =	vand.u32 $0x74, v8;
	v24 =	vand.u32 $0x75, v23;
	v23 =	vshll.u32 v23, $0x3  }
0x118: {  	v7 =	vadd.s32 v0, v7;
	v8 =	vor.u32 v8, v14;
	v14 =	vld [tilespmem:s31+$0x0];
	v23 =	vand.u32 $0x7FFFFC00, v23  }
0x119: {  	v18 =	vadd.s32 v0, v9;
	v23 =	vor.u32 v24, v23;
	v24 =	vand.u32 $0x7FFFFC00, v25;
	v25 =	vld [tilespmem:s31+$0x100]  }
0x11a: {  	v26 =	vld [tilespmem:s31+$0x180];
	v13 =	vadd.s32 v0, v10;
	v10 =	vadd.s32 v1, v10;
	v29 =	vor.u32 v29, v30  }
0x11b: {  	s9 =	simm.s32 $0xD;
	v32 =	vld [tilespmem:s31+$0x80];
	v33 =	vadd.s32 v0, v6;
	v34 =	vadd.s32 v1, v6;
	v50 =	vadd.s32 v0, v8  }
0x11c: {  	v6 =	vmov s9;
	v55 =	vadd.s32 v0, v15;
	[tilespmem:v12+s21+$0x0] =	vst.idx.msk $0xffff, v28;
	v24 =	vor.u32 v27, v24;
	v27 =	vld [tilespmem:s31+$0xFFFFFF80]  }
0x11d: {  	v15 =	vadd.s32 v1, v15;
	v3 =	vand.u32 $0xC00, v3;
	v9 =	vadd.s32 v1, v9;
	s1 =	simm.s32 $0x1D;
	v17 =	vld [tilespmem:s31+$0xFFFFFF10];
	[tilespmem:v7+s21+$0x0] =	vst.idx.msk $0xffff, v14  }
0x11e: {  	v2 =	vor.u32 v2, v3;
	v16 =	vmov s1;
	v7 =	vld [tilespmem:s31+$0xFFFFFE80];
	[tilespmem:v18+s21+$0x0] =	vst.idx.msk $0xffff, v25;
	v18 =	vadd.s32 v0, v11  }
0x11f: {  	v8 =	vadd.s32 v1, v8;
	v12 =	vshll.u32 v6, $0x3;
	[tilespmem:v13+s21+$0x0] =	vst.idx.msk $0xffff, v26;
	v26 =	vadd.s32 v0, v29;
	v13 =	vld [tilespmem:s31+$0x110]  }
0x120: {  	s12 =	simm.s32 $0x5;
	v6 =	vand.u32 $0x6D, v6;
	v12 =	vand.u32 $0x7FFFFC00, v12;
	v14 =	vor.u32 v19, v20;
	v19 =	vld [tilespmem:s31+$0x10];
	[tilespmem:v50+s21+$0x0] =	vst.idx.msk $0xffff, v32  }
0x121: {  	v31 =	vadd.s32 v0, v23;
	v53 =	vor.u32 v6, v12;
	v20 =	vmov s12;
	v12 =	vld [tilespmem:s31+$0x90];
	[tilespmem:v33+s21+$0x0] =	vst.idx.msk $0xffff, v27  }
0x122: {  	v51 =	vld [tilespmem:s31+$0xFFFFFE00];
	v6 =	vand.u32 $0x65, v20;
	v20 =	vshll.u32 v20, $0x3;
	v54 =	vadd.s32 v0, v14;
	[tilespmem:v22+s21+$0x0] =	vst.idx.msk $0xffff, v17  }
0x123: {  	v25 =	vadd.s32 v0, v24;
	v20 =	vand.u32 $0x7FFFFC00, v20;
	v27 =	vshll.u32 v52, $0x3;
	v17 =	vld [tilespmem:s31+$0xFFFFFF90];
	[tilespmem:v18+s21+$0x0] =	vst.idx.msk $0xffff, v7  }
0x124: {  	s26 =	simm.s32 $0xE;
	v22 =	vand.u32 $0x66, v52;
	v20 =	vor.u32 v6, v20;
	v6 =	vand.u32 $0x7FFFFC00, v27;
	[tilespmem:v9+s21+$0x0] =	vst.idx.msk $0xffff, v13;
	v13 =	vld [tilespmem:s31+$0x190]  }
0x125: {  	v11 =	vadd.s32 v1, v11;
	v6 =	vor.u32 v22, v6;
	[tilespmem:v21+s21+$0x0] =	vst.idx.msk $0xffff, v19;
	v7 =	vmov s26;
	v22 =	vld [tilespmem:s31+$0xFFFFFE90]  }
0x126: {  	[tilespmem:v8+s21+$0x0] =	vst.idx.msk $0xffff, v12;
	v12 =	vshll.u32 v16, $0x3;
	v16 =	vand.u32 $0x7D, v16;
	v19 =	vshll.u32 v7, $0x3;
	v21 =	vld [tilespmem:s31+$0x120]  }
0x127: {  	[tilespmem:v5+s21+$0x0] =	vst.idx.msk $0xffff, v51;
	v12 =	vand.u32 $0x7FFFFC00, v12;
	v8 =	vand.u32 $0x7FFFFC00, v19;
	v19 =	vadd.s32 v1, v23;
	v23 =	vld [tilespmem:s31+$0x20]  }
0x128: {  	v35 =	vadd.s32 v0, v20;
	[tilespmem:v34+s21+$0x0] =	vst.idx.msk $0xffff, v17;
	v12 =	vor.u32 v16, v12;
	v16 =	vld [tilespmem:s31+$0xA0]  }
0x129: {  	v20 =	vadd.s32 v1, v20;
	v17 =	vadd.s32 v0, v53;
	v27 =	vld [tilespmem:s31+$0xFFFFFFA0];
	[tilespmem:v10+s21+$0x0] =	vst.idx.msk $0xffff, v13  }
0x12a: {  	s5 =	simm.s32 $0xA;
	v18 =	vadd.s32 v1, v29;
	v56 =	vadd.s32 v0, v12;
	[tilespmem:v11+s21+$0x0] =	vst.idx.msk $0xffff, v22;
	v22 =	vld [tilespmem:s31+$0x1A0]  }
0x12b: {  	s6 =	simm.s32 $0x16;
	v7 =	vand.u32 $0x6E, v7;
	v57 =	vadd.s32 v1, v12;
	v10 =	vmov s5;
	[tilespmem:v25+s21+$0x0] =	vst.idx.msk $0xffff, v21;
	v21 =	vld [tilespmem:s31+$0xFFFFFEA0]  }
0x12c: {  	v28 =	vld [tilespmem:s31+$0xFFFFFE10];
	v7 =	vor.u32 v7, v8;
	v13 =	vmov s6;
	v36 =	vand.u32 $0x6A, v10;
	[tilespmem:v26+s21+$0x0] =	vst.idx.msk $0xffff, v23  }
0x12d: {  	v10 =	vshll.u32 v10, $0x3;
	v11 =	vand.u32 $0x76, v13;
	v13 =	vshll.u32 v13, $0x3;
	[tilespmem:v31+s21+$0x0] =	vst.idx.msk $0xffff, v16;
	v23 =	vld [tilespmem:s31+$0x30]  }
0x12e: {  	v10 =	vand.u32 $0x7FFFFC00, v10;
	v8 =	vand.u32 $0x7FFFFC00, v13;
	[tilespmem:v17+s21+$0x0] =	vst.idx.msk $0xffff, v27;
	v17 =	vadd.s32 v1, v53;
	v26 =	vld [tilespmem:s31+$0xB0]  }
0x12f: {  	s9 =	simm.s32 $0x1E;
	v11 =	vor.u32 v11, v8;
	v10 =	vor.u32 v36, v10;
	v16 =	vld [tilespmem:s31+$0xFFFFFFB0];
	[tilespmem:v56+s21+$0x0] =	vst.idx.msk $0xffff, v22  }
0x130: {  	v8 =	vmov s9;
	v13 =	vadd.s32 v1, v10;
	v22 =	vadd.s32 v0, v10;
	[tilespmem:v35+s21+$0x0] =	vst.idx.msk $0xffff, v21;
	v10 =	vld [tilespmem:s31+$0x1B0]  }
0x131: {  	s25 =	simm.s32 $0x17;
	s12 =	simm.s32 $0xF;
	[tilespmem:v4+s21+$0x0] =	vst.idx.msk $0xffff, v28;
	v9 =	vadd.s32 v1, v24;
	v25 =	vand.u32 $0x7E, v8;
	v8 =	vshll.u32 v8, $0x3;
	v5 =	vld [tilespmem:s31+$0xFFFFFEB0]  }
0x132: {  	v24 =	vld [tilespmem:s31+$0xFFFFFF20];
	v27 =	vmov s25;
	v8 =	vand.u32 $0x7FFFFC00, v8;
	v21 =	vmov s12;
	[tilespmem:v18+s21+$0x0] =	vst.idx.msk $0xffff, v23  }
0x133: {  	v12 =	vld [tilespmem:s31+$0x130];
	v8 =	vor.u32 v25, v8;
	v25 =	vand.u32 $0x6F, v21;
	v21 =	vshll.u32 v21, $0x3;
	[tilespmem:v19+s21+$0x0] =	vst.idx.msk $0xffff, v26  }
0x134: {  	v23 =	vshll.u32 v27, $0x3;
	v18 =	vand.u32 $0x7FFFFC00, v21;
	v21 =	vand.u32 $0x77, v27;
	v27 =	vld [tilespmem:s31+$0x40];
	[tilespmem:v17+s21+$0x0] =	vst.idx.msk $0xffff, v16  }
0x135: {  	v16 =	vor.u32 v25, v18;
	v18 =	vand.u32 $0x7FFFFC00, v23;
	v23 =	vld [tilespmem:s31+$0xFFFFFFC0];
	v25 =	vadd.s32 v0, v7;
	[tilespmem:v57+s21+$0x0] =	vst.idx.msk $0xffff, v10  }
0x136: {  	v59 =	vadd.s32 v0, v2;
	s1 =	simm.s32 $0x13;
	v26 =	vadd.s32 v0, v8;
	[tilespmem:v20+s21+$0x0] =	vst.idx.msk $0xffff, v5;
	v5 =	vld [tilespmem:s31+$0x1C0]  }
0x137: {  	v2 =	vadd.s32 v1, v2;
	[tilespmem:v54+s21+$0x0] =	vst.idx.msk $0xffff, v24;
	v24 =	vmov s1;
	v20 =	vadd.s32 v0, v6;
	v58 =	vld [tilespmem:s31+$0xFFFFFEC0]  }
0x138: {  	s26 =	simm.s32 $0xB;
	v3 =	vshll.u32 v24, $0x3;
	[tilespmem:v9+s21+$0x0] =	vst.idx.msk $0xffff, v12;
	v17 =	vadd.s32 v0, v11;
	v18 =	vor.u32 v21, v18;
	v21 =	vld [tilespmem:s31+$0xC0]  }
0x139: {  	v30 =	vld [tilespmem:s31+$0xFFFFFF30];
	v24 =	vand.u32 $0x73, v24;
	s25 =	simm.s32 $0x1B;
	v19 =	vmov s26;
	v10 =	vadd.s32 v1, v14;
	[tilespmem:v55+s21+$0x0] =	vst.idx.msk $0xffff, v27  }
0x13a: {  	v61 =	vmov s25;
	v7 =	vadd.s32 v1, v7;
	v14 =	vshll.u32 v19, $0x3;
	v29 =	vld [tilespmem:s31+$0x50];
	[tilespmem:v25+s21+$0x0] =	vst.idx.msk $0xffff, v23  }
0x13b: {  	v63 =	vadd.s32 v1, v16;
	v14 =	vand.u32 $0x7FFFFC00, v14;
	v23 =	vand.u32 $0x7FFFFC00, v3;
	v4 =	vld [tilespmem:s31+$0xFFFFFFD0];
	[tilespmem:v26+s21+$0x0] =	vst.idx.msk $0xffff, v5  }
0x13c: {  	s5 =	simm.s32 $0x7;
	v5 =	vand.u32 $0x6B, v19;
	v19 =	vor.u32 v24, v23;
	v23 =	vadd.s32 v1, v8;
	[tilespmem:v20+s21+$0x0] =	vst.idx.msk $0xffff, v58;
	v20 =	vld [tilespmem:s31+$0x1D0]  }
0x13d: {  	v27 =	vmov s5;
	v3 =	vadd.s32 v0, v18;
	[tilespmem:v17+s21+$0x0] =	vst.idx.msk $0xffff, v21;
	v24 =	vadd.s32 v1, v6;
	v25 =	vld [tilespmem:s31+$0xFFFFFED0]  }
0x13e: {  	v28 =	vld [tilespmem:s31+$0xFFFFFE20];
	s6 =	simm.s32 $0x1F;
	v21 =	vadd.s32 v0, v16;
	[tilespmem:v10+s21+$0x0] =	vst.idx.msk $0xffff, v30;
	v10 =	vand.u32 $0x67, v27;
	v8 =	vshll.u32 v27, $0x3  }
0x13f: {  	v26 =	vld [tilespmem:s31+$0xFFFFFF40];
	v5 =	vor.u32 v5, v14;
	v14 =	vmov s6;
	[tilespmem:v15+s21+$0x0] =	vst.idx.msk $0xffff, v29;
	v15 =	vadd.s32 v0, v19  }
0x140: {  	v60 =	vand.u32 $0x7FFFFC00, v8;
	v27 =	vand.u32 $0x7F, v14;
	v14 =	vshll.u32 v14, $0x3;
	v29 =	vld [tilespmem:s31+$0x60];
	[tilespmem:v7+s21+$0x0] =	vst.idx.msk $0xffff, v4  }
0x141: {  	s9 =	simm.s32 $0x2;
	v9 =	vadd.s32 v1, v19;
	v4 =	vadd.s32 v1, v18;
	v7 =	vand.u32 $0x7FFFFC00, v14;
	v18 =	vld [tilespmem:s31+$0xFFFFFFE0];
	[tilespmem:v23+s21+$0x0] =	vst.idx.msk $0xffff, v20  }
0x142: {  	v17 =	vmov s9;
	v8 =	vld [tilespmem:s31+$0xD0];
	v14 =	vor.u32 v27, v7;
	v20 =	vor.u32 v10, v60;
	[tilespmem:v24+s21+$0x0] =	vst.idx.msk $0xffff, v25  }
0x143: {  	[tilespmem:v59+s21+$0x0] =	vst.idx.msk $0xffff, v28;
	v7 =	vshll.u32 v17, $0x3;
	v10 =	vand.u32 $0x62, v17;
	v17 =	vadd.s32 v0, v20;
	v25 =	vld [tilespmem:s31+$0xFFFFFEE0]  }
0x144: {  	v62 =	vand.u32 $0x7B, v61;
	s12 =	simm.s32 $0x1A;
	v6 =	vadd.s32 v0, v5;
	[tilespmem:v22+s21+$0x0] =	vst.idx.msk $0xffff, v26;
	v23 =	vadd.s32 v0, v14;
	v24 =	vld [tilespmem:s31+$0x1E0]  }
0x145: {  	v5 =	vadd.s32 v1, v5;
	v7 =	vand.u32 $0xC00, v7;
	v26 =	vmov s12;
	v27 =	vld [tilespmem:s31+$0xFFFFFF50];
	[tilespmem:v15+s21+$0x0] =	vst.idx.msk $0xffff, v29  }
0x146: {  	v16 =	vand.u32 $0x7A, v26;
	v22 =	vor.u32 v10, v7;
	v15 =	vshll.u32 v26, $0x3;
	v26 =	vld [tilespmem:s31+$0xFFFFFE30];
	[tilespmem:v21+s21+$0x0] =	vst.idx.msk $0xffff, v18  }
0x147: {  	v29 =	vshll.u32 v61, $0x3;
	v20 =	vadd.s32 v1, v20;
	v21 =	vand.u32 $0x7FFFFC00, v15;
	v12 =	vld [tilespmem:s31+$0xFFFFFFF0]  }
0x148: {  	s26 =	simm.s32 $0x3;
	v10 =	vadd.s32 v1, v22;
	v7 =	vld [tilespmem:s31+$0x70];
	v19 =	vor.u32 v16, v21;
	v16 =	vand.u32 $0x7FFFFC00, v29;
	[tilespmem:v17+s21+$0x0] =	vst.idx.msk $0xffff, v25  }
0x149: {  	v15 =	vadd.s32 v0, v22;
	v22 =	vor.u32 v62, v16;
	[tilespmem:v23+s21+$0x0] =	vst.idx.msk $0xffff, v24;
	v23 =	vmov s26;
	v21 =	vld [tilespmem:s31+$0xFFFFFEF0]  }
0x14a: {  	v18 =	vld [tilespmem:s31+$0x140];
	[tilespmem:v13+s21+$0x0] =	vst.idx.msk $0xffff, v27;
	v25 =	vadd.s32 v0, v19;
	v13 =	vand.u32 $0x63, v23;
	v23 =	vshll.u32 v23, $0x3  }
0x14b: {  	v16 =	vld [tilespmem:s31+$0xFFFFFF60];
	v19 =	vadd.s32 v1, v19;
	v24 =	vand.u32 $0xC00, v23;
	v23 =	vadd.s32 v1, v11  }
0x14c: {  	s0 =	simm.s32 $0x3F;
	s1 =	simm.s32 $0x0;
	s5 =	simm.s32 $0x4600;
	v17 =	vld [tilespmem:s31+$0x1F0];
	[tilespmem:v63+s21+$0x0] =	vst.idx.msk $0xffff, v12;
	v12 =	vadd.s32 v0, v22;
	v24 =	vor.u32 v13, v24  }
.LBB2_9:
0x14d: {  	s6 =	sadd.s32 $0xFFFFFFE1, s0;
	s12 =	sadd.s32 $0xFFFFFFE5, s0;
	s25 =	sadd.s32 $0xFFFFFFE9, s0;
	v11 =	vadd.s32 v1, v24;
	v13 =	vadd.s32 v1, v22;
	v14 =	vadd.s32 v1, v14  }
0x14e: {  	v22 =	vmov s6;
	s6 =	sadd.s32 $0xFFFFFFE4, s0;
	v27 =	vmov s12;
	v28 =	vmov s25;
	s12 =	sadd.s32 $0xFFFFFFED, s0;
	s25 =	sadd.s32 $0xFFFFFFF1, s0;
	[tilespmem:v20+s21+$0x0] =	vst.idx.msk $0xffff, v21  }
0x14f: {  	s26 =	sadd.s32 $0xFFFFFFE2, s0;
	v24 =	vadd.s32 v0, v24;
	v20 =	vmov s12;
	v21 =	vmov s25;
	s12 =	sadd.s32 $0xFFFFFFF9, s0;
	s25 =	sadd.s32 $0xFFFFFFFD, s0;
	[tilespmem:v25+s21+$0x0] =	vst.idx.msk $0xffff, v18  }
0x150: {  	s9 =	sadd.s32 $0xFFFFFFF3, s0;
	s1 =	sadd.s32 $0x8, s1;
	v18 =	vshll.u32 v22, $0x3;
	v25 =	vmov s12;
	v29 =	vmov s25;
	[tilespmem:v2+s21+$0x0] =	vst.idx.msk $0xffff, v26;
	v26 =	vld [tilespmem:s31+$0x150]  }
0x151: {  	p0 =	slt.u32 s1, $0x78;
	v30 =	vshll.u32 v27, $0x3;
	v31 =	vshll.u32 v21, $0x3;
	v32 =	vshll.u32 v29, $0x3;
	v33 =	vld [tilespmem:s31+$0xFFFFFE40];
	[tilespmem:v23+s21+$0x0] =	vst.idx.msk $0xffff, v8  }
0x152: {  	v2 =	vmov s26;
	v8 =	vshll.u32 v20, $0x3;
	v23 =	vand.u32 $0xC00, v32;
	v32 =	vld [tilespmem:s31+$0xE0];
	[tilespmem:v14+s21+$0x0] =	vst.idx.msk $0xffff, v17  }
0x153: {  	s12 =	sadd.s32 $0xFFFFFFEA, s0;
	v17 =	vand.u32 $0xC00, v8;
	v14 =	vmov s9;
	v8 =	vand.u32 $0x7C, v29  }
0x154: {  	v20 =	vand.u32 $0x6C, v20;
	v29 =	vand.u32 $0xC00, v30;
	v30 =	vshll.u32 v14, $0x3  }
0x155: {  	v27 =	vand.u32 $0x64, v27;
	v34 =	vand.u32 $0x68, v28;
	v35 =	vand.u32 $0x78, v25;
	v36 =	vld [tilespmem:s5+$0x180];
	[tilespmem:v19+s21+$0x0] =	vst.idx.msk $0xffff, v26  }
0x156: {  	v21 =	vand.u32 $0x70, v21;
	v23 =	vor.u32 v8, v23;
	v19 =	vmov s12;
	[tilespmem:v15+s21+$0x0] =	vst.idx.msk $0xffff, v33;
	v8 =	vld [tilespmem:s31+$0x160]  }
0x157: {  	v25 =	vshll.u32 v25, $0x3;
	v26 =	vadd.s32 v0, v23;
	v15 =	vshll.u32 v28, $0x3;
	v28 =	vld [tilespmem:s31+$0xFFFFFE50];
	[tilespmem:v3+s21+$0x0] =	vst.idx.msk $0xffff, v32  }
0x158: {  	v3 =	vand.u32 $0xC00, v18;
	v15 =	vand.u32 $0xC00, v15;
	v18 =	vshll.u32 v19, $0x3;
	[tilespmem:v6+s21+$0x0] =	vst.idx.msk $0xffff, v16;
	v16 =	vld [tilespmem:s31+$0xF0]  }
0x159: {  	v25 =	vand.u32 $0xC00, v25;
	v6 =	vand.u32 $0x60, v22;
	v22 =	vand.u32 $0xC00, v31;
	v31 =	vld [tilespmem:s31+$0xFFFFFF70]  }
0x15a: {  	v15 =	vor.u32 v34, v15;
	v32 =	vor.u32 v6, v3;
	v21 =	vor.u32 v21, v22;
	v33 =	vld [tilespmem:s5+$0xFFFFFF80]  }
0x15b: {  	s9 =	sadd.s32 $0xFFFFFFF5, s0;
	v3 =	vshll.u32 v2, $0x3;
	v34 =	vadd.s32 v0, v15;
	v37 =	vadd.s32 v1, v21;
	v22 =	vld [tilespmem:s5+$0xFFFFFF00];
	[tilespmem:v12+s21+$0x0] =	vst.idx.msk $0xffff, v8  }
0x15c: {  	v25 =	vor.u32 v35, v25;
	v15 =	vadd.s32 v1, v15;
	v6 =	vadd.s32 v1, v32;
	v8 =	vld [tilespmem:s5+$0xFFFFFE00]  }
0x15d: {  	v38 =	vadd.s32 v0, v25;
	v12 =	vadd.s32 v0, v32;
	v32 =	vmov s9;
	v35 =	vld [tilespmem:s5+$0x100];
	[tilespmem:v10+s21+$0x0] =	vst.idx.msk $0xffff, v28  }
0x15e: {  	v25 =	vadd.s32 v1, v25;
	v10 =	vadd.s32 v0, v21;
	v21 =	vshll.u32 v32, $0x3;
	v28 =	vld [tilespmem:s31+$0xFFFFFE60];
	[tilespmem:v4+s21+$0x0] =	vst.idx.msk $0xffff, v16  }
0x15f: {  	s9 =	sadd.s32 $0xFFFFFFF6, s0;
	v16 =	vor.u32 v20, v17;
	v17 =	vand.u32 $0xC00, v21;
	v20 =	vadd.s32 v1, v23;
	v4 =	vld [tilespmem:s5+$0x0];
	[tilespmem:v26+s21+$0x0] =	vst.idx.msk $0xffff, v36  }
0x160: {  	v18 =	vand.u32 $0x7FFFFC00, v18;
	v23 =	vmov s9;
	s9 =	sadd.s32 $0xFFFFFFFA, s0;
	[tilespmem:v34+s21+$0x0] =	vst.idx.msk $0xffff, v22;
	v21 =	vld [tilespmem:s5+$0x80];
	v22 =	vand.u32 $0x74, v32  }
0x161: {  	s12 =	sadd.s32 $0xFFFFFFF2, s0;
	v32 =	vand.u32 $0x75, v23;
	v23 =	vshll.u32 v23, $0x3;
	v34 =	vmov s9;
	v26 =	vld [tilespmem:s5+$0xFFFFFF10];
	[tilespmem:v9+s21+$0x0] =	vst.idx.msk $0xffff, v7  }
0x162: {  	v7 =	vand.u32 $0x7FFFFC00, v23;
	v9 =	vand.u32 $0x79, v34;
	v23 =	vshll.u32 v34, $0x3;
	[tilespmem:v38+s21+$0x0] =	vst.idx.msk $0xffff, v35;
	v34 =	vld [tilespmem:s31+$0x170]  }
0x163: {  	v35 =	vmov s12;
	v32 =	vor.u32 v32, v7;
	v23 =	vand.u32 $0x7FFFFC00, v23;
	v7 =	vld [tilespmem:s5+$0x110];
	[tilespmem:v24+s21+$0x0] =	vst.idx.msk $0xffff, v28  }
0x164: {  	v24 =	vshll.u32 v35, $0x3;
	v28 =	vadd.s32 v0, v32;
	v9 =	vor.u32 v9, v23;
	v23 =	vld [tilespmem:s31+$0xFFFFFE70];
	[tilespmem:v5+s21+$0x0] =	vst.idx.msk $0xffff, v31;
	s31 =	smov.u32 s5  }
0x165: {  	v5 =	vand.u32 $0x7FFFFC00, v24;
	[tilespmem:v10+s21+$0x0] =	vst.idx.msk $0xffff, v4;
	v4 =	vand.u32 $0x71, v35;
	v10 =	vor.u32 v22, v17  }
0x166: {  	s9 =	sadd.s32 $0xFFFFFFEE, s0;
	v17 =	vand.u32 $0x7FFFFC00, v30;
	[tilespmem:v15+s21+$0x0] =	vst.idx.msk $0xffff, v26;
	v15 =	vor.u32 v4, v5;
	v5 =	vadd.s32 v0, v10  }
0x167: {  	v24 =	vmov s9;
	v22 =	vadd.s32 v0, v16;
	v16 =	vadd.s32 v1, v16;
	v4 =	vld [tilespmem:s5+$0xFFFFFF20];
	[tilespmem:v13+s21+$0x0] =	vst.idx.msk $0xffff, v34  }
0x168: {  	v26 =	vor.u32 v27, v29;
	v27 =	vshll.u32 v24, $0x3;
	v29 =	vadd.s32 v1, v10;
	v13 =	vld [tilespmem:s5+$0xFFFFFE80];
	[tilespmem:v25+s21+$0x0] =	vst.idx.msk $0xffff, v7  }
0x169: {  	v14 =	vand.u32 $0x72, v14;
	v30 =	vadd.s32 v0, v9;
	v7 =	vadd.s32 v0, v26;
	v25 =	vld [tilespmem:s5+$0x120];
	[tilespmem:v11+s21+$0x0] =	vst.idx.msk $0xffff, v23  }
0x16a: {  	v10 =	vand.u32 $0x69, v19;
	v19 =	vadd.s32 v0, v15;
	v11 =	vadd.s32 v1, v26  }
0x16b: {  	s12 =	sadd.s32 $0xFFFFFFE7, s0;
	s9 =	sadd.s32 $0xFFFFFFE6, s0;
	v10 =	vor.u32 v10, v18;
	v18 =	vand.u32 $0x6D, v24;
	v23 =	vand.u32 $0x7FFFFC00, v27;
	v24 =	vld [tilespmem:s5+$0x10];
	[tilespmem:v5+s21+$0x0] =	vst.idx.msk $0xffff, v21  }
0x16c: {  	v18 =	vor.u32 v18, v23;
	v5 =	vmov s9;
	v21 =	vmov s12;
	[tilespmem:v22+s21+$0x0] =	vst.idx.msk $0xffff, v33;
	v22 =	vld [tilespmem:s5+$0x90]  }
0x16d: {  	v23 =	vand.u32 $0x65, v5;
	v5 =	vshll.u32 v5, $0x3;
	v26 =	vshll.u32 v21, $0x3;
	v27 =	vld [tilespmem:s5+$0xFFFFFF90]  }
0x16e: {  	v5 =	vand.u32 $0x7FFFFC00, v5;
	[tilespmem:v7+s21+$0x0] =	vst.idx.msk $0xffff, v13;
	v7 =	vand.u32 $0x66, v21;
	v21 =	vadd.s32 v0, v10;
	v13 =	vld [tilespmem:s5+$0x190]  }
0x16f: {  	s9 =	sadd.s32 $0xFFFFFFEF, s0;
	v26 =	vand.u32 $0x7FFFFC00, v26;
	v23 =	vor.u32 v23, v5;
	v5 =	vadd.s32 v1, v9;
	v31 =	vld [tilespmem:s5+$0xFFFFFE90];
	[tilespmem:v30+s21+$0x0] =	vst.idx.msk $0xffff, v25  }
0x170: {  	v15 =	vadd.s32 v1, v15;
	v9 =	vor.u32 v7, v26;
	v25 =	vmov s9;
	s9 =	sadd.s32 $0xFFFFFFFE, s0;
	[tilespmem:v37+s21+$0x0] =	vst.idx.msk $0xffff, v24;
	v7 =	vld [tilespmem:s5+$0x130]  }
0x171: {  	v14 =	vor.u32 v14, v17;
	v24 =	vshll.u32 v25, $0x3;
	v17 =	vmov s9;
	v26 =	vld [tilespmem:s5+$0x20];
	[tilespmem:v29+s21+$0x0] =	vst.idx.msk $0xffff, v22  }
0x172: {  	[tilespmem:v16+s21+$0x0] =	vst.idx.msk $0xffff, v27;
	v16 =	vand.u32 $0x7FFFFC00, v24;
	v22 =	vld [tilespmem:s5+$0xA0];
	v24 =	vadd.s32 v1, v32;
	v27 =	vshll.u32 v17, $0x3  }
0x173: {  	s12 =	sadd.s32 $0xFFFFFFF7, s0;
	v30 =	vadd.s32 v0, v18;
	s9 =	sadd.s32 $0xFFFFFFEB, s0;
	v29 =	vld [tilespmem:s5+$0xFFFFFFA0];
	[tilespmem:v20+s21+$0x0] =	vst.idx.msk $0xffff, v13;
	v13 =	vand.u32 $0x7D, v17;
	v17 =	vand.u32 $0x7FFFFC00, v27  }
0x174: {  	v20 =	vmov s12;
	[tilespmem:v11+s21+$0x0] =	vst.idx.msk $0xffff, v31;
	v11 =	vmov s9;
	v27 =	vld [tilespmem:s5+$0x1A0];
	v13 =	vor.u32 v13, v17  }
0x175: {  	v31 =	vadd.s32 v0, v14;
	v17 =	vld [tilespmem:s5+$0xFFFFFEA0];
	v32 =	vadd.s32 v0, v13;
	v33 =	vadd.s32 v1, v13  }
0x176: {  	v13 =	vadd.s32 v0, v23;
	v34 =	vand.u32 $0x6A, v11;
	v11 =	vshll.u32 v11, $0x3;
	[tilespmem:v19+s21+$0x0] =	vst.idx.msk $0xffff, v26  }
0x177: {  	v19 =	vand.u32 $0x6E, v25;
	v25 =	vld [tilespmem:s5+$0x30];
	[tilespmem:v28+s21+$0x0] =	vst.idx.msk $0xffff, v22;
	v22 =	vand.u32 $0x76, v20;
	v20 =	vshll.u32 v20, $0x3  }
0x178: {  	s9 =	sadd.s32 $0xFFFFFFFF, s0;
	v16 =	vor.u32 v19, v16;
	[tilespmem:v12+s21+$0x0] =	vst.idx.msk $0xffff, v8;
	v8 =	vand.u32 $0x7FFFFC00, v11;
	v19 =	vld [tilespmem:s5+$0xB0];
	v11 =	vand.u32 $0x7FFFFC00, v20  }
0x179: {  	v18 =	vadd.s32 v1, v18;
	v12 =	vmov s9;
	v20 =	vld [tilespmem:s5+$0xFFFFFE10];
	[tilespmem:v30+s21+$0x0] =	vst.idx.msk $0xffff, v29;
	v11 =	vor.u32 v22, v11  }
0x17a: {  	v8 =	vor.u32 v34, v8;
	v26 =	vand.u32 $0x7E, v12;
	v22 =	vld [tilespmem:s5+$0xFFFFFFB0];
	[tilespmem:v32+s21+$0x0] =	vst.idx.msk $0xffff, v27;
	v27 =	vshll.u32 v12, $0x3  }
0x17b: {  	s9 =	sadd.s32 $0xFFFFFFF0, s0;
	v12 =	vadd.s32 v1, v8;
	[tilespmem:v13+s21+$0x0] =	vst.idx.msk $0xffff, v17;
	v17 =	vadd.s32 v0, v8;
	v8 =	vld [tilespmem:s5+$0x1B0];
	v13 =	vand.u32 $0x7FFFFC00, v27  }
0x17c: {  	v23 =	vadd.s32 v1, v23;
	v28 =	vmov s9;
	s9 =	sadd.s32 $0xFFFFFFF8, s0;
	v27 =	vld [tilespmem:s5+$0xFFFFFEB0];
	[tilespmem:v15+s21+$0x0] =	vst.idx.msk $0xffff, v25;
	v15 =	vor.u32 v26, v13  }
0x17d: {  	v25 =	vand.u32 $0x6F, v28;
	v13 =	vshll.u32 v28, $0x3;
	v26 =	vld [tilespmem:s5+$0x40];
	[tilespmem:v24+s21+$0x0] =	vst.idx.msk $0xffff, v19;
	v19 =	vmov s9  }
0x17e: {  	[tilespmem:v6+s21+$0x0] =	vst.idx.msk $0xffff, v20;
	v6 =	vand.u32 $0x7FFFFC00, v13;
	v20 =	vld [tilespmem:s5+$0xC0];
	v24 =	vand.u32 $0x77, v19;
	v19 =	vshll.u32 v19, $0x3  }
0x17f: {  	s9 =	sadd.s32 $0xFFFFFFEC, s0;
	v13 =	vld [tilespmem:s5+$0xFFFFFE20];
	[tilespmem:v18+s21+$0x0] =	vst.idx.msk $0xffff, v22;
	v22 =	vor.u32 v25, v6;
	v6 =	vadd.s32 v0, v11;
	v18 =	vand.u32 $0x7FFFFC00, v19  }
0x180: {  	v28 =	vadd.s32 v0, v16;
	v19 =	vmov s9;
	v25 =	vld [tilespmem:s5+$0xFFFFFFC0];
	v18 =	vor.u32 v24, v18;
	[tilespmem:v33+s21+$0x0] =	vst.idx.msk $0xffff, v8  }
0x181: {  	v10 =	vadd.s32 v1, v10;
	v8 =	vshll.u32 v19, $0x3;
	v24 =	vadd.s32 v0, v15;
	[tilespmem:v23+s21+$0x0] =	vst.idx.msk $0xffff, v27;
	v23 =	vld [tilespmem:s5+$0x1C0]  }
0x182: {  	v14 =	vadd.s32 v1, v14;
	v29 =	vadd.s32 v0, v9;
	s9 =	sadd.s32 $0xFFFFFFF4, s0;
	v27 =	vld [tilespmem:s5+$0xFFFFFEC0];
	[tilespmem:v21+s21+$0x0] =	vst.idx.msk $0xffff, v4;
	v4 =	vand.u32 $0x7FFFFC00, v8  }
0x183: {  	v2 =	vand.u32 $0x61, v2;
	v3 =	vand.u32 $0xC00, v3;
	s12 =	sadd.s32 $0xFFFFFFE8, s0;
	v21 =	vld [tilespmem:s5+$0xFFFFFF30];
	[tilespmem:v31+s21+$0x0] =	vst.idx.msk $0xffff, v26;
	v26 =	vmov s9  }
0x184: {  	v2 =	vor.u32 v2, v3;
	v30 =	vmov s12;
	v31 =	vld [tilespmem:s5+$0x50];
	v3 =	vshll.u32 v26, $0x3;
	[tilespmem:v6+s21+$0x0] =	vst.idx.msk $0xffff, v20  }
0x185: {  	v32 =	vadd.s32 v0, v2;
	[tilespmem:v28+s21+$0x0] =	vst.idx.msk $0xffff, v25;
	v6 =	vand.u32 $0x7FFFFC00, v3;
	v8 =	vld [tilespmem:s5+$0xD0];
	v3 =	vadd.s32 v0, v18  }
0x186: {  	v2 =	vadd.s32 v1, v2;
	v16 =	vadd.s32 v1, v16;
	v25 =	vand.u32 $0x73, v26;
	v20 =	vld [tilespmem:s5+$0xFFFFFFD0];
	[tilespmem:v24+s21+$0x0] =	vst.idx.msk $0xffff, v23  }
0x187: {  	v19 =	vand.u32 $0x6B, v19;
	v15 =	vadd.s32 v1, v15;
	v23 =	vor.u32 v25, v6;
	[tilespmem:v29+s21+$0x0] =	vst.idx.msk $0xffff, v27;
	v24 =	vld [tilespmem:s5+$0x1D0]  }
0x188: {  	v9 =	vadd.s32 v1, v9;
	v26 =	vshll.u32 v30, $0x3;
	v25 =	vld [tilespmem:s5+$0xFFFFFED0];
	[tilespmem:v10+s21+$0x0] =	vst.idx.msk $0xffff, v21;
	v10 =	vor.u32 v19, v4  }
0x189: {  	v19 =	vand.u32 $0x67, v30;
	v4 =	vmov s0;
	v21 =	vld [tilespmem:s5+$0xFFFFFF40];
	v6 =	vadd.s32 v0, v10;
	[tilespmem:v14+s21+$0x0] =	vst.idx.msk $0xffff, v31  }
0x18a: {  	v28 =	vadd.s32 v0, v23;
	v27 =	vld [tilespmem:s5+$0x60];
	[tilespmem:v5+s21+$0x0] =	vst.idx.msk $0xffff, v7;
	v5 =	vand.u32 $0x7F, v4;
	v7 =	vshll.u32 v4, $0x3  }
0x18b: {  	s9 =	sadd.s32 $0xFFFFFFE3, s0;
	v26 =	vand.u32 $0x7FFFFC00, v26;
	v4 =	vadd.s32 v1, v18;
	[tilespmem:v16+s21+$0x0] =	vst.idx.msk $0xffff, v20;
	v7 =	vand.u32 $0x7FFFFC00, v7  }
0x18c: {  	v16 =	vmov s9;
	v20 =	vadd.s32 v0, v22;
	v18 =	vld [tilespmem:s5+$0xFFFFFFE0];
	[tilespmem:v15+s21+$0x0] =	vst.idx.msk $0xffff, v24;
	v14 =	vor.u32 v5, v7  }
0x18d: {  	v19 =	vor.u32 v19, v26;
	v5 =	vshll.u32 v16, $0x3;
	[tilespmem:v9+s21+$0x0] =	vst.idx.msk $0xffff, v25;
	v9 =	vld [tilespmem:s5+$0x1E0];
	v24 =	vadd.s32 v0, v14  }
0x18e: {  	s9 =	sadd.s32 $0xFFFFFFFB, s0;
	v7 =	vand.u32 $0x62, v16;
	v5 =	vand.u32 $0xC00, v5;
	v25 =	vadd.s32 v0, v19;
	v16 =	vld [tilespmem:s5+$0xFFFFFEE0];
	[tilespmem:v17+s21+$0x0] =	vst.idx.msk $0xffff, v21  }
0x18f: {  	v15 =	vor.u32 v7, v5;
	v5 =	vadd.s32 v1, v10;
	v17 =	vmov s9;
	s9 =	sadd.s32 $0xFFFFFFFC, s0;
	v26 =	vld [tilespmem:s5+$0xFFFFFF50];
	[tilespmem:v28+s21+$0x0] =	vst.idx.msk $0xffff, v27  }
0x190: {  	v10 =	vadd.s32 v1, v15;
	v21 =	vshll.u32 v17, $0x3;
	v27 =	vmov s9;
	v7 =	vld [tilespmem:s5+$0x70]  }
0x191: {  	v28 =	vand.u32 $0x7B, v27;
	[tilespmem:v20+s21+$0x0] =	vst.idx.msk $0xffff, v18;
	v18 =	vld [tilespmem:s5+$0x140];
	v20 =	vand.u32 $0x7FFFFC00, v21;
	v21 =	vshll.u32 v27, $0x3  }
0x192: {  	v29 =	vadd.s32 v1, v22;
	v15 =	vadd.s32 v0, v15;
	v17 =	vand.u32 $0x7A, v17;
	v27 =	vld [tilespmem:s5+$0xFFFFFFF0];
	[tilespmem:v24+s21+$0x0] =	vst.idx.msk $0xffff, v9  }
.Ltmp6:
0x193: {  	v9 =	vadd.s32 v1, v23;
	v24 =	vor.u32 v17, v20;
	[tilespmem:v25+s21+$0x0] =	vst.idx.msk $0xffff, v16;
	v16 =	vand.u32 $0x7FFFFC00, v21;
	v17 =	vld [tilespmem:s5+$0x1F0];
	(pc) =	sbr.rel @p0 .LBB2_9-.Ltmp6, $4  }
0x194: {  	v23 =	vmov s6;
	v20 =	vadd.s32 v1, v19;
	v21 =	vld [tilespmem:s5+$0xFFFFFEF0];
	[tilespmem:v12+s21+$0x0] =	vst.idx.msk $0xffff, v26;
	v22 =	vor.u32 v28, v16  }
0x195: {  	v25 =	vadd.s32 v0, v24;
	v12 =	vand.u32 $0x63, v23;
	[tilespmem:v32+s21+$0x0] =	vst.idx.msk $0xffff, v13;
	v13 =	vshll.u32 v23, $0x3;
	v16 =	vld [tilespmem:s5+$0xFFFFFF60]  }
0x196: {  	v19 =	vadd.s32 v1, v24;
	v23 =	vadd.s32 v1, v11;
	v26 =	vld [tilespmem:s5+$0xFFFFFE30];
	v13 =	vand.u32 $0xC00, v13  }
0x197: {  	s0 =	sadd.s32 $0x20, s0;
	s5 =	sadd.s32 $0x400, s5;
	v24 =	vor.u32 v12, v13;
	[tilespmem:v29+s21+$0x0] =	vst.idx.msk $0xffff, v27;
	v12 =	vadd.s32 v0, v22  }
0x198: {  	_ =	sdelay $0x3  }
0x199: {  	[tilespmem:v2+s21+$0x0] =	vst.idx.msk $0xffff, v26  }
0x19a: {  	v2 =	vld [tilespmem:s31+$0xFFFFFE40];
	_ =	sdelay $0x3  }
0x19b: {  	[tilespmem:v25+s21+$0x0] =	vst.idx.msk $0xffff, v18  }
0x19c: {  	v11 =	vld [tilespmem:s31+$0x150];
	[tilespmem:v15+s21+$0x0] =	vst.idx.msk $0xffff, v2  }
0x19d: {  	v2 =	vld [tilespmem:s31+$0xFFFFFE50];
	_ =	sdelay $0x2  }
0x19e: {  	[tilespmem:v23+s21+$0x0] =	vst.idx.msk $0xffff, v8  }
0x19f: {  	v8 =	vld [tilespmem:s31+$0xE0];
	[tilespmem:v19+s21+$0x0] =	vst.idx.msk $0xffff, v11  }
0x1a0: {  	v11 =	vld [tilespmem:s31+$0x160];
	[tilespmem:v10+s21+$0x0] =	vst.idx.msk $0xffff, v2  }
0x1a1: {  	v2 =	vadd.s32 v0, v24;
	v10 =	vld [tilespmem:s31+$0xFFFFFE60]  }
0x1a2: {  	[tilespmem:v9+s21+$0x0] =	vst.idx.msk $0xffff, v7  }
0x1a3: {  	v13 =	vadd.s32 v1, v14;
	[tilespmem:v6+s21+$0x0] =	vst.idx.msk $0xffff, v16  }
0x1a4: {  	v6 =	vld [tilespmem:s31+$0xFFFFFF70];
	[tilespmem:v3+s21+$0x0] =	vst.idx.msk $0xffff, v8  }
0x1a5: {  	v3 =	vld [tilespmem:s31+$0xF0];
	[tilespmem:v12+s21+$0x0] =	vst.idx.msk $0xffff, v11  }
0x1a6: {  	v63 =	vadd.s32 v1, v22;
	v11 =	vld [tilespmem:s31+$0x170];
	[tilespmem:v2+s21+$0x0] =	vst.idx.msk $0xffff, v10  }
0x1a7: {  	[tilespmem:v20+s21+$0x0] =	vst.idx.msk $0xffff, v21;
	v2 =	vadd.s32 v1, v24;
	v10 =	vld [tilespmem:s31+$0xFFFFFE70]  }
0x1a8: {  	[tilespmem:v13+s21+$0x0] =	vst.idx.msk $0xffff, v17  }
0x1a9: {  	[tilespmem:v5+s21+$0x0] =	vst.idx.msk $0xffff, v6  }
0x1aa: {  	[tilespmem:v4+s21+$0x0] =	vst.idx.msk $0xffff, v3  }
0x1ab: {  	s0 =	sor.u32 $0x200, s30;
	[tilespmem:v63+s21+$0x0] =	vst.idx.msk $0xffff, v11  }
0x1ac: {  	s1 =	sadd.s32 s2, s0;
	[tilespmem:v2+s21+$0x0] =	vst.idx.msk $0xffff, v10  }
0x1ad: {  	[hbm4b:s1+s3] =	stream.linear.scatter [tilespmem:s21], [sflag:$0x4], $0x1000, $0x38;
	[tilespmem:$0x12000] =	vst v63  }
0x1ae: {  	p0 =	seq.s32 s28, $0x18;
	s30 =	sadd.s32 s0, s7  }
0x1af: {  	[hbm4b:s30+s3] =	stream.linear.scatter [tilespmem:s22], [sflag:$0x4], $0x1000, $0x38;
	[tilespmem:$0x12000] =	vst v63  }
.Ltmp7:
0x1b0: {  	_ = 	snop;
	(pc) =	sbr.rel @p0 .LBB2_12-.Ltmp7, $4  }
0x1b1: {  	s31 =	sadd.s32 s0, s8  }
0x1b2: {  	[hbm4b:s31+s3] =	stream.linear.scatter [tilespmem:s23], [sflag:$0x4], $0x1000, $0x38;
	[tilespmem:$0x12000] =	vst v63  }
0x1b3: {  	s0 =	sadd.s32 s0, s10  }
0x1b4: {  	[hbm4b:s0+s3] =	stream.linear.scatter [tilespmem:s24], [sflag:$0x4], $0x1000, $0x38;
	[tilespmem:$0x12000] =	vst v63  }
.Ltmp8:
0x1b5: {  	(pc) =	sbr.rel .LBB2_2-.Ltmp8, $4  }
0x1b6: {  	_ = 	snop  }
0x1b7: {  	s0 =	sshll.u32 s29, $0xB  }
0x1b8: {  	s28 =	sadd.s32 $0x1, s28;
	s0 =	sadd.s32 s0, s11  }
0x1b9: {  	[tilespmem:s13], [sflag:$0x2] =	stream.linear.gather [hbm4b:s0+s3], $0x4000, $0x38;
	[tilespmem:$0x12000] =	vst v63  }
.LBB2_13:
0x1ba: {  	_ =	sfence.sel $0x180000  }
0x1bb: {  	[bflag:$0x0] =	sbarrier.arrive $0xFFFF  }
0x1bc: {  	_ =	strace $0x9000004D  }
0x1bd: {  	s0 =	stileid.u32;
	[bflag:$0x2] =	sbarrier.arrive $0xFFFF  }
0x1be: {  	p0 =	sne.s32 s0, $0x0;
	s0 =	rddreg [dreg:$0x2]  }
0x1bf: {  	s0 =	sadd.s32 @!p0 $0x100000, s0  }
0x1c0: {  	[sflag:s0] =	ssyncadd.tile.s32 @!p0 $0x1;
	_ =	shalt  }
.Lfunc_end2:
_tile_overlayer_lowered:
.L_overlay_start_2:
0x1c1: {  	(tag) =	ssettag $0x2  }
0x1c2: {  	s0 =	rddreg [dreg:$0x0];
	s2 =	stileid.u32  }
0x1c3: {  	s1 =	rddreg [dreg:$0x1];
	p0 =	sne.s32 s2, $0x0  }
0x1c4: {  	s3 =	rddreg [dreg:$0x2];
	[bflag:$0x3] =	sbarrier.arrive $0xFFFF;
	s2 =	simm.s32 @!p0 $0x1C05  }
0x1c5: {  	[timem:s3], [sflag:s2] =	dma.local @!p0 [hbm:s0], s1  }
0x1c6: {  	s0 =	simm.s32 @!p0 $0x5  }
0x1c7: {  	_ =	swait.ge @!p0 [sflag:s0], s1  }
0x1c8: {  	s1 =	ssub.s32 @!p0 $0x0, s1;
	[sflag:s0] =	ssyncset.done @!p0 $0x0  }
0x1c9: {  	[sflag:s0] =	ssyncadd.s32 @!p0 s1  }
0x1ca: {  	[bflag:$0x3] =	sbarrier.arrive $0xFFFF  }
0x1cb: {  	_ =	shalt  }

// kernel: kernel.5.cloned.1.call-start
scs
__scs_entry_jumppad:
0x0: {  	(pc) =	sbr.rel $0x88, $3  }
0x1: {  	(tag) =	ssettag $0x0;
	lr =	simm.s32 $0x1  }
0x2: {  	[smem:$0x3F9F] =	sst lr;
	_ =	strace $0xD0000000  }
0x3: {  	_ = 	snop  }
0x4: {  	_ = 	snop  }
0x5: {  	_ = 	snop  }
0x6: {  	_ = 	snop  }
0x7: {  	_ = 	snop  }
__scs_overlays_trampoline_lowered:
0x8: {  	[smem:$0x3FAE] =	sst s0  }
0x9: {  	[smem:$0x3FAF] =	sst s1  }
0xa: {  	[smem:$0x3FB0] =	sst s2  }
0xb: {  	[smem:$0x3FB1] =	sst s3  }
0xc: {  	[smem:$0x3FB2] =	sst s4  }
0xd: {  	[smem:$0x3FB3] =	sst s5  }
0xe: {  	[smem:$0x3FB4] =	sst s6  }
0xf: {  	[smem:$0x3FB5] =	sst s7  }
0x10: {  	[smem:$0x3FB6] =	sst s8  }
0x11: {  	[smem:$0x3FB7] =	sst s9;
	s0 =	simm.s32 @!p0 $0x0  }
0x12: {  	s1 =	sld [smem:$0x3F9D];
	s0 =	simm.s32 @p0 $0x1  }
0x13: {  	[smem:$0x3FB8] =	sst s0;
	s0 =	simm.s32 @!p1 $0x0  }
0x14: {  	s2 =	sld [smem:$0x3F9C];
	s0 =	simm.s32 @p1 $0x1  }
0x15: {  	[smem:$0x3FB9] =	sst s0;
	s0 =	simm.s32 @!p2 $0x0  }
0x16: {  	s3 =	sld [smem:$0x3FDB];
	s0 =	simm.s32 @p2 $0x1  }
0x17: {  	s4 =	simm.s32 $0x1BF5;
	[smem:$0x3FBB] =	sst s0  }
0x18: {  	s0 =	sld [smem:$0x3F9E];
	_ =	swait.ge [sflag:s4], $0x0  }
0x19: {  	s7 =	sld [smem:$0x3F9F]  }
0x1a: {  	s8 =	sadd.s32 $0xFFFFE003, lr  }
0x1b: {  	s9 =	sadd.s32 $0xFFFFFEF7, lr;
	s5 =	simm.s32 $0xFFFFFFFF;
	p2 =	slt.u32 s8, $0xFFFFF086  }
0x1c: {  	p1 =	slt.u32 s9, $0xF7A;
	s5 =	simm.s32 @!p2 $0x0  }
0x1d: {  	s5 =	simm.s32 @p1 $0x1;
	p0 =	seq.s32 s7, s2  }
0x1e: {  	s7 =	smul.u32 @!p0 $0xF7A, s2;
	p2 =	seq.s32 @!p0 s5, $0x0  }
0x1f: {  	s9 =	smul.u32 $0xF7A, s1;
	s8 =	simm.s32 @!p0 $0x1BF5;
	p2 =	por !p2, p0  }
0x20: {  	[sflag:s8] =	ssyncset.s32 @!p0 $0xFFFFF086;
	s6 =	sadd.s32 @!p0 s3, s7;
	s7 =	simm.s32 @!p0 $0x108  }
0x21: {  	s3 =	sadd.s32 s3, s9;
	s6 =	sadd.s32 @!p0 $0x88, s6;
	s7 =	simm.s32 @p2 $0x1082  }
0x22: {  	[simem:s7], [sflag:s8] =	dma.local @!p0 [hbm:s6], $0xF7A  }
0x23: {  	s9 =	sor.u32 $0xD0000000, s2;
	s6 =	simm.s32 $0x108;
	_ =	swait.ge @!p0 [sflag:s8], $0x0  }
0x24: {  	s3 =	sadd.s32 $0x88, s3;
	s6 =	simm.s32 @!p1 $0x1082;
	[sflag:s4] =	ssyncset.s32 $0xFFFFF086  }
0x25: {  	[simem:s6], [sflag:s4] =	dma.local [hbm:s3], $0xF7A  }
0x26: {  	[smem:$0x3F9F] =	sst s1;
	(tag) =	ssettag s2;
	_ =	strace s9  }
0x27: {  	s1 =	sld [smem:$0x3FAF]  }
0x28: {  	s2 =	sld [smem:$0x3FB0]  }
0x29: {  	s4 =	sld [smem:$0x3FB2]  }
0x2a: {  	p0 =	seq.s32 s5, $0x0;
	s5 =	sld [smem:$0x3FB3]  }
0x2b: {  	s6 =	sld [smem:$0x3FB4]  }
0x2c: {  	s7 =	sld [smem:$0x3FB5]  }
0x2d: {  	s3 =	simm.s32 $0x108;
	s8 =	sld [smem:$0x3FB6]  }
0x2e: {  	s3 =	simm.s32 @!p0 $0x1082;
	s9 =	sld [smem:$0x3FB7]  }
0x2f: {  	lr =	sadd.s32 s0, s3;
	s0 =	sld [smem:$0x3FAE]  }
0x30: {  	s3 =	sld [smem:$0x3FB1]  }
0x31: {  	[smem:$0x3FBA] =	sst s10  }
0x32: {  	s10 =	sld [smem:$0x3FB8];
	_ =	sdelay $0x3  }
0x33: {  	p0 =	seq.s32 s10, $0x1;
	s10 =	sld [smem:$0x3FBA];
	_ =	sdelay $0x3  }
0x34: {  	[smem:$0x3FBA] =	sst s10  }
0x35: {  	s10 =	sld [smem:$0x3FB9];
	_ =	sdelay $0x3  }
0x36: {  	p1 =	seq.s32 s10, $0x1;
	s10 =	sld [smem:$0x3FBA];
	_ =	sdelay $0x3  }
0x37: {  	[smem:$0x3FBA] =	sst s10  }
0x38: {  	s10 =	sld [smem:$0x3FBB]  }
0x39: {  	_ = 	snop;
	(pc) =	sbr.ind lr, $3  }
0x3a: {  	_ = 	snop  }
0x3b: {  	_ = 	snop  }
0x3c: {  	p2 =	seq.s32 s10, $0x1;
	s10 =	sld [smem:$0x3FBA]  }
0x3d: {  	_ =	shalt  }
0x3e: {  	_ =	shalt  }
0x3f: {  	_ =	shalt  }
0x40: {  	_ =	shalt  }
0x41: {  	_ =	shalt  }
0x42: {  	_ =	shalt  }
0x43: {  	_ =	shalt  }
0x44: {  	_ =	shalt  }
0x45: {  	_ =	shalt  }
0x46: {  	_ =	shalt  }
0x47: {  	_ =	shalt  }
0x48: {  	_ =	shalt  }
0x49: {  	_ =	shalt  }
0x4a: {  	_ =	shalt  }
0x4b: {  	_ =	shalt  }
0x4c: {  	_ =	shalt  }
0x4d: {  	_ =	shalt  }
0x4e: {  	_ =	shalt  }
0x4f: {  	_ =	shalt  }
0x50: {  	_ =	shalt  }
0x51: {  	_ =	shalt  }
0x52: {  	_ =	shalt  }
0x53: {  	_ =	shalt  }
0x54: {  	_ =	shalt  }
0x55: {  	_ =	shalt  }
0x56: {  	_ =	shalt  }
0x57: {  	_ =	shalt  }
0x58: {  	_ =	shalt  }
0x59: {  	_ =	shalt  }
0x5a: {  	_ =	shalt  }
0x5b: {  	_ =	shalt  }
0x5c: {  	_ =	shalt  }
0x5d: {  	_ =	shalt  }
0x5e: {  	_ =	shalt  }
0x5f: {  	_ =	shalt  }
0x60: {  	_ =	shalt  }
0x61: {  	_ =	shalt  }
0x62: {  	_ =	shalt  }
0x63: {  	_ =	shalt  }
0x64: {  	_ =	shalt  }
0x65: {  	_ =	shalt  }
0x66: {  	_ =	shalt  }
0x67: {  	_ =	shalt  }
0x68: {  	_ =	shalt  }
0x69: {  	_ =	shalt  }
0x6a: {  	_ =	shalt  }
0x6b: {  	_ =	shalt  }
0x6c: {  	_ =	shalt  }
0x6d: {  	_ =	shalt  }
0x6e: {  	_ =	shalt  }
0x6f: {  	_ =	shalt  }
0x70: {  	_ =	shalt  }
0x71: {  	_ =	shalt  }
0x72: {  	_ =	shalt  }
0x73: {  	_ =	shalt  }
0x74: {  	_ =	shalt  }
0x75: {  	_ =	shalt  }
0x76: {  	_ =	shalt  }
0x77: {  	_ =	shalt  }
0x78: {  	_ =	shalt  }
0x79: {  	_ =	shalt  }
0x7a: {  	_ =	shalt  }
0x7b: {  	_ =	shalt  }
0x7c: {  	_ =	shalt  }
0x7d: {  	_ =	shalt  }
0x7e: {  	_ =	shalt  }
0x7f: {  	_ =	shalt  }
0x80: {  	_ =	shalt  }
0x81: {  	_ =	shalt  }
0x82: {  	_ =	shalt  }
0x83: {  	_ =	shalt  }
0x84: {  	_ =	shalt  }
0x85: {  	_ =	shalt  }
0x86: {  	_ =	shalt  }
0x87: {  	_ =	shalt  }
.Lfunc_end0:
.L_simem_size_0:
called_computation_lowered:
.L_overlay_start_0:
0x88: {  	s2 =	sld [smem:$0x3FD9]  }
0x89: {  	s3 =	sld [smem:$0x3FFE];
	_ =	sdelay $0x1  }
0x8a: {  	s1 =	srdreg.scid  }
0x8b: {  	s0 =	sand.u32 $0x1, s1  }
0x8c: {  	s17 =	sshll.u32 s0, $0xA;
	s2 =	sadd.s32 s3, s2  }
0x8d: {  	s2 =	sadd.s32 s2, s17  }
0x8e: {  	[smem:$0x3FC6] =	sst s2  }
0x8f: {  	_ = 	snop  }
0x90: {  	s2 =	sld [smem:$0x3FC8];
	(tm) =	ssettm $0x1  }
0x91: {  	s18 =	sld [smem:$0x3FFB];
	_ =	sdelay $0x3  }
0x92: {  	_ =	strace s18  }
0x93: {  	s3 =	sld [smem:$0x3FFC];
	_ =	sdelay $0x3  }
0x94: {  	_ =	strace s3  }
0x95: {  	s3 =	sld [smem:$0x3FFD];
	_ =	sdelay $0x3  }
0x96: {  	_ =	strace s3  }
0x97: {  	_ =	strace $0x8FFFFFFF  }
0x98: {  	s19 =	sld [smem:$0x3FDB];
	_ =	sdelay $0x1  }
0x99: {  	s4 =	simm.s32 $_scs_section_size  }
0x9a: {  	s5 =	simm.s32 $_size__tile_overlayer_lowered;
	s6 =	simm.s32 $_tile_overlayer_lowered  }
0x9b: {  	s22 =	simm.s32 $0x1BFF;
	s21 =	sshll.u32 s6, $0x1;
	s3 =	sadd.s32 s4, s19  }
0x9c: {  	s7 =	simm.s32 $0x0;
	s20 =	sshll.u32 s5, $0x1;
	s5 =	sadd.s32 s21, s3  }
0x9d: {  	[timem:s7], [sflag:s22] =	dma.local [hbm:s5], s20  }
0x9e: {  	_ =	swait.ge [sflag:s22], s20  }
0x9f: {  	s4 =	ssub.s32 $0x0, s20;
	[sflag:s22] =	ssyncset.done $0x0  }
0xa0: {  	[sflag:s22] =	ssyncadd.s32 s4;
	_ =	sdelay $0x1  }
0xa1: {  	s23 =	simm.s32 $0x1B8B  }
0xa2: {  	_ =	swait.ge [sflag:s23], $0x1  }
0xa3: {  	[sflag:s23] =	ssyncset.done $0x0  }
0xa4: {  	s25 =	simm.s32 $0x1B8E;
	s24 =	sld [smem:$0x3FFE];
	[sflag:s23] =	ssyncadd.s32 $0xFFFFFFFF  }
0xa5: {  	s26 =	simm.s32 $execute0_lowered;
	[smem:$0x3FD2] =	sst s25  }
0xa6: {  	s5 =	sshll.u32 s26, $0x1;
	_ =	strace $0x80000046;
	[dreg:$0x1] =	wrdreg $0xFFFFFFFF  }
0xa7: {  	s28 =	simm.s32 $_size_execute0_lowered;
	s3 =	sadd.s32 s3, s5;
	[dreg:$0x0] =	wrdreg $0x0  }
0xa8: {  	s5 =	sshll.u32 s28, $0x1;
	[dreg:$0x2] =	wrdreg s3  }
0xa9: {  	[dreg:$0x3] =	wrdreg s5  }
0xaa: {  	[dreg:$0x4] =	wrdreg $0xC0  }
0xab: {  	_ =	task [dreg:s7], $0x5FFFF  }
0xac: {  	[dreg:$0x1] =	wrdreg $0xFFFFFFFF  }
0xad: {  	[dreg:$0x0] =	wrdreg $0x60  }
0xae: {  	[dreg:$0x2] =	wrdreg s2  }
0xaf: {  	[dreg:$0x3] =	wrdreg s24  }
0xb0: {  	[dreg:$0x4] =	wrdreg $0x9  }
0xb1: {  	_ =	task.clear_ibuf [dreg:s7], $0x5FFFF;
	_ =	strace $0x90000046  }
0xb2: {  	s29 =	simm.s32 $0x9;
	_ =	strace $0x80000048  }
0xb3: {  	_ =	swait.ge [sflag:s29], $0x1  }
0xb4: {  	[sflag:s29] =	ssyncadd.s32 $0xFFFFFFFF  }
0xb5: {  	_ =	strace $0x90000048  }
0xb6: {  	_ =	sfence  }
0xb7: {  	s30 =	sld [smem:$0x0];
	_ =	sdelay $0x2  }
0xb8: {  	s31 =	sshll.u32 s1, $0xD;
	s1 =	sshrl.u32 s1, $0x2  }
0xb9: {  	s3 =	sand.u32 $0x4000, s31;
	s1 =	sadd.s32 s1, s30  }
0xba: {  	s0 =	sor.u32 s3, s0;
	s1 =	sshll.u32 s1, $0x11  }
0xbb: {  	s0 =	sor.u32 s1, s0  }
0xbc: {  	s0 =	sadd.s32 $0x8F2B, s0  }
0xbd: {  	[sflag:s0] =	ssyncadd.remote.s32 $0x1  }
0xbe: {  	_ =	sfence.sel $0xFFFF  }
0xbf: {  	[dreg:$0x0] =	wrdreg $0xFFFFFFFF;
	(pc) =	sbr.abs _section_cstart, $3  }
0xc0: {  	[dreg:$0x1] =	wrdreg $0xFFFFFFFF  }
0xc1: {  	_ =	task.clear_ibuf [dreg:s7], $0x2FFFF;
	_ =	strace $0x9FFFFFFF  }
0xc2: {  	(tm) =	ssettm $0x7FFFFFFF  }
0xc3: {  	_ =	shalt  }
tec
execute0_lowered:
.L_overlay_start_1:
0x0: {  	(tag) =	ssettag $0x1  }
0x1: {  	s1 =	rddreg [dreg:$0x0]  }
0x2: {  	s0 =	rddreg [dreg:$0x1];
	s2 =	simm.s32 $0x0  }
0x3: {  	v0 =	vimm.s32 $0x1780;
	vm0 =	vcmask $0x300;
	s3 =	srdreg.scid;
	s5 =	stileid.u32;
	s28 =	simm.s32 $0x6400  }
0x4: {  	v1 =	vimm.s32 $0x3F80;
	vm1 =	vcmask $0x704;
	vm15 =	vcmask $0xB08;
	s29 =	simm.s32 $0x7800;
	s30 =	simm.s32 $0x8C00;
	s31 =	simm.s32 $0x1  }
0x5: {  	vm4 =	vcmask $0xF0C;
	[smem:$0x7FF] =	sst s2;
	v0 =	vsel vm0, $0x0, v0;
	v1 =	vsel vm0, $0x2800, v1;
	s4 =	sadd.s32 $0xE00, s0;
	s6 =	sshll.u32 s5, $0x1  }
0x6: {  	s5 =	sadd.s32 $0x1000, s0;
	s9 =	sadd.s32 $0xF4280, s1;
	s10 =	sadd.s32 $0x2DC780, s1;
	v0 =	vsel vm1, $0x80, v0;
	v1 =	vsel vm1, $0x2880, v1  }
0x7: {  	s3 =	sand.u32 $0x1, s3;
	s0 =	sadd.s32 $0x3D1800, s0;
	_ =	strace $0x80000047;
	v0 =	vsel vm15, $0x100, v0;
	v1 =	vsel vm15, $0x2900, v1  }
0x8: {  	vm5 =	vcmask $0x1310;
	[dreg:$0x3] =	wrdreg s4;
	s20 =	ssub.s32 $0x2, s3;
	s3 =	sor.u32 s3, s6;
	v0 =	vsel vm4, $0x180, v0;
	v1 =	vsel vm4, $0x2980, v1  }
0x9: {  	vm6 =	vcmask $0x1714;
	[dreg:$0xb] =	wrdreg s0;
	s7 =	sshrl.u32 s20, $0x1;
	s6 =	sshll.u32 s3, $0x9;
	v0 =	vsel vm5, $0x200, v0;
	v1 =	vsel vm5, $0x2A00, v1  }
0xa: {  	vm7 =	vcmask $0x1B18;
	s0 =	simm.s32 $0xA000;
	s4 =	ssub.s32 s20, s7;
	s11 =	sadd.s32 s6, s9;
	v0 =	vsel vm6, $0x280, v0;
	v1 =	vsel vm6, $0x2A80, v1  }
0xb: {  	vm8 =	vcmask $0x1F1C;
	s7 =	sadd.s32 $0x1E8500, s1;
	s23 =	sadd.s32 s6, s10;
	[dreg:$0x4] =	wrdreg s11;
	v0 =	vsel vm7, $0x300, v0;
	v1 =	vsel vm7, $0x2B00, v1  }
0xc: {  	vm9 =	vcmask $0x2320;
	s8 =	sadd.s32 s1, s6;
	s21 =	sadd.s32 s6, s7;
	[dreg:$0x7] =	wrdreg s23;
	v0 =	vsel vm8, $0x380, v0;
	v1 =	vsel vm8, $0x2B80, v1  }
0xd: {  	vm10 =	vcmask $0x2724;
	p0 =	sne.s32 s3, $0x0;
	s22 =	sadd.s32 $0x1EC500, s8;
	[dreg:$0x5] =	wrdreg s21;
	v0 =	vsel vm9, $0x1400, v0;
	v1 =	vsel vm9, $0x3C00, v1  }
0xe: {  	vm11 =	vcmask $0x2B28;
	s3 =	simm.s32 $0x2;
	s24 =	sadd.s32 $0x4000, s8;
	[dreg:$0x6] =	wrdreg s22;
	v0 =	vsel vm10, $0x1480, v0;
	v1 =	vsel vm10, $0x3C80, v1  }
.Ltmp0:
0xf: {  	vm12 =	vcmask $0x2F2C;
	s25 =	sadd.s32 $0x2E0780, s8;
	[dreg:$0x8] =	wrdreg s24;
	v0 =	vsel vm11, $0x1500, v0;
	v1 =	vsel vm11, $0x3D00, v1;
	(pc) =	sbr.rel .LBB2_1-.Ltmp0, $4  }
0x10: {  	vm13 =	vcmask $0x3330;
	s18 =	sor.u32 $0x8000, s6;
	s26 =	sadd.s32 $0xF8280, s8;
	[dreg:$0x9] =	wrdreg s25;
	v0 =	vsel vm12, $0x1580, v0;
	v1 =	vsel vm12, $0x3D80, v1  }
0x11: {  	vm14 =	vcmask $0x3734;
	s19 =	sor.u32 $0xC000, s6;
	s23 =	simm.s32 $0xE000;
	[dreg:$0xa] =	wrdreg s26;
	v0 =	vsel vm13, $0x1600, v0;
	v1 =	vsel vm13, $0x3E00, v1  }
0x12: {  	vm15 =	vcmask $0x3B38;
	s21 =	smax.u32 s4, $0x1;
	s22 =	sor.u32 $0x4000, s6;
	s26 =	simm.s32 $0x5000;
	v0 =	vsel vm14, $0x1680, v0;
	v1 =	vsel vm14, $0x3E80, v1  }
0x13: {  	s24 =	simm.s32 $0x3;
	s25 =	simm.s32 $0x4;
	s4 =	simm.s32 $0x0;
	v0 =	vsel vm15, $0x1700, v0;
	v1 =	vsel vm15, $0x3F00, v1  }
.LBB2_8:
0x14: {  	_ =	swait.ge [sflag:s24], $0x4000  }
0x15: {  	[sflag:s24] =	ssyncset.done $0x0  }
0x16: {  	[sflag:s24] =	ssyncadd.s32 $0xFFFFC000  }
0x17: {  	_ =	swait.ge [sflag:s25], $0x4000  }
0x18: {  	s11 =	simm.s32 @!p0 $0x0;
	[sflag:s25] =	ssyncset.done $0x0  }
0x19: {  	s12 =	simm.s32 @!p0 $0xA000;
	s13 =	rddreg [dreg:$0x3];
	[sflag:s25] =	ssyncadd.s32 $0xFFFFC000  }
0x1a: {  	[tilespmem:s12], [sflag:$0x1] =	stream.linear.gather @!p0 [hbm4b:s13+s11], $0x800, $0x38;
	[tilespmem:$0x12000] =	vst v63  }
0x1b: {  	s13 =	simm.s32 @!p0 $0x1  }
0x1c: {  	_ =	swait.ge @!p0 [sflag:s13], $0x800  }
0x1d: {  	s4 =	sadd.s32 $0x1, s4;
	[sflag:s13] =	ssyncset.done @!p0 $0x0  }
0x1e: {  	p1 =	sne.s32 s4, s21;
	[sflag:s13] =	ssyncadd.s32 @!p0 $0xFFFFF800;
	s13 =	rddreg [dreg:$0xb]  }
0x1f: {  	[hbm4b:s13+s11] =	stream.linear.scatter @!p0 [tilespmem:s12], [sflag:$0x3], $0x800, $0x38;
	[tilespmem:$0x12000] =	vst v63  }
.Ltmp1:
0x20: {  	_ = 	snop;
	(pc) =	sbr.rel @!p1 .LBB2_9-.Ltmp1, $4  }
0x21: {  	s11 =	simm.s32 @!p0 $0x3  }
0x22: {  	_ =	swait.ge @!p0 [sflag:s11], $0x800  }
0x23: {  	[sflag:s11] =	ssyncset.done @!p0 $0x0  }
0x24: {  	[sflag:s11] =	ssyncadd.s32 @!p0 $0xFFFFF800  }
.LBB2_1:
0x25: {  	[tilespmem:s2], [sflag:$0x1] =	stream.linear.gather [hbm4b:s8+s2], $0x1000, $0x38;
	[tilespmem:$0x12000] =	vst v63  }
0x26: {  	s11 =	rddreg [dreg:$0x4];
	s12 =	simm.s32 $0x1400  }
0x27: {  	[tilespmem:s12], [sflag:$0x1] =	stream.linear.gather [hbm4b:s11+s2], $0x1000, $0x38;
	[tilespmem:$0x12000] =	vst v63  }
0x28: {  	s17 =	rddreg [dreg:$0x5];
	s20 =	simm.s32 $0x2800  }
0x29: {  	[tilespmem:s20], [sflag:$0x1] =	stream.linear.gather [hbm4b:s17+s2], $0x1000, $0x38;
	[tilespmem:$0x12000] =	vst v63  }
0x2a: {  	s13 =	rddreg [dreg:$0x7];
	s14 =	simm.s32 $0x3C00  }
0x2b: {  	[tilespmem:s14], [sflag:$0x1] =	stream.linear.gather [hbm4b:s13+s2], $0x1000, $0x38;
	[tilespmem:$0x12000] =	vst v63  }
0x2c: {  	s15 =	rddreg [dreg:$0x8]  }
0x2d: {  	[tilespmem:s26], [sflag:$0x2] =	stream.linear.gather [hbm4b:s15+s2], $0x1000, $0x38;
	[tilespmem:$0x12000] =	vst v63  }
0x2e: {  	s16 =	rddreg [dreg:$0xa]  }
0x2f: {  	[tilespmem:s28], [sflag:$0x2] =	stream.linear.gather [hbm4b:s16+s2], $0x1000, $0x38;
	[tilespmem:$0x12000] =	vst v63  }
0x30: {  	s17 =	rddreg [dreg:$0x6]  }
0x31: {  	[tilespmem:s29], [sflag:$0x2] =	stream.linear.gather [hbm4b:s17+s2], $0x1000, $0x38;
	[tilespmem:$0x12000] =	vst v63  }
0x32: {  	s11 =	simm.s32 $0x0;
	s20 =	rddreg [dreg:$0x9]  }
0x33: {  	[tilespmem:s30], [sflag:$0x2] =	stream.linear.gather [hbm4b:s20+s2], $0x1000, $0x38;
	[tilespmem:$0x12000] =	vst v63  }
.LBB2_2:
0x34: {  	s12 =	simm.s32 $0x0  }
0x35: {  	s17 =	simm.s32 $0x1;
	s13 =	simm.s32 $0x2;
	s20 =	simm.s32 $0x3;
	v2 =	vmov s12  }
0x36: {  	s14 =	simm.s32 $0x4;
	s15 =	simm.s32 $0x7;
	s16 =	simm.s32 $0x8;
	v4 =	vmov s17;
	v5 =	vmov s13;
	v6 =	vmov s20  }
0x37: {  	v7 =	vmov s14;
	s13 =	simm.s32 $0x5;
	v10 =	vmov s15;
	v11 =	vmov s16  }
0x38: {  	s14 =	simm.s32 $0x6;
	s17 =	simm.s32 $0x9;
	s20 =	simm.s32 $0xA;
	v3 =	vand.u32 $0x70, v2;
	v2 =	vshll.u32 v2, $0x3;
	v8 =	vmov s13  }
0x39: {  	s15 =	simm.s32 $0xD;
	v9 =	vmov s14;
	v12 =	vmov s17;
	v13 =	vmov s20  }
0x3a: {  	v16 =	vmov s15;
	v17 =	vand.u32 $0x71, v4;
	v18 =	vand.u32 $0x72, v5  }
0x3b: {  	v19 =	vand.u32 $0x73, v6;
	v20 =	vand.u32 $0x74, v7;
	v23 =	vand.u32 $0x77, v10  }
0x3c: {  	v24 =	vand.u32 $0x78, v11;
	v4 =	vshll.u32 v4, $0x3;
	v5 =	vshll.u32 v5, $0x3  }
0x3d: {  	s13 =	simm.s32 $0xB;
	s14 =	simm.s32 $0xC;
	v6 =	vshll.u32 v6, $0x3;
	v7 =	vshll.u32 v7, $0x3;
	v10 =	vshll.u32 v10, $0x3  }
0x3e: {  	v11 =	vshll.u32 v11, $0x3;
	v14 =	vmov s13;
	v15 =	vmov s14  }
0x3f: {  	_ =	swait.ge [sflag:s31], $0x1000;
	v2 =	vand.u32 $0xC00, v2;
	v21 =	vand.u32 $0x75, v8;
	v22 =	vand.u32 $0x76, v9  }
0x40: {  	[sflag:s31] =	ssyncset.done $0x0;
	v25 =	vand.u32 $0x79, v12;
	v26 =	vand.u32 $0x7A, v13;
	v29 =	vand.u32 $0x7D, v16  }
0x41: {  	[sflag:s31] =	ssyncadd.s32 $0xFFFFF000;
	v8 =	vshll.u32 v8, $0x3;
	v9 =	vshll.u32 v9, $0x3;
	v12 =	vshll.u32 v12, $0x3  }
0x42: {  	s17 =	simm.s32 $0x11;
	_ =	swait.ge [sflag:s31], $0x1000;
	v13 =	vshll.u32 v13, $0x3;
	v5 =	vand.u32 $0xC00, v5;
	v6 =	vand.u32 $0xC00, v6  }
0x43: {  	s20 =	simm.s32 $0x12;
	s15 =	simm.s32 $0x13;
	v7 =	vand.u32 $0xC00, v7;
	v10 =	vand.u32 $0xC00, v10;
	v11 =	vand.u32 $0xC00, v11;
	[sflag:s31] =	ssyncset.done $0x0  }
0x44: {  	v34 =	vmov s17;
	v35 =	vmov s20;
	v36 =	vmov s15;
	[sflag:s31] =	ssyncadd.s32 $0xFFFFF000  }
0x45: {  	v27 =	vand.u32 $0x7B, v14;
	v28 =	vand.u32 $0x7C, v15;
	v14 =	vshll.u32 v14, $0x3;
	_ =	swait.ge [sflag:s31], $0x1000  }
0x46: {  	v15 =	vshll.u32 v15, $0x3;
	v2 =	vor.u32 v3, v2;
	v3 =	vand.u32 $0xC00, v4;
	[sflag:s31] =	ssyncset.done $0x0  }
0x47: {  	v4 =	vshll.u32 v16, $0x3;
	v8 =	vand.u32 $0xC00, v8;
	v5 =	vor.u32 v18, v5;
	[sflag:s31] =	ssyncadd.s32 $0xFFFFF000  }
0x48: {  	v9 =	vand.u32 $0xC00, v9;
	v6 =	vor.u32 v19, v6;
	v7 =	vor.u32 v20, v7;
	_ =	swait.ge [sflag:s31], $0x1000  }
0x49: {  	p1 =	seq.s32 s11, $0x0;
	v10 =	vor.u32 v23, v10;
	v16 =	vadd.s32 v0, v2;
	v3 =	vor.u32 v17, v3;
	[sflag:s31] =	ssyncset.done $0x0  }
0x4a: {  	s16 =	simm.s32 $0xF;
	s13 =	simm.s32 @!p1 $0x3;
	v11 =	vor.u32 v24, v11;
	v12 =	vand.u32 $0xC00, v12;
	v17 =	vadd.s32 v0, v3;
	[sflag:s31] =	ssyncadd.s32 $0xFFFFF000  }
0x4b: {  	v18 =	vadd.s32 v0, v5;
	v20 =	vor.u32 v21, v8;
	v8 =	vmov s16;
	_ =	swait.ge @!p1 [sflag:s13], $0x4000  }
0x4c: {  	v13 =	vand.u32 $0xC00, v13;
	v19 =	vadd.s32 v0, v6;
	v23 =	vshll.u32 v8, $0x3;
	[sflag:s13] =	ssyncset.done @!p1 $0x0  }
0x4d: {  	v21 =	vadd.s32 v0, v7;
	v8 =	vand.u32 $0x7F, v8;
	v23 =	vand.u32 $0xC00, v23;
	[sflag:s13] =	ssyncadd.s32 @!p1 $0xFFFFC000  }
0x4e: {  	s17 =	simm.s32 $0x15;
	s15 =	simm.s32 $0xE;
	v9 =	vor.u32 v22, v9;
	v22 =	vadd.s32 v0, v20;
	v23 =	vor.u32 v8, v23;
	v8 =	vld.idx.msk [tilespmem:v16+s2+$0x0], $0xffff  }
0x4f: {  	s20 =	simm.s32 $0x16;
	v38 =	vmov s17;
	v39 =	vmov s15;
	v30 =	vadd.s32 v0, v9;
	v17 =	vld.idx.msk [tilespmem:v17+s2+$0x0], $0xffff  }
0x50: {  	v40 =	vmov s20;
	v48 =	vand.u32 $0x71, v34;
	v31 =	vadd.s32 v0, v10;
	v18 =	vld.idx.msk [tilespmem:v18+s2+$0x0], $0xffff  }
0x51: {  	v49 =	vand.u32 $0x72, v35;
	v24 =	vadd.s32 v0, v11;
	v12 =	vor.u32 v25, v12;
	v19 =	vld.idx.msk [tilespmem:v19+s2+$0x0], $0xffff  }
0x52: {  	v13 =	vor.u32 v26, v13;
	v14 =	vand.u32 $0xC00, v14;
	v25 =	vadd.s32 v0, v12;
	v21 =	vld.idx.msk [tilespmem:v21+s2+$0x0], $0xffff  }
0x53: {  	v4 =	vand.u32 $0xC00, v4;
	v26 =	vadd.s32 v0, v13;
	v14 =	vor.u32 v27, v14;
	v22 =	vld.idx.msk [tilespmem:v22+s2+$0x0], $0xffff  }
0x54: {  	v50 =	vand.u32 $0x73, v36;
	v4 =	vor.u32 v29, v4;
	v27 =	vadd.s32 v0, v14;
	v30 =	vld.idx.msk [tilespmem:v30+s2+$0x0], $0xffff  }
0x55: {  	v15 =	vand.u32 $0xC00, v15;
	v5 =	vadd.s32 v1, v5;
	v32 =	vadd.s32 v0, v4;
	v31 =	vld.idx.msk [tilespmem:v31+s2+$0x0], $0xffff  }
0x56: {  	v6 =	vadd.s32 v1, v6;
	v28 =	vor.u32 v28, v15;
	v16 =	vadd.s32 v0, v23;
	v24 =	vld.idx.msk [tilespmem:v24+s2+$0x0], $0xffff  }
0x57: {  	s14 =	simm.s32 $0xA100;
	s20 =	simm.s32 $0x19;
	s15 =	simm.s32 $0x1A;
	v7 =	vadd.s32 v1, v7;
	v41 =	vshll.u32 v39, $0x3;
	v15 =	vadd.s32 v0, v28;
	v25 =	vld.idx.msk [tilespmem:v25+s2+$0x0], $0xffff  }
0x58: {  	v42 =	vmov s20;
	v43 =	vmov s15;
	v3 =	vadd.s32 v1, v3;
	v26 =	vld.idx.msk [tilespmem:v26+s2+$0x0], $0xffff;
	[tilespmem:s14+$0xFFFFFF20] =	vst v17  }
0x59: {  	v10 =	vadd.s32 v1, v10;
	v11 =	vadd.s32 v1, v11;
	v53 =	vand.u32 $0x75, v38;
	v27 =	vld.idx.msk [tilespmem:v27+s2+$0x0], $0xffff;
	[tilespmem:s14+$0xFFFFFF40] =	vst v18  }
0x5a: {  	s16 =	simm.s32 $0x14;
	s20 =	simm.s32 $0x1D;
	v60 =	vadd.s32 v1, v2;
	v61 =	vshll.u32 v38, $0x3;
	v62 =	vshll.u32 v40, $0x3;
	v32 =	vld.idx.msk [tilespmem:v32+s2+$0x0], $0xffff;
	[tilespmem:s14+$0xFFFFFF60] =	vst v19  }
0x5b: {  	v37 =	vmov s16;
	v46 =	vmov s20;
	v12 =	vadd.s32 v1, v12;
	s13 =	simm.s32 $0x10;
	v16 =	vld.idx.msk [tilespmem:v16+s2+$0x0], $0xffff;
	[tilespmem:s14+$0xFFFFFF80] =	vst v21  }
0x5c: {  	v13 =	vadd.s32 v1, v13;
	v14 =	vadd.s32 v1, v14;
	v29 =	vmov s13;
	v19 =	vld.idx.msk [tilespmem:v15+s2+$0x0], $0xffff;
	[tilespmem:s14+$0xFFFFFFA0] =	vst v22  }
0x5d: {  	v55 =	vadd.s32 v1, v28;
	v33 =	vand.u32 $0x70, v29;
	v29 =	vshll.u32 v29, $0x3;
	[tilespmem:s14+$0xFFFFFFC0] =	vst v30;
	v47 =	vld.idx.msk [tilespmem:v3+s2+$0x0], $0xffff  }
0x5e: {  	v56 =	vadd.s32 v1, v4;
	v23 =	vadd.s32 v1, v23;
	v29 =	vand.u32 $0xC00, v29;
	[tilespmem:s14+$0x0] =	vst v24;
	v30 =	vld.idx.msk [tilespmem:v5+s2+$0x0], $0xffff  }
0x5f: {  	s17 =	simm.s32 $0x18;
	v52 =	vand.u32 $0x74, v37;
	v2 =	vor.u32 v33, v29;
	v17 =	vadd.s32 v1, v20;
	[tilespmem:s14+$0x40] =	vst v26;
	v51 =	vld.idx.msk [tilespmem:v6+s2+$0x0], $0xffff  }
0x60: {  	v20 =	vand.u32 $0xC00, v41;
	v18 =	vadd.s32 v1, v9;
	v41 =	vmov s17;
	[tilespmem:s14+$0x60] =	vst v27;
	v54 =	vld.idx.msk [tilespmem:v7+s2+$0x0], $0xffff  }
0x61: {  	s17 =	simm.s32 $0x1C;
	v27 =	vshll.u32 v35, $0x3;
	v24 =	vshll.u32 v42, $0x3;
	v21 =	vld.idx.msk [tilespmem:v11+s2+$0x0], $0xffff;
	[tilespmem:s14+$0xE0] =	vst v16;
	v16 =	vand.u32 $0x7E, v39  }
0x62: {  	[tilespmem:s14+$0x20] =	vst v25;
	v35 =	vand.u32 $0xC00, v62;
	v45 =	vmov s17;
	v25 =	vld.idx.msk [tilespmem:v13+s2+$0x0], $0xffff;
	v20 =	vor.u32 v16, v20  }
0x63: {  	[tilespmem:s14+$0xFFFFFFE0] =	vst v31;
	v7 =	vand.u32 $0x79, v42;
	v11 =	vshll.u32 v37, $0x3;
	v28 =	vld.idx.msk [tilespmem:v14+s2+$0x0], $0xffff;
	v9 =	vadd.s32 v0, v20  }
0x64: {  	[tilespmem:s14+$0xA0] =	vst v32;
	v6 =	vand.u32 $0x7A, v43;
	v3 =	vand.u32 $0x7D, v46;
	v14 =	vand.u32 $0xC00, v11;
	v57 =	vld.idx.msk [tilespmem:v17+s2+$0x0], $0xffff  }
0x65: {  	s16 =	simm.s32 $0x17;
	[tilespmem:s14+$0xFFFFFF00] =	vst v8;
	v31 =	vshll.u32 v41, $0x3;
	v4 =	vand.u32 $0x7C, v45;
	v14 =	vor.u32 v52, v14;
	v59 =	vld.idx.msk [tilespmem:v18+s2+$0x0], $0xffff  }
0x66: {  	v39 =	vmov s16;
	s16 =	simm.s32 $0x1B;
	[tilespmem:s14+$0x80] =	vst v19;
	v18 =	vshll.u32 v45, $0x3;
	v17 =	vshll.u32 v46, $0x3;
	v23 =	vld.idx.msk [tilespmem:v23+s2+$0x0], $0xffff  }
0x67: {  	v29 =	vld.idx.msk [tilespmem:v56+s2+$0x0], $0xffff;
	v44 =	vmov s16;
	v16 =	vand.u32 $0x76, v40;
	v15 =	vand.u32 $0x77, v39;
	[tilespmem:s14+$0xFFFFFF30] =	vst v47  }
0x68: {  	v63 =	vshll.u32 v39, $0x3;
	[tilespmem:s14+$0xFFFFFF50] =	vst v30;
	v5 =	vand.u32 $0x7B, v44;
	v58 =	vadd.s32 v1, v20;
	v22 =	vld.idx.msk [tilespmem:v9+s2+$0x0], $0xffff  }
0x69: {  	[tilespmem:s14+$0xFFFFFF70] =	vst v51;
	v20 =	vld.idx.msk [tilespmem:v10+s2+$0x0], $0xffff;
	v10 =	vshll.u32 v34, $0x3;
	v34 =	vshll.u32 v36, $0x3;
	v19 =	vshll.u32 v44, $0x3  }
0x6a: {  	v26 =	vld.idx.msk [tilespmem:v55+s2+$0x0], $0xffff;
	[tilespmem:s14+$0xFFFFFF90] =	vst v54;
	v36 =	vand.u32 $0xC00, v63;
	v8 =	vand.u32 $0xC00, v10;
	v13 =	vand.u32 $0xC00, v34  }
0x6b: {  	v10 =	vadd.s32 v0, v2;
	v11 =	vor.u32 v48, v8;
	[tilespmem:s14+$0xF0] =	vst v23;
	v23 =	vld.idx.msk [tilespmem:v12+s2+$0x0], $0xffff;
	v12 =	vand.u32 $0xC00, v27  }
0x6c: {  	v13 =	vor.u32 v50, v13;
	v34 =	vadd.s32 v0, v11;
	[tilespmem:s14+$0xFFFFFFB0] =	vst v57;
	v12 =	vor.u32 v49, v12  }
0x6d: {  	v8 =	vand.u32 $0xC00, v61;
	v32 =	vadd.s32 v0, v13;
	v27 =	vld.idx.msk [tilespmem:v60+s2+$0x0], $0xffff;
	v33 =	vadd.s32 v0, v12;
	[tilespmem:s14+$0xC0] =	vst v22  }
0x6e: {  	s12 =	sshll.u32 s11, $0xF;
	s15 =	simm.s32 $0x20;
	s16 =	simm.s32 $0x1F;
	v8 =	vor.u32 v53, v8;
	[tilespmem:s14+$0xFFFFFFD0] =	vst v59;
	v9 =	vand.u32 $0x78, v41;
	v22 =	vshll.u32 v43, $0x3;
	v30 =	vld.idx.msk [tilespmem:v58+s2+$0x0], $0xffff  }
.LBB2_3:
0x6f: {  	p2 =	slt.u32 s15, $0x1F0;
	v37 =	vadd.s32 v0, v14;
	v16 =	vor.u32 v16, v35;
	v35 =	vmov s16;
	[tilespmem:s14+$0xFFFFFFF0] =	vst v20  }
0x70: {  	v20 =	vadd.s32 v0, v8;
	v15 =	vor.u32 v15, v36;
	v10 =	vld.idx.msk [tilespmem:v10+s2+$0x0], $0xffff;
	v36 =	vshll.u32 v35, $0x3;
	[tilespmem:s14+$0x10] =	vst v21  }
0x71: {  	v35 =	vand.u32 $0x7F, v35;
	v21 =	vld.idx.msk [tilespmem:v34+s2+$0x0], $0xffff;
	v34 =	vadd.s32 v0, v16;
	v36 =	vand.u32 $0xC00, v36;
	[tilespmem:s14+$0x30] =	vst v23  }
0x72: {  	v31 =	vand.u32 $0xC00, v31;
	v23 =	vld.idx.msk [tilespmem:v33+s2+$0x0], $0xffff;
	v33 =	vadd.s32 v0, v15;
	v35 =	vor.u32 v35, v36;
	[tilespmem:s14+$0x50] =	vst v25  }
0x73: {  	v24 =	vand.u32 $0xC00, v24;
	v9 =	vor.u32 v9, v31;
	v25 =	vld.idx.msk [tilespmem:v32+s2+$0x0], $0xffff;
	v31 =	vadd.s32 v0, v35;
	[tilespmem:s14+$0x70] =	vst v28  }
0x74: {  	v22 =	vand.u32 $0xC00, v22;
	v7 =	vor.u32 v7, v24;
	v32 =	vadd.s32 v0, v9;
	v28 =	vld.idx.msk [tilespmem:v37+s2+$0x0], $0xffff;
	[tilespmem:s14+$0x90] =	vst v26  }
0x75: {  	v19 =	vand.u32 $0xC00, v19;
	v6 =	vor.u32 v6, v22;
	v24 =	vadd.s32 v0, v7;
	v20 =	vld.idx.msk [tilespmem:v20+s2+$0x0], $0xffff;
	[tilespmem:s14+$0xB0] =	vst v29  }
0x76: {  	v18 =	vand.u32 $0xC00, v18;
	v5 =	vor.u32 v5, v19;
	v26 =	vadd.s32 v0, v6;
	v22 =	vld.idx.msk [tilespmem:v34+s2+$0x0], $0xffff;
	[tilespmem:s14+$0xD0] =	vst v30  }
0x77: {  	v17 =	vand.u32 $0xC00, v17;
	v4 =	vor.u32 v4, v18;
	v29 =	vadd.s32 v0, v5;
	v19 =	vld.idx.msk [tilespmem:v33+s2+$0x0], $0xffff;
	[tilespmem:s14+$0xFFFFFF10] =	vst v27  }
0x78: {  	v3 =	vor.u32 v3, v17;
	v18 =	vadd.s32 v0, v4;
	v27 =	vld.idx.msk [tilespmem:v31+s2+$0x0], $0xffff  }
0x79: {  	v30 =	vmov s15;
	v31 =	vld.idx.msk [tilespmem:v32+s2+$0x0], $0xffff;
	v32 =	vadd.s32 v0, v3  }
0x7a: {  	s16 =	sadd.s32 $0x1, s15;
	s17 =	sadd.s32 $0x2, s15;
	v17 =	vand.u32 $0x70, v30;
	v30 =	vshll.u32 v30, $0x3;
	v33 =	vadd.s32 v1, v35;
	v24 =	vld.idx.msk [tilespmem:v24+s2+$0x0], $0xffff  }
0x7b: {  	v11 =	vadd.s32 v1, v11;
	v34 =	vmov s16;
	s16 =	sadd.s32 $0x3, s15;
	v35 =	vmov s17;
	s17 =	sadd.s32 $0x4, s15;
	v26 =	vld.idx.msk [tilespmem:v26+s2+$0x0], $0xffff  }
0x7c: {  	v12 =	vadd.s32 v1, v12;
	v36 =	vmov s16;
	s16 =	sadd.s32 $0x5, s15;
	v37 =	vmov s17;
	s17 =	sadd.s32 $0xE, s13;
	s13 =	smov.u32 s15;
	v29 =	vld.idx.msk [tilespmem:v29+s2+$0x0], $0xffff  }
0x7d: {  	v13 =	vadd.s32 v1, v13;
	s14 =	sadd.s32 $0x200, s14;
	v38 =	vmov s16;
	s16 =	sadd.s32 $0x6, s15;
	v39 =	vmov s17;
	v18 =	vld.idx.msk [tilespmem:v18+s2+$0x0], $0xffff  }
0x7e: {  	v14 =	vadd.s32 v1, v14;
	v40 =	vmov s16;
	v41 =	vshll.u32 v39, $0x3;
	v32 =	vld.idx.msk [tilespmem:v32+s2+$0x0], $0xffff;
	[tilespmem:s14+$0xE0] =	vst v27  }
0x7f: {  	v8 =	vadd.s32 v1, v8;
	s16 =	sadd.s32 $0x7, s15;
	v27 =	vand.u32 $0xC00, v41;
	[tilespmem:s14+$0xFFFFFF20] =	vst v21;
	v21 =	vand.u32 $0x7E, v39;
	v33 =	vld.idx.msk [tilespmem:v33+s2+$0x0], $0xffff  }
0x80: {  	v16 =	vadd.s32 v1, v16;
	s17 =	sadd.s32 $0x9, s15;
	v39 =	vmov s16;
	s16 =	sadd.s32 $0x8, s15;
	v11 =	vld.idx.msk [tilespmem:v11+s2+$0x0], $0xffff;
	[tilespmem:s14+$0xFFFFFF40] =	vst v23;
	v27 =	vor.u32 v21, v27  }
0x81: {  	v42 =	vmov s17;
	s17 =	sadd.s32 $0xB, s15;
	v41 =	vmov s16;
	s16 =	sadd.s32 $0xA, s15;
	v12 =	vld.idx.msk [tilespmem:v12+s2+$0x0], $0xffff;
	[tilespmem:s14+$0xFFFFFF60] =	vst v25;
	v21 =	vadd.s32 v0, v27  }
0x82: {  	v44 =	vmov s17;
	s17 =	sadd.s32 $0xD, s15;
	v23 =	vadd.s32 v1, v15;
	v43 =	vmov s16;
	s16 =	sadd.s32 $0xC, s15;
	v13 =	vld.idx.msk [tilespmem:v13+s2+$0x0], $0xffff;
	[tilespmem:s14+$0xFFFFFF80] =	vst v28  }
0x83: {  	v46 =	vmov s17;
	v25 =	vadd.s32 v1, v9;
	v45 =	vmov s16;
	v14 =	vld.idx.msk [tilespmem:v14+s2+$0x0], $0xffff;
	[tilespmem:s14+$0xFFFFFFA0] =	vst v20  }
0x84: {  	v48 =	vand.u32 $0x71, v34;
	v47 =	vand.u32 $0xC00, v30;
	v8 =	vld.idx.msk [tilespmem:v8+s2+$0x0], $0xffff;
	[tilespmem:s14+$0xFFFFFFC0] =	vst v22;
	v22 =	vadd.s32 v1, v7  }
0x85: {  	v49 =	vand.u32 $0x72, v35;
	v50 =	vand.u32 $0x73, v36;
	v28 =	vadd.s32 v1, v6;
	v51 =	vld.idx.msk [tilespmem:v16+s2+$0x0], $0xffff;
	[tilespmem:s14+$0xF0] =	vst v33  }
0x86: {  	v52 =	vand.u32 $0x74, v37;
	v53 =	vand.u32 $0x75, v38;
	[tilespmem:s14+$0xFFFFFFE0] =	vst v19;
	v19 =	vadd.s32 v1, v5;
	v30 =	vld.idx.msk [tilespmem:v21+s2+$0x0], $0xffff  }
0x87: {  	v15 =	vand.u32 $0x77, v39;
	v16 =	vand.u32 $0x76, v40;
	v20 =	vld.idx.msk [tilespmem:v23+s2+$0x0], $0xffff;
	[tilespmem:s14+$0x0] =	vst v31;
	v31 =	vadd.s32 v1, v4  }
0x88: {  	v9 =	vand.u32 $0x78, v41;
	v7 =	vand.u32 $0x79, v42;
	v33 =	vadd.s32 v1, v3;
	v21 =	vld.idx.msk [tilespmem:v25+s2+$0x0], $0xffff;
	[tilespmem:s14+$0x20] =	vst v24  }
0x89: {  	v27 =	vadd.s32 v1, v27;
	v6 =	vand.u32 $0x7A, v43;
	v5 =	vand.u32 $0x7B, v44;
	v23 =	vld.idx.msk [tilespmem:v22+s2+$0x0], $0xffff;
	[tilespmem:s14+$0x40] =	vst v26  }
0x8a: {  	v54 =	vadd.s32 v1, v2;
	v3 =	vand.u32 $0x7D, v46;
	v4 =	vand.u32 $0x7C, v45;
	v25 =	vld.idx.msk [tilespmem:v28+s2+$0x0], $0xffff;
	[tilespmem:s14+$0x60] =	vst v29  }
0x8b: {  	v34 =	vshll.u32 v34, $0x3;
	v35 =	vshll.u32 v35, $0x3;
	v36 =	vshll.u32 v36, $0x3;
	v28 =	vld.idx.msk [tilespmem:v19+s2+$0x0], $0xffff;
	[tilespmem:s14+$0x80] =	vst v18  }
0x8c: {  	v37 =	vshll.u32 v37, $0x3;
	v38 =	vshll.u32 v38, $0x3;
	v40 =	vshll.u32 v40, $0x3;
	v26 =	vld.idx.msk [tilespmem:v31+s2+$0x0], $0xffff;
	[tilespmem:s14+$0xA0] =	vst v32  }
0x8d: {  	v24 =	vshll.u32 v42, $0x3;
	v32 =	vshll.u32 v39, $0x3;
	v31 =	vshll.u32 v41, $0x3;
	v29 =	vld.idx.msk [tilespmem:v33+s2+$0x0], $0xffff;
	[tilespmem:s14+$0xC0] =	vst v30  }
0x8e: {  	v22 =	vshll.u32 v43, $0x3;
	v19 =	vshll.u32 v44, $0x3;
	v18 =	vshll.u32 v45, $0x3;
	[tilespmem:s14+$0xFFFFFF00] =	vst v10;
	v30 =	vld.idx.msk [tilespmem:v27+s2+$0x0], $0xffff  }
0x8f: {  	v2 =	vor.u32 v17, v47;
	v17 =	vshll.u32 v46, $0x3;
	v33 =	vand.u32 $0xC00, v34;
	v27 =	vld.idx.msk [tilespmem:v54+s2+$0x0], $0xffff;
	[tilespmem:s14+$0xFFFFFF30] =	vst v11  }
.Ltmp2:
0x90: {  	v35 =	vand.u32 $0xC00, v35;
	v36 =	vand.u32 $0xC00, v36;
	v37 =	vand.u32 $0xC00, v37;
	[tilespmem:s14+$0xFFFFFF50] =	vst v12;
	(pc) =	sbr.rel @p2 .LBB2_3-.Ltmp2, $4  }
0x91: {  	v38 =	vand.u32 $0xC00, v38;
	v10 =	vadd.s32 v0, v2;
	v11 =	vor.u32 v48, v33;
	[tilespmem:s14+$0xFFFFFF70] =	vst v13  }
0x92: {  	v34 =	vadd.s32 v0, v11;
	v12 =	vor.u32 v49, v35;
	v35 =	vand.u32 $0xC00, v40;
	[tilespmem:s14+$0xFFFFFF90] =	vst v14  }
0x93: {  	v33 =	vadd.s32 v0, v12;
	v13 =	vor.u32 v50, v36;
	v36 =	vand.u32 $0xC00, v32;
	[tilespmem:s14+$0xFFFFFFB0] =	vst v8  }
0x94: {  	s15 =	sadd.s32 $0x10, s15;
	s16 =	sadd.s32 $0xF, s13;
	v32 =	vadd.s32 v0, v13;
	v14 =	vor.u32 v52, v37;
	v8 =	vor.u32 v53, v38;
	[tilespmem:s14+$0xFFFFFFD0] =	vst v51  }
0x95: {  	[tilespmem:s14+$0xFFFFFFF0] =	vst v20  }
0x96: {  	[tilespmem:s14+$0x10] =	vst v21  }
0x97: {  	[tilespmem:s14+$0x30] =	vst v23  }
0x98: {  	v20 =	vadd.s32 v0, v14;
	[tilespmem:s14+$0x50] =	vst v25  }
0x99: {  	v16 =	vor.u32 v16, v35;
	v21 =	vadd.s32 v0, v8;
	[tilespmem:s14+$0x70] =	vst v28;
	v25 =	vld.idx.msk [tilespmem:v34+s2+$0x0], $0xffff  }
0x9a: {  	v37 =	vmov s16;
	v15 =	vor.u32 v15, v36;
	[tilespmem:s14+$0x90] =	vst v26;
	v26 =	vld.idx.msk [tilespmem:v33+s2+$0x0], $0xffff;
	v28 =	vadd.s32 v0, v16  }
0x9b: {  	v31 =	vand.u32 $0xC00, v31;
	v24 =	vand.u32 $0xC00, v24;
	[tilespmem:s14+$0xB0] =	vst v29;
	v10 =	vld.idx.msk [tilespmem:v10+s2+$0x0], $0xffff;
	v57 =	vadd.s32 v0, v15  }
0x9c: {  	v22 =	vand.u32 $0xC00, v22;
	[tilespmem:s14+$0xD0] =	vst v30;
	v11 =	vadd.s32 v1, v11;
	v9 =	vor.u32 v9, v31;
	v31 =	vld.idx.msk [tilespmem:v32+s2+$0x0], $0xffff  }
0x9d: {  	v19 =	vand.u32 $0xC00, v19;
	[tilespmem:s14+$0xFFFFFF10] =	vst v27;
	v18 =	vand.u32 $0xC00, v18;
	v12 =	vadd.s32 v1, v12;
	v20 =	vld.idx.msk [tilespmem:v20+s2+$0x0], $0xffff  }
0x9e: {  	s16 =	sadd.s32 $0x200, s14;
	v13 =	vadd.s32 v1, v13;
	v2 =	vadd.s32 v1, v2;
	v7 =	vor.u32 v7, v24;
	v21 =	vld.idx.msk [tilespmem:v21+s2+$0x0], $0xffff  }
0x9f: {  	v38 =	vshll.u32 v37, $0x3;
	v5 =	vor.u32 v5, v19;
	v58 =	vadd.s32 v0, v9;
	[tilespmem:s16+$0xFFFFFF20] =	vst v25;
	v19 =	vld.idx.msk [tilespmem:v28+s2+$0x0], $0xffff  }
0xa0: {  	v37 =	vand.u32 $0x7F, v37;
	v38 =	vand.u32 $0xC00, v38;
	v24 =	vadd.s32 v0, v7;
	[tilespmem:s16+$0xFFFFFF40] =	vst v26;
	v26 =	vld.idx.msk [tilespmem:v57+s2+$0x0], $0xffff  }
0xa1: {  	s13 =	sadd.s32 $0xE, s13;
	v17 =	vand.u32 $0xC00, v17;
	v6 =	vor.u32 v6, v22;
	v37 =	vor.u32 v37, v38;
	[tilespmem:s16+$0xFFFFFF00] =	vst v10;
	v11 =	vld.idx.msk [tilespmem:v11+s2+$0x0], $0xffff  }
0xa2: {  	v4 =	vor.u32 v4, v18;
	v18 =	vmov s13;
	v38 =	vadd.s32 v0, v37;
	[tilespmem:s16+$0xFFFFFF60] =	vst v31;
	v12 =	vld.idx.msk [tilespmem:v12+s2+$0x0], $0xffff  }
0xa3: {  	v3 =	vor.u32 v3, v17;
	v22 =	vadd.s32 v0, v6;
	v27 =	vshll.u32 v18, $0x3;
	v2 =	vld.idx.msk [tilespmem:v2+s2+$0x0], $0xffff;
	[tilespmem:s16+$0xFFFFFF80] =	vst v20  }
0xa4: {  	v17 =	vand.u32 $0x7E, v18;
	v18 =	vand.u32 $0xC00, v27;
	v25 =	vadd.s32 v0, v4;
	v27 =	vld.idx.msk [tilespmem:v58+s2+$0x0], $0xffff;
	[tilespmem:s16+$0xFFFFFFA0] =	vst v21  }
0xa5: {  	v14 =	vadd.s32 v1, v14;
	v17 =	vor.u32 v17, v18;
	v18 =	vld.idx.msk [tilespmem:v24+s2+$0x0], $0xffff;
	[tilespmem:s16+$0xFFFFFFC0] =	vst v19  }
0xa6: {  	v8 =	vadd.s32 v1, v8;
	v13 =	vld.idx.msk [tilespmem:v13+s2+$0x0], $0xffff;
	[tilespmem:s16+$0xFFFFFFE0] =	vst v26  }
0xa7: {  	v16 =	vadd.s32 v1, v16;
	v23 =	vld.idx.msk [tilespmem:v38+s2+$0x0], $0xffff;
	[tilespmem:s16+$0xFFFFFF30] =	vst v11  }
0xa8: {  	v15 =	vadd.s32 v1, v15;
	v21 =	vld.idx.msk [tilespmem:v22+s2+$0x0], $0xffff;
	[tilespmem:s16+$0xFFFFFF50] =	vst v12  }
0xa9: {  	v29 =	vadd.s32 v1, v37;
	v22 =	vld.idx.msk [tilespmem:v25+s2+$0x0], $0xffff;
	[tilespmem:s16+$0xFFFFFF10] =	vst v2  }
0xaa: {  	v9 =	vadd.s32 v1, v9;
	v14 =	vld.idx.msk [tilespmem:v14+s2+$0x0], $0xffff;
	[tilespmem:s16+$0x0] =	vst v27  }
0xab: {  	v7 =	vadd.s32 v1, v7;
	v8 =	vld.idx.msk [tilespmem:v8+s2+$0x0], $0xffff;
	[tilespmem:s16+$0x20] =	vst v18  }
0xac: {  	v20 =	vadd.s32 v0, v17;
	v10 =	vld.idx.msk [tilespmem:v16+s2+$0x0], $0xffff;
	[tilespmem:s16+$0xFFFFFF70] =	vst v13  }
0xad: {  	v11 =	vld.idx.msk [tilespmem:v15+s2+$0x0], $0xffff;
	[tilespmem:s16+$0xE0] =	vst v23;
	v23 =	vadd.s32 v0, v5  }
0xae: {  	v28 =	vld.idx.msk [tilespmem:v29+s2+$0x0], $0xffff;
	v29 =	vadd.s32 v0, v3;
	[tilespmem:s16+$0x40] =	vst v21  }
0xaf: {  	v9 =	vld.idx.msk [tilespmem:v9+s2+$0x0], $0xffff;
	[tilespmem:s16+$0x80] =	vst v22  }
0xb0: {  	v6 =	vadd.s32 v1, v6;
	v7 =	vld.idx.msk [tilespmem:v7+s2+$0x0], $0xffff;
	[tilespmem:s16+$0xFFFFFF90] =	vst v14  }
0xb1: {  	v4 =	vadd.s32 v1, v4;
	v20 =	vld.idx.msk [tilespmem:v20+s2+$0x0], $0xffff;
	[tilespmem:s16+$0xFFFFFFB0] =	vst v8  }
0xb2: {  	v12 =	vadd.s32 v1, v17;
	[tilespmem:s16+$0xFFFFFFD0] =	vst v10;
	v19 =	vld.idx.msk [tilespmem:v23+s2+$0x0], $0xffff  }
0xb3: {  	v5 =	vadd.s32 v1, v5;
	[tilespmem:s16+$0xFFFFFFF0] =	vst v11;
	v23 =	vld.idx.msk [tilespmem:v29+s2+$0x0], $0xffff  }
0xb4: {  	v3 =	vadd.s32 v1, v3;
	[tilespmem:s16+$0x10] =	vst v9  }
0xb5: {  	v6 =	vld.idx.msk [tilespmem:v6+s2+$0x0], $0xffff;
	[tilespmem:s16+$0x30] =	vst v7  }
0xb6: {  	v4 =	vld.idx.msk [tilespmem:v4+s2+$0x0], $0xffff;
	[tilespmem:s16+$0xC0] =	vst v20  }
0xb7: {  	v8 =	vld.idx.msk [tilespmem:v12+s2+$0x0], $0xffff;
	[tilespmem:s16+$0x60] =	vst v19  }
0xb8: {  	[tilespmem:s16+$0xA0] =	vst v23;
	v5 =	vld.idx.msk [tilespmem:v5+s2+$0x0], $0xffff  }
0xb9: {  	[tilespmem:s16+$0xF0] =	vst v28;
	v3 =	vld.idx.msk [tilespmem:v3+s2+$0x0], $0xffff  }
0xba: {  	[tilespmem:s16+$0x50] =	vst v6  }
0xbb: {  	[tilespmem:s16+$0x90] =	vst v4  }
0xbc: {  	s17 =	sor.u32 s6, s12;
	[tilespmem:s16+$0xD0] =	vst v8  }
0xbd: {  	s13 =	sshll.u32 s17, $0x2;
	[tilespmem:s16+$0x70] =	vst v5  }
0xbe: {  	p2 =	seq.s32 s11, $0x1E;
	s13 =	sadd.s32 s5, s13;
	[tilespmem:s16+$0xB0] =	vst v3  }
0xbf: {  	[hbm4b:s13+s2] =	stream.linear.scatter [tilespmem:s0], [sflag:$0x3], $0x4000, $0x38;
	[tilespmem:$0x12000] =	vst v63  }
0xc0: {  	s13 =	sadd.s32 @!p2 s18, s12  }
0xc1: {  	s20 =	simm.s32 $0x0;
	s15 =	simm.s32 @!p2 $0x0;
	p3 =	slt.s32 @!p2 s13, $0xF4000  }
0xc2: {  	s17 =	simm.s32 $0x3;
	v2 =	vmov s20;
	s20 =	simm.s32 $0x2;
	p3 =	por !p3, p2  }
0xc3: {  	v4 =	vmov s20;
	s20 =	simm.s32 $0x6;
	v12 =	vand.u32 $0x70, v2;
	s16 =	simm.s32 $0x1;
	s13 =	simm.s32 @p3 $0xF4000  }
0xc4: {  	v2 =	vshll.u32 v2, $0x3;
	v5 =	vmov s17;
	s17 =	simm.s32 $0x5;
	v3 =	vmov s16;
	s16 =	simm.s32 $0x4;
	s14 =	sadd.s32 @!p2 s1, s13  }
0xc5: {  	v2 =	vand.u32 $0xC00, v2;
	v18 =	vand.u32 $0x72, v4;
	[tilespmem:s15], [sflag:$0x1] =	stream.linear.gather @!p2 [hbm4b:s14+s15], $0x1000, $0x38;
	[tilespmem:$0x12000] =	vst v63  }
0xc6: {  	v4 =	vshll.u32 v4, $0x3;
	v7 =	vmov s17;
	s17 =	simm.s32 $0x9;
	v6 =	vmov s16;
	s16 =	simm.s32 $0x8;
	s14 =	simm.s32 $0x7  }
0xc7: {  	v11 =	vmov s17;
	s17 =	simm.s32 @!p2 $0x1400;
	v10 =	vmov s16;
	s16 =	simm.s32 $0xB;
	v9 =	vmov s14;
	s14 =	simm.s32 $0xA  }
0xc8: {  	v8 =	vmov s20;
	v14 =	vmov s16;
	s16 =	simm.s32 $0xD;
	s20 =	sadd.s32 @!p2 s13, s9;
	v13 =	vmov s14;
	s14 =	simm.s32 $0xC  }
0xc9: {  	v2 =	vor.u32 v12, v2;
	v4 =	vand.u32 $0xC00, v4;
	[tilespmem:s17], [sflag:$0x1] =	stream.linear.gather @!p2 [hbm4b:s20+s15], $0x1000, $0x38;
	[tilespmem:$0x12000] =	vst v63  }
0xca: {  	v4 =	vor.u32 v18, v4;
	v16 =	vmov s16;
	s16 =	simm.s32 @!p2 $0x2800;
	v15 =	vmov s14;
	s14 =	sadd.s32 @!p2 s13, s7  }
0xcb: {  	v18 =	vadd.s32 v0, v4;
	v22 =	vand.u32 $0x76, v8;
	v8 =	vshll.u32 v8, $0x3;
	[tilespmem:s16], [sflag:$0x1] =	stream.linear.gather @!p2 [hbm4b:s14+s15], $0x1000, $0x38;
	[tilespmem:$0x12000] =	vst v63  }
0xcc: {  	v4 =	vadd.s32 v1, v4;
	v8 =	vand.u32 $0xC00, v8;
	v19 =	vand.u32 $0x73, v5;
	s13 =	sadd.s32 @!p2 s13, s10;
	s14 =	simm.s32 @!p2 $0x3C00  }
0xcd: {  	v5 =	vshll.u32 v5, $0x3;
	v21 =	vand.u32 $0x75, v7;
	v7 =	vshll.u32 v7, $0x3;
	[tilespmem:s14], [sflag:$0x1] =	stream.linear.gather @!p2 [hbm4b:s13+s15], $0x1000, $0x38;
	[tilespmem:$0x12000] =	vst v63  }
0xce: {  	v5 =	vand.u32 $0xC00, v5;
	v17 =	vand.u32 $0x71, v3;
	v25 =	vand.u32 $0x79, v11;
	_ =	swait.ge [sflag:s3], $0x1000  }
0xcf: {  	v3 =	vshll.u32 v3, $0x3;
	v11 =	vshll.u32 v11, $0x3;
	v7 =	vand.u32 $0xC00, v7;
	[sflag:s3] =	ssyncset.done $0x0  }
0xd0: {  	v5 =	vor.u32 v19, v5;
	v20 =	vand.u32 $0x74, v6;
	v6 =	vshll.u32 v6, $0x3;
	[sflag:s3] =	ssyncadd.s32 $0xFFFFF000  }
0xd1: {  	v3 =	vand.u32 $0xC00, v3;
	v19 =	vadd.s32 v0, v5;
	v7 =	vor.u32 v21, v7;
	_ =	swait.ge [sflag:s3], $0x1000  }
0xd2: {  	v21 =	vor.u32 v22, v8;
	v11 =	vand.u32 $0xC00, v11;
	v5 =	vadd.s32 v1, v5;
	[sflag:s3] =	ssyncset.done $0x0  }
0xd3: {  	v24 =	vand.u32 $0x78, v10;
	v10 =	vshll.u32 v10, $0x3;
	v6 =	vand.u32 $0xC00, v6;
	[sflag:s3] =	ssyncadd.s32 $0xFFFFF000  }
0xd4: {  	v3 =	vor.u32 v17, v3;
	v22 =	vadd.s32 v0, v7;
	v30 =	vadd.s32 v0, v21;
	_ =	swait.ge [sflag:s3], $0x1000  }
0xd5: {  	v11 =	vor.u32 v25, v11;
	v27 =	vand.u32 $0x7B, v14;
	v14 =	vshll.u32 v14, $0x3;
	[sflag:s3] =	ssyncset.done $0x0  }
0xd6: {  	v17 =	vadd.s32 v0, v3;
	v6 =	vor.u32 v20, v6;
	v10 =	vand.u32 $0xC00, v10;
	[sflag:s3] =	ssyncadd.s32 $0xFFFFF000  }
0xd7: {  	v25 =	vadd.s32 v0, v11;
	v3 =	vadd.s32 v1, v3;
	v11 =	vadd.s32 v1, v11;
	_ =	swait.ge [sflag:s3], $0x1000  }
0xd8: {  	v29 =	vand.u32 $0x7D, v16;
	v12 =	vshll.u32 v16, $0x3;
	v16 =	vadd.s32 v0, v2;
	[sflag:s3] =	ssyncset.done $0x0  }
0xd9: {  	v20 =	vadd.s32 v0, v6;
	v23 =	vand.u32 $0x77, v9;
	v9 =	vshll.u32 v9, $0x3;
	s20 =	simm.s32 $0xF;
	s14 =	simm.s32 @!p1 $0x4;
	[sflag:s3] =	ssyncadd.s32 $0xFFFFF000  }
0xda: {  	v10 =	vor.u32 v24, v10;
	v9 =	vand.u32 $0xC00, v9;
	v8 =	vmov s20;
	_ =	swait.ge @!p1 [sflag:s14], $0x4000  }
0xdb: {  	v14 =	vand.u32 $0xC00, v14;
	v9 =	vor.u32 v23, v9;
	v23 =	vshll.u32 v8, $0x3;
	[sflag:s14] =	ssyncset.done @!p1 $0x0  }
0xdc: {  	v6 =	vadd.s32 v1, v6;
	v8 =	vand.u32 $0x7F, v8;
	v23 =	vand.u32 $0xC00, v23;
	[sflag:s14] =	ssyncadd.s32 @!p1 $0xFFFFC000  }
0xdd: {  	v14 =	vor.u32 v27, v14;
	v12 =	vand.u32 $0xC00, v12;
	v23 =	vor.u32 v8, v23;
	v8 =	vld.idx.msk [tilespmem:v16+s26+$0x0], $0xffff  }
0xde: {  	v24 =	vadd.s32 v0, v10;
	v27 =	vadd.s32 v0, v14;
	v12 =	vor.u32 v29, v12;
	v17 =	vld.idx.msk [tilespmem:v17+s26+$0x0], $0xffff  }
0xdf: {  	v26 =	vand.u32 $0x7A, v13;
	v13 =	vshll.u32 v13, $0x3;
	v31 =	vadd.s32 v0, v9;
	v18 =	vld.idx.msk [tilespmem:v18+s26+$0x0], $0xffff  }
0xe0: {  	s17 =	simm.s32 $0x13;
	v14 =	vadd.s32 v1, v14;
	v59 =	vadd.s32 v0, v12;
	v13 =	vand.u32 $0xC00, v13;
	v19 =	vld.idx.msk [tilespmem:v19+s26+$0x0], $0xffff  }
0xe1: {  	v63 =	vmov s17;
	v12 =	vadd.s32 v1, v12;
	v13 =	vor.u32 v26, v13;
	v20 =	vld.idx.msk [tilespmem:v20+s26+$0x0], $0xffff  }
0xe2: {  	s20 =	simm.s32 $0x14;
	s17 =	simm.s32 $0xE;
	v28 =	vand.u32 $0x7C, v15;
	v15 =	vshll.u32 v15, $0x3;
	v26 =	vadd.s32 v0, v13;
	v22 =	vld.idx.msk [tilespmem:v22+s26+$0x0], $0xffff  }
0xe3: {  	s16 =	simm.s32 $0x12;
	v60 =	vmov s20;
	v39 =	vmov s17;
	v50 =	vand.u32 $0x73, v63;
	v30 =	vld.idx.msk [tilespmem:v30+s26+$0x0], $0xffff  }
0xe4: {  	s20 =	simm.s32 $0x16;
	v15 =	vand.u32 $0xC00, v15;
	v35 =	vmov s16;
	s14 =	simm.s32 $0xE100;
	v16 =	vadd.s32 v0, v23;
	v31 =	vld.idx.msk [tilespmem:v31+s26+$0x0], $0xffff  }
0xe5: {  	v40 =	vmov s20;
	v41 =	vshll.u32 v39, $0x3;
	v28 =	vor.u32 v28, v15;
	v24 =	vld.idx.msk [tilespmem:v24+s26+$0x0], $0xffff;
	[tilespmem:s14+$0xFFFFFF20] =	vst v17  }
0xe6: {  	s16 =	simm.s32 $0x15;
	s20 =	simm.s32 $0x19;
	v9 =	vadd.s32 v1, v9;
	v52 =	vand.u32 $0x74, v60;
	v15 =	vadd.s32 v0, v28;
	v25 =	vld.idx.msk [tilespmem:v25+s26+$0x0], $0xffff;
	[tilespmem:s14+$0xFFFFFF40] =	vst v18  }
0xe7: {  	s13 =	simm.s32 $0x10;
	s15 =	simm.s32 $0x11;
	v61 =	vmov s16;
	v42 =	vmov s20;
	v49 =	vand.u32 $0x72, v35;
	v26 =	vld.idx.msk [tilespmem:v26+s26+$0x0], $0xffff;
	[tilespmem:s14+$0xFFFFFF60] =	vst v19  }
0xe8: {  	s16 =	simm.s32 $0x17;
	s20 =	simm.s32 $0x1B;
	v13 =	vadd.s32 v1, v13;
	v29 =	vmov s13;
	v34 =	vmov s15;
	v27 =	vld.idx.msk [tilespmem:v27+s26+$0x0], $0xffff;
	[tilespmem:s14+$0xFFFFFF80] =	vst v20  }
0xe9: {  	v62 =	vmov s16;
	v44 =	vmov s20;
	v53 =	vand.u32 $0x75, v61;
	v16 =	vld.idx.msk [tilespmem:v16+s26+$0x0], $0xffff;
	[tilespmem:s14+$0xFFFFFFA0] =	vst v22  }
0xea: {  	s20 =	simm.s32 $0x1D;
	v55 =	vadd.s32 v1, v28;
	v33 =	vand.u32 $0x70, v29;
	v29 =	vshll.u32 v29, $0x3;
	v32 =	vld.idx.msk [tilespmem:v59+s26+$0x0], $0xffff;
	[tilespmem:s14+$0xFFFFFFC0] =	vst v30  }
0xeb: {  	v46 =	vmov s20;
	v29 =	vand.u32 $0xC00, v29;
	v23 =	vadd.s32 v1, v23;
	v19 =	vld.idx.msk [tilespmem:v15+s26+$0x0], $0xffff;
	[tilespmem:s14+$0xFFFFFFE0] =	vst v31  }
0xec: {  	v48 =	vand.u32 $0x71, v34;
	v59 =	vadd.s32 v1, v2;
	v2 =	vor.u32 v33, v29;
	[tilespmem:s14+$0x0] =	vst v24;
	v47 =	vld.idx.msk [tilespmem:v3+s26+$0x0], $0xffff  }
0xed: {  	v17 =	vadd.s32 v1, v7;
	v7 =	vand.u32 $0x7E, v39;
	v18 =	vadd.s32 v1, v21;
	[tilespmem:s14+$0x20] =	vst v25;
	v30 =	vld.idx.msk [tilespmem:v4+s26+$0x0], $0xffff  }
0xee: {  	v22 =	vadd.s32 v1, v10;
	v15 =	vand.u32 $0x77, v62;
	v51 =	vld.idx.msk [tilespmem:v5+s26+$0x0], $0xffff;
	[tilespmem:s14+$0xE0] =	vst v16;
	v16 =	vand.u32 $0xC00, v41  }
0xef: {  	[tilespmem:s14+$0x60] =	vst v27;
	v27 =	vshll.u32 v35, $0x3;
	v62 =	vshll.u32 v62, $0x3;
	v54 =	vld.idx.msk [tilespmem:v6+s26+$0x0], $0xffff;
	v21 =	vor.u32 v7, v16  }
0xf0: {  	[tilespmem:s14+$0x40] =	vst v26;
	v24 =	vshll.u32 v42, $0x3;
	v5 =	vand.u32 $0x7B, v44;
	v20 =	vld.idx.msk [tilespmem:v9+s26+$0x0], $0xffff;
	v7 =	vadd.s32 v0, v21  }
0xf1: {  	[tilespmem:s14+$0xA0] =	vst v32;
	v3 =	vand.u32 $0x7D, v46;
	v9 =	vshll.u32 v34, $0x3;
	v34 =	vshll.u32 v63, $0x3;
	v25 =	vld.idx.msk [tilespmem:v13+s26+$0x0], $0xffff  }
0xf2: {  	[tilespmem:s14+$0xFFFFFF00] =	vst v8;
	v63 =	vshll.u32 v60, $0x3;
	v60 =	vshll.u32 v61, $0x3;
	v61 =	vshll.u32 v40, $0x3;
	v29 =	vld.idx.msk [tilespmem:v12+s26+$0x0], $0xffff  }
0xf3: {  	v13 =	vand.u32 $0xC00, v27;
	v27 =	vld.idx.msk [tilespmem:v59+s26+$0x0], $0xffff;
	v36 =	vand.u32 $0xC00, v62;
	v8 =	vand.u32 $0xC00, v9  }
0xf4: {  	v63 =	vand.u32 $0xC00, v63;
	v9 =	vadd.s32 v0, v2;
	v13 =	vor.u32 v49, v13;
	[tilespmem:s14+$0x80] =	vst v19;
	v23 =	vld.idx.msk [tilespmem:v23+s26+$0x0], $0xffff  }
0xf5: {  	s17 =	simm.s32 $0x18;
	v35 =	vand.u32 $0xC00, v61;
	v33 =	vadd.s32 v0, v13;
	v12 =	vor.u32 v52, v63;
	[tilespmem:s14+$0xFFFFFF30] =	vst v47;
	v28 =	vld.idx.msk [tilespmem:v7+s26+$0x0], $0xffff  }
0xf6: {  	v41 =	vmov s17;
	s17 =	simm.s32 $0x1A;
	v56 =	vld.idx.msk [tilespmem:v17+s26+$0x0], $0xffff;
	v19 =	vshll.u32 v44, $0x3;
	v17 =	vshll.u32 v46, $0x3;
	[tilespmem:s14+$0xFFFFFF50] =	vst v30  }
0xf7: {  	v58 =	vld.idx.msk [tilespmem:v18+s26+$0x0], $0xffff;
	v43 =	vmov s17;
	s17 =	simm.s32 $0x1C;
	v16 =	vand.u32 $0x76, v40;
	[tilespmem:s14+$0xFFFFFF70] =	vst v51;
	v57 =	vadd.s32 v1, v21  }
0xf8: {  	v10 =	vand.u32 $0x78, v41;
	v31 =	vshll.u32 v41, $0x3;
	[tilespmem:s14+$0xFFFFFF90] =	vst v54;
	v45 =	vmov s17;
	v21 =	vld.idx.msk [tilespmem:v22+s26+$0x0], $0xffff  }
0xf9: {  	v6 =	vand.u32 $0x7A, v43;
	v22 =	vshll.u32 v43, $0x3;
	[tilespmem:s14+$0xF0] =	vst v23;
	v23 =	vld.idx.msk [tilespmem:v11+s26+$0x0], $0xffff;
	v11 =	vor.u32 v48, v8  }
0xfa: {  	v4 =	vand.u32 $0x7C, v45;
	[tilespmem:s14+$0xC0] =	vst v28;
	v28 =	vld.idx.msk [tilespmem:v14+s26+$0x0], $0xffff;
	v14 =	vand.u32 $0xC00, v34;
	v34 =	vadd.s32 v0, v11  }
0xfb: {  	v26 =	vld.idx.msk [tilespmem:v55+s26+$0x0], $0xffff;
	v18 =	vshll.u32 v45, $0x3;
	[tilespmem:s14+$0xFFFFFFB0] =	vst v56;
	v8 =	vand.u32 $0xC00, v60;
	v14 =	vor.u32 v50, v14  }
0xfc: {  	s16 =	simm.s32 $0x1F;
	s15 =	simm.s32 $0x20;
	[tilespmem:s14+$0xFFFFFFD0] =	vst v58;
	v7 =	vand.u32 $0x79, v42;
	v8 =	vor.u32 v53, v8;
	v30 =	vld.idx.msk [tilespmem:v57+s26+$0x0], $0xffff;
	v32 =	vadd.s32 v0, v14  }
.LBB2_5:
0xfd: {  	p1 =	slt.u32 s15, $0x1F0;
	v37 =	vadd.s32 v0, v12;
	v16 =	vor.u32 v16, v35;
	v35 =	vmov s16;
	[tilespmem:s14+$0xFFFFFFF0] =	vst v20  }
0xfe: {  	v20 =	vadd.s32 v0, v8;
	v15 =	vor.u32 v15, v36;
	v9 =	vld.idx.msk [tilespmem:v9+s26+$0x0], $0xffff;
	v36 =	vshll.u32 v35, $0x3;
	[tilespmem:s14+$0x10] =	vst v21  }
0xff: {  	v35 =	vand.u32 $0x7F, v35;
	v21 =	vld.idx.msk [tilespmem:v34+s26+$0x0], $0xffff;
	v34 =	vadd.s32 v0, v16;
	v36 =	vand.u32 $0xC00, v36;
	[tilespmem:s14+$0x30] =	vst v23  }
0x100: {  	v31 =	vand.u32 $0xC00, v31;
	v23 =	vld.idx.msk [tilespmem:v33+s26+$0x0], $0xffff;
	v33 =	vadd.s32 v0, v15;
	v35 =	vor.u32 v35, v36;
	[tilespmem:s14+$0x50] =	vst v25  }
0x101: {  	v24 =	vand.u32 $0xC00, v24;
	v10 =	vor.u32 v10, v31;
	v25 =	vld.idx.msk [tilespmem:v32+s26+$0x0], $0xffff;
	v31 =	vadd.s32 v0, v35;
	[tilespmem:s14+$0x70] =	vst v28  }
0x102: {  	v22 =	vand.u32 $0xC00, v22;
	v7 =	vor.u32 v7, v24;
	v32 =	vadd.s32 v0, v10;
	v28 =	vld.idx.msk [tilespmem:v37+s26+$0x0], $0xffff;
	[tilespmem:s14+$0x90] =	vst v26  }
0x103: {  	v19 =	vand.u32 $0xC00, v19;
	v6 =	vor.u32 v6, v22;
	v24 =	vadd.s32 v0, v7;
	v20 =	vld.idx.msk [tilespmem:v20+s26+$0x0], $0xffff;
	[tilespmem:s14+$0xB0] =	vst v29  }
0x104: {  	v18 =	vand.u32 $0xC00, v18;
	v5 =	vor.u32 v5, v19;
	v26 =	vadd.s32 v0, v6;
	v22 =	vld.idx.msk [tilespmem:v34+s26+$0x0], $0xffff;
	[tilespmem:s14+$0xD0] =	vst v30  }
0x105: {  	v17 =	vand.u32 $0xC00, v17;
	v4 =	vor.u32 v4, v18;
	v29 =	vadd.s32 v0, v5;
	v19 =	vld.idx.msk [tilespmem:v33+s26+$0x0], $0xffff;
	[tilespmem:s14+$0xFFFFFF10] =	vst v27  }
0x106: {  	v3 =	vor.u32 v3, v17;
	v18 =	vadd.s32 v0, v4;
	v27 =	vld.idx.msk [tilespmem:v31+s26+$0x0], $0xffff  }
0x107: {  	v30 =	vmov s15;
	v31 =	vld.idx.msk [tilespmem:v32+s26+$0x0], $0xffff;
	v32 =	vadd.s32 v0, v3  }
0x108: {  	s16 =	sadd.s32 $0x1, s15;
	s17 =	sadd.s32 $0x2, s15;
	v17 =	vand.u32 $0x70, v30;
	v30 =	vshll.u32 v30, $0x3;
	v33 =	vadd.s32 v1, v35;
	v24 =	vld.idx.msk [tilespmem:v24+s26+$0x0], $0xffff  }
0x109: {  	v11 =	vadd.s32 v1, v11;
	v34 =	vmov s16;
	s16 =	sadd.s32 $0x3, s15;
	v35 =	vmov s17;
	s17 =	sadd.s32 $0x4, s15;
	v26 =	vld.idx.msk [tilespmem:v26+s26+$0x0], $0xffff  }
0x10a: {  	v13 =	vadd.s32 v1, v13;
	v36 =	vmov s16;
	s16 =	sadd.s32 $0x5, s15;
	v37 =	vmov s17;
	s17 =	sadd.s32 $0xE, s13;
	s13 =	smov.u32 s15;
	v29 =	vld.idx.msk [tilespmem:v29+s26+$0x0], $0xffff  }
0x10b: {  	v14 =	vadd.s32 v1, v14;
	s14 =	sadd.s32 $0x200, s14;
	v38 =	vmov s16;
	s16 =	sadd.s32 $0x6, s15;
	v39 =	vmov s17;
	v18 =	vld.idx.msk [tilespmem:v18+s26+$0x0], $0xffff  }
0x10c: {  	v12 =	vadd.s32 v1, v12;
	v40 =	vmov s16;
	v41 =	vshll.u32 v39, $0x3;
	v32 =	vld.idx.msk [tilespmem:v32+s26+$0x0], $0xffff;
	[tilespmem:s14+$0xE0] =	vst v27  }
0x10d: {  	v8 =	vadd.s32 v1, v8;
	s16 =	sadd.s32 $0x7, s15;
	v27 =	vand.u32 $0xC00, v41;
	[tilespmem:s14+$0xFFFFFF20] =	vst v21;
	v21 =	vand.u32 $0x7E, v39;
	v33 =	vld.idx.msk [tilespmem:v33+s26+$0x0], $0xffff  }
0x10e: {  	v16 =	vadd.s32 v1, v16;
	s17 =	sadd.s32 $0x9, s15;
	v39 =	vmov s16;
	s16 =	sadd.s32 $0x8, s15;
	v11 =	vld.idx.msk [tilespmem:v11+s26+$0x0], $0xffff;
	[tilespmem:s14+$0xFFFFFF40] =	vst v23;
	v27 =	vor.u32 v21, v27  }
0x10f: {  	v42 =	vmov s17;
	s17 =	sadd.s32 $0xB, s15;
	v41 =	vmov s16;
	s16 =	sadd.s32 $0xA, s15;
	v13 =	vld.idx.msk [tilespmem:v13+s26+$0x0], $0xffff;
	[tilespmem:s14+$0xFFFFFF60] =	vst v25;
	v21 =	vadd.s32 v0, v27  }
0x110: {  	v44 =	vmov s17;
	s17 =	sadd.s32 $0xD, s15;
	v23 =	vadd.s32 v1, v15;
	v43 =	vmov s16;
	s16 =	sadd.s32 $0xC, s15;
	v14 =	vld.idx.msk [tilespmem:v14+s26+$0x0], $0xffff;
	[tilespmem:s14+$0xFFFFFF80] =	vst v28  }
0x111: {  	v46 =	vmov s17;
	v25 =	vadd.s32 v1, v10;
	v45 =	vmov s16;
	v12 =	vld.idx.msk [tilespmem:v12+s26+$0x0], $0xffff;
	[tilespmem:s14+$0xFFFFFFA0] =	vst v20  }
0x112: {  	v48 =	vand.u32 $0x71, v34;
	v47 =	vand.u32 $0xC00, v30;
	v8 =	vld.idx.msk [tilespmem:v8+s26+$0x0], $0xffff;
	[tilespmem:s14+$0xFFFFFFC0] =	vst v22;
	v22 =	vadd.s32 v1, v7  }
0x113: {  	v49 =	vand.u32 $0x72, v35;
	v50 =	vand.u32 $0x73, v36;
	v28 =	vadd.s32 v1, v6;
	v51 =	vld.idx.msk [tilespmem:v16+s26+$0x0], $0xffff;
	[tilespmem:s14+$0xF0] =	vst v33  }
0x114: {  	v52 =	vand.u32 $0x74, v37;
	v53 =	vand.u32 $0x75, v38;
	[tilespmem:s14+$0xFFFFFFE0] =	vst v19;
	v19 =	vadd.s32 v1, v5;
	v30 =	vld.idx.msk [tilespmem:v21+s26+$0x0], $0xffff  }
0x115: {  	v15 =	vand.u32 $0x77, v39;
	v16 =	vand.u32 $0x76, v40;
	v20 =	vld.idx.msk [tilespmem:v23+s26+$0x0], $0xffff;
	[tilespmem:s14+$0x0] =	vst v31;
	v31 =	vadd.s32 v1, v4  }
0x116: {  	v10 =	vand.u32 $0x78, v41;
	v7 =	vand.u32 $0x79, v42;
	v33 =	vadd.s32 v1, v3;
	v21 =	vld.idx.msk [tilespmem:v25+s26+$0x0], $0xffff;
	[tilespmem:s14+$0x20] =	vst v24  }
0x117: {  	v27 =	vadd.s32 v1, v27;
	v6 =	vand.u32 $0x7A, v43;
	v5 =	vand.u32 $0x7B, v44;
	v23 =	vld.idx.msk [tilespmem:v22+s26+$0x0], $0xffff;
	[tilespmem:s14+$0x40] =	vst v26  }
0x118: {  	v54 =	vadd.s32 v1, v2;
	v3 =	vand.u32 $0x7D, v46;
	v4 =	vand.u32 $0x7C, v45;
	v25 =	vld.idx.msk [tilespmem:v28+s26+$0x0], $0xffff;
	[tilespmem:s14+$0x60] =	vst v29  }
0x119: {  	v34 =	vshll.u32 v34, $0x3;
	v35 =	vshll.u32 v35, $0x3;
	v36 =	vshll.u32 v36, $0x3;
	v28 =	vld.idx.msk [tilespmem:v19+s26+$0x0], $0xffff;
	[tilespmem:s14+$0x80] =	vst v18  }
0x11a: {  	v37 =	vshll.u32 v37, $0x3;
	v38 =	vshll.u32 v38, $0x3;
	v40 =	vshll.u32 v40, $0x3;
	v26 =	vld.idx.msk [tilespmem:v31+s26+$0x0], $0xffff;
	[tilespmem:s14+$0xA0] =	vst v32  }
0x11b: {  	v24 =	vshll.u32 v42, $0x3;
	v32 =	vshll.u32 v39, $0x3;
	v31 =	vshll.u32 v41, $0x3;
	v29 =	vld.idx.msk [tilespmem:v33+s26+$0x0], $0xffff;
	[tilespmem:s14+$0xC0] =	vst v30  }
0x11c: {  	v22 =	vshll.u32 v43, $0x3;
	v19 =	vshll.u32 v44, $0x3;
	v18 =	vshll.u32 v45, $0x3;
	[tilespmem:s14+$0xFFFFFF00] =	vst v9;
	v30 =	vld.idx.msk [tilespmem:v27+s26+$0x0], $0xffff  }
0x11d: {  	v2 =	vor.u32 v17, v47;
	v17 =	vshll.u32 v46, $0x3;
	v33 =	vand.u32 $0xC00, v34;
	v27 =	vld.idx.msk [tilespmem:v54+s26+$0x0], $0xffff;
	[tilespmem:s14+$0xFFFFFF30] =	vst v11  }
.Ltmp3:
0x11e: {  	v35 =	vand.u32 $0xC00, v35;
	v36 =	vand.u32 $0xC00, v36;
	v37 =	vand.u32 $0xC00, v37;
	[tilespmem:s14+$0xFFFFFF50] =	vst v13;
	(pc) =	sbr.rel @p1 .LBB2_5-.Ltmp3, $4  }
0x11f: {  	v38 =	vand.u32 $0xC00, v38;
	v9 =	vadd.s32 v0, v2;
	v11 =	vor.u32 v48, v33;
	[tilespmem:s14+$0xFFFFFF70] =	vst v14  }
0x120: {  	v34 =	vadd.s32 v0, v11;
	v13 =	vor.u32 v49, v35;
	v35 =	vand.u32 $0xC00, v40;
	[tilespmem:s14+$0xFFFFFF90] =	vst v12  }
0x121: {  	v33 =	vadd.s32 v0, v13;
	v14 =	vor.u32 v50, v36;
	v36 =	vand.u32 $0xC00, v32;
	[tilespmem:s14+$0xFFFFFFB0] =	vst v8  }
0x122: {  	s15 =	sadd.s32 $0x10, s15;
	s16 =	sadd.s32 $0xF, s13;
	v32 =	vadd.s32 v0, v14;
	v12 =	vor.u32 v52, v37;
	v8 =	vor.u32 v53, v38;
	[tilespmem:s14+$0xFFFFFFD0] =	vst v51  }
0x123: {  	[tilespmem:s14+$0xFFFFFFF0] =	vst v20  }
0x124: {  	[tilespmem:s14+$0x10] =	vst v21  }
0x125: {  	[tilespmem:s14+$0x30] =	vst v23  }
0x126: {  	v58 =	vadd.s32 v0, v12;
	[tilespmem:s14+$0x50] =	vst v25  }
0x127: {  	v16 =	vor.u32 v16, v35;
	v59 =	vadd.s32 v0, v8;
	[tilespmem:s14+$0x70] =	vst v28;
	v61 =	vld.idx.msk [tilespmem:v34+s26+$0x0], $0xffff  }
0x128: {  	v15 =	vor.u32 v15, v36;
	[tilespmem:s14+$0x90] =	vst v26;
	v36 =	vld.idx.msk [tilespmem:v33+s26+$0x0], $0xffff;
	v62 =	vadd.s32 v0, v16  }
0x129: {  	v37 =	vmov s16;
	[tilespmem:s14+$0xB0] =	vst v29;
	v39 =	vld.idx.msk [tilespmem:v32+s26+$0x0], $0xffff;
	v63 =	vadd.s32 v0, v15  }
0x12a: {  	v31 =	vand.u32 $0xC00, v31;
	v24 =	vand.u32 $0xC00, v24;
	[tilespmem:s14+$0xD0] =	vst v30;
	v11 =	vadd.s32 v1, v11;
	v9 =	vld.idx.msk [tilespmem:v9+s26+$0x0], $0xffff  }
0x12b: {  	v22 =	vand.u32 $0xC00, v22;
	v19 =	vand.u32 $0xC00, v19;
	[tilespmem:s14+$0xFFFFFF10] =	vst v27;
	s20 =	sadd.s32 $0x200, s14;
	v13 =	vadd.s32 v1, v13;
	v20 =	vld.idx.msk [tilespmem:v58+s26+$0x0], $0xffff  }
0x12c: {  	v18 =	vand.u32 $0xC00, v18;
	v14 =	vadd.s32 v1, v14;
	v2 =	vadd.s32 v1, v2;
	v21 =	vld.idx.msk [tilespmem:v59+s26+$0x0], $0xffff;
	[tilespmem:s20+$0xFFFFFF20] =	vst v61  }
0x12d: {  	v17 =	vand.u32 $0xC00, v17;
	v10 =	vor.u32 v10, v31;
	v7 =	vor.u32 v7, v24;
	[tilespmem:s20+$0xFFFFFF40] =	vst v36;
	v41 =	vld.idx.msk [tilespmem:v62+s26+$0x0], $0xffff  }
0x12e: {  	v38 =	vshll.u32 v37, $0x3;
	v6 =	vor.u32 v6, v22;
	v40 =	vadd.s32 v0, v10;
	[tilespmem:s20+$0xFFFFFF60] =	vst v39;
	v47 =	vld.idx.msk [tilespmem:v63+s26+$0x0], $0xffff  }
0x12f: {  	s13 =	sadd.s32 $0xE, s13;
	v37 =	vand.u32 $0x7F, v37;
	v5 =	vor.u32 v5, v19;
	v24 =	vadd.s32 v0, v7;
	[tilespmem:s20+$0xFFFFFF00] =	vst v9;
	v11 =	vld.idx.msk [tilespmem:v11+s26+$0x0], $0xffff  }
0x130: {  	v4 =	vor.u32 v4, v18;
	v43 =	vmov s13;
	v22 =	vadd.s32 v0, v6;
	v13 =	vld.idx.msk [tilespmem:v13+s26+$0x0], $0xffff;
	[tilespmem:s20+$0xFFFFFF80] =	vst v20  }
0x131: {  	v3 =	vor.u32 v3, v17;
	v38 =	vand.u32 $0xC00, v38;
	v42 =	vadd.s32 v0, v5;
	v14 =	vld.idx.msk [tilespmem:v14+s26+$0x0], $0xffff;
	[tilespmem:s20+$0xFFFFFFA0] =	vst v21  }
0x132: {  	v44 =	vadd.s32 v0, v4;
	v45 =	vshll.u32 v43, $0x3;
	v48 =	vand.u32 $0x7E, v43;
	v2 =	vld.idx.msk [tilespmem:v2+s26+$0x0], $0xffff;
	[tilespmem:s20+$0xFFFFFFC0] =	vst v41  }
0x133: {  	v51 =	vadd.s32 v0, v3;
	v37 =	vor.u32 v37, v38;
	v49 =	vand.u32 $0xC00, v45;
	v50 =	vld.idx.msk [tilespmem:v40+s26+$0x0], $0xffff;
	[tilespmem:s20+$0xFFFFFFE0] =	vst v47  }
0x134: {  	v38 =	vadd.s32 v0, v37;
	v17 =	vor.u32 v48, v49;
	v52 =	vld.idx.msk [tilespmem:v24+s26+$0x0], $0xffff;
	[tilespmem:s20+$0xFFFFFF30] =	vst v11  }
0x135: {  	v53 =	vadd.s32 v0, v17;
	v54 =	vld.idx.msk [tilespmem:v22+s26+$0x0], $0xffff;
	[tilespmem:s20+$0xFFFFFF50] =	vst v13  }
0x136: {  	v58 =	vadd.s32 v1, v12;
	v55 =	vld.idx.msk [tilespmem:v42+s26+$0x0], $0xffff;
	[tilespmem:s20+$0xFFFFFF70] =	vst v14  }
0x137: {  	v59 =	vadd.s32 v1, v8;
	v56 =	vld.idx.msk [tilespmem:v44+s26+$0x0], $0xffff;
	[tilespmem:s20+$0xFFFFFF10] =	vst v2  }
0x138: {  	v15 =	vadd.s32 v1, v15;
	v57 =	vld.idx.msk [tilespmem:v51+s26+$0x0], $0xffff;
	[tilespmem:s20+$0x0] =	vst v50  }
0x139: {  	v10 =	vadd.s32 v1, v10;
	v60 =	vld.idx.msk [tilespmem:v38+s26+$0x0], $0xffff;
	[tilespmem:s20+$0x20] =	vst v52  }
0x13a: {  	v7 =	vadd.s32 v1, v7;
	v20 =	vld.idx.msk [tilespmem:v53+s26+$0x0], $0xffff;
	[tilespmem:s20+$0x40] =	vst v54  }
0x13b: {  	v6 =	vadd.s32 v1, v6;
	v12 =	vld.idx.msk [tilespmem:v58+s26+$0x0], $0xffff;
	[tilespmem:s20+$0x60] =	vst v55  }
0x13c: {  	v5 =	vadd.s32 v1, v5;
	v8 =	vld.idx.msk [tilespmem:v59+s26+$0x0], $0xffff;
	[tilespmem:s20+$0x80] =	vst v56  }
0x13d: {  	v4 =	vadd.s32 v1, v4;
	[tilespmem:s20+$0xA0] =	vst v57;
	v61 =	vld.idx.msk [tilespmem:v15+s26+$0x0], $0xffff  }
0x13e: {  	v3 =	vadd.s32 v1, v3;
	v10 =	vld.idx.msk [tilespmem:v10+s26+$0x0], $0xffff;
	[tilespmem:s20+$0xE0] =	vst v60  }
0x13f: {  	v16 =	vadd.s32 v1, v16;
	v7 =	vld.idx.msk [tilespmem:v7+s26+$0x0], $0xffff;
	[tilespmem:s20+$0xC0] =	vst v20  }
0x140: {  	v38 =	vadd.s32 v1, v37;
	v6 =	vld.idx.msk [tilespmem:v6+s26+$0x0], $0xffff;
	[tilespmem:s20+$0xFFFFFF90] =	vst v12  }
0x141: {  	v62 =	vadd.s32 v1, v17;
	v5 =	vld.idx.msk [tilespmem:v5+s26+$0x0], $0xffff;
	[tilespmem:s20+$0xFFFFFFB0] =	vst v8  }
0x142: {  	v4 =	vld.idx.msk [tilespmem:v4+s26+$0x0], $0xffff;
	[tilespmem:s20+$0xFFFFFFF0] =	vst v61  }
0x143: {  	v3 =	vld.idx.msk [tilespmem:v3+s26+$0x0], $0xffff;
	[tilespmem:s20+$0x10] =	vst v10  }
0x144: {  	v60 =	vld.idx.msk [tilespmem:v16+s26+$0x0], $0xffff;
	[tilespmem:s20+$0x30] =	vst v7  }
0x145: {  	v46 =	vld.idx.msk [tilespmem:v38+s26+$0x0], $0xffff;
	[tilespmem:s20+$0x50] =	vst v6  }
0x146: {  	v63 =	vld.idx.msk [tilespmem:v62+s26+$0x0], $0xffff;
	[tilespmem:s20+$0x70] =	vst v5  }
0x147: {  	s13 =	sor.u32 s22, s12;
	[tilespmem:s20+$0x90] =	vst v4  }
.Ltmp4:
0x148: {  	p1 =	slt.s32 s13, $0xF4000;
	[tilespmem:s20+$0xB0] =	vst v3;
	(pc) =	sbr.rel @p2 .LBB2_8-.Ltmp4, $4  }
0x149: {  	s13 =	simm.s32 @!p1 $0xF4000;
	[tilespmem:s20+$0xFFFFFFD0] =	vst v60  }
0x14a: {  	s13 =	sshll.u32 s13, $0x2;
	[tilespmem:s20+$0xF0] =	vst v46  }
0x14b: {  	s13 =	sadd.s32 s5, s13;
	[tilespmem:s20+$0xD0] =	vst v63  }
0x14c: {  	[hbm4b:s13+s2] =	stream.linear.scatter [tilespmem:s23], [sflag:$0x4], $0x4000, $0x38;
	[tilespmem:$0x12000] =	vst v63  }
0x14d: {  	s12 =	sadd.s32 s19, s12  }
0x14e: {  	p1 =	slt.s32 s12, $0xF4000  }
0x14f: {  	s12 =	simm.s32 @!p1 $0xF4000  }
0x150: {  	s13 =	sadd.s32 s1, s12  }
0x151: {  	[tilespmem:s26], [sflag:$0x2] =	stream.linear.gather [hbm4b:s13+s2], $0x1000, $0x38;
	[tilespmem:$0x12000] =	vst v63  }
0x152: {  	s17 =	sadd.s32 s12, s9  }
0x153: {  	[tilespmem:s28], [sflag:$0x2] =	stream.linear.gather [hbm4b:s17+s2], $0x1000, $0x38;
	[tilespmem:$0x12000] =	vst v63  }
.Ltmp5:
0x154: {  	_ = 	snop;
	(pc) =	sbr.rel .LBB2_2-.Ltmp5, $4  }
0x155: {  	s20 =	sadd.s32 s12, s7  }
0x156: {  	[tilespmem:s29], [sflag:$0x2] =	stream.linear.gather [hbm4b:s20+s2], $0x1000, $0x38;
	[tilespmem:$0x12000] =	vst v63  }
0x157: {  	s11 =	sadd.s32 $0x1, s11;
	s12 =	sadd.s32 s12, s10  }
0x158: {  	[tilespmem:s30], [sflag:$0x2] =	stream.linear.gather [hbm4b:s12+s2], $0x1000, $0x38;
	[tilespmem:$0x12000] =	vst v63  }
.LBB2_9:
0x159: {  	_ =	sfence.sel $0x180000  }
0x15a: {  	[bflag:$0x0] =	sbarrier.arrive $0xFFFF  }
0x15b: {  	_ =	strace $0x90000047  }
0x15c: {  	s0 =	stileid.u32;
	[bflag:$0x2] =	sbarrier.arrive $0xFFFF  }
0x15d: {  	p0 =	sne.s32 s0, $0x0;
	s0 =	rddreg [dreg:$0x2]  }
0x15e: {  	s0 =	sadd.s32 @!p0 $0x100000, s0  }
0x15f: {  	[sflag:s0] =	ssyncadd.tile.s32 @!p0 $0x1;
	_ =	shalt  }
.Lfunc_end2:
_tile_overlayer_lowered:
.L_overlay_start_2:
0x160: {  	(tag) =	ssettag $0x2  }
0x161: {  	s0 =	rddreg [dreg:$0x0];
	s2 =	stileid.u32  }
0x162: {  	s1 =	rddreg [dreg:$0x1];
	p0 =	sne.s32 s2, $0x0  }
0x163: {  	s3 =	rddreg [dreg:$0x2];
	[bflag:$0x3] =	sbarrier.arrive $0xFFFF;
	s2 =	simm.s32 @!p0 $0x1C05  }
0x164: {  	[timem:s3], [sflag:s2] =	dma.local @!p0 [hbm:s0], s1  }
0x165: {  	s0 =	simm.s32 @!p0 $0x5  }
0x166: {  	_ =	swait.ge @!p0 [sflag:s0], s1  }
0x167: {  	s1 =	ssub.s32 @!p0 $0x0, s1;
	[sflag:s0] =	ssyncset.done @!p0 $0x0  }
0x168: {  	[sflag:s0] =	ssyncadd.s32 @!p0 s1  }
0x169: {  	[bflag:$0x3] =	sbarrier.arrive $0xFFFF  }
0x16a: {  	_ =	shalt  }

// kernel: kernel.8.cloned.1.call-start
scs
__scs_entry_jumppad:
0x0: {  	(pc) =	sbr.rel $0x88, $3  }
0x1: {  	(tag) =	ssettag $0x0;
	lr =	simm.s32 $0x1  }
0x2: {  	[smem:$0x3F9F] =	sst lr;
	_ =	strace $0xD0000000  }
0x3: {  	_ = 	snop  }
0x4: {  	_ = 	snop  }
0x5: {  	_ = 	snop  }
0x6: {  	_ = 	snop  }
0x7: {  	_ = 	snop  }
__scs_overlays_trampoline_lowered:
0x8: {  	[smem:$0x3FAE] =	sst s0  }
0x9: {  	[smem:$0x3FAF] =	sst s1  }
0xa: {  	[smem:$0x3FB0] =	sst s2  }
0xb: {  	[smem:$0x3FB1] =	sst s3  }
0xc: {  	[smem:$0x3FB2] =	sst s4  }
0xd: {  	[smem:$0x3FB3] =	sst s5  }
0xe: {  	[smem:$0x3FB4] =	sst s6  }
0xf: {  	[smem:$0x3FB5] =	sst s7  }
0x10: {  	[smem:$0x3FB6] =	sst s8  }
0x11: {  	[smem:$0x3FB7] =	sst s9;
	s0 =	simm.s32 @!p0 $0x0  }
0x12: {  	s1 =	sld [smem:$0x3F9D];
	s0 =	simm.s32 @p0 $0x1  }
0x13: {  	[smem:$0x3FB8] =	sst s0;
	s0 =	simm.s32 @!p1 $0x0  }
0x14: {  	s2 =	sld [smem:$0x3F9C];
	s0 =	simm.s32 @p1 $0x1  }
0x15: {  	[smem:$0x3FB9] =	sst s0;
	s0 =	simm.s32 @!p2 $0x0  }
0x16: {  	s3 =	sld [smem:$0x3FDB];
	s0 =	simm.s32 @p2 $0x1  }
0x17: {  	s4 =	simm.s32 $0x1BF5;
	[smem:$0x3FBB] =	sst s0  }
0x18: {  	s0 =	sld [smem:$0x3F9E];
	_ =	swait.ge [sflag:s4], $0x0  }
0x19: {  	s7 =	sld [smem:$0x3F9F]  }
0x1a: {  	s8 =	sadd.s32 $0xFFFFE003, lr  }
0x1b: {  	s9 =	sadd.s32 $0xFFFFFEF7, lr;
	s5 =	simm.s32 $0xFFFFFFFF;
	p2 =	slt.u32 s8, $0xFFFFF086  }
0x1c: {  	p1 =	slt.u32 s9, $0xF7A;
	s5 =	simm.s32 @!p2 $0x0  }
0x1d: {  	s5 =	simm.s32 @p1 $0x1;
	p0 =	seq.s32 s7, s2  }
0x1e: {  	s7 =	smul.u32 @!p0 $0xF7A, s2;
	p2 =	seq.s32 @!p0 s5, $0x0  }
0x1f: {  	s9 =	smul.u32 $0xF7A, s1;
	s8 =	simm.s32 @!p0 $0x1BF5;
	p2 =	por !p2, p0  }
0x20: {  	[sflag:s8] =	ssyncset.s32 @!p0 $0xFFFFF086;
	s6 =	sadd.s32 @!p0 s3, s7;
	s7 =	simm.s32 @!p0 $0x108  }
0x21: {  	s3 =	sadd.s32 s3, s9;
	s6 =	sadd.s32 @!p0 $0x88, s6;
	s7 =	simm.s32 @p2 $0x1082  }
0x22: {  	[simem:s7], [sflag:s8] =	dma.local @!p0 [hbm:s6], $0xF7A  }
0x23: {  	s9 =	sor.u32 $0xD0000000, s2;
	s6 =	simm.s32 $0x108;
	_ =	swait.ge @!p0 [sflag:s8], $0x0  }
0x24: {  	s3 =	sadd.s32 $0x88, s3;
	s6 =	simm.s32 @!p1 $0x1082;
	[sflag:s4] =	ssyncset.s32 $0xFFFFF086  }
0x25: {  	[simem:s6], [sflag:s4] =	dma.local [hbm:s3], $0xF7A  }
0x26: {  	[smem:$0x3F9F] =	sst s1;
	(tag) =	ssettag s2;
	_ =	strace s9  }
0x27: {  	s1 =	sld [smem:$0x3FAF]  }
0x28: {  	s2 =	sld [smem:$0x3FB0]  }
0x29: {  	s4 =	sld [smem:$0x3FB2]  }
0x2a: {  	p0 =	seq.s32 s5, $0x0;
	s5 =	sld [smem:$0x3FB3]  }
0x2b: {  	s6 =	sld [smem:$0x3FB4]  }
0x2c: {  	s7 =	sld [smem:$0x3FB5]  }
0x2d: {  	s3 =	simm.s32 $0x108;
	s8 =	sld [smem:$0x3FB6]  }
0x2e: {  	s3 =	simm.s32 @!p0 $0x1082;
	s9 =	sld [smem:$0x3FB7]  }
0x2f: {  	lr =	sadd.s32 s0, s3;
	s0 =	sld [smem:$0x3FAE]  }
0x30: {  	s3 =	sld [smem:$0x3FB1]  }
0x31: {  	[smem:$0x3FBA] =	sst s10  }
0x32: {  	s10 =	sld [smem:$0x3FB8];
	_ =	sdelay $0x3  }
0x33: {  	p0 =	seq.s32 s10, $0x1;
	s10 =	sld [smem:$0x3FBA];
	_ =	sdelay $0x3  }
0x34: {  	[smem:$0x3FBA] =	sst s10  }
0x35: {  	s10 =	sld [smem:$0x3FB9];
	_ =	sdelay $0x3  }
0x36: {  	p1 =	seq.s32 s10, $0x1;
	s10 =	sld [smem:$0x3FBA];
	_ =	sdelay $0x3  }
0x37: {  	[smem:$0x3FBA] =	sst s10  }
0x38: {  	s10 =	sld [smem:$0x3FBB]  }
0x39: {  	_ = 	snop;
	(pc) =	sbr.ind lr, $3  }
0x3a: {  	_ = 	snop  }
0x3b: {  	_ = 	snop  }
0x3c: {  	p2 =	seq.s32 s10, $0x1;
	s10 =	sld [smem:$0x3FBA]  }
0x3d: {  	_ =	shalt  }
0x3e: {  	_ =	shalt  }
0x3f: {  	_ =	shalt  }
0x40: {  	_ =	shalt  }
0x41: {  	_ =	shalt  }
0x42: {  	_ =	shalt  }
0x43: {  	_ =	shalt  }
0x44: {  	_ =	shalt  }
0x45: {  	_ =	shalt  }
0x46: {  	_ =	shalt  }
0x47: {  	_ =	shalt  }
0x48: {  	_ =	shalt  }
0x49: {  	_ =	shalt  }
0x4a: {  	_ =	shalt  }
0x4b: {  	_ =	shalt  }
0x4c: {  	_ =	shalt  }
0x4d: {  	_ =	shalt  }
0x4e: {  	_ =	shalt  }
0x4f: {  	_ =	shalt  }
0x50: {  	_ =	shalt  }
0x51: {  	_ =	shalt  }
0x52: {  	_ =	shalt  }
0x53: {  	_ =	shalt  }
0x54: {  	_ =	shalt  }
0x55: {  	_ =	shalt  }
0x56: {  	_ =	shalt  }
0x57: {  	_ =	shalt  }
0x58: {  	_ =	shalt  }
0x59: {  	_ =	shalt  }
0x5a: {  	_ =	shalt  }
0x5b: {  	_ =	shalt  }
0x5c: {  	_ =	shalt  }
0x5d: {  	_ =	shalt  }
0x5e: {  	_ =	shalt  }
0x5f: {  	_ =	shalt  }
0x60: {  	_ =	shalt  }
0x61: {  	_ =	shalt  }
0x62: {  	_ =	shalt  }
0x63: {  	_ =	shalt  }
0x64: {  	_ =	shalt  }
0x65: {  	_ =	shalt  }
0x66: {  	_ =	shalt  }
0x67: {  	_ =	shalt  }
0x68: {  	_ =	shalt  }
0x69: {  	_ =	shalt  }
0x6a: {  	_ =	shalt  }
0x6b: {  	_ =	shalt  }
0x6c: {  	_ =	shalt  }
0x6d: {  	_ =	shalt  }
0x6e: {  	_ =	shalt  }
0x6f: {  	_ =	shalt  }
0x70: {  	_ =	shalt  }
0x71: {  	_ =	shalt  }
0x72: {  	_ =	shalt  }
0x73: {  	_ =	shalt  }
0x74: {  	_ =	shalt  }
0x75: {  	_ =	shalt  }
0x76: {  	_ =	shalt  }
0x77: {  	_ =	shalt  }
0x78: {  	_ =	shalt  }
0x79: {  	_ =	shalt  }
0x7a: {  	_ =	shalt  }
0x7b: {  	_ =	shalt  }
0x7c: {  	_ =	shalt  }
0x7d: {  	_ =	shalt  }
0x7e: {  	_ =	shalt  }
0x7f: {  	_ =	shalt  }
0x80: {  	_ =	shalt  }
0x81: {  	_ =	shalt  }
0x82: {  	_ =	shalt  }
0x83: {  	_ =	shalt  }
0x84: {  	_ =	shalt  }
0x85: {  	_ =	shalt  }
0x86: {  	_ =	shalt  }
0x87: {  	_ =	shalt  }
.Lfunc_end0:
.L_simem_size_0:
called_computation.1_lowered:
.L_overlay_start_0:
0x88: {  	s2 =	sld [smem:$0x3FD9]  }
0x89: {  	s3 =	sld [smem:$0x3FFE];
	_ =	sdelay $0x1  }
0x8a: {  	s1 =	srdreg.scid  }
0x8b: {  	s0 =	sand.u32 $0x1, s1  }
0x8c: {  	s17 =	sshll.u32 s0, $0xA;
	s2 =	sadd.s32 s3, s2  }
0x8d: {  	s2 =	sadd.s32 s2, s17  }
0x8e: {  	[smem:$0x3FC6] =	sst s2  }
0x8f: {  	_ = 	snop  }
0x90: {  	s2 =	sld [smem:$0x3FD0];
	(tm) =	ssettm $0x1  }
0x91: {  	s18 =	sld [smem:$0x3FFB];
	_ =	sdelay $0x3  }
0x92: {  	_ =	strace s18  }
0x93: {  	s3 =	sld [smem:$0x3FFC];
	_ =	sdelay $0x3  }
0x94: {  	_ =	strace s3  }
0x95: {  	s3 =	sld [smem:$0x3FFD];
	_ =	sdelay $0x3  }
0x96: {  	_ =	strace s3  }
0x97: {  	_ =	strace $0x8FFFFFFF  }
0x98: {  	s19 =	sld [smem:$0x3FDB];
	_ =	sdelay $0x1  }
0x99: {  	s4 =	simm.s32 $_scs_section_size  }
0x9a: {  	s5 =	simm.s32 $_size__tile_overlayer_lowered;
	s6 =	simm.s32 $_tile_overlayer_lowered  }
0x9b: {  	s22 =	simm.s32 $0x1BFF;
	s21 =	sshll.u32 s6, $0x1;
	s3 =	sadd.s32 s4, s19  }
0x9c: {  	s7 =	simm.s32 $0x0;
	s20 =	sshll.u32 s5, $0x1;
	s5 =	sadd.s32 s21, s3  }
0x9d: {  	[timem:s7], [sflag:s22] =	dma.local [hbm:s5], s20  }
0x9e: {  	_ =	swait.ge [sflag:s22], s20  }
0x9f: {  	s4 =	ssub.s32 $0x0, s20;
	[sflag:s22] =	ssyncset.done $0x0  }
0xa0: {  	[sflag:s22] =	ssyncadd.s32 s4;
	_ =	sdelay $0x1  }
0xa1: {  	s23 =	simm.s32 $0x1B8B  }
0xa2: {  	_ =	swait.ge [sflag:s23], $0x1  }
0xa3: {  	[sflag:s23] =	ssyncset.done $0x0  }
0xa4: {  	s25 =	simm.s32 $0x1B8E;
	s24 =	sld [smem:$0x3FFE];
	[sflag:s23] =	ssyncadd.s32 $0xFFFFFFFF  }
0xa5: {  	s26 =	simm.s32 $execute0_lowered;
	[smem:$0x3FD2] =	sst s25  }
0xa6: {  	s5 =	sshll.u32 s26, $0x1;
	_ =	strace $0x80000049;
	[dreg:$0x1] =	wrdreg $0xFFFFFFFF  }
0xa7: {  	s28 =	simm.s32 $_size_execute0_lowered;
	s3 =	sadd.s32 s3, s5;
	[dreg:$0x0] =	wrdreg $0x0  }
0xa8: {  	s5 =	sshll.u32 s28, $0x1;
	[dreg:$0x2] =	wrdreg s3  }
0xa9: {  	[dreg:$0x3] =	wrdreg s5  }
0xaa: {  	[dreg:$0x4] =	wrdreg $0xC0  }
0xab: {  	_ =	task [dreg:s7], $0x5FFFF  }
0xac: {  	[dreg:$0x1] =	wrdreg $0xFFFFFFFF  }
0xad: {  	[dreg:$0x0] =	wrdreg $0x60  }
0xae: {  	[dreg:$0x2] =	wrdreg s2  }
0xaf: {  	[dreg:$0x3] =	wrdreg s24  }
0xb0: {  	[dreg:$0x4] =	wrdreg $0x9  }
0xb1: {  	_ =	task.clear_ibuf [dreg:s7], $0x5FFFF;
	_ =	strace $0x90000049  }
0xb2: {  	s29 =	simm.s32 $0x9;
	_ =	strace $0x8000004B  }
0xb3: {  	_ =	swait.ge [sflag:s29], $0x1  }
0xb4: {  	[sflag:s29] =	ssyncadd.s32 $0xFFFFFFFF  }
0xb5: {  	_ =	strace $0x9000004B  }
0xb6: {  	_ =	sfence  }
0xb7: {  	s30 =	sld [smem:$0x0];
	_ =	sdelay $0x2  }
0xb8: {  	s31 =	sshll.u32 s1, $0xD;
	s1 =	sshrl.u32 s1, $0x2  }
0xb9: {  	s3 =	sand.u32 $0x4000, s31;
	s1 =	sadd.s32 s1, s30  }
0xba: {  	s0 =	sor.u32 s3, s0;
	s1 =	sshll.u32 s1, $0x11  }
0xbb: {  	s0 =	sor.u32 s1, s0  }
0xbc: {  	s0 =	sadd.s32 $0x8F2B, s0  }
0xbd: {  	[sflag:s0] =	ssyncadd.remote.s32 $0x1  }
0xbe: {  	_ =	sfence.sel $0xFFFF  }
0xbf: {  	[dreg:$0x0] =	wrdreg $0xFFFFFFFF;
	(pc) =	sbr.abs _section_cstart, $3  }
0xc0: {  	[dreg:$0x1] =	wrdreg $0xFFFFFFFF  }
0xc1: {  	_ =	task.clear_ibuf [dreg:s7], $0x2FFFF;
	_ =	strace $0x9FFFFFFF  }
0xc2: {  	(tm) =	ssettm $0x7FFFFFFF  }
0xc3: {  	_ =	shalt  }
tec
execute0_lowered:
.L_overlay_start_1:
0x0: {  	(tag) =	ssettag $0x1  }
0x1: {  	s0 =	srdreg.scid;
	s4 =	rddreg [dreg:$0x0]  }
0x2: {  	s11 =	stileid.u32;
	s5 =	rddreg [dreg:$0x1]  }
0x3: {  	s2 =	simm.s32 $0x0;
	s12 =	simm.s32 $0x6400;
	s15 =	simm.s32 $0x7400  }
0x4: {  	s17 =	simm.s32 $0x8400;
	s14 =	simm.s32 $0xD400;
	s18 =	simm.s32 $0xE400  }
0x5: {  	s16 =	simm.s32 $0x12400;
	s31 =	simm.s32 $0x15400;
	s29 =	simm.s32 $0x17400  }
0x6: {  	s30 =	simm.s32 $0x18400;
	s28 =	simm.s32 $0x0;
	s8 =	smul.u32 $0xC800, s11  }
0x7: {  	s0 =	sand.u32 $0x1, s0;
	s1 =	sshll.u32 s11, $0x1;
	s24 =	smul.u32 $0x32000, s11  }
0x8: {  	[smem:$0x7FF] =	sst s2;
	s3 =	sadd.s32 $0x1000, s5;
	s10 =	smul.u32 $0x6400, s0  }
0x9: {  	s1 =	sor.u32 s0, s1;
	s7 =	ssub.s32 $0x2, s0;
	s0 =	smul.u32 $0x19000, s0  }
0xa: {  	s5 =	sadd.s32 $0x3D1A00, s5;
	s11 =	simm.s32 $0x80;
	s6 =	smul.u32 $0x6400, s1  }
0xb: {  	_ =	strace $0x8000004A;
	s1 =	smul.u32 $0xC8000, s1;
	s9 =	sshrl.u32 s7, $0x1  }
0xc: {  	s7 =	ssub.s32 s7, s9;
	s8 =	sadd.s32 s10, s8;
	s9 =	simm.s32 $0x7  }
0xd: {  	s10 =	simm.s32 $0x8;
	s6 =	sshrl.u32 s6, $0x3;
	s1 =	sshrl.u32 s1, $0x3  }
0xe: {  	s19 =	sshll.u32 s8, $0x2;
	s26 =	smax.u32 s7, $0x1;
	s7 =	simm.s32 $0x5  }
0xf: {  	s8 =	simm.s32 $0x6;
	s4 =	sadd.s32 s4, s6;
	s1 =	sadd.s32 s5, s1  }
0x10: {  	[dreg:$0xc] =	wrdreg s26;
	s26 =	simm.s32 $0x11400;
	s6 =	simm.s32 $0x4  }
0x11: {  	[dreg:$0x7] =	wrdreg s4;
	s20 =	sadd.s32 $0x16800, s1;
	s21 =	sadd.s32 $0x17200, s1  }
0x12: {  	s4 =	sadd.s32 s19, s5;
	s22 =	sadd.s32 $0x17C00, s1;
	[dreg:$0x8] =	wrdreg s20  }
0x13: {  	s5 =	sadd.s32 s24, s5;
	s1 =	sadd.s32 $0x18600, s1;
	[dreg:$0x9] =	wrdreg s21  }
0x14: {  	s19 =	simm.s32 $0x9400;
	s24 =	simm.s32 $0x13400;
	[dreg:$0xa] =	wrdreg s22  }
0x15: {  	s23 =	sadd.s32 $0x1E00, s4;
	s25 =	sadd.s32 $0x1400, s4;
	[dreg:$0xb] =	wrdreg s1  }
0x16: {  	s4 =	sadd.s32 $0xA00, s4;
	s0 =	sadd.s32 s0, s5;
	[dreg:$0x3] =	wrdreg s23  }
0x17: {  	s21 =	simm.s32 $0xB400;
	s22 =	simm.s32 $0xF400;
	[dreg:$0x4] =	wrdreg s25  }
0x18: {  	s1 =	simm.s32 $0x10400;
	s20 =	simm.s32 $0x1;
	[dreg:$0x5] =	wrdreg s4  }
0x19: {  	s5 =	simm.s32 $0x3;
	[dreg:$0x6] =	wrdreg s0;
	s23 =	simm.s32 $0xA400  }
0x1a: {  	s25 =	simm.s32 $0xC400;
	s0 =	simm.s32 $0x14400;
	s4 =	simm.s32 $0x2  }
.LBB2_1:
0x1b: {  	s13 =	rddreg [dreg:$0x7]  }
0x1c: {  	[tilespmem:s2], [sflag:$0x9] =	stream.linear.gather [hbm4b:s13+s2], $0x6400, $0x38;
	[tilespmem:$0x1A400] =	vst v63  }
0x1d: {  	[dreg:$0xd] =	wrdreg s28;
	s13 =	simm.s32 $0x9  }
0x1e: {  	_ =	swait.ge [sflag:s13], $0x6400  }
0x1f: {  	[sflag:s13] =	ssyncset.done $0x0  }
0x20: {  	[sflag:s13] =	ssyncadd.s32 $0xFFFF9C00  }
0x21: {  	[tilespmem:s12], [sflag:$0x1] =	stream.indirect.gather [hbm4b:s3+s11], $0x20, s2, s11, $0xb8;
	[tilespmem:$0x1A400] =	vst v63  }
0x22: {  	_ = 	snop  }
0x23: {  	[tilespmem:s15], [sflag:$0x1] =	stream.indirect.gather [hbm4b:s3+s11], $0x20, s11, s11, $0xb8;
	[tilespmem:$0x1A400] =	vst v63  }
0x24: {  	s13 =	simm.s32 $0x100  }
0x25: {  	[tilespmem:s17], [sflag:$0x1] =	stream.indirect.gather [hbm4b:s3+s11], $0x20, s13, s11, $0xb8;
	[tilespmem:$0x1A400] =	vst v63  }
0x26: {  	s13 =	simm.s32 $0x180  }
0x27: {  	[tilespmem:s19], [sflag:$0x1] =	stream.indirect.gather [hbm4b:s3+s11], $0x20, s13, s11, $0xb8;
	[tilespmem:$0x1A400] =	vst v63  }
0x28: {  	s13 =	simm.s32 $0x200  }
0x29: {  	[tilespmem:s23], [sflag:$0x1] =	stream.indirect.gather [hbm4b:s3+s11], $0x20, s13, s11, $0xb8;
	[tilespmem:$0x1A400] =	vst v63  }
0x2a: {  	s13 =	simm.s32 $0x280  }
0x2b: {  	[tilespmem:s21], [sflag:$0x2] =	stream.indirect.gather [hbm4b:s3+s11], $0x20, s13, s11, $0xb8;
	[tilespmem:$0x1A400] =	vst v63  }
0x2c: {  	s13 =	simm.s32 $0x300  }
0x2d: {  	[tilespmem:s25], [sflag:$0x2] =	stream.indirect.gather [hbm4b:s3+s11], $0x20, s13, s11, $0xb8;
	[tilespmem:$0x1A400] =	vst v63  }
0x2e: {  	s13 =	simm.s32 $0x380  }
0x2f: {  	[tilespmem:s14], [sflag:$0x2] =	stream.indirect.gather [hbm4b:s3+s11], $0x20, s13, s11, $0xb8;
	[tilespmem:$0x1A400] =	vst v63  }
0x30: {  	s13 =	simm.s32 $0x400  }
0x31: {  	[tilespmem:s18], [sflag:$0x2] =	stream.indirect.gather [hbm4b:s3+s11], $0x20, s13, s11, $0xb8;
	[tilespmem:$0x1A400] =	vst v63  }
0x32: {  	s13 =	simm.s32 $0x480  }
0x33: {  	[tilespmem:s22], [sflag:$0x2] =	stream.indirect.gather [hbm4b:s3+s11], $0x20, s13, s11, $0xb8;
	[tilespmem:$0x1A400] =	vst v63  }
0x34: {  	s13 =	simm.s32 $0x500  }
0x35: {  	[tilespmem:s1], [sflag:$0x3] =	stream.indirect.gather [hbm4b:s3+s11], $0x20, s13, s11, $0xb8;
	[tilespmem:$0x1A400] =	vst v63  }
0x36: {  	s13 =	simm.s32 $0x580  }
0x37: {  	[tilespmem:s26], [sflag:$0x3] =	stream.indirect.gather [hbm4b:s3+s11], $0x20, s13, s11, $0xb8;
	[tilespmem:$0x1A400] =	vst v63  }
0x38: {  	s13 =	simm.s32 $0x600  }
0x39: {  	[tilespmem:s16], [sflag:$0x3] =	stream.indirect.gather [hbm4b:s3+s11], $0x20, s13, s11, $0xb8;
	[tilespmem:$0x1A400] =	vst v63  }
0x3a: {  	s13 =	simm.s32 $0x680  }
0x3b: {  	[tilespmem:s24], [sflag:$0x3] =	stream.indirect.gather [hbm4b:s3+s11], $0x20, s13, s11, $0xb8;
	[tilespmem:$0x1A400] =	vst v63  }
0x3c: {  	s13 =	simm.s32 $0x700  }
0x3d: {  	[tilespmem:s0], [sflag:$0x3] =	stream.indirect.gather [hbm4b:s3+s11], $0x20, s13, s11, $0xb8;
	[tilespmem:$0x1A400] =	vst v63  }
0x3e: {  	s13 =	simm.s32 $0x780  }
0x3f: {  	[tilespmem:s31], [sflag:$0x4] =	stream.indirect.gather [hbm4b:s3+s11], $0x20, s13, s11, $0xb8;
	[tilespmem:$0x1A400] =	vst v63  }
0x40: {  	s28 =	simm.s32 $0x16400;
	s13 =	simm.s32 $0x800  }
0x41: {  	[tilespmem:s28], [sflag:$0x4] =	stream.indirect.gather [hbm4b:s3+s11], $0x20, s13, s11, $0xb8;
	[tilespmem:$0x1A400] =	vst v63  }
0x42: {  	s13 =	simm.s32 $0x880  }
0x43: {  	[tilespmem:s29], [sflag:$0x4] =	stream.indirect.gather [hbm4b:s3+s11], $0x20, s13, s11, $0xb8;
	[tilespmem:$0x1A400] =	vst v63  }
0x44: {  	s13 =	simm.s32 $0x900  }
0x45: {  	[tilespmem:s30], [sflag:$0x4] =	stream.indirect.gather [hbm4b:s3+s11], $0x20, s13, s11, $0xb8;
	[tilespmem:$0x1A400] =	vst v63  }
0x46: {  	s28 =	simm.s32 $0x980;
	s13 =	simm.s32 $0x19400  }
0x47: {  	[tilespmem:s13], [sflag:$0x4] =	stream.indirect.gather [hbm4b:s3+s11], $0x20, s28, s11, $0xb8;
	[tilespmem:$0x1A400] =	vst v63  }
0x48: {  	_ =	swait.ge [sflag:s20], $0x1000  }
0x49: {  	[sflag:s20] =	ssyncset.done $0x0  }
0x4a: {  	[sflag:s20] =	ssyncadd.s32 $0xFFFFF000  }
0x4b: {  	_ =	swait.ge [sflag:s20], $0x1000  }
0x4c: {  	[sflag:s20] =	ssyncset.done $0x0  }
0x4d: {  	[sflag:s20] =	ssyncadd.s32 $0xFFFFF000  }
0x4e: {  	_ =	swait.ge [sflag:s20], $0x1000  }
0x4f: {  	[sflag:s20] =	ssyncset.done $0x0  }
0x50: {  	[sflag:s20] =	ssyncadd.s32 $0xFFFFF000  }
0x51: {  	_ =	swait.ge [sflag:s20], $0x1000  }
0x52: {  	[sflag:s20] =	ssyncset.done $0x0  }
0x53: {  	[sflag:s20] =	ssyncadd.s32 $0xFFFFF000  }
0x54: {  	_ =	swait.ge [sflag:s20], $0x1000  }
0x55: {  	s13 =	rddreg [dreg:$0x6];
	[sflag:s20] =	ssyncset.done $0x0  }
0x56: {  	[sflag:s20] =	ssyncadd.s32 $0xFFFFF000;
	s13 =	sadd.s32 $0x0, s13  }
0x57: {  	[hbm4b:s13+s2] =	stream.linear.scatter [tilespmem:s12], [sflag:$0x5], $0x5000, $0x38;
	[tilespmem:$0x1A400] =	vst v63  }
0x58: {  	_ =	swait.ge [sflag:s4], $0x1000  }
0x59: {  	[sflag:s4] =	ssyncset.done $0x0  }
0x5a: {  	[sflag:s4] =	ssyncadd.s32 $0xFFFFF000  }
0x5b: {  	_ =	swait.ge [sflag:s4], $0x1000  }
0x5c: {  	[sflag:s4] =	ssyncset.done $0x0  }
0x5d: {  	[sflag:s4] =	ssyncadd.s32 $0xFFFFF000  }
0x5e: {  	_ =	swait.ge [sflag:s4], $0x1000  }
0x5f: {  	[sflag:s4] =	ssyncset.done $0x0  }
0x60: {  	[sflag:s4] =	ssyncadd.s32 $0xFFFFF000  }
0x61: {  	_ =	swait.ge [sflag:s4], $0x1000  }
0x62: {  	[sflag:s4] =	ssyncset.done $0x0  }
0x63: {  	[sflag:s4] =	ssyncadd.s32 $0xFFFFF000  }
0x64: {  	_ =	swait.ge [sflag:s4], $0x1000  }
0x65: {  	s13 =	rddreg [dreg:$0x5];
	[sflag:s4] =	ssyncset.done $0x0  }
0x66: {  	[sflag:s4] =	ssyncadd.s32 $0xFFFFF000;
	s13 =	sadd.s32 $0x0, s13  }
0x67: {  	[hbm4b:s13+s2] =	stream.linear.scatter [tilespmem:s21], [sflag:$0x6], $0x5000, $0x38;
	[tilespmem:$0x1A400] =	vst v63  }
0x68: {  	_ =	swait.ge [sflag:s5], $0x1000  }
0x69: {  	[sflag:s5] =	ssyncset.done $0x0  }
0x6a: {  	[sflag:s5] =	ssyncadd.s32 $0xFFFFF000  }
0x6b: {  	_ =	swait.ge [sflag:s5], $0x1000  }
0x6c: {  	[sflag:s5] =	ssyncset.done $0x0  }
0x6d: {  	[sflag:s5] =	ssyncadd.s32 $0xFFFFF000  }
0x6e: {  	_ =	swait.ge [sflag:s5], $0x1000  }
0x6f: {  	[sflag:s5] =	ssyncset.done $0x0  }
0x70: {  	[sflag:s5] =	ssyncadd.s32 $0xFFFFF000  }
0x71: {  	_ =	swait.ge [sflag:s5], $0x1000  }
0x72: {  	[sflag:s5] =	ssyncset.done $0x0  }
0x73: {  	[sflag:s5] =	ssyncadd.s32 $0xFFFFF000  }
0x74: {  	_ =	swait.ge [sflag:s5], $0x1000  }
0x75: {  	s13 =	rddreg [dreg:$0x4];
	[sflag:s5] =	ssyncset.done $0x0  }
0x76: {  	[sflag:s5] =	ssyncadd.s32 $0xFFFFF000;
	s13 =	sadd.s32 $0x0, s13  }
0x77: {  	[hbm4b:s13+s2] =	stream.linear.scatter [tilespmem:s1], [sflag:$0x7], $0x5000, $0x38;
	[tilespmem:$0x1A400] =	vst v63  }
0x78: {  	_ =	swait.ge [sflag:s6], $0x1000  }
0x79: {  	[sflag:s6] =	ssyncset.done $0x0  }
0x7a: {  	[sflag:s6] =	ssyncadd.s32 $0xFFFFF000  }
0x7b: {  	_ =	swait.ge [sflag:s6], $0x1000  }
0x7c: {  	[sflag:s6] =	ssyncset.done $0x0  }
0x7d: {  	[sflag:s6] =	ssyncadd.s32 $0xFFFFF000  }
0x7e: {  	_ =	swait.ge [sflag:s6], $0x1000  }
0x7f: {  	[sflag:s6] =	ssyncset.done $0x0  }
0x80: {  	[sflag:s6] =	ssyncadd.s32 $0xFFFFF000  }
0x81: {  	_ =	swait.ge [sflag:s6], $0x1000  }
0x82: {  	[sflag:s6] =	ssyncset.done $0x0  }
0x83: {  	[sflag:s6] =	ssyncadd.s32 $0xFFFFF000  }
0x84: {  	_ =	swait.ge [sflag:s6], $0x1000  }
0x85: {  	s13 =	rddreg [dreg:$0x3];
	[sflag:s6] =	ssyncset.done $0x0  }
0x86: {  	[sflag:s6] =	ssyncadd.s32 $0xFFFFF000;
	s13 =	sadd.s32 $0x0, s13  }
0x87: {  	[hbm4b:s13+s2] =	stream.linear.scatter [tilespmem:s31], [sflag:$0x8], $0x5000, $0x38;
	[tilespmem:$0x1A400] =	vst v63  }
0x88: {  	_ =	swait.ge [sflag:s7], $0x5000  }
0x89: {  	[sflag:s7] =	ssyncset.done $0x0  }
0x8a: {  	s13 =	simm.s32 $0xA00;
	[sflag:s7] =	ssyncadd.s32 $0xFFFFB000  }
0x8b: {  	[tilespmem:s12], [sflag:$0x1] =	stream.indirect.gather [hbm4b:s3+s11], $0x20, s13, s11, $0xb8;
	[tilespmem:$0x1A400] =	vst v63  }
0x8c: {  	s13 =	simm.s32 $0xA80  }
0x8d: {  	[tilespmem:s15], [sflag:$0x1] =	stream.indirect.gather [hbm4b:s3+s11], $0x20, s13, s11, $0xb8;
	[tilespmem:$0x1A400] =	vst v63  }
0x8e: {  	s15 =	simm.s32 $0xB00  }
0x8f: {  	[tilespmem:s17], [sflag:$0x1] =	stream.indirect.gather [hbm4b:s3+s11], $0x20, s15, s11, $0xb8;
	[tilespmem:$0x1A400] =	vst v63  }
0x90: {  	s17 =	simm.s32 $0xB80  }
0x91: {  	[tilespmem:s19], [sflag:$0x1] =	stream.indirect.gather [hbm4b:s3+s11], $0x20, s17, s11, $0xb8;
	[tilespmem:$0x1A400] =	vst v63  }
0x92: {  	s19 =	simm.s32 $0xC00  }
0x93: {  	[tilespmem:s23], [sflag:$0x1] =	stream.indirect.gather [hbm4b:s3+s11], $0x20, s19, s11, $0xb8;
	[tilespmem:$0x1A400] =	vst v63  }
0x94: {  	_ =	swait.ge [sflag:s8], $0x5000  }
0x95: {  	[sflag:s8] =	ssyncset.done $0x0  }
0x96: {  	s15 =	simm.s32 $0xC80;
	[sflag:s8] =	ssyncadd.s32 $0xFFFFB000  }
0x97: {  	[tilespmem:s21], [sflag:$0x2] =	stream.indirect.gather [hbm4b:s3+s11], $0x20, s15, s11, $0xb8;
	[tilespmem:$0x1A400] =	vst v63  }
0x98: {  	s17 =	simm.s32 $0xD00  }
0x99: {  	[tilespmem:s25], [sflag:$0x2] =	stream.indirect.gather [hbm4b:s3+s11], $0x20, s17, s11, $0xb8;
	[tilespmem:$0x1A400] =	vst v63  }
0x9a: {  	s19 =	simm.s32 $0xD80  }
0x9b: {  	[tilespmem:s14], [sflag:$0x2] =	stream.indirect.gather [hbm4b:s3+s11], $0x20, s19, s11, $0xb8;
	[tilespmem:$0x1A400] =	vst v63  }
0x9c: {  	s23 =	simm.s32 $0xE00  }
0x9d: {  	[tilespmem:s18], [sflag:$0x2] =	stream.indirect.gather [hbm4b:s3+s11], $0x20, s23, s11, $0xb8;
	[tilespmem:$0x1A400] =	vst v63  }
0x9e: {  	s25 =	simm.s32 $0xE80  }
0x9f: {  	[tilespmem:s22], [sflag:$0x2] =	stream.indirect.gather [hbm4b:s3+s11], $0x20, s25, s11, $0xb8;
	[tilespmem:$0x1A400] =	vst v63  }
0xa0: {  	_ =	swait.ge [sflag:s9], $0x5000  }
0xa1: {  	[sflag:s9] =	ssyncset.done $0x0  }
0xa2: {  	s14 =	simm.s32 $0xF00;
	[sflag:s9] =	ssyncadd.s32 $0xFFFFB000  }
0xa3: {  	[tilespmem:s1], [sflag:$0x3] =	stream.indirect.gather [hbm4b:s3+s11], $0x20, s14, s11, $0xb8;
	[tilespmem:$0x1A400] =	vst v63  }
0xa4: {  	s15 =	simm.s32 $0xF80  }
0xa5: {  	[tilespmem:s26], [sflag:$0x3] =	stream.indirect.gather [hbm4b:s3+s11], $0x20, s15, s11, $0xb8;
	[tilespmem:$0x1A400] =	vst v63  }
0xa6: {  	s17 =	simm.s32 $0x1000  }
0xa7: {  	[tilespmem:s16], [sflag:$0x3] =	stream.indirect.gather [hbm4b:s3+s11], $0x20, s17, s11, $0xb8;
	[tilespmem:$0x1A400] =	vst v63  }
0xa8: {  	s18 =	simm.s32 $0x1080  }
0xa9: {  	[tilespmem:s24], [sflag:$0x3] =	stream.indirect.gather [hbm4b:s3+s11], $0x20, s18, s11, $0xb8;
	[tilespmem:$0x1A400] =	vst v63  }
0xaa: {  	s28 =	simm.s32 $0xA400;
	s19 =	simm.s32 $0x1100  }
0xab: {  	[tilespmem:s0], [sflag:$0x3] =	stream.indirect.gather [hbm4b:s3+s11], $0x20, s19, s11, $0xb8;
	[tilespmem:$0x1A400] =	vst v63  }
0xac: {  	s13 =	simm.s32 $0x2800;
	s23 =	simm.s32 $0x1200;
	_ =	swait.ge [sflag:s10], $0x5000  }
0xad: {  	s22 =	simm.s32 $0x1180;
	s25 =	simm.s32 $0x1280;
	[sflag:s10] =	ssyncset.done $0x0  }
0xae: {  	s14 =	simm.s32 $0xD400;
	s26 =	simm.s32 $0x1300;
	[sflag:s10] =	ssyncadd.s32 $0xFFFFB000  }
0xaf: {  	[tilespmem:s31], [sflag:$0x4] =	stream.indirect.gather [hbm4b:s3+s11], $0x20, s22, s11, $0xb8;
	[tilespmem:$0x1A400] =	vst v63  }
0xb0: {  	s15 =	simm.s32 $0x1380;
	s16 =	simm.s32 $0x12400;
	s24 =	simm.s32 $0x16400  }
0xb1: {  	[tilespmem:s24], [sflag:$0x4] =	stream.indirect.gather [hbm4b:s3+s11], $0x20, s23, s11, $0xb8;
	[tilespmem:$0x1A400] =	vst v63  }
0xb2: {  	s18 =	simm.s32 $0xE400;
	s0 =	simm.s32 $0x14400;
	s22 =	simm.s32 $0xF400  }
0xb3: {  	[tilespmem:s29], [sflag:$0x4] =	stream.indirect.gather [hbm4b:s3+s11], $0x20, s25, s11, $0xb8;
	[tilespmem:$0x1A400] =	vst v63  }
0xb4: {  	s24 =	simm.s32 $0x13400;
	s23 =	simm.s32 $0x8400;
	s25 =	simm.s32 $0x17400  }
0xb5: {  	[tilespmem:s30], [sflag:$0x4] =	stream.indirect.gather [hbm4b:s3+s11], $0x20, s26, s11, $0xb8;
	[tilespmem:$0x1A400] =	vst v63  }
0xb6: {  	s29 =	simm.s32 $0x16400;
	s30 =	simm.s32 $0xC400;
	s26 =	simm.s32 $0x11400  }
.LBB2_2:
0xb7: {  	s17 =	simm.s32 $0x19400  }
0xb8: {  	[tilespmem:s17], [sflag:$0x4] =	stream.indirect.gather [hbm4b:s3+s11], $0x20, s15, s11, $0xb8;
	[tilespmem:$0x1A400] =	vst v63  }
0xb9: {  	_ =	swait.ge [sflag:s20], $0x1000  }
0xba: {  	[sflag:s20] =	ssyncset.done $0x0  }
0xbb: {  	[sflag:s20] =	ssyncadd.s32 $0xFFFFF000  }
0xbc: {  	_ =	swait.ge [sflag:s20], $0x1000  }
0xbd: {  	[sflag:s20] =	ssyncset.done $0x0  }
0xbe: {  	[sflag:s20] =	ssyncadd.s32 $0xFFFFF000  }
0xbf: {  	_ =	swait.ge [sflag:s20], $0x1000  }
0xc0: {  	[sflag:s20] =	ssyncset.done $0x0  }
0xc1: {  	[sflag:s20] =	ssyncadd.s32 $0xFFFFF000  }
0xc2: {  	_ =	swait.ge [sflag:s20], $0x1000  }
0xc3: {  	[sflag:s20] =	ssyncset.done $0x0  }
0xc4: {  	[sflag:s20] =	ssyncadd.s32 $0xFFFFF000  }
0xc5: {  	_ =	swait.ge [sflag:s20], $0x1000  }
0xc6: {  	s15 =	smov.u32 s13;
	s19 =	rddreg [dreg:$0x6];
	[sflag:s20] =	ssyncset.done $0x0  }
0xc7: {  	[sflag:s20] =	ssyncadd.s32 $0xFFFFF000;
	s17 =	sadd.s32 s15, s19  }
0xc8: {  	[hbm4b:s17+s2] =	stream.linear.scatter [tilespmem:s12], [sflag:$0x5], $0x5000, $0x38;
	[tilespmem:$0x1A400] =	vst v63  }
0xc9: {  	_ =	swait.ge [sflag:s4], $0x1000  }
0xca: {  	[sflag:s4] =	ssyncset.done $0x0  }
0xcb: {  	[sflag:s4] =	ssyncadd.s32 $0xFFFFF000  }
0xcc: {  	_ =	swait.ge [sflag:s4], $0x1000  }
0xcd: {  	[sflag:s4] =	ssyncset.done $0x0  }
0xce: {  	[sflag:s4] =	ssyncadd.s32 $0xFFFFF000  }
0xcf: {  	_ =	swait.ge [sflag:s4], $0x1000  }
0xd0: {  	[sflag:s4] =	ssyncset.done $0x0  }
0xd1: {  	[sflag:s4] =	ssyncadd.s32 $0xFFFFF000  }
0xd2: {  	_ =	swait.ge [sflag:s4], $0x1000  }
0xd3: {  	[sflag:s4] =	ssyncset.done $0x0  }
0xd4: {  	[sflag:s4] =	ssyncadd.s32 $0xFFFFF000  }
0xd5: {  	_ =	swait.ge [sflag:s4], $0x1000  }
0xd6: {  	s19 =	rddreg [dreg:$0x5];
	[sflag:s4] =	ssyncset.done $0x0  }
0xd7: {  	[sflag:s4] =	ssyncadd.s32 $0xFFFFF000;
	s17 =	sadd.s32 s15, s19  }
0xd8: {  	[hbm4b:s17+s2] =	stream.linear.scatter [tilespmem:s21], [sflag:$0x6], $0x5000, $0x38;
	[tilespmem:$0x1A400] =	vst v63  }
0xd9: {  	_ =	swait.ge [sflag:s5], $0x1000  }
0xda: {  	[sflag:s5] =	ssyncset.done $0x0  }
0xdb: {  	[sflag:s5] =	ssyncadd.s32 $0xFFFFF000  }
0xdc: {  	_ =	swait.ge [sflag:s5], $0x1000  }
0xdd: {  	[sflag:s5] =	ssyncset.done $0x0  }
0xde: {  	[sflag:s5] =	ssyncadd.s32 $0xFFFFF000  }
0xdf: {  	_ =	swait.ge [sflag:s5], $0x1000  }
0xe0: {  	[sflag:s5] =	ssyncset.done $0x0  }
0xe1: {  	[sflag:s5] =	ssyncadd.s32 $0xFFFFF000  }
0xe2: {  	_ =	swait.ge [sflag:s5], $0x1000  }
0xe3: {  	[sflag:s5] =	ssyncset.done $0x0  }
0xe4: {  	[sflag:s5] =	ssyncadd.s32 $0xFFFFF000  }
0xe5: {  	_ =	swait.ge [sflag:s5], $0x1000  }
0xe6: {  	s19 =	rddreg [dreg:$0x4];
	[sflag:s5] =	ssyncset.done $0x0  }
0xe7: {  	[sflag:s5] =	ssyncadd.s32 $0xFFFFF000;
	s17 =	sadd.s32 s15, s19  }
0xe8: {  	[hbm4b:s17+s2] =	stream.linear.scatter [tilespmem:s1], [sflag:$0x7], $0x5000, $0x38;
	[tilespmem:$0x1A400] =	vst v63  }
0xe9: {  	_ =	swait.ge [sflag:s6], $0x1000  }
0xea: {  	[sflag:s6] =	ssyncset.done $0x0  }
0xeb: {  	[sflag:s6] =	ssyncadd.s32 $0xFFFFF000  }
0xec: {  	_ =	swait.ge [sflag:s6], $0x1000  }
0xed: {  	[sflag:s6] =	ssyncset.done $0x0  }
0xee: {  	[sflag:s6] =	ssyncadd.s32 $0xFFFFF000  }
0xef: {  	_ =	swait.ge [sflag:s6], $0x1000  }
0xf0: {  	[sflag:s6] =	ssyncset.done $0x0  }
0xf1: {  	[sflag:s6] =	ssyncadd.s32 $0xFFFFF000  }
0xf2: {  	_ =	swait.ge [sflag:s6], $0x1000  }
0xf3: {  	[sflag:s6] =	ssyncset.done $0x0  }
0xf4: {  	[sflag:s6] =	ssyncadd.s32 $0xFFFFF000  }
0xf5: {  	_ =	swait.ge [sflag:s6], $0x1000  }
0xf6: {  	s19 =	rddreg [dreg:$0x3];
	[sflag:s6] =	ssyncset.done $0x0  }
0xf7: {  	[sflag:s6] =	ssyncadd.s32 $0xFFFFF000;
	s17 =	sadd.s32 s15, s19  }
0xf8: {  	[hbm4b:s17+s2] =	stream.linear.scatter [tilespmem:s31], [sflag:$0x8], $0x5000, $0x38;
	[tilespmem:$0x1A400] =	vst v63  }
0xf9: {  	_ =	swait.ge [sflag:s7], $0x5000  }
0xfa: {  	s15 =	sshra.s32 s15, $0x2;
	[sflag:s7] =	ssyncset.done $0x0  }
0xfb: {  	s19 =	sadd.s32 $0xA00, s15;
	[sflag:s7] =	ssyncadd.s32 $0xFFFFB000  }
0xfc: {  	[tilespmem:s12], [sflag:$0x1] =	stream.indirect.gather [hbm4b:s3+s11], $0x20, s19, s11, $0xb8;
	[tilespmem:$0x1A400] =	vst v63  }
0xfd: {  	s17 =	sadd.s32 $0xA80, s15;
	s19 =	simm.s32 $0x7400  }
0xfe: {  	[tilespmem:s19], [sflag:$0x1] =	stream.indirect.gather [hbm4b:s3+s11], $0x20, s17, s11, $0xb8;
	[tilespmem:$0x1A400] =	vst v63  }
0xff: {  	s19 =	sadd.s32 $0xB00, s15  }
0x100: {  	[tilespmem:s23], [sflag:$0x1] =	stream.indirect.gather [hbm4b:s3+s11], $0x20, s19, s11, $0xb8;
	[tilespmem:$0x1A400] =	vst v63  }
0x101: {  	s17 =	sadd.s32 $0xB80, s15;
	s19 =	simm.s32 $0x9400  }
0x102: {  	[tilespmem:s19], [sflag:$0x1] =	stream.indirect.gather [hbm4b:s3+s11], $0x20, s17, s11, $0xb8;
	[tilespmem:$0x1A400] =	vst v63  }
0x103: {  	s19 =	sadd.s32 $0xC00, s15  }
0x104: {  	[tilespmem:s28], [sflag:$0x1] =	stream.indirect.gather [hbm4b:s3+s11], $0x20, s19, s11, $0xb8;
	[tilespmem:$0x1A400] =	vst v63  }
0x105: {  	_ =	swait.ge [sflag:s8], $0x5000  }
0x106: {  	[sflag:s8] =	ssyncset.done $0x0  }
0x107: {  	s19 =	sadd.s32 $0xC80, s15;
	[sflag:s8] =	ssyncadd.s32 $0xFFFFB000  }
0x108: {  	[tilespmem:s21], [sflag:$0x2] =	stream.indirect.gather [hbm4b:s3+s11], $0x20, s19, s11, $0xb8;
	[tilespmem:$0x1A400] =	vst v63  }
0x109: {  	s19 =	sadd.s32 $0xD00, s15  }
0x10a: {  	[tilespmem:s30], [sflag:$0x2] =	stream.indirect.gather [hbm4b:s3+s11], $0x20, s19, s11, $0xb8;
	[tilespmem:$0x1A400] =	vst v63  }
0x10b: {  	s19 =	sadd.s32 $0xD80, s15  }
0x10c: {  	[tilespmem:s14], [sflag:$0x2] =	stream.indirect.gather [hbm4b:s3+s11], $0x20, s19, s11, $0xb8;
	[tilespmem:$0x1A400] =	vst v63  }
0x10d: {  	s19 =	sadd.s32 $0xE00, s15  }
0x10e: {  	[tilespmem:s18], [sflag:$0x2] =	stream.indirect.gather [hbm4b:s3+s11], $0x20, s19, s11, $0xb8;
	[tilespmem:$0x1A400] =	vst v63  }
0x10f: {  	s19 =	sadd.s32 $0xE80, s15  }
0x110: {  	[tilespmem:s22], [sflag:$0x2] =	stream.indirect.gather [hbm4b:s3+s11], $0x20, s19, s11, $0xb8;
	[tilespmem:$0x1A400] =	vst v63  }
0x111: {  	_ =	swait.ge [sflag:s9], $0x5000  }
0x112: {  	[sflag:s9] =	ssyncset.done $0x0  }
0x113: {  	s19 =	sadd.s32 $0xF00, s15;
	[sflag:s9] =	ssyncadd.s32 $0xFFFFB000  }
0x114: {  	[tilespmem:s1], [sflag:$0x3] =	stream.indirect.gather [hbm4b:s3+s11], $0x20, s19, s11, $0xb8;
	[tilespmem:$0x1A400] =	vst v63  }
0x115: {  	s19 =	sadd.s32 $0xF80, s15  }
0x116: {  	[tilespmem:s26], [sflag:$0x3] =	stream.indirect.gather [hbm4b:s3+s11], $0x20, s19, s11, $0xb8;
	[tilespmem:$0x1A400] =	vst v63  }
0x117: {  	s19 =	sadd.s32 $0x1000, s15  }
0x118: {  	[tilespmem:s16], [sflag:$0x3] =	stream.indirect.gather [hbm4b:s3+s11], $0x20, s19, s11, $0xb8;
	[tilespmem:$0x1A400] =	vst v63  }
0x119: {  	s19 =	sadd.s32 $0x1080, s15  }
0x11a: {  	[tilespmem:s24], [sflag:$0x3] =	stream.indirect.gather [hbm4b:s3+s11], $0x20, s19, s11, $0xb8;
	[tilespmem:$0x1A400] =	vst v63  }
0x11b: {  	s19 =	sadd.s32 $0x1100, s15  }
0x11c: {  	[tilespmem:s0], [sflag:$0x3] =	stream.indirect.gather [hbm4b:s3+s11], $0x20, s19, s11, $0xb8;
	[tilespmem:$0x1A400] =	vst v63  }
0x11d: {  	_ =	swait.ge [sflag:s10], $0x5000  }
0x11e: {  	[sflag:s10] =	ssyncset.done $0x0  }
0x11f: {  	s19 =	sadd.s32 $0x1180, s15;
	[sflag:s10] =	ssyncadd.s32 $0xFFFFB000  }
0x120: {  	[tilespmem:s31], [sflag:$0x4] =	stream.indirect.gather [hbm4b:s3+s11], $0x20, s19, s11, $0xb8;
	[tilespmem:$0x1A400] =	vst v63  }
0x121: {  	p0 =	sne.s32 s13, $0x14000;
	s19 =	sadd.s32 $0x1200, s15  }
0x122: {  	[tilespmem:s29], [sflag:$0x4] =	stream.indirect.gather [hbm4b:s3+s11], $0x20, s19, s11, $0xb8;
	[tilespmem:$0x1A400] =	vst v63  }
.Ltmp0:
0x123: {  	_ = 	snop;
	(pc) =	sbr.rel @p0 .LBB2_2-.Ltmp0, $4  }
0x124: {  	s13 =	sadd.s32 $0x2800, s13;
	s19 =	sadd.s32 $0x1280, s15  }
0x125: {  	[tilespmem:s25], [sflag:$0x4] =	stream.indirect.gather [hbm4b:s3+s11], $0x20, s19, s11, $0xb8;
	[tilespmem:$0x1A400] =	vst v63  }
0x126: {  	s17 =	sadd.s32 $0x1300, s15;
	s15 =	sadd.s32 $0x1380, s15;
	s19 =	simm.s32 $0x18400  }
0x127: {  	[tilespmem:s19], [sflag:$0x4] =	stream.indirect.gather [hbm4b:s3+s11], $0x20, s17, s11, $0xb8;
	[tilespmem:$0x1A400] =	vst v63  }
0x128: {  	s0 =	simm.s32 $0x19400  }
0x129: {  	[tilespmem:s0], [sflag:$0x4] =	stream.indirect.gather [hbm4b:s3+s11], $0x20, s15, s11, $0xb8;
	[tilespmem:$0x1A400] =	vst v63  }
0x12a: {  	_ =	swait.ge [sflag:s20], $0x1000  }
0x12b: {  	[sflag:s20] =	ssyncset.done $0x0  }
0x12c: {  	[sflag:s20] =	ssyncadd.s32 $0xFFFFF000  }
0x12d: {  	_ =	swait.ge [sflag:s20], $0x1000  }
0x12e: {  	[sflag:s20] =	ssyncset.done $0x0  }
0x12f: {  	[sflag:s20] =	ssyncadd.s32 $0xFFFFF000  }
0x130: {  	_ =	swait.ge [sflag:s20], $0x1000  }
0x131: {  	[sflag:s20] =	ssyncset.done $0x0  }
0x132: {  	[sflag:s20] =	ssyncadd.s32 $0xFFFFF000  }
0x133: {  	_ =	swait.ge [sflag:s20], $0x1000  }
0x134: {  	[sflag:s20] =	ssyncset.done $0x0  }
0x135: {  	[sflag:s20] =	ssyncadd.s32 $0xFFFFF000  }
0x136: {  	_ =	swait.ge [sflag:s20], $0x1000  }
0x137: {  	[sflag:s20] =	ssyncset.done $0x0  }
0x138: {  	s13 =	rddreg [dreg:$0x8];
	[sflag:s20] =	ssyncadd.s32 $0xFFFFF000  }
0x139: {  	[hbm4b:s13+s2] =	stream.linear.scatter [tilespmem:s12], [sflag:$0x5], $0x5000, $0x38;
	[tilespmem:$0x1A400] =	vst v63  }
0x13a: {  	_ =	swait.ge [sflag:s4], $0x1000  }
0x13b: {  	[sflag:s4] =	ssyncset.done $0x0  }
0x13c: {  	[sflag:s4] =	ssyncadd.s32 $0xFFFFF000  }
0x13d: {  	_ =	swait.ge [sflag:s4], $0x1000  }
0x13e: {  	[sflag:s4] =	ssyncset.done $0x0  }
0x13f: {  	[sflag:s4] =	ssyncadd.s32 $0xFFFFF000  }
0x140: {  	_ =	swait.ge [sflag:s4], $0x1000  }
0x141: {  	[sflag:s4] =	ssyncset.done $0x0  }
0x142: {  	[sflag:s4] =	ssyncadd.s32 $0xFFFFF000  }
0x143: {  	_ =	swait.ge [sflag:s4], $0x1000  }
0x144: {  	[sflag:s4] =	ssyncset.done $0x0  }
0x145: {  	[sflag:s4] =	ssyncadd.s32 $0xFFFFF000  }
0x146: {  	_ =	swait.ge [sflag:s4], $0x1000  }
0x147: {  	[sflag:s4] =	ssyncset.done $0x0  }
0x148: {  	s23 =	rddreg [dreg:$0x9];
	[sflag:s4] =	ssyncadd.s32 $0xFFFFF000  }
0x149: {  	[hbm4b:s23+s2] =	stream.linear.scatter [tilespmem:s21], [sflag:$0x6], $0x5000, $0x38;
	[tilespmem:$0x1A400] =	vst v63  }
0x14a: {  	_ =	swait.ge [sflag:s5], $0x1000  }
0x14b: {  	[sflag:s5] =	ssyncset.done $0x0  }
0x14c: {  	[sflag:s5] =	ssyncadd.s32 $0xFFFFF000  }
0x14d: {  	_ =	swait.ge [sflag:s5], $0x1000  }
0x14e: {  	[sflag:s5] =	ssyncset.done $0x0  }
0x14f: {  	[sflag:s5] =	ssyncadd.s32 $0xFFFFF000  }
0x150: {  	_ =	swait.ge [sflag:s5], $0x1000  }
0x151: {  	[sflag:s5] =	ssyncset.done $0x0  }
0x152: {  	[sflag:s5] =	ssyncadd.s32 $0xFFFFF000  }
0x153: {  	_ =	swait.ge [sflag:s5], $0x1000  }
0x154: {  	[sflag:s5] =	ssyncset.done $0x0  }
0x155: {  	[sflag:s5] =	ssyncadd.s32 $0xFFFFF000  }
0x156: {  	_ =	swait.ge [sflag:s5], $0x1000  }
0x157: {  	[sflag:s5] =	ssyncset.done $0x0  }
0x158: {  	s24 =	rddreg [dreg:$0xa];
	[sflag:s5] =	ssyncadd.s32 $0xFFFFF000  }
0x159: {  	[hbm4b:s24+s2] =	stream.linear.scatter [tilespmem:s1], [sflag:$0x7], $0x5000, $0x38;
	[tilespmem:$0x1A400] =	vst v63  }
0x15a: {  	_ =	swait.ge [sflag:s6], $0x1000  }
0x15b: {  	[sflag:s6] =	ssyncset.done $0x0  }
0x15c: {  	[sflag:s6] =	ssyncadd.s32 $0xFFFFF000  }
0x15d: {  	_ =	swait.ge [sflag:s6], $0x1000  }
0x15e: {  	[sflag:s6] =	ssyncset.done $0x0  }
0x15f: {  	[sflag:s6] =	ssyncadd.s32 $0xFFFFF000  }
0x160: {  	_ =	swait.ge [sflag:s6], $0x1000  }
0x161: {  	[sflag:s6] =	ssyncset.done $0x0  }
0x162: {  	[sflag:s6] =	ssyncadd.s32 $0xFFFFF000  }
0x163: {  	_ =	swait.ge [sflag:s6], $0x1000  }
0x164: {  	[sflag:s6] =	ssyncset.done $0x0  }
0x165: {  	[sflag:s6] =	ssyncadd.s32 $0xFFFFF000  }
0x166: {  	_ =	swait.ge [sflag:s6], $0x1000  }
0x167: {  	[sflag:s6] =	ssyncset.done $0x0  }
0x168: {  	s25 =	rddreg [dreg:$0xb];
	[sflag:s6] =	ssyncadd.s32 $0xFFFFF000  }
0x169: {  	[hbm4b:s25+s2] =	stream.linear.scatter [tilespmem:s31], [sflag:$0x8], $0x5000, $0x38;
	[tilespmem:$0x1A400] =	vst v63  }
0x16a: {  	_ =	swait.ge [sflag:s7], $0x5000  }
0x16b: {  	[sflag:s7] =	ssyncset.done $0x0  }
0x16c: {  	[sflag:s7] =	ssyncadd.s32 $0xFFFFB000  }
0x16d: {  	_ =	swait.ge [sflag:s8], $0x5000  }
0x16e: {  	[sflag:s8] =	ssyncset.done $0x0  }
0x16f: {  	[sflag:s8] =	ssyncadd.s32 $0xFFFFB000  }
0x170: {  	_ =	swait.ge [sflag:s9], $0x5000  }
0x171: {  	[sflag:s9] =	ssyncset.done $0x0  }
0x172: {  	[sflag:s9] =	ssyncadd.s32 $0xFFFFB000  }
0x173: {  	_ =	swait.ge [sflag:s10], $0x5000  }
0x174: {  	s28 =	rddreg [dreg:$0xd]  }
0x175: {  	s26 =	rddreg [dreg:$0xc];
	s28 =	sadd.s32 $0x1, s28  }
0x176: {  	s17 =	simm.s32 $0x8400;
	s19 =	simm.s32 $0x9400;
	p0 =	sne.s32 s28, s26  }
.Ltmp1:
0x177: {  	s14 =	simm.s32 $0xD400;
	s18 =	simm.s32 $0xE400;
	(pc) =	sbr.rel @p0 .LBB2_1-.Ltmp1, $4  }
0x178: {  	s22 =	simm.s32 $0xF400;
	s16 =	simm.s32 $0x12400;
	s29 =	simm.s32 $0x17400  }
0x179: {  	s30 =	simm.s32 $0x18400;
	s15 =	simm.s32 $0x7400;
	s0 =	simm.s32 $0x14400  }
0x17a: {  	s23 =	simm.s32 $0xA400;
	s24 =	simm.s32 $0x13400;
	[sflag:s10] =	ssyncset.done $0x0  }
0x17b: {  	s25 =	simm.s32 $0xC400;
	[sflag:s10] =	ssyncadd.s32 $0xFFFFB000;
	s26 =	simm.s32 $0x11400  }
0x17c: {  	_ =	sfence.sel $0x180000  }
0x17d: {  	[bflag:$0x0] =	sbarrier.arrive $0xFFFF  }
0x17e: {  	_ =	strace $0x9000004A  }
0x17f: {  	s0 =	stileid.u32;
	[bflag:$0x2] =	sbarrier.arrive $0xFFFF  }
0x180: {  	p0 =	sne.s32 s0, $0x0;
	s0 =	rddreg [dreg:$0x2]  }
0x181: {  	s0 =	sadd.s32 @!p0 $0x100000, s0  }
0x182: {  	[sflag:s0] =	ssyncadd.tile.s32 @!p0 $0x1;
	_ =	shalt  }
.Lfunc_end2:
_tile_overlayer_lowered:
.L_overlay_start_2:
0x183: {  	(tag) =	ssettag $0x2  }
0x184: {  	s0 =	rddreg [dreg:$0x0];
	s2 =	stileid.u32  }
0x185: {  	s1 =	rddreg [dreg:$0x1];
	p0 =	sne.s32 s2, $0x0  }
0x186: {  	s3 =	rddreg [dreg:$0x2];
	[bflag:$0x3] =	sbarrier.arrive $0xFFFF;
	s2 =	simm.s32 @!p0 $0x1C09  }
0x187: {  	[timem:s3], [sflag:s2] =	dma.local @!p0 [hbm:s0], s1  }
0x188: {  	s0 =	simm.s32 @!p0 $0x9  }
0x189: {  	_ =	swait.ge @!p0 [sflag:s0], s1  }
0x18a: {  	s1 =	ssub.s32 @!p0 $0x0, s1;
	[sflag:s0] =	ssyncset.done @!p0 $0x0  }
0x18b: {  	[sflag:s0] =	ssyncadd.s32 @!p0 s1  }
0x18c: {  	[bflag:$0x3] =	sbarrier.arrive $0xFFFF  }
0x18d: {  	_ =	shalt  }

</sc_bundles>
